<compile_context>
chip_gen: v7x
topology: tpu7x:2x2x1
jax: 0.10.2.dev20260603
libtpu: 0.0.44.dev20260713+nightly
codegen_flags: <defaults>
</compile_context>

<pallas_src>
import functools

import jax
import jax.numpy as jnp
from jax import lax
from jax.experimental import pallas as pl
from jax.experimental.pallas import tpu as pltpu
from jax.experimental.pallas import tpu_sc as plsc

_NT = 8
_N = 1_000_000
_L = 16
_NC, _NS = 2, 16
_NW = _NC * _NS
_WPT = _NW // _NT
_SEG = _N // _WPT
_CH = 10_000
_NCHUNK = _SEG // _CH
_VPC = _CH // _L
_LOGB = 14
_NB = 1 << _LOGB
_HIST = 2 * _NB
_QB = _NB // _WPT


def _auc_body(pred_hbm, lab_hbm, wgt_hbm, out_hbm, dump_hbm, stats_hbm,
              hist, pbuf0, lbuf0, wbuf0, pbuf1, lbuf1, wbuf1,
              accfp, acctp, tmp, stat_buf, stats4, auc_buf, sem0, sem1):
    c = lax.axis_index("c")
    s = lax.axis_index("s")
    wid = c * _NS + s
    task = c * (_NS // _WPT) + s // _WPT
    q = s % _WPT
    gbase = wid - q

    zeros = jnp.zeros((_L,), jnp.float32)

    @plsc.parallel_loop(0, _HIST // _L, unroll=4)
    def _(i):
        hist[pl.ds(i * _L, _L)] = zeros

    base = q * _SEG
    bufs = ((pbuf0, lbuf0, wbuf0), (pbuf1, lbuf1, wbuf1))
    sems = (sem0, sem1)

    def issue(ci):
        st = ci % 2
        off = task * _N + base + ci * _CH
        return (
            pltpu.async_copy(pred_hbm.at[pl.ds(off, _CH)], bufs[st][0],
                             sems[st]),
            pltpu.async_copy(lab_hbm.at[pl.ds(off, _CH)], bufs[st][1],
                             sems[st]),
            pltpu.async_copy(wgt_hbm.at[pl.ds(off, _CH)], bufs[st][2],
                             sems[st]),
        )

    def make_vbody(pb, lb, wb):
        def vbody(i):
            p = pb[pl.ds(i * _L, _L)]
            l = lb[pl.ds(i * _L, _L)]
            w = wb[pl.ds(i * _L, _L)]
            u = lax.bitcast_convert_type(p, jnp.int32)
            m = lax.shift_right_arithmetic(u, 31)
            skey = u ^ (m | jnp.int32(-(2 ** 31)))
            b = lax.shift_right_logical(skey, 32 - _LOGB)
            idx = b + (l.astype(jnp.int32) << _LOGB)
            plsc.addupdate_scatter(hist, [idx], w)
        return vbody

    pending = {0: issue(0)}
    for ci in range(_NCHUNK):
        if ci + 1 < _NCHUNK:
            pending[ci + 1] = issue(ci + 1)
        for h in pending.pop(ci):
            h.wait()
        pb, lb, wb = bufs[ci % 2]
        plsc.parallel_loop(0, _VPC, unroll=4)(make_vbody(pb, lb, wb))

    pltpu.sync_copy(hist, dump_hbm.at[pl.ds(wid * _HIST, _HIST)])
    plsc.subcore_barrier()

    qoff = q * _QB
    pltpu.sync_copy(dump_hbm.at[pl.ds(gbase * _HIST + qoff, _QB)], accfp)
    pltpu.sync_copy(dump_hbm.at[pl.ds(gbase * _HIST + _NB + qoff, _QB)], acctp)
    for j in range(1, _WPT):
        pltpu.sync_copy(
            dump_hbm.at[pl.ds((gbase + j) * _HIST + qoff, _QB)], tmp)

        @plsc.parallel_loop(0, _QB // _L, unroll=4)
        def _(i):
            sl = pl.ds(i * _L, _L)
            accfp[sl] = accfp[sl] + tmp[sl]
        pltpu.sync_copy(
            dump_hbm.at[pl.ds((gbase + j) * _HIST + _NB + qoff, _QB)], tmp)

        @plsc.parallel_loop(0, _QB // _L, unroll=4)
        def _(i):
            sl = pl.ds(i * _L, _L)
            acctp[sl] = acctp[sl] + tmp[sl]

    def sweep(i, carry):
        rv, d0, d1, fps = carry
        tpv = acctp[pl.ds(i * _L, _L)]
        fpv = accfp[pl.ds(i * _L, _L)]
        cv = plsc.cumsum(tpv)
        d0 = d0 + fpv * (rv + cv)
        d1 = d1 + tpv * fpv
        fps = fps + fpv
        rv = rv + jnp.full((_L,), jnp.sum(tpv), jnp.float32)
        return rv, d0, d1, fps
    rv, d0, d1, fps = plsc.parallel_loop(
        0, _QB // _L, unroll=2, carry=(zeros, zeros, zeros, zeros))(sweep)
    qtp = rv
    qfp = jnp.full((_L,), jnp.sum(fps), jnp.float32)
    pterm = (qtp * qfp - jnp.full((_L,), jnp.sum(d0), jnp.float32)
             + 0.5 * jnp.full((_L,), jnp.sum(d1), jnp.float32))

    stat_buf[pl.ds(0, _L)] = qtp
    stat_buf[pl.ds(_L, _L)] = qfp
    stat_buf[pl.ds(2 * _L, _L)] = pterm
    pltpu.sync_copy(stat_buf, stats_hbm.at[pl.ds(wid * 3 * _L, 3 * _L)])
    plsc.subcore_barrier()

    @pl.when(q == 0)
    def _():
        pltpu.sync_copy(
            stats_hbm.at[pl.ds(gbase * 3 * _L, _WPT * 3 * _L)], stats4)
        suf = zeros
        area = zeros
        totfp = zeros
        for j in reversed(range(_WPT)):
            qtp_j = stats4[pl.ds(j * 3 * _L, _L)]
            qfp_j = stats4[pl.ds(j * 3 * _L + _L, _L)]
            p_j = stats4[pl.ds(j * 3 * _L + 2 * _L, _L)]
            area = area + p_j + qfp_j * suf
            suf = suf + qtp_j
            totfp = totfp + qfp_j
        denom = suf * totfp
        auc_buf[pl.ds(0, _L)] = jnp.where(denom == 0.0,
                                          jnp.full((_L,), 0.5, jnp.float32),
                                          area / denom)
        pltpu.sync_copy(auc_buf, out_hbm.at[pl.ds(task * _L, _L)])


@jax.jit
def _auc_sc(predictions, labels, weights):
    mesh = plsc.VectorSubcoreMesh(core_axis_name="c", subcore_axis_name="s")
    run = functools.partial(
        pl.kernel,
        out_type=(
            jax.ShapeDtypeStruct((_NT * _L,), jnp.float32),
            jax.ShapeDtypeStruct((_NW * _HIST,), jnp.float32),
            jax.ShapeDtypeStruct((_NW * 3 * _L,), jnp.float32),
        ),
        mesh=mesh,
        compiler_params=pltpu.CompilerParams(needs_layout_passes=False),
        scratch_types=[
            pltpu.VMEM((_HIST,), jnp.float32),
            pltpu.VMEM((_CH,), jnp.float32),
            pltpu.VMEM((_CH,), jnp.float32),
            pltpu.VMEM((_CH,), jnp.float32),
            pltpu.VMEM((_CH,), jnp.float32),
            pltpu.VMEM((_CH,), jnp.float32),
            pltpu.VMEM((_CH,), jnp.float32),
            pltpu.VMEM((_QB,), jnp.float32),
            pltpu.VMEM((_QB,), jnp.float32),
            pltpu.VMEM((_QB,), jnp.float32),
            pltpu.VMEM((3 * _L,), jnp.float32),
            pltpu.VMEM((_WPT * 3 * _L,), jnp.float32),
            pltpu.VMEM((_L,), jnp.float32),
            pltpu.SemaphoreType.DMA,
            pltpu.SemaphoreType.DMA,
        ],
    )(_auc_body)
    out, _, _ = run(predictions.reshape(-1), labels.reshape(-1),
                    weights.reshape(-1))
    return out


def kernel(n_tasks, predictions, labels, weights):
    del n_tasks
    return _auc_sc(predictions, labels, weights).reshape(_NT, _L)[:, 0]

# --- scband reference (transcript-rebuilt; emitter-appended) ---
"""Pipeline reference for scband-auc-49847390437819 (READ-ONLY COPY).

The authoritative reference and input builder live on the scoring server;
editing this copy changes nothing except your own understanding.
"""

import jax, jax.numpy as jnp
import numpy as np


def setup_inputs(seed: int = 0) -> dict:
    key = jax.random.key(seed)
    k1, k2, k3 = jax.random.split(key, 3)
    n_tasks = 8
    n = 1000000
    predictions = jax.random.normal(k1, (n_tasks, n), dtype=jnp.float32)
    labels = jax.random.randint(k2, (n_tasks, n), 0, 2).astype(jnp.float32)
    weights = jax.random.uniform(k3, (n_tasks, n), dtype=jnp.float32)
    return {"n_tasks": n_tasks, "predictions": predictions, "labels": labels, "weights": weights}


def reference(n_tasks, predictions, labels, weights):
    # sort predictions descending per task, gather labels/weights in that order
    sorted_indices = jnp.argsort(-predictions, axis=-1)
    sorted_labels = jnp.take_along_axis(labels, sorted_indices, axis=-1)
    sorted_weights = jnp.take_along_axis(weights, sorted_indices, axis=-1)
    cum_fp = jnp.cumsum(sorted_weights * (1.0 - sorted_labels), axis=-1)
    cum_tp = jnp.cumsum(sorted_weights * sorted_labels, axis=-1)
    # trapezoidal integration of cum_tp against cum_fp (== torch.trapz(cum_tp, cum_fp))
    area = jnp.sum(0.5 * (cum_tp[:, 1:] + cum_tp[:, :-1]) * (cum_fp[:, 1:] - cum_fp[:, :-1]), axis=-1)
    denom = cum_fp[:, -1] * cum_tp[:, -1]
    aucs = jnp.where(denom == 0.0, 0.5, area / cum_fp[:, -1] / cum_tp[:, -1])
    return aucs

if __name__ == "__main__":
    import jax
    _d = setup_inputs()
    print(jax.jit(kernel)(*tuple(_d.values())))

</pallas_src>

<mosaic_0001>
#map = affine_map<(d0, d1) -> (0)>
module attributes {stable_mosaic.version = 14 : i64} {
  func.func @_auc_body(%arg0: i32, %arg1: i32, %arg2: memref<8000000xf32, #tpu.memory_space<hbm>>, %arg3: memref<8000000xf32, #tpu.memory_space<hbm>>, %arg4: memref<8000000xf32, #tpu.memory_space<hbm>>, %arg5: memref<128xf32, #tpu.memory_space<hbm>>, %arg6: memref<1048576xf32, #tpu.memory_space<hbm>>, %arg7: memref<1536xf32, #tpu.memory_space<hbm>>, %arg8: memref<32768xf32, #tpu.memory_space<vmem>>, %arg9: memref<10000xf32, #tpu.memory_space<vmem>>, %arg10: memref<10000xf32, #tpu.memory_space<vmem>>, %arg11: memref<10000xf32, #tpu.memory_space<vmem>>, %arg12: memref<10000xf32, #tpu.memory_space<vmem>>, %arg13: memref<10000xf32, #tpu.memory_space<vmem>>, %arg14: memref<10000xf32, #tpu.memory_space<vmem>>, %arg15: memref<4096xf32, #tpu.memory_space<vmem>>, %arg16: memref<4096xf32, #tpu.memory_space<vmem>>, %arg17: memref<4096xf32, #tpu.memory_space<vmem>>, %arg18: memref<48xf32, #tpu.memory_space<vmem>>, %arg19: memref<192xf32, #tpu.memory_space<vmem>>, %arg20: memref<16xf32, #tpu.memory_space<vmem>>, %arg21: memref<!tpu.dma_semaphore, #tpu.memory_space<semaphore_mem>>, %arg22: memref<!tpu.dma_semaphore, #tpu.memory_space<semaphore_mem>>) attributes {dimension_semantics = [#tpu.dimension_semantics<core_parallel>, #tpu.dimension_semantics<subcore_parallel>], iteration_bounds = array<i64: 2, 16>, scalar_prefetch = 0 : i64, scratch_operands = 15 : i64, tpu.core_type = #tpu.core_type<sc_vector_subcore>, window_params = [{transform_indices = #map}, {transform_indices = #map}, {transform_indices = #map}, {transform_indices = #map}, {transform_indices = #map}, {transform_indices = #map}]} {
    %mul3A = arith.constant 16 : i32
    %mul3A_0 = arith.muli %arg0, %mul3A : i32
    %add3A = arith.addi %mul3A_0, %arg1 : i32
    %mul3A_1 = arith.constant 4 : i32
    %mul3A_2 = arith.muli %arg0, %mul3A_1 : i32
    %jit3A = arith.constant 4 : i32
    %div3A = arith.divsi %arg1, %jit3A : i32
    %sign3A = arith.constant 0 : i32
    %sign3A_3 = arith.cmpi sgt, %arg1, %sign3A : i32
    %sign3A_4 = arith.extui %sign3A_3 : i1 to i32
    %sign3A_5 = arith.constant 0 : i32
    %sign3A_6 = arith.cmpi slt, %arg1, %sign3A_5 : i32
    %sign3A_7 = arith.extui %sign3A_6 : i1 to i32
    %sign3A_8 = arith.subi %sign3A_4, %sign3A_7 : i32
    %sign3A_9 = arith.constant 0 : i32
    %sign3A_10 = arith.cmpi sgt, %jit3A, %sign3A_9 : i32
    %sign3A_11 = arith.extui %sign3A_10 : i1 to i32
    %sign3A_12 = arith.constant 0 : i32
    %sign3A_13 = arith.cmpi slt, %jit3A, %sign3A_12 : i32
    %sign3A_14 = arith.extui %sign3A_13 : i1 to i32
    %sign3A_15 = arith.subi %sign3A_11, %sign3A_14 : i32
    %ne3A = arith.cmpi ne, %sign3A_8, %sign3A_15 : i32
    %rem3A = arith.remsi %arg1, %jit3A : i32
    %ne3A_16 = arith.constant 0 : i32
    %ne3A_17 = arith.cmpi ne, %rem3A, %ne3A_16 : i32
    %and3A = arith.andi %ne3A, %ne3A_17 : i1
    %sub3A = arith.constant 1 : i32
    %sub3A_18 = arith.subi %div3A, %sub3A : i32
    %select_n3A = arith.select %and3A, %sub3A_18, %div3A : i32
    %add3A_19 = arith.addi %mul3A_2, %select_n3A : i32
    %jit3A_20 = arith.constant 4 : i32
    %eq3A = arith.constant 0 : i32
    %eq3A_21 = arith.cmpi eq, %jit3A_20, %eq3A : i32
    %jit3A_22 = arith.constant 1 : i32
    %select_n3A_23 = arith.select %eq3A_21, %jit3A_22, %jit3A_20 : i32
    %rem3A_24 = arith.remsi %arg1, %select_n3A_23 : i32
    %ne3A_25 = arith.constant 0 : i32
    %ne3A_26 = arith.cmpi ne, %rem3A_24, %ne3A_25 : i32
    %lt3A = arith.constant 0 : i32
    %lt3A_27 = arith.cmpi slt, %rem3A_24, %lt3A : i32
    %lt3A_28 = arith.constant 0 : i32
    %lt3A_29 = arith.cmpi slt, %select_n3A_23, %lt3A_28 : i32
    %ne3A_30 = arith.xori %lt3A_27, %lt3A_29 : i1
    %and3A_31 = arith.andi %ne3A_30, %ne3A_26 : i1
    %add3A_32 = arith.addi %rem3A_24, %select_n3A_23 : i32
    %select_n3A_33 = arith.select %and3A_31, %add3A_32, %rem3A_24 : i32
    %sub3A_34 = arith.subi %add3A, %select_n3A_33 : i32
    %broadcast_in_dim3A = arith.constant 0.000000e+00 : f32
    %broadcast_in_dim3A_35 = vector.broadcast %broadcast_in_dim3A : f32 to vector<16xf32>
    %parallel_loop3A = arith.constant 0 : i32
    %parallel_loop3A_36 = arith.constant 2048 : i32
    %parallel_loop3A_37 = arith.constant 1 : i32
    scf.for %parallel_loop3A_641 = %parallel_loop3A to %parallel_loop3A_36 step %parallel_loop3A_37  : i32 {
      %parallel_loop3A_642 = arith.constant 16 : i32
      %parallel_loop3A_643 = arith.muli %parallel_loop3A_641, %parallel_loop3A_642 : i32
      %parallel_loop3A_644 = arith.index_cast %parallel_loop3A_643 : i32 to index
      %parallel_loop3A_645 = tpu.vector_load %arg8[%parallel_loop3A_644] {strides = array<i32>} : memref<32768xf32, #tpu.memory_space<vmem>>, vector<16xf32>,
      tpu.vector_store %arg8[%parallel_loop3A_644], %broadcast_in_dim3A_35 {strides = array<i32>} : memref<32768xf32, #tpu.memory_space<vmem>>, vector<16xf32>,
    } {sc.loop_unroll_factor = 4 : i64, sc.parallel_access}
    %mul3A_38 = arith.constant 250000 : i32
    %mul3A_39 = arith.muli %select_n3A_33, %mul3A_38 : i32
    %mul3A_40 = arith.constant 1000000 : i32
    %mul3A_41 = arith.muli %add3A_19, %mul3A_40 : i32
    %add3A_42 = arith.addi %mul3A_41, %mul3A_39 : i32
    %add3A_43 = arith.constant 0 : i32
    %add3A_44 = arith.addi %add3A_42, %add3A_43 : i32
    %dma_start3A = tpu.memref_slice %arg2[%add3A_44] : memref<8000000xf32, #tpu.memory_space<hbm>> -> memref<10000xf32, #tpu.memory_space<hbm>>
    %dma_start3A_45 = tpu.memref_slice %arg2[%add3A_44] : memref<8000000xf32, #tpu.memory_space<hbm>> -> memref<10000xf32, #tpu.memory_space<hbm>>
    tpu.enqueue_dma source(%dma_start3A_45 : memref<10000xf32, #tpu.memory_space<hbm>>) target(%arg9 : memref<10000xf32, #tpu.memory_space<vmem>>) target_semaphore(%arg21 : memref<!tpu.dma_semaphore, #tpu.memory_space<semaphore_mem>>)
    %dma_start3A_46 = tpu.memref_slice %arg3[%add3A_44] : memref<8000000xf32, #tpu.memory_space<hbm>> -> memref<10000xf32, #tpu.memory_space<hbm>>
    %dma_start3A_47 = tpu.memref_slice %arg3[%add3A_44] : memref<8000000xf32, #tpu.memory_space<hbm>> -> memref<10000xf32, #tpu.memory_space<hbm>>
    tpu.enqueue_dma source(%dma_start3A_47 : memref<10000xf32, #tpu.memory_space<hbm>>) target(%arg10 : memref<10000xf32, #tpu.memory_space<vmem>>) target_semaphore(%arg21 : memref<!tpu.dma_semaphore, #tpu.memory_space<semaphore_mem>>)
    %dma_start3A_48 = tpu.memref_slice %arg4[%add3A_44] : memref<8000000xf32, #tpu.memory_space<hbm>> -> memref<10000xf32, #tpu.memory_space<hbm>>
    %dma_start3A_49 = tpu.memref_slice %arg4[%add3A_44] : memref<8000000xf32, #tpu.memory_space<hbm>> -> memref<10000xf32, #tpu.memory_space<hbm>>
    tpu.enqueue_dma source(%dma_start3A_49 : memref<10000xf32, #tpu.memory_space<hbm>>) target(%arg11 : memref<10000xf32, #tpu.memory_space<vmem>>) target_semaphore(%arg21 : memref<!tpu.dma_semaphore, #tpu.memory_space<semaphore_mem>>)
    %mul3A_50 = arith.constant 1000000 : i32
    %mul3A_51 = arith.muli %add3A_19, %mul3A_50 : i32
    %add3A_52 = arith.addi %mul3A_51, %mul3A_39 : i32
    %add3A_53 = arith.constant 10000 : i32
    %add3A_54 = arith.addi %add3A_52, %add3A_53 : i32
    %dma_start3A_55 = tpu.memref_slice %arg2[%add3A_54] : memref<8000000xf32, #tpu.memory_space<hbm>> -> memref<10000xf32, #tpu.memory_space<hbm>>
    %dma_start3A_56 = tpu.memref_slice %arg2[%add3A_54] : memref<8000000xf32, #tpu.memory_space<hbm>> -> memref<10000xf32, #tpu.memory_space<hbm>>
    tpu.enqueue_dma source(%dma_start3A_56 : memref<10000xf32, #tpu.memory_space<hbm>>) target(%arg12 : memref<10000xf32, #tpu.memory_space<vmem>>) target_semaphore(%arg22 : memref<!tpu.dma_semaphore, #tpu.memory_space<semaphore_mem>>)
    %dma_start3A_57 = tpu.memref_slice %arg3[%add3A_54] : memref<8000000xf32, #tpu.memory_space<hbm>> -> memref<10000xf32, #tpu.memory_space<hbm>>
    %dma_start3A_58 = tpu.memref_slice %arg3[%add3A_54] : memref<8000000xf32, #tpu.memory_space<hbm>> -> memref<10000xf32, #tpu.memory_space<hbm>>
    tpu.enqueue_dma source(%dma_start3A_58 : memref<10000xf32, #tpu.memory_space<hbm>>) target(%arg13 : memref<10000xf32, #tpu.memory_space<vmem>>) target_semaphore(%arg22 : memref<!tpu.dma_semaphore, #tpu.memory_space<semaphore_mem>>)
    %dma_start3A_59 = tpu.memref_slice %arg4[%add3A_54] : memref<8000000xf32, #tpu.memory_space<hbm>> -> memref<10000xf32, #tpu.memory_space<hbm>>
    %dma_start3A_60 = tpu.memref_slice %arg4[%add3A_54] : memref<8000000xf32, #tpu.memory_space<hbm>> -> memref<10000xf32, #tpu.memory_space<hbm>>
    tpu.enqueue_dma source(%dma_start3A_60 : memref<10000xf32, #tpu.memory_space<hbm>>) target(%arg14 : memref<10000xf32, #tpu.memory_space<vmem>>) target_semaphore(%arg22 : memref<!tpu.dma_semaphore, #tpu.memory_space<semaphore_mem>>)
    %dma_wait3A = tpu.memref_slice %arg2[%add3A_44] : memref<8000000xf32, #tpu.memory_space<hbm>> -> memref<10000xf32, #tpu.memory_space<hbm>>
    %dma_wait3A_61 = tpu.memref_slice %arg2[%add3A_44] : memref<8000000xf32, #tpu.memory_space<hbm>> -> memref<10000xf32, #tpu.memory_space<hbm>>
    tpu.wait_dma2 semaphore(%arg21 : memref<!tpu.dma_semaphore, #tpu.memory_space<semaphore_mem>>) src(%dma_wait3A_61 : memref<10000xf32, #tpu.memory_space<hbm>>) dst(%arg9 : memref<10000xf32, #tpu.memory_space<vmem>>)
    %dma_wait3A_62 = tpu.memref_slice %arg3[%add3A_44] : memref<8000000xf32, #tpu.memory_space<hbm>> -> memref<10000xf32, #tpu.memory_space<hbm>>
    %dma_wait3A_63 = tpu.memref_slice %arg3[%add3A_44] : memref<8000000xf32, #tpu.memory_space<hbm>> -> memref<10000xf32, #tpu.memory_space<hbm>>
    tpu.wait_dma2 semaphore(%arg21 : memref<!tpu.dma_semaphore, #tpu.memory_space<semaphore_mem>>) src(%dma_wait3A_63 : memref<10000xf32, #tpu.memory_space<hbm>>) dst(%arg10 : memref<10000xf32, #tpu.memory_space<vmem>>)
    %dma_wait3A_64 = tpu.memref_slice %arg4[%add3A_44] : memref<8000000xf32, #tpu.memory_space<hbm>> -> memref<10000xf32, #tpu.memory_space<hbm>>
    %dma_wait3A_65 = tpu.memref_slice %arg4[%add3A_44] : memref<8000000xf32, #tpu.memory_space<hbm>> -> memref<10000xf32, #tpu.memory_space<hbm>>
    tpu.wait_dma2 semaphore(%arg21 : memref<!tpu.dma_semaphore, #tpu.memory_space<semaphore_mem>>) src(%dma_wait3A_65 : memref<10000xf32, #tpu.memory_space<hbm>>) dst(%arg11 : memref<10000xf32, #tpu.memory_space<vmem>>)
    %parallel_loop3A_66 = arith.constant 0 : i32
    %parallel_loop3A_67 = arith.constant 625 : i32
    %parallel_loop3A_68 = arith.constant 1 : i32
    scf.for %parallel_loop3A_641 = %parallel_loop3A_66 to %parallel_loop3A_67 step %parallel_loop3A_68  : i32 {
      %parallel_loop3A_642 = arith.constant 16 : i32
      %parallel_loop3A_643 = arith.muli %parallel_loop3A_641, %parallel_loop3A_642 : i32
      %parallel_loop3A_644 = arith.index_cast %parallel_loop3A_643 : i32 to index
      %parallel_loop3A_645 = tpu.vector_load %arg9[%parallel_loop3A_644] {strides = array<i32>} : memref<10000xf32, #tpu.memory_space<vmem>>, vector<16xf32>,
      %parallel_loop3A_646 = arith.constant 16 : i32
      %parallel_loop3A_647 = arith.muli %parallel_loop3A_641, %parallel_loop3A_646 : i32
      %parallel_loop3A_648 = arith.index_cast %parallel_loop3A_647 : i32 to index
      %parallel_loop3A_649 = tpu.vector_load %arg10[%parallel_loop3A_648] {strides = array<i32>} : memref<10000xf32, #tpu.memory_space<vmem>>, vector<16xf32>,
      %parallel_loop3A_650 = arith.constant 16 : i32
      %parallel_loop3A_651 = arith.muli %parallel_loop3A_641, %parallel_loop3A_650 : i32
      %parallel_loop3A_652 = arith.index_cast %parallel_loop3A_651 : i32 to index
      %parallel_loop3A_653 = tpu.vector_load %arg11[%parallel_loop3A_652] {strides = array<i32>} : memref<10000xf32, #tpu.memory_space<vmem>>, vector<16xf32>,
      %parallel_loop3A_654 = tpu.bitcast %parallel_loop3A_645 : vector<16xf32> -> vector<16xi32>
      %parallel_loop3A_655 = arith.constant 31 : i32
      %parallel_loop3A_656 = vector.broadcast %parallel_loop3A_655 : i32 to vector<16xi32>
      %parallel_loop3A_657 = arith.shrsi %parallel_loop3A_654, %parallel_loop3A_656 : vector<16xi32>
      %parallel_loop3A_658 = arith.constant -2147483648 : i32
      %parallel_loop3A_659 = vector.broadcast %parallel_loop3A_658 : i32 to vector<16xi32>
      %parallel_loop3A_660 = arith.ori %parallel_loop3A_657, %parallel_loop3A_659 : vector<16xi32>
      %parallel_loop3A_661 = arith.xori %parallel_loop3A_654, %parallel_loop3A_660 : vector<16xi32>
      %parallel_loop3A_662 = arith.constant 18 : i32
      %parallel_loop3A_663 = vector.broadcast %parallel_loop3A_662 : i32 to vector<16xi32>
      %parallel_loop3A_664 = arith.shrui %parallel_loop3A_661, %parallel_loop3A_663 : vector<16xi32>
      %parallel_loop3A_665 = arith.fptosi %parallel_loop3A_649 : vector<16xf32> to vector<16xi32>
      %parallel_loop3A_666 = arith.constant 14 : i32
      %parallel_loop3A_667 = vector.broadcast %parallel_loop3A_666 : i32 to vector<16xi32>
      %parallel_loop3A_668 = arith.shli %parallel_loop3A_665, %parallel_loop3A_667 : vector<16xi32>
      %parallel_loop3A_669 = arith.addi %parallel_loop3A_664, %parallel_loop3A_668 : vector<16xi32>
      tpu.vector_store_idx %arg8[%parallel_loop3A_669], %parallel_loop3A_653 {add = true} : memref<32768xf32, #tpu.memory_space<vmem>>[vector<16xi32>], vector<16xf32>,
    } {sc.loop_unroll_factor = 4 : i64, sc.parallel_access}
    %mul3A_69 = arith.constant 1000000 : i32
    %mul3A_70 = arith.muli %add3A_19, %mul3A_69 : i32
    %add3A_71 = arith.addi %mul3A_70, %mul3A_39 : i32
    %add3A_72 = arith.constant 20000 : i32
    %add3A_73 = arith.addi %add3A_71, %add3A_72 : i32
    %dma_start3A_74 = tpu.memref_slice %arg2[%add3A_73] : memref<8000000xf32, #tpu.memory_space<hbm>> -> memref<10000xf32, #tpu.memory_space<hbm>>
    %dma_start3A_75 = tpu.memref_slice %arg2[%add3A_73] : memref<8000000xf32, #tpu.memory_space<hbm>> -> memref<10000xf32, #tpu.memory_space<hbm>>
    tpu.enqueue_dma source(%dma_start3A_75 : memref<10000xf32, #tpu.memory_space<hbm>>) target(%arg9 : memref<10000xf32, #tpu.memory_space<vmem>>) target_semaphore(%arg21 : memref<!tpu.dma_semaphore, #tpu.memory_space<semaphore_mem>>)
    %dma_start3A_76 = tpu.memref_slice %arg3[%add3A_73] : memref<8000000xf32, #tpu.memory_space<hbm>> -> memref<10000xf32, #tpu.memory_space<hbm>>
    %dma_start3A_77 = tpu.memref_slice %arg3[%add3A_73] : memref<8000000xf32, #tpu.memory_space<hbm>> -> memref<10000xf32, #tpu.memory_space<hbm>>
    tpu.enqueue_dma source(%dma_start3A_77 : memref<10000xf32, #tpu.memory_space<hbm>>) target(%arg10 : memref<10000xf32, #tpu.memory_space<vmem>>) target_semaphore(%arg21 : memref<!tpu.dma_semaphore, #tpu.memory_space<semaphore_mem>>)
    %dma_start3A_78 = tpu.memref_slice %arg4[%add3A_73] : memref<8000000xf32, #tpu.memory_space<hbm>> -> memref<10000xf32, #tpu.memory_space<hbm>>
    %dma_start3A_79 = tpu.memref_slice %arg4[%add3A_73] : memref<8000000xf32, #tpu.memory_space<hbm>> -> memref<10000xf32, #tpu.memory_space<hbm>>
    tpu.enqueue_dma source(%dma_start3A_79 : memref<10000xf32, #tpu.memory_space<hbm>>) target(%arg11 : memref<10000xf32, #tpu.memory_space<vmem>>) target_semaphore(%arg21 : memref<!tpu.dma_semaphore, #tpu.memory_space<semaphore_mem>>)
    %dma_wait3A_80 = tpu.memref_slice %arg2[%add3A_54] : memref<8000000xf32, #tpu.memory_space<hbm>> -> memref<10000xf32, #tpu.memory_space<hbm>>
    %dma_wait3A_81 = tpu.memref_slice %arg2[%add3A_54] : memref<8000000xf32, #tpu.memory_space<hbm>> -> memref<10000xf32, #tpu.memory_space<hbm>>
    tpu.wait_dma2 semaphore(%arg22 : memref<!tpu.dma_semaphore, #tpu.memory_space<semaphore_mem>>) src(%dma_wait3A_81 : memref<10000xf32, #tpu.memory_space<hbm>>) dst(%arg12 : memref<10000xf32, #tpu.memory_space<vmem>>)
    %dma_wait3A_82 = tpu.memref_slice %arg3[%add3A_54] : memref<8000000xf32, #tpu.memory_space<hbm>> -> memref<10000xf32, #tpu.memory_space<hbm>>
    %dma_wait3A_83 = tpu.memref_slice %arg3[%add3A_54] : memref<8000000xf32, #tpu.memory_space<hbm>> -> memref<10000xf32, #tpu.memory_space<hbm>>
    tpu.wait_dma2 semaphore(%arg22 : memref<!tpu.dma_semaphore, #tpu.memory_space<semaphore_mem>>) src(%dma_wait3A_83 : memref<10000xf32, #tpu.memory_space<hbm>>) dst(%arg13 : memref<10000xf32, #tpu.memory_space<vmem>>)
    %dma_wait3A_84 = tpu.memref_slice %arg4[%add3A_54] : memref<8000000xf32, #tpu.memory_space<hbm>> -> memref<10000xf32, #tpu.memory_space<hbm>>
    %dma_wait3A_85 = tpu.memref_slice %arg4[%add3A_54] : memref<8000000xf32, #tpu.memory_space<hbm>> -> memref<10000xf32, #tpu.memory_space<hbm>>
    tpu.wait_dma2 semaphore(%arg22 : memref<!tpu.dma_semaphore, #tpu.memory_space<semaphore_mem>>) src(%dma_wait3A_85 : memref<10000xf32, #tpu.memory_space<hbm>>) dst(%arg14 : memref<10000xf32, #tpu.memory_space<vmem>>)
    %parallel_loop3A_86 = arith.constant 0 : i32
    %parallel_loop3A_87 = arith.constant 625 : i32
    %parallel_loop3A_88 = arith.constant 1 : i32
    scf.for %parallel_loop3A_641 = %parallel_loop3A_86 to %parallel_loop3A_87 step %parallel_loop3A_88  : i32 {
      %parallel_loop3A_642 = arith.constant 16 : i32
      %parallel_loop3A_643 = arith.muli %parallel_loop3A_641, %parallel_loop3A_642 : i32
      %parallel_loop3A_644 = arith.index_cast %parallel_loop3A_643 : i32 to index
      %parallel_loop3A_645 = tpu.vector_load %arg12[%parallel_loop3A_644] {strides = array<i32>} : memref<10000xf32, #tpu.memory_space<vmem>>, vector<16xf32>,
      %parallel_loop3A_646 = arith.constant 16 : i32
      %parallel_loop3A_647 = arith.muli %parallel_loop3A_641, %parallel_loop3A_646 : i32
      %parallel_loop3A_648 = arith.index_cast %parallel_loop3A_647 : i32 to index
      %parallel_loop3A_649 = tpu.vector_load %arg13[%parallel_loop3A_648] {strides = array<i32>} : memref<10000xf32, #tpu.memory_space<vmem>>, vector<16xf32>,
      %parallel_loop3A_650 = arith.constant 16 : i32
      %parallel_loop3A_651 = arith.muli %parallel_loop3A_641, %parallel_loop3A_650 : i32
      %parallel_loop3A_652 = arith.index_cast %parallel_loop3A_651 : i32 to index
      %parallel_loop3A_653 = tpu.vector_load %arg14[%parallel_loop3A_652] {strides = array<i32>} : memref<10000xf32, #tpu.memory_space<vmem>>, vector<16xf32>,
      %parallel_loop3A_654 = tpu.bitcast %parallel_loop3A_645 : vector<16xf32> -> vector<16xi32>
      %parallel_loop3A_655 = arith.constant 31 : i32
      %parallel_loop3A_656 = vector.broadcast %parallel_loop3A_655 : i32 to vector<16xi32>
      %parallel_loop3A_657 = arith.shrsi %parallel_loop3A_654, %parallel_loop3A_656 : vector<16xi32>
      %parallel_loop3A_658 = arith.constant -2147483648 : i32
      %parallel_loop3A_659 = vector.broadcast %parallel_loop3A_658 : i32 to vector<16xi32>
      %parallel_loop3A_660 = arith.ori %parallel_loop3A_657, %parallel_loop3A_659 : vector<16xi32>
      %parallel_loop3A_661 = arith.xori %parallel_loop3A_654, %parallel_loop3A_660 : vector<16xi32>
      %parallel_loop3A_662 = arith.constant 18 : i32
      %parallel_loop3A_663 = vector.broadcast %parallel_loop3A_662 : i32 to vector<16xi32>
      %parallel_loop3A_664 = arith.shrui %parallel_loop3A_661, %parallel_loop3A_663 : vector<16xi32>
      %parallel_loop3A_665 = arith.fptosi %parallel_loop3A_649 : vector<16xf32> to vector<16xi32>
      %parallel_loop3A_666 = arith.constant 14 : i32
      %parallel_loop3A_667 = vector.broadcast %parallel_loop3A_666 : i32 to vector<16xi32>
      %parallel_loop3A_668 = arith.shli %parallel_loop3A_665, %parallel_loop3A_667 : vector<16xi32>
      %parallel_loop3A_669 = arith.addi %parallel_loop3A_664, %parallel_loop3A_668 : vector<16xi32>
      tpu.vector_store_idx %arg8[%parallel_loop3A_669], %parallel_loop3A_653 {add = true} : memref<32768xf32, #tpu.memory_space<vmem>>[vector<16xi32>], vector<16xf32>,
    } {sc.loop_unroll_factor = 4 : i64, sc.parallel_access}
    %mul3A_89 = arith.constant 1000000 : i32
    %mul3A_90 = arith.muli %add3A_19, %mul3A_89 : i32
    %add3A_91 = arith.addi %mul3A_90, %mul3A_39 : i32
    %add3A_92 = arith.constant 30000 : i32
    %add3A_93 = arith.addi %add3A_91, %add3A_92 : i32
    %dma_start3A_94 = tpu.memref_slice %arg2[%add3A_93] : memref<8000000xf32, #tpu.memory_space<hbm>> -> memref<10000xf32, #tpu.memory_space<hbm>>
    %dma_start3A_95 = tpu.memref_slice %arg2[%add3A_93] : memref<8000000xf32, #tpu.memory_space<hbm>> -> memref<10000xf32, #tpu.memory_space<hbm>>
    tpu.enqueue_dma source(%dma_start3A_95 : memref<10000xf32, #tpu.memory_space<hbm>>) target(%arg12 : memref<10000xf32, #tpu.memory_space<vmem>>) target_semaphore(%arg22 : memref<!tpu.dma_semaphore, #tpu.memory_space<semaphore_mem>>)
    %dma_start3A_96 = tpu.memref_slice %arg3[%add3A_93] : memref<8000000xf32, #tpu.memory_space<hbm>> -> memref<10000xf32, #tpu.memory_space<hbm>>
    %dma_start3A_97 = tpu.memref_slice %arg3[%add3A_93] : memref<8000000xf32, #tpu.memory_space<hbm>> -> memref<10000xf32, #tpu.memory_space<hbm>>
    tpu.enqueue_dma source(%dma_start3A_97 : memref<10000xf32, #tpu.memory_space<hbm>>) target(%arg13 : memref<10000xf32, #tpu.memory_space<vmem>>) target_semaphore(%arg22 : memref<!tpu.dma_semaphore, #tpu.memory_space<semaphore_mem>>)
    %dma_start3A_98 = tpu.memref_slice %arg4[%add3A_93] : memref<8000000xf32, #tpu.memory_space<hbm>> -> memref<10000xf32, #tpu.memory_space<hbm>>
    %dma_start3A_99 = tpu.memref_slice %arg4[%add3A_93] : memref<8000000xf32, #tpu.memory_space<hbm>> -> memref<10000xf32, #tpu.memory_space<hbm>>
    tpu.enqueue_dma source(%dma_start3A_99 : memref<10000xf32, #tpu.memory_space<hbm>>) target(%arg14 : memref<10000xf32, #tpu.memory_space<vmem>>) target_semaphore(%arg22 : memref<!tpu.dma_semaphore, #tpu.memory_space<semaphore_mem>>)
    %dma_wait3A_100 = tpu.memref_slice %arg2[%add3A_73] : memref<8000000xf32, #tpu.memory_space<hbm>> -> memref<10000xf32, #tpu.memory_space<hbm>>
    %dma_wait3A_101 = tpu.memref_slice %arg2[%add3A_73] : memref<8000000xf32, #tpu.memory_space<hbm>> -> memref<10000xf32, #tpu.memory_space<hbm>>
    tpu.wait_dma2 semaphore(%arg21 : memref<!tpu.dma_semaphore, #tpu.memory_space<semaphore_mem>>) src(%dma_wait3A_101 : memref<10000xf32, #tpu.memory_space<hbm>>) dst(%arg9 : memref<10000xf32, #tpu.memory_space<vmem>>)
    %dma_wait3A_102 = tpu.memref_slice %arg3[%add3A_73] : memref<8000000xf32, #tpu.memory_space<hbm>> -> memref<10000xf32, #tpu.memory_space<hbm>>
    %dma_wait3A_103 = tpu.memref_slice %arg3[%add3A_73] : memref<8000000xf32, #tpu.memory_space<hbm>> -> memref<10000xf32, #tpu.memory_space<hbm>>
    tpu.wait_dma2 semaphore(%arg21 : memref<!tpu.dma_semaphore, #tpu.memory_space<semaphore_mem>>) src(%dma_wait3A_103 : memref<10000xf32, #tpu.memory_space<hbm>>) dst(%arg10 : memref<10000xf32, #tpu.memory_space<vmem>>)
    %dma_wait3A_104 = tpu.memref_slice %arg4[%add3A_73] : memref<8000000xf32, #tpu.memory_space<hbm>> -> memref<10000xf32, #tpu.memory_space<hbm>>
    %dma_wait3A_105 = tpu.memref_slice %arg4[%add3A_73] : memref<8000000xf32, #tpu.memory_space<hbm>> -> memref<10000xf32, #tpu.memory_space<hbm>>
    tpu.wait_dma2 semaphore(%arg21 : memref<!tpu.dma_semaphore, #tpu.memory_space<semaphore_mem>>) src(%dma_wait3A_105 : memref<10000xf32, #tpu.memory_space<hbm>>) dst(%arg11 : memref<10000xf32, #tpu.memory_space<vmem>>)
    %parallel_loop3A_106 = arith.constant 0 : i32
    %parallel_loop3A_107 = arith.constant 625 : i32
    %parallel_loop3A_108 = arith.constant 1 : i32
    scf.for %parallel_loop3A_641 = %parallel_loop3A_106 to %parallel_loop3A_107 step %parallel_loop3A_108  : i32 {
      %parallel_loop3A_642 = arith.constant 16 : i32
      %parallel_loop3A_643 = arith.muli %parallel_loop3A_641, %parallel_loop3A_642 : i32
      %parallel_loop3A_644 = arith.index_cast %parallel_loop3A_643 : i32 to index
      %parallel_loop3A_645 = tpu.vector_load %arg9[%parallel_loop3A_644] {strides = array<i32>} : memref<10000xf32, #tpu.memory_space<vmem>>, vector<16xf32>,
      %parallel_loop3A_646 = arith.constant 16 : i32
      %parallel_loop3A_647 = arith.muli %parallel_loop3A_641, %parallel_loop3A_646 : i32
      %parallel_loop3A_648 = arith.index_cast %parallel_loop3A_647 : i32 to index
      %parallel_loop3A_649 = tpu.vector_load %arg10[%parallel_loop3A_648] {strides = array<i32>} : memref<10000xf32, #tpu.memory_space<vmem>>, vector<16xf32>,
      %parallel_loop3A_650 = arith.constant 16 : i32
      %parallel_loop3A_651 = arith.muli %parallel_loop3A_641, %parallel_loop3A_650 : i32
      %parallel_loop3A_652 = arith.index_cast %parallel_loop3A_651 : i32 to index
      %parallel_loop3A_653 = tpu.vector_load %arg11[%parallel_loop3A_652] {strides = array<i32>} : memref<10000xf32, #tpu.memory_space<vmem>>, vector<16xf32>,
      %parallel_loop3A_654 = tpu.bitcast %parallel_loop3A_645 : vector<16xf32> -> vector<16xi32>
      %parallel_loop3A_655 = arith.constant 31 : i32
      %parallel_loop3A_656 = vector.broadcast %parallel_loop3A_655 : i32 to vector<16xi32>
      %parallel_loop3A_657 = arith.shrsi %parallel_loop3A_654, %parallel_loop3A_656 : vector<16xi32>
      %parallel_loop3A_658 = arith.constant -2147483648 : i32
      %parallel_loop3A_659 = vector.broadcast %parallel_loop3A_658 : i32 to vector<16xi32>
      %parallel_loop3A_660 = arith.ori %parallel_loop3A_657, %parallel_loop3A_659 : vector<16xi32>
      %parallel_loop3A_661 = arith.xori %parallel_loop3A_654, %parallel_loop3A_660 : vector<16xi32>
      %parallel_loop3A_662 = arith.constant 18 : i32
      %parallel_loop3A_663 = vector.broadcast %parallel_loop3A_662 : i32 to vector<16xi32>
      %parallel_loop3A_664 = arith.shrui %parallel_loop3A_661, %parallel_loop3A_663 : vector<16xi32>
      %parallel_loop3A_665 = arith.fptosi %parallel_loop3A_649 : vector<16xf32> to vector<16xi32>
      %parallel_loop3A_666 = arith.constant 14 : i32
      %parallel_loop3A_667 = vector.broadcast %parallel_loop3A_666 : i32 to vector<16xi32>
      %parallel_loop3A_668 = arith.shli %parallel_loop3A_665, %parallel_loop3A_667 : vector<16xi32>
      %parallel_loop3A_669 = arith.addi %parallel_loop3A_664, %parallel_loop3A_668 : vector<16xi32>
      tpu.vector_store_idx %arg8[%parallel_loop3A_669], %parallel_loop3A_653 {add = true} : memref<32768xf32, #tpu.memory_space<vmem>>[vector<16xi32>], vector<16xf32>,
    } {sc.loop_unroll_factor = 4 : i64, sc.parallel_access}
    %mul3A_109 = arith.constant 1000000 : i32
    %mul3A_110 = arith.muli %add3A_19, %mul3A_109 : i32
    %add3A_111 = arith.addi %mul3A_110, %mul3A_39 : i32
    %add3A_112 = arith.constant 40000 : i32
    %add3A_113 = arith.addi %add3A_111, %add3A_112 : i32
    %dma_start3A_114 = tpu.memref_slice %arg2[%add3A_113] : memref<8000000xf32, #tpu.memory_space<hbm>> -> memref<10000xf32, #tpu.memory_space<hbm>>
    %dma_start3A_115 = tpu.memref_slice %arg2[%add3A_113] : memref<8000000xf32, #tpu.memory_space<hbm>> -> memref<10000xf32, #tpu.memory_space<hbm>>
    tpu.enqueue_dma source(%dma_start3A_115 : memref<10000xf32, #tpu.memory_space<hbm>>) target(%arg9 : memref<10000xf32, #tpu.memory_space<vmem>>) target_semaphore(%arg21 : memref<!tpu.dma_semaphore, #tpu.memory_space<semaphore_mem>>)
    %dma_start3A_116 = tpu.memref_slice %arg3[%add3A_113] : memref<8000000xf32, #tpu.memory_space<hbm>> -> memref<10000xf32, #tpu.memory_space<hbm>>
    %dma_start3A_117 = tpu.memref_slice %arg3[%add3A_113] : memref<8000000xf32, #tpu.memory_space<hbm>> -> memref<10000xf32, #tpu.memory_space<hbm>>
    tpu.enqueue_dma source(%dma_start3A_117 : memref<10000xf32, #tpu.memory_space<hbm>>) target(%arg10 : memref<10000xf32, #tpu.memory_space<vmem>>) target_semaphore(%arg21 : memref<!tpu.dma_semaphore, #tpu.memory_space<semaphore_mem>>)
    %dma_start3A_118 = tpu.memref_slice %arg4[%add3A_113] : memref<8000000xf32, #tpu.memory_space<hbm>> -> memref<10000xf32, #tpu.memory_space<hbm>>
    %dma_start3A_119 = tpu.memref_slice %arg4[%add3A_113] : memref<8000000xf32, #tpu.memory_space<hbm>> -> memref<10000xf32, #tpu.memory_space<hbm>>
    tpu.enqueue_dma source(%dma_start3A_119 : memref<10000xf32, #tpu.memory_space<hbm>>) target(%arg11 : memref<10000xf32, #tpu.memory_space<vmem>>) target_semaphore(%arg21 : memref<!tpu.dma_semaphore, #tpu.memory_space<semaphore_mem>>)
    %dma_wait3A_120 = tpu.memref_slice %arg2[%add3A_93] : memref<8000000xf32, #tpu.memory_space<hbm>> -> memref<10000xf32, #tpu.memory_space<hbm>>
    %dma_wait3A_121 = tpu.memref_slice %arg2[%add3A_93] : memref<8000000xf32, #tpu.memory_space<hbm>> -> memref<10000xf32, #tpu.memory_space<hbm>>
    tpu.wait_dma2 semaphore(%arg22 : memref<!tpu.dma_semaphore, #tpu.memory_space<semaphore_mem>>) src(%dma_wait3A_121 : memref<10000xf32, #tpu.memory_space<hbm>>) dst(%arg12 : memref<10000xf32, #tpu.memory_space<vmem>>)
    %dma_wait3A_122 = tpu.memref_slice %arg3[%add3A_93] : memref<8000000xf32, #tpu.memory_space<hbm>> -> memref<10000xf32, #tpu.memory_space<hbm>>
    %dma_wait3A_123 = tpu.memref_slice %arg3[%add3A_93] : memref<8000000xf32, #tpu.memory_space<hbm>> -> memref<10000xf32, #tpu.memory_space<hbm>>
    tpu.wait_dma2 semaphore(%arg22 : memref<!tpu.dma_semaphore, #tpu.memory_space<semaphore_mem>>) src(%dma_wait3A_123 : memref<10000xf32, #tpu.memory_space<hbm>>) dst(%arg13 : memref<10000xf32, #tpu.memory_space<vmem>>)
    %dma_wait3A_124 = tpu.memref_slice %arg4[%add3A_93] : memref<8000000xf32, #tpu.memory_space<hbm>> -> memref<10000xf32, #tpu.memory_space<hbm>>
    %dma_wait3A_125 = tpu.memref_slice %arg4[%add3A_93] : memref<8000000xf32, #tpu.memory_space<hbm>> -> memref<10000xf32, #tpu.memory_space<hbm>>
    tpu.wait_dma2 semaphore(%arg22 : memref<!tpu.dma_semaphore, #tpu.memory_space<semaphore_mem>>) src(%dma_wait3A_125 : memref<10000xf32, #tpu.memory_space<hbm>>) dst(%arg14 : memref<10000xf32, #tpu.memory_space<vmem>>)
    %parallel_loop3A_126 = arith.constant 0 : i32
    %parallel_loop3A_127 = arith.constant 625 : i32
    %parallel_loop3A_128 = arith.constant 1 : i32
    scf.for %parallel_loop3A_641 = %parallel_loop3A_126 to %parallel_loop3A_127 step %parallel_loop3A_128  : i32 {
      %parallel_loop3A_642 = arith.constant 16 : i32
      %parallel_loop3A_643 = arith.muli %parallel_loop3A_641, %parallel_loop3A_642 : i32
      %parallel_loop3A_644 = arith.index_cast %parallel_loop3A_643 : i32 to index
      %parallel_loop3A_645 = tpu.vector_load %arg12[%parallel_loop3A_644] {strides = array<i32>} : memref<10000xf32, #tpu.memory_space<vmem>>, vector<16xf32>,
      %parallel_loop3A_646 = arith.constant 16 : i32
      %parallel_loop3A_647 = arith.muli %parallel_loop3A_641, %parallel_loop3A_646 : i32
      %parallel_loop3A_648 = arith.index_cast %parallel_loop3A_647 : i32 to index
      %parallel_loop3A_649 = tpu.vector_load %arg13[%parallel_loop3A_648] {strides = array<i32>} : memref<10000xf32, #tpu.memory_space<vmem>>, vector<16xf32>,
      %parallel_loop3A_650 = arith.constant 16 : i32
      %parallel_loop3A_651 = arith.muli %parallel_loop3A_641, %parallel_loop3A_650 : i32
      %parallel_loop3A_652 = arith.index_cast %parallel_loop3A_651 : i32 to index
      %parallel_loop3A_653 = tpu.vector_load %arg14[%parallel_loop3A_652] {strides = array<i32>} : memref<10000xf32, #tpu.memory_space<vmem>>, vector<16xf32>,
      %parallel_loop3A_654 = tpu.bitcast %parallel_loop3A_645 : vector<16xf32> -> vector<16xi32>
      %parallel_loop3A_655 = arith.constant 31 : i32
      %parallel_loop3A_656 = vector.broadcast %parallel_loop3A_655 : i32 to vector<16xi32>
      %parallel_loop3A_657 = arith.shrsi %parallel_loop3A_654, %parallel_loop3A_656 : vector<16xi32>
      %parallel_loop3A_658 = arith.constant -2147483648 : i32
      %parallel_loop3A_659 = vector.broadcast %parallel_loop3A_658 : i32 to vector<16xi32>
      %parallel_loop3A_660 = arith.ori %parallel_loop3A_657, %parallel_loop3A_659 : vector<16xi32>
      %parallel_loop3A_661 = arith.xori %parallel_loop3A_654, %parallel_loop3A_660 : vector<16xi32>
      %parallel_loop3A_662 = arith.constant 18 : i32
      %parallel_loop3A_663 = vector.broadcast %parallel_loop3A_662 : i32 to vector<16xi32>
      %parallel_loop3A_664 = arith.shrui %parallel_loop3A_661, %parallel_loop3A_663 : vector<16xi32>
      %parallel_loop3A_665 = arith.fptosi %parallel_loop3A_649 : vector<16xf32> to vector<16xi32>
      %parallel_loop3A_666 = arith.constant 14 : i32
      %parallel_loop3A_667 = vector.broadcast %parallel_loop3A_666 : i32 to vector<16xi32>
      %parallel_loop3A_668 = arith.shli %parallel_loop3A_665, %parallel_loop3A_667 : vector<16xi32>
      %parallel_loop3A_669 = arith.addi %parallel_loop3A_664, %parallel_loop3A_668 : vector<16xi32>
      tpu.vector_store_idx %arg8[%parallel_loop3A_669], %parallel_loop3A_653 {add = true} : memref<32768xf32, #tpu.memory_space<vmem>>[vector<16xi32>], vector<16xf32>,
    } {sc.loop_unroll_factor = 4 : i64, sc.parallel_access}
    %mul3A_129 = arith.constant 1000000 : i32
    %mul3A_130 = arith.muli %add3A_19, %mul3A_129 : i32
    %add3A_131 = arith.addi %mul3A_130, %mul3A_39 : i32
    %add3A_132 = arith.constant 50000 : i32
    %add3A_133 = arith.addi %add3A_131, %add3A_132 : i32
    %dma_start3A_134 = tpu.memref_slice %arg2[%add3A_133] : memref<8000000xf32, #tpu.memory_space<hbm>> -> memref<10000xf32, #tpu.memory_space<hbm>>
    %dma_start3A_135 = tpu.memref_slice %arg2[%add3A_133] : memref<8000000xf32, #tpu.memory_space<hbm>> -> memref<10000xf32, #tpu.memory_space<hbm>>
    tpu.enqueue_dma source(%dma_start3A_135 : memref<10000xf32, #tpu.memory_space<hbm>>) target(%arg12 : memref<10000xf32, #tpu.memory_space<vmem>>) target_semaphore(%arg22 : memref<!tpu.dma_semaphore, #tpu.memory_space<semaphore_mem>>)
    %dma_start3A_136 = tpu.memref_slice %arg3[%add3A_133] : memref<8000000xf32, #tpu.memory_space<hbm>> -> memref<10000xf32, #tpu.memory_space<hbm>>
    %dma_start3A_137 = tpu.memref_slice %arg3[%add3A_133] : memref<8000000xf32, #tpu.memory_space<hbm>> -> memref<10000xf32, #tpu.memory_space<hbm>>
    tpu.enqueue_dma source(%dma_start3A_137 : memref<10000xf32, #tpu.memory_space<hbm>>) target(%arg13 : memref<10000xf32, #tpu.memory_space<vmem>>) target_semaphore(%arg22 : memref<!tpu.dma_semaphore, #tpu.memory_space<semaphore_mem>>)
    %dma_start3A_138 = tpu.memref_slice %arg4[%add3A_133] : memref<8000000xf32, #tpu.memory_space<hbm>> -> memref<10000xf32, #tpu.memory_space<hbm>>
    %dma_start3A_139 = tpu.memref_slice %arg4[%add3A_133] : memref<8000000xf32, #tpu.memory_space<hbm>> -> memref<10000xf32, #tpu.memory_space<hbm>>
    tpu.enqueue_dma source(%dma_start3A_139 : memref<10000xf32, #tpu.memory_space<hbm>>) target(%arg14 : memref<10000xf32, #tpu.memory_space<vmem>>) target_semaphore(%arg22 : memref<!tpu.dma_semaphore, #tpu.memory_space<semaphore_mem>>)
    %dma_wait3A_140 = tpu.memref_slice %arg2[%add3A_113] : memref<8000000xf32, #tpu.memory_space<hbm>> -> memref<10000xf32, #tpu.memory_space<hbm>>
    %dma_wait3A_141 = tpu.memref_slice %arg2[%add3A_113] : memref<8000000xf32, #tpu.memory_space<hbm>> -> memref<10000xf32, #tpu.memory_space<hbm>>
    tpu.wait_dma2 semaphore(%arg21 : memref<!tpu.dma_semaphore, #tpu.memory_space<semaphore_mem>>) src(%dma_wait3A_141 : memref<10000xf32, #tpu.memory_space<hbm>>) dst(%arg9 : memref<10000xf32, #tpu.memory_space<vmem>>)
    %dma_wait3A_142 = tpu.memref_slice %arg3[%add3A_113] : memref<8000000xf32, #tpu.memory_space<hbm>> -> memref<10000xf32, #tpu.memory_space<hbm>>
    %dma_wait3A_143 = tpu.memref_slice %arg3[%add3A_113] : memref<8000000xf32, #tpu.memory_space<hbm>> -> memref<10000xf32, #tpu.memory_space<hbm>>
    tpu.wait_dma2 semaphore(%arg21 : memref<!tpu.dma_semaphore, #tpu.memory_space<semaphore_mem>>) src(%dma_wait3A_143 : memref<10000xf32, #tpu.memory_space<hbm>>) dst(%arg10 : memref<10000xf32, #tpu.memory_space<vmem>>)
    %dma_wait3A_144 = tpu.memref_slice %arg4[%add3A_113] : memref<8000000xf32, #tpu.memory_space<hbm>> -> memref<10000xf32, #tpu.memory_space<hbm>>
    %dma_wait3A_145 = tpu.memref_slice %arg4[%add3A_113] : memref<8000000xf32, #tpu.memory_space<hbm>> -> memref<10000xf32, #tpu.memory_space<hbm>>
    tpu.wait_dma2 semaphore(%arg21 : memref<!tpu.dma_semaphore, #tpu.memory_space<semaphore_mem>>) src(%dma_wait3A_145 : memref<10000xf32, #tpu.memory_space<hbm>>) dst(%arg11 : memref<10000xf32, #tpu.memory_space<vmem>>)
    %parallel_loop3A_146 = arith.constant 0 : i32
    %parallel_loop3A_147 = arith.constant 625 : i32
    %parallel_loop3A_148 = arith.constant 1 : i32
    scf.for %parallel_loop3A_641 = %parallel_loop3A_146 to %parallel_loop3A_147 step %parallel_loop3A_148  : i32 {
      %parallel_loop3A_642 = arith.constant 16 : i32
      %parallel_loop3A_643 = arith.muli %parallel_loop3A_641, %parallel_loop3A_642 : i32
      %parallel_loop3A_644 = arith.index_cast %parallel_loop3A_643 : i32 to index
      %parallel_loop3A_645 = tpu.vector_load %arg9[%parallel_loop3A_644] {strides = array<i32>} : memref<10000xf32, #tpu.memory_space<vmem>>, vector<16xf32>,
      %parallel_loop3A_646 = arith.constant 16 : i32
      %parallel_loop3A_647 = arith.muli %parallel_loop3A_641, %parallel_loop3A_646 : i32
      %parallel_loop3A_648 = arith.index_cast %parallel_loop3A_647 : i32 to index
      %parallel_loop3A_649 = tpu.vector_load %arg10[%parallel_loop3A_648] {strides = array<i32>} : memref<10000xf32, #tpu.memory_space<vmem>>, vector<16xf32>,
      %parallel_loop3A_650 = arith.constant 16 : i32
      %parallel_loop3A_651 = arith.muli %parallel_loop3A_641, %parallel_loop3A_650 : i32
      %parallel_loop3A_652 = arith.index_cast %parallel_loop3A_651 : i32 to index
      %parallel_loop3A_653 = tpu.vector_load %arg11[%parallel_loop3A_652] {strides = array<i32>} : memref<10000xf32, #tpu.memory_space<vmem>>, vector<16xf32>,
      %parallel_loop3A_654 = tpu.bitcast %parallel_loop3A_645 : vector<16xf32> -> vector<16xi32>
      %parallel_loop3A_655 = arith.constant 31 : i32
      %parallel_loop3A_656 = vector.broadcast %parallel_loop3A_655 : i32 to vector<16xi32>
      %parallel_loop3A_657 = arith.shrsi %parallel_loop3A_654, %parallel_loop3A_656 : vector<16xi32>
      %parallel_loop3A_658 = arith.constant -2147483648 : i32
      %parallel_loop3A_659 = vector.broadcast %parallel_loop3A_658 : i32 to vector<16xi32>
      %parallel_loop3A_660 = arith.ori %parallel_loop3A_657, %parallel_loop3A_659 : vector<16xi32>
      %parallel_loop3A_661 = arith.xori %parallel_loop3A_654, %parallel_loop3A_660 : vector<16xi32>
      %parallel_loop3A_662 = arith.constant 18 : i32
      %parallel_loop3A_663 = vector.broadcast %parallel_loop3A_662 : i32 to vector<16xi32>
      %parallel_loop3A_664 = arith.shrui %parallel_loop3A_661, %parallel_loop3A_663 : vector<16xi32>
      %parallel_loop3A_665 = arith.fptosi %parallel_loop3A_649 : vector<16xf32> to vector<16xi32>
      %parallel_loop3A_666 = arith.constant 14 : i32
      %parallel_loop3A_667 = vector.broadcast %parallel_loop3A_666 : i32 to vector<16xi32>
      %parallel_loop3A_668 = arith.shli %parallel_loop3A_665, %parallel_loop3A_667 : vector<16xi32>
      %parallel_loop3A_669 = arith.addi %parallel_loop3A_664, %parallel_loop3A_668 : vector<16xi32>
      tpu.vector_store_idx %arg8[%parallel_loop3A_669], %parallel_loop3A_653 {add = true} : memref<32768xf32, #tpu.memory_space<vmem>>[vector<16xi32>], vector<16xf32>,
    } {sc.loop_unroll_factor = 4 : i64, sc.parallel_access}
    %mul3A_149 = arith.constant 1000000 : i32
    %mul3A_150 = arith.muli %add3A_19, %mul3A_149 : i32
    %add3A_151 = arith.addi %mul3A_150, %mul3A_39 : i32
    %add3A_152 = arith.constant 60000 : i32
    %add3A_153 = arith.addi %add3A_151, %add3A_152 : i32
    %dma_start3A_154 = tpu.memref_slice %arg2[%add3A_153] : memref<8000000xf32, #tpu.memory_space<hbm>> -> memref<10000xf32, #tpu.memory_space<hbm>>
    %dma_start3A_155 = tpu.memref_slice %arg2[%add3A_153] : memref<8000000xf32, #tpu.memory_space<hbm>> -> memref<10000xf32, #tpu.memory_space<hbm>>
    tpu.enqueue_dma source(%dma_start3A_155 : memref<10000xf32, #tpu.memory_space<hbm>>) target(%arg9 : memref<10000xf32, #tpu.memory_space<vmem>>) target_semaphore(%arg21 : memref<!tpu.dma_semaphore, #tpu.memory_space<semaphore_mem>>)
    %dma_start3A_156 = tpu.memref_slice %arg3[%add3A_153] : memref<8000000xf32, #tpu.memory_space<hbm>> -> memref<10000xf32, #tpu.memory_space<hbm>>
    %dma_start3A_157 = tpu.memref_slice %arg3[%add3A_153] : memref<8000000xf32, #tpu.memory_space<hbm>> -> memref<10000xf32, #tpu.memory_space<hbm>>
    tpu.enqueue_dma source(%dma_start3A_157 : memref<10000xf32, #tpu.memory_space<hbm>>) target(%arg10 : memref<10000xf32, #tpu.memory_space<vmem>>) target_semaphore(%arg21 : memref<!tpu.dma_semaphore, #tpu.memory_space<semaphore_mem>>)
    %dma_start3A_158 = tpu.memref_slice %arg4[%add3A_153] : memref<8000000xf32, #tpu.memory_space<hbm>> -> memref<10000xf32, #tpu.memory_space<hbm>>
    %dma_start3A_159 = tpu.memref_slice %arg4[%add3A_153] : memref<8000000xf32, #tpu.memory_space<hbm>> -> memref<10000xf32, #tpu.memory_space<hbm>>
    tpu.enqueue_dma source(%dma_start3A_159 : memref<10000xf32, #tpu.memory_space<hbm>>) target(%arg11 : memref<10000xf32, #tpu.memory_space<vmem>>) target_semaphore(%arg21 : memref<!tpu.dma_semaphore, #tpu.memory_space<semaphore_mem>>)
    %dma_wait3A_160 = tpu.memref_slice %arg2[%add3A_133] : memref<8000000xf32, #tpu.memory_space<hbm>> -> memref<10000xf32, #tpu.memory_space<hbm>>
    %dma_wait3A_161 = tpu.memref_slice %arg2[%add3A_133] : memref<8000000xf32, #tpu.memory_space<hbm>> -> memref<10000xf32, #tpu.memory_space<hbm>>
    tpu.wait_dma2 semaphore(%arg22 : memref<!tpu.dma_semaphore, #tpu.memory_space<semaphore_mem>>) src(%dma_wait3A_161 : memref<10000xf32, #tpu.memory_space<hbm>>) dst(%arg12 : memref<10000xf32, #tpu.memory_space<vmem>>)
    %dma_wait3A_162 = tpu.memref_slice %arg3[%add3A_133] : memref<8000000xf32, #tpu.memory_space<hbm>> -> memref<10000xf32, #tpu.memory_space<hbm>>
    %dma_wait3A_163 = tpu.memref_slice %arg3[%add3A_133] : memref<8000000xf32, #tpu.memory_space<hbm>> -> memref<10000xf32, #tpu.memory_space<hbm>>
    tpu.wait_dma2 semaphore(%arg22 : memref<!tpu.dma_semaphore, #tpu.memory_space<semaphore_mem>>) src(%dma_wait3A_163 : memref<10000xf32, #tpu.memory_space<hbm>>) dst(%arg13 : memref<10000xf32, #tpu.memory_space<vmem>>)
    %dma_wait3A_164 = tpu.memref_slice %arg4[%add3A_133] : memref<8000000xf32, #tpu.memory_space<hbm>> -> memref<10000xf32, #tpu.memory_space<hbm>>
    %dma_wait3A_165 = tpu.memref_slice %arg4[%add3A_133] : memref<8000000xf32, #tpu.memory_space<hbm>> -> memref<10000xf32, #tpu.memory_space<hbm>>
    tpu.wait_dma2 semaphore(%arg22 : memref<!tpu.dma_semaphore, #tpu.memory_space<semaphore_mem>>) src(%dma_wait3A_165 : memref<10000xf32, #tpu.memory_space<hbm>>) dst(%arg14 : memref<10000xf32, #tpu.memory_space<vmem>>)
    %parallel_loop3A_166 = arith.constant 0 : i32
    %parallel_loop3A_167 = arith.constant 625 : i32
    %parallel_loop3A_168 = arith.constant 1 : i32
    scf.for %parallel_loop3A_641 = %parallel_loop3A_166 to %parallel_loop3A_167 step %parallel_loop3A_168  : i32 {
      %parallel_loop3A_642 = arith.constant 16 : i32
      %parallel_loop3A_643 = arith.muli %parallel_loop3A_641, %parallel_loop3A_642 : i32
      %parallel_loop3A_644 = arith.index_cast %parallel_loop3A_643 : i32 to index
      %parallel_loop3A_645 = tpu.vector_load %arg12[%parallel_loop3A_644] {strides = array<i32>} : memref<10000xf32, #tpu.memory_space<vmem>>, vector<16xf32>,
      %parallel_loop3A_646 = arith.constant 16 : i32
      %parallel_loop3A_647 = arith.muli %parallel_loop3A_641, %parallel_loop3A_646 : i32
      %parallel_loop3A_648 = arith.index_cast %parallel_loop3A_647 : i32 to index
      %parallel_loop3A_649 = tpu.vector_load %arg13[%parallel_loop3A_648] {strides = array<i32>} : memref<10000xf32, #tpu.memory_space<vmem>>, vector<16xf32>,
      %parallel_loop3A_650 = arith.constant 16 : i32
      %parallel_loop3A_651 = arith.muli %parallel_loop3A_641, %parallel_loop3A_650 : i32
      %parallel_loop3A_652 = arith.index_cast %parallel_loop3A_651 : i32 to index
      %parallel_loop3A_653 = tpu.vector_load %arg14[%parallel_loop3A_652] {strides = array<i32>} : memref<10000xf32, #tpu.memory_space<vmem>>, vector<16xf32>,
      %parallel_loop3A_654 = tpu.bitcast %parallel_loop3A_645 : vector<16xf32> -> vector<16xi32>
      %parallel_loop3A_655 = arith.constant 31 : i32
      %parallel_loop3A_656 = vector.broadcast %parallel_loop3A_655 : i32 to vector<16xi32>
      %parallel_loop3A_657 = arith.shrsi %parallel_loop3A_654, %parallel_loop3A_656 : vector<16xi32>
      %parallel_loop3A_658 = arith.constant -2147483648 : i32
      %parallel_loop3A_659 = vector.broadcast %parallel_loop3A_658 : i32 to vector<16xi32>
      %parallel_loop3A_660 = arith.ori %parallel_loop3A_657, %parallel_loop3A_659 : vector<16xi32>
      %parallel_loop3A_661 = arith.xori %parallel_loop3A_654, %parallel_loop3A_660 : vector<16xi32>
      %parallel_loop3A_662 = arith.constant 18 : i32
      %parallel_loop3A_663 = vector.broadcast %parallel_loop3A_662 : i32 to vector<16xi32>
      %parallel_loop3A_664 = arith.shrui %parallel_loop3A_661, %parallel_loop3A_663 : vector<16xi32>
      %parallel_loop3A_665 = arith.fptosi %parallel_loop3A_649 : vector<16xf32> to vector<16xi32>
      %parallel_loop3A_666 = arith.constant 14 : i32
      %parallel_loop3A_667 = vector.broadcast %parallel_loop3A_666 : i32 to vector<16xi32>
      %parallel_loop3A_668 = arith.shli %parallel_loop3A_665, %parallel_loop3A_667 : vector<16xi32>
      %parallel_loop3A_669 = arith.addi %parallel_loop3A_664, %parallel_loop3A_668 : vector<16xi32>
      tpu.vector_store_idx %arg8[%parallel_loop3A_669], %parallel_loop3A_653 {add = true} : memref<32768xf32, #tpu.memory_space<vmem>>[vector<16xi32>], vector<16xf32>,
    } {sc.loop_unroll_factor = 4 : i64, sc.parallel_access}
    %mul3A_169 = arith.constant 1000000 : i32
    %mul3A_170 = arith.muli %add3A_19, %mul3A_169 : i32
    %add3A_171 = arith.addi %mul3A_170, %mul3A_39 : i32
    %add3A_172 = arith.constant 70000 : i32
    %add3A_173 = arith.addi %add3A_171, %add3A_172 : i32
    %dma_start3A_174 = tpu.memref_slice %arg2[%add3A_173] : memref<8000000xf32, #tpu.memory_space<hbm>> -> memref<10000xf32, #tpu.memory_space<hbm>>
    %dma_start3A_175 = tpu.memref_slice %arg2[%add3A_173] : memref<8000000xf32, #tpu.memory_space<hbm>> -> memref<10000xf32, #tpu.memory_space<hbm>>
    tpu.enqueue_dma source(%dma_start3A_175 : memref<10000xf32, #tpu.memory_space<hbm>>) target(%arg12 : memref<10000xf32, #tpu.memory_space<vmem>>) target_semaphore(%arg22 : memref<!tpu.dma_semaphore, #tpu.memory_space<semaphore_mem>>)
    %dma_start3A_176 = tpu.memref_slice %arg3[%add3A_173] : memref<8000000xf32, #tpu.memory_space<hbm>> -> memref<10000xf32, #tpu.memory_space<hbm>>
    %dma_start3A_177 = tpu.memref_slice %arg3[%add3A_173] : memref<8000000xf32, #tpu.memory_space<hbm>> -> memref<10000xf32, #tpu.memory_space<hbm>>
    tpu.enqueue_dma source(%dma_start3A_177 : memref<10000xf32, #tpu.memory_space<hbm>>) target(%arg13 : memref<10000xf32, #tpu.memory_space<vmem>>) target_semaphore(%arg22 : memref<!tpu.dma_semaphore, #tpu.memory_space<semaphore_mem>>)
    %dma_start3A_178 = tpu.memref_slice %arg4[%add3A_173] : memref<8000000xf32, #tpu.memory_space<hbm>> -> memref<10000xf32, #tpu.memory_space<hbm>>
    %dma_start3A_179 = tpu.memref_slice %arg4[%add3A_173] : memref<8000000xf32, #tpu.memory_space<hbm>> -> memref<10000xf32, #tpu.memory_space<hbm>>
    tpu.enqueue_dma source(%dma_start3A_179 : memref<10000xf32, #tpu.memory_space<hbm>>) target(%arg14 : memref<10000xf32, #tpu.memory_space<vmem>>) target_semaphore(%arg22 : memref<!tpu.dma_semaphore, #tpu.memory_space<semaphore_mem>>)
    %dma_wait3A_180 = tpu.memref_slice %arg2[%add3A_153] : memref<8000000xf32, #tpu.memory_space<hbm>> -> memref<10000xf32, #tpu.memory_space<hbm>>
    %dma_wait3A_181 = tpu.memref_slice %arg2[%add3A_153] : memref<8000000xf32, #tpu.memory_space<hbm>> -> memref<10000xf32, #tpu.memory_space<hbm>>
    tpu.wait_dma2 semaphore(%arg21 : memref<!tpu.dma_semaphore, #tpu.memory_space<semaphore_mem>>) src(%dma_wait3A_181 : memref<10000xf32, #tpu.memory_space<hbm>>) dst(%arg9 : memref<10000xf32, #tpu.memory_space<vmem>>)
    %dma_wait3A_182 = tpu.memref_slice %arg3[%add3A_153] : memref<8000000xf32, #tpu.memory_space<hbm>> -> memref<10000xf32, #tpu.memory_space<hbm>>
    %dma_wait3A_183 = tpu.memref_slice %arg3[%add3A_153] : memref<8000000xf32, #tpu.memory_space<hbm>> -> memref<10000xf32, #tpu.memory_space<hbm>>
    tpu.wait_dma2 semaphore(%arg21 : memref<!tpu.dma_semaphore, #tpu.memory_space<semaphore_mem>>) src(%dma_wait3A_183 : memref<10000xf32, #tpu.memory_space<hbm>>) dst(%arg10 : memref<10000xf32, #tpu.memory_space<vmem>>)
    %dma_wait3A_184 = tpu.memref_slice %arg4[%add3A_153] : memref<8000000xf32, #tpu.memory_space<hbm>> -> memref<10000xf32, #tpu.memory_space<hbm>>
    %dma_wait3A_185 = tpu.memref_slice %arg4[%add3A_153] : memref<8000000xf32, #tpu.memory_space<hbm>> -> memref<10000xf32, #tpu.memory_space<hbm>>
    tpu.wait_dma2 semaphore(%arg21 : memref<!tpu.dma_semaphore, #tpu.memory_space<semaphore_mem>>) src(%dma_wait3A_185 : memref<10000xf32, #tpu.memory_space<hbm>>) dst(%arg11 : memref<10000xf32, #tpu.memory_space<vmem>>)
    %parallel_loop3A_186 = arith.constant 0 : i32
    %parallel_loop3A_187 = arith.constant 625 : i32
    %parallel_loop3A_188 = arith.constant 1 : i32
    scf.for %parallel_loop3A_641 = %parallel_loop3A_186 to %parallel_loop3A_187 step %parallel_loop3A_188  : i32 {
      %parallel_loop3A_642 = arith.constant 16 : i32
      %parallel_loop3A_643 = arith.muli %parallel_loop3A_641, %parallel_loop3A_642 : i32
      %parallel_loop3A_644 = arith.index_cast %parallel_loop3A_643 : i32 to index
      %parallel_loop3A_645 = tpu.vector_load %arg9[%parallel_loop3A_644] {strides = array<i32>} : memref<10000xf32, #tpu.memory_space<vmem>>, vector<16xf32>,
      %parallel_loop3A_646 = arith.constant 16 : i32
      %parallel_loop3A_647 = arith.muli %parallel_loop3A_641, %parallel_loop3A_646 : i32
      %parallel_loop3A_648 = arith.index_cast %parallel_loop3A_647 : i32 to index
      %parallel_loop3A_649 = tpu.vector_load %arg10[%parallel_loop3A_648] {strides = array<i32>} : memref<10000xf32, #tpu.memory_space<vmem>>, vector<16xf32>,
      %parallel_loop3A_650 = arith.constant 16 : i32
      %parallel_loop3A_651 = arith.muli %parallel_loop3A_641, %parallel_loop3A_650 : i32
      %parallel_loop3A_652 = arith.index_cast %parallel_loop3A_651 : i32 to index
      %parallel_loop3A_653 = tpu.vector_load %arg11[%parallel_loop3A_652] {strides = array<i32>} : memref<10000xf32, #tpu.memory_space<vmem>>, vector<16xf32>,
      %parallel_loop3A_654 = tpu.bitcast %parallel_loop3A_645 : vector<16xf32> -> vector<16xi32>
      %parallel_loop3A_655 = arith.constant 31 : i32
      %parallel_loop3A_656 = vector.broadcast %parallel_loop3A_655 : i32 to vector<16xi32>
      %parallel_loop3A_657 = arith.shrsi %parallel_loop3A_654, %parallel_loop3A_656 : vector<16xi32>
      %parallel_loop3A_658 = arith.constant -2147483648 : i32
      %parallel_loop3A_659 = vector.broadcast %parallel_loop3A_658 : i32 to vector<16xi32>
      %parallel_loop3A_660 = arith.ori %parallel_loop3A_657, %parallel_loop3A_659 : vector<16xi32>
      %parallel_loop3A_661 = arith.xori %parallel_loop3A_654, %parallel_loop3A_660 : vector<16xi32>
      %parallel_loop3A_662 = arith.constant 18 : i32
      %parallel_loop3A_663 = vector.broadcast %parallel_loop3A_662 : i32 to vector<16xi32>
      %parallel_loop3A_664 = arith.shrui %parallel_loop3A_661, %parallel_loop3A_663 : vector<16xi32>
      %parallel_loop3A_665 = arith.fptosi %parallel_loop3A_649 : vector<16xf32> to vector<16xi32>
      %parallel_loop3A_666 = arith.constant 14 : i32
      %parallel_loop3A_667 = vector.broadcast %parallel_loop3A_666 : i32 to vector<16xi32>
      %parallel_loop3A_668 = arith.shli %parallel_loop3A_665, %parallel_loop3A_667 : vector<16xi32>
      %parallel_loop3A_669 = arith.addi %parallel_loop3A_664, %parallel_loop3A_668 : vector<16xi32>
      tpu.vector_store_idx %arg8[%parallel_loop3A_669], %parallel_loop3A_653 {add = true} : memref<32768xf32, #tpu.memory_space<vmem>>[vector<16xi32>], vector<16xf32>,
    } {sc.loop_unroll_factor = 4 : i64, sc.parallel_access}
    %mul3A_189 = arith.constant 1000000 : i32
    %mul3A_190 = arith.muli %add3A_19, %mul3A_189 : i32
    %add3A_191 = arith.addi %mul3A_190, %mul3A_39 : i32
    %add3A_192 = arith.constant 80000 : i32
    %add3A_193 = arith.addi %add3A_191, %add3A_192 : i32
    %dma_start3A_194 = tpu.memref_slice %arg2[%add3A_193] : memref<8000000xf32, #tpu.memory_space<hbm>> -> memref<10000xf32, #tpu.memory_space<hbm>>
    %dma_start3A_195 = tpu.memref_slice %arg2[%add3A_193] : memref<8000000xf32, #tpu.memory_space<hbm>> -> memref<10000xf32, #tpu.memory_space<hbm>>
    tpu.enqueue_dma source(%dma_start3A_195 : memref<10000xf32, #tpu.memory_space<hbm>>) target(%arg9 : memref<10000xf32, #tpu.memory_space<vmem>>) target_semaphore(%arg21 : memref<!tpu.dma_semaphore, #tpu.memory_space<semaphore_mem>>)
    %dma_start3A_196 = tpu.memref_slice %arg3[%add3A_193] : memref<8000000xf32, #tpu.memory_space<hbm>> -> memref<10000xf32, #tpu.memory_space<hbm>>
    %dma_start3A_197 = tpu.memref_slice %arg3[%add3A_193] : memref<8000000xf32, #tpu.memory_space<hbm>> -> memref<10000xf32, #tpu.memory_space<hbm>>
    tpu.enqueue_dma source(%dma_start3A_197 : memref<10000xf32, #tpu.memory_space<hbm>>) target(%arg10 : memref<10000xf32, #tpu.memory_space<vmem>>) target_semaphore(%arg21 : memref<!tpu.dma_semaphore, #tpu.memory_space<semaphore_mem>>)
    %dma_start3A_198 = tpu.memref_slice %arg4[%add3A_193] : memref<8000000xf32, #tpu.memory_space<hbm>> -> memref<10000xf32, #tpu.memory_space<hbm>>
    %dma_start3A_199 = tpu.memref_slice %arg4[%add3A_193] : memref<8000000xf32, #tpu.memory_space<hbm>> -> memref<10000xf32, #tpu.memory_space<hbm>>
    tpu.enqueue_dma source(%dma_start3A_199 : memref<10000xf32, #tpu.memory_space<hbm>>) target(%arg11 : memref<10000xf32, #tpu.memory_space<vmem>>) target_semaphore(%arg21 : memref<!tpu.dma_semaphore, #tpu.memory_space<semaphore_mem>>)
    %dma_wait3A_200 = tpu.memref_slice %arg2[%add3A_173] : memref<8000000xf32, #tpu.memory_space<hbm>> -> memref<10000xf32, #tpu.memory_space<hbm>>
    %dma_wait3A_201 = tpu.memref_slice %arg2[%add3A_173] : memref<8000000xf32, #tpu.memory_space<hbm>> -> memref<10000xf32, #tpu.memory_space<hbm>>
    tpu.wait_dma2 semaphore(%arg22 : memref<!tpu.dma_semaphore, #tpu.memory_space<semaphore_mem>>) src(%dma_wait3A_201 : memref<10000xf32, #tpu.memory_space<hbm>>) dst(%arg12 : memref<10000xf32, #tpu.memory_space<vmem>>)
    %dma_wait3A_202 = tpu.memref_slice %arg3[%add3A_173] : memref<8000000xf32, #tpu.memory_space<hbm>> -> memref<10000xf32, #tpu.memory_space<hbm>>
    %dma_wait3A_203 = tpu.memref_slice %arg3[%add3A_173] : memref<8000000xf32, #tpu.memory_space<hbm>> -> memref<10000xf32, #tpu.memory_space<hbm>>
    tpu.wait_dma2 semaphore(%arg22 : memref<!tpu.dma_semaphore, #tpu.memory_space<semaphore_mem>>) src(%dma_wait3A_203 : memref<10000xf32, #tpu.memory_space<hbm>>) dst(%arg13 : memref<10000xf32, #tpu.memory_space<vmem>>)
    %dma_wait3A_204 = tpu.memref_slice %arg4[%add3A_173] : memref<8000000xf32, #tpu.memory_space<hbm>> -> memref<10000xf32, #tpu.memory_space<hbm>>
    %dma_wait3A_205 = tpu.memref_slice %arg4[%add3A_173] : memref<8000000xf32, #tpu.memory_space<hbm>> -> memref<10000xf32, #tpu.memory_space<hbm>>
    tpu.wait_dma2 semaphore(%arg22 : memref<!tpu.dma_semaphore, #tpu.memory_space<semaphore_mem>>) src(%dma_wait3A_205 : memref<10000xf32, #tpu.memory_space<hbm>>) dst(%arg14 : memref<10000xf32, #tpu.memory_space<vmem>>)
    %parallel_loop3A_206 = arith.constant 0 : i32
    %parallel_loop3A_207 = arith.constant 625 : i32
    %parallel_loop3A_208 = arith.constant 1 : i32
    scf.for %parallel_loop3A_641 = %parallel_loop3A_206 to %parallel_loop3A_207 step %parallel_loop3A_208  : i32 {
      %parallel_loop3A_642 = arith.constant 16 : i32
      %parallel_loop3A_643 = arith.muli %parallel_loop3A_641, %parallel_loop3A_642 : i32
      %parallel_loop3A_644 = arith.index_cast %parallel_loop3A_643 : i32 to index
      %parallel_loop3A_645 = tpu.vector_load %arg12[%parallel_loop3A_644] {strides = array<i32>} : memref<10000xf32, #tpu.memory_space<vmem>>, vector<16xf32>,
      %parallel_loop3A_646 = arith.constant 16 : i32
      %parallel_loop3A_647 = arith.muli %parallel_loop3A_641, %parallel_loop3A_646 : i32
      %parallel_loop3A_648 = arith.index_cast %parallel_loop3A_647 : i32 to index
      %parallel_loop3A_649 = tpu.vector_load %arg13[%parallel_loop3A_648] {strides = array<i32>} : memref<10000xf32, #tpu.memory_space<vmem>>, vector<16xf32>,
      %parallel_loop3A_650 = arith.constant 16 : i32
      %parallel_loop3A_651 = arith.muli %parallel_loop3A_641, %parallel_loop3A_650 : i32
      %parallel_loop3A_652 = arith.index_cast %parallel_loop3A_651 : i32 to index
      %parallel_loop3A_653 = tpu.vector_load %arg14[%parallel_loop3A_652] {strides = array<i32>} : memref<10000xf32, #tpu.memory_space<vmem>>, vector<16xf32>,
      %parallel_loop3A_654 = tpu.bitcast %parallel_loop3A_645 : vector<16xf32> -> vector<16xi32>
      %parallel_loop3A_655 = arith.constant 31 : i32
      %parallel_loop3A_656 = vector.broadcast %parallel_loop3A_655 : i32 to vector<16xi32>
      %parallel_loop3A_657 = arith.shrsi %parallel_loop3A_654, %parallel_loop3A_656 : vector<16xi32>
      %parallel_loop3A_658 = arith.constant -2147483648 : i32
      %parallel_loop3A_659 = vector.broadcast %parallel_loop3A_658 : i32 to vector<16xi32>
      %parallel_loop3A_660 = arith.ori %parallel_loop3A_657, %parallel_loop3A_659 : vector<16xi32>
      %parallel_loop3A_661 = arith.xori %parallel_loop3A_654, %parallel_loop3A_660 : vector<16xi32>
      %parallel_loop3A_662 = arith.constant 18 : i32
      %parallel_loop3A_663 = vector.broadcast %parallel_loop3A_662 : i32 to vector<16xi32>
      %parallel_loop3A_664 = arith.shrui %parallel_loop3A_661, %parallel_loop3A_663 : vector<16xi32>
      %parallel_loop3A_665 = arith.fptosi %parallel_loop3A_649 : vector<16xf32> to vector<16xi32>
      %parallel_loop3A_666 = arith.constant 14 : i32
      %parallel_loop3A_667 = vector.broadcast %parallel_loop3A_666 : i32 to vector<16xi32>
      %parallel_loop3A_668 = arith.shli %parallel_loop3A_665, %parallel_loop3A_667 : vector<16xi32>
      %parallel_loop3A_669 = arith.addi %parallel_loop3A_664, %parallel_loop3A_668 : vector<16xi32>
      tpu.vector_store_idx %arg8[%parallel_loop3A_669], %parallel_loop3A_653 {add = true} : memref<32768xf32, #tpu.memory_space<vmem>>[vector<16xi32>], vector<16xf32>,
    } {sc.loop_unroll_factor = 4 : i64, sc.parallel_access}
    %mul3A_209 = arith.constant 1000000 : i32
    %mul3A_210 = arith.muli %add3A_19, %mul3A_209 : i32
    %add3A_211 = arith.addi %mul3A_210, %mul3A_39 : i32
    %add3A_212 = arith.constant 90000 : i32
    %add3A_213 = arith.addi %add3A_211, %add3A_212 : i32
    %dma_start3A_214 = tpu.memref_slice %arg2[%add3A_213] : memref<8000000xf32, #tpu.memory_space<hbm>> -> memref<10000xf32, #tpu.memory_space<hbm>>
    %dma_start3A_215 = tpu.memref_slice %arg2[%add3A_213] : memref<8000000xf32, #tpu.memory_space<hbm>> -> memref<10000xf32, #tpu.memory_space<hbm>>
    tpu.enqueue_dma source(%dma_start3A_215 : memref<10000xf32, #tpu.memory_space<hbm>>) target(%arg12 : memref<10000xf32, #tpu.memory_space<vmem>>) target_semaphore(%arg22 : memref<!tpu.dma_semaphore, #tpu.memory_space<semaphore_mem>>)
    %dma_start3A_216 = tpu.memref_slice %arg3[%add3A_213] : memref<8000000xf32, #tpu.memory_space<hbm>> -> memref<10000xf32, #tpu.memory_space<hbm>>
    %dma_start3A_217 = tpu.memref_slice %arg3[%add3A_213] : memref<8000000xf32, #tpu.memory_space<hbm>> -> memref<10000xf32, #tpu.memory_space<hbm>>
    tpu.enqueue_dma source(%dma_start3A_217 : memref<10000xf32, #tpu.memory_space<hbm>>) target(%arg13 : memref<10000xf32, #tpu.memory_space<vmem>>) target_semaphore(%arg22 : memref<!tpu.dma_semaphore, #tpu.memory_space<semaphore_mem>>)
    %dma_start3A_218 = tpu.memref_slice %arg4[%add3A_213] : memref<8000000xf32, #tpu.memory_space<hbm>> -> memref<10000xf32, #tpu.memory_space<hbm>>
    %dma_start3A_219 = tpu.memref_slice %arg4[%add3A_213] : memref<8000000xf32, #tpu.memory_space<hbm>> -> memref<10000xf32, #tpu.memory_space<hbm>>
    tpu.enqueue_dma source(%dma_start3A_219 : memref<10000xf32, #tpu.memory_space<hbm>>) target(%arg14 : memref<10000xf32, #tpu.memory_space<vmem>>) target_semaphore(%arg22 : memref<!tpu.dma_semaphore, #tpu.memory_space<semaphore_mem>>)
    %dma_wait3A_220 = tpu.memref_slice %arg2[%add3A_193] : memref<8000000xf32, #tpu.memory_space<hbm>> -> memref<10000xf32, #tpu.memory_space<hbm>>
    %dma_wait3A_221 = tpu.memref_slice %arg2[%add3A_193] : memref<8000000xf32, #tpu.memory_space<hbm>> -> memref<10000xf32, #tpu.memory_space<hbm>>
    tpu.wait_dma2 semaphore(%arg21 : memref<!tpu.dma_semaphore, #tpu.memory_space<semaphore_mem>>) src(%dma_wait3A_221 : memref<10000xf32, #tpu.memory_space<hbm>>) dst(%arg9 : memref<10000xf32, #tpu.memory_space<vmem>>)
    %dma_wait3A_222 = tpu.memref_slice %arg3[%add3A_193] : memref<8000000xf32, #tpu.memory_space<hbm>> -> memref<10000xf32, #tpu.memory_space<hbm>>
    %dma_wait3A_223 = tpu.memref_slice %arg3[%add3A_193] : memref<8000000xf32, #tpu.memory_space<hbm>> -> memref<10000xf32, #tpu.memory_space<hbm>>
    tpu.wait_dma2 semaphore(%arg21 : memref<!tpu.dma_semaphore, #tpu.memory_space<semaphore_mem>>) src(%dma_wait3A_223 : memref<10000xf32, #tpu.memory_space<hbm>>) dst(%arg10 : memref<10000xf32, #tpu.memory_space<vmem>>)
    %dma_wait3A_224 = tpu.memref_slice %arg4[%add3A_193] : memref<8000000xf32, #tpu.memory_space<hbm>> -> memref<10000xf32, #tpu.memory_space<hbm>>
    %dma_wait3A_225 = tpu.memref_slice %arg4[%add3A_193] : memref<8000000xf32, #tpu.memory_space<hbm>> -> memref<10000xf32, #tpu.memory_space<hbm>>
    tpu.wait_dma2 semaphore(%arg21 : memref<!tpu.dma_semaphore, #tpu.memory_space<semaphore_mem>>) src(%dma_wait3A_225 : memref<10000xf32, #tpu.memory_space<hbm>>) dst(%arg11 : memref<10000xf32, #tpu.memory_space<vmem>>)
    %parallel_loop3A_226 = arith.constant 0 : i32
    %parallel_loop3A_227 = arith.constant 625 : i32
    %parallel_loop3A_228 = arith.constant 1 : i32
    scf.for %parallel_loop3A_641 = %parallel_loop3A_226 to %parallel_loop3A_227 step %parallel_loop3A_228  : i32 {
      %parallel_loop3A_642 = arith.constant 16 : i32
      %parallel_loop3A_643 = arith.muli %parallel_loop3A_641, %parallel_loop3A_642 : i32
      %parallel_loop3A_644 = arith.index_cast %parallel_loop3A_643 : i32 to index
      %parallel_loop3A_645 = tpu.vector_load %arg9[%parallel_loop3A_644] {strides = array<i32>} : memref<10000xf32, #tpu.memory_space<vmem>>, vector<16xf32>,
      %parallel_loop3A_646 = arith.constant 16 : i32
      %parallel_loop3A_647 = arith.muli %parallel_loop3A_641, %parallel_loop3A_646 : i32
      %parallel_loop3A_648 = arith.index_cast %parallel_loop3A_647 : i32 to index
      %parallel_loop3A_649 = tpu.vector_load %arg10[%parallel_loop3A_648] {strides = array<i32>} : memref<10000xf32, #tpu.memory_space<vmem>>, vector<16xf32>,
      %parallel_loop3A_650 = arith.constant 16 : i32
      %parallel_loop3A_651 = arith.muli %parallel_loop3A_641, %parallel_loop3A_650 : i32
      %parallel_loop3A_652 = arith.index_cast %parallel_loop3A_651 : i32 to index
      %parallel_loop3A_653 = tpu.vector_load %arg11[%parallel_loop3A_652] {strides = array<i32>} : memref<10000xf32, #tpu.memory_space<vmem>>, vector<16xf32>,
      %parallel_loop3A_654 = tpu.bitcast %parallel_loop3A_645 : vector<16xf32> -> vector<16xi32>
      %parallel_loop3A_655 = arith.constant 31 : i32
      %parallel_loop3A_656 = vector.broadcast %parallel_loop3A_655 : i32 to vector<16xi32>
      %parallel_loop3A_657 = arith.shrsi %parallel_loop3A_654, %parallel_loop3A_656 : vector<16xi32>
      %parallel_loop3A_658 = arith.constant -2147483648 : i32
      %parallel_loop3A_659 = vector.broadcast %parallel_loop3A_658 : i32 to vector<16xi32>
      %parallel_loop3A_660 = arith.ori %parallel_loop3A_657, %parallel_loop3A_659 : vector<16xi32>
      %parallel_loop3A_661 = arith.xori %parallel_loop3A_654, %parallel_loop3A_660 : vector<16xi32>
      %parallel_loop3A_662 = arith.constant 18 : i32
      %parallel_loop3A_663 = vector.broadcast %parallel_loop3A_662 : i32 to vector<16xi32>
      %parallel_loop3A_664 = arith.shrui %parallel_loop3A_661, %parallel_loop3A_663 : vector<16xi32>
      %parallel_loop3A_665 = arith.fptosi %parallel_loop3A_649 : vector<16xf32> to vector<16xi32>
      %parallel_loop3A_666 = arith.constant 14 : i32
      %parallel_loop3A_667 = vector.broadcast %parallel_loop3A_666 : i32 to vector<16xi32>
      %parallel_loop3A_668 = arith.shli %parallel_loop3A_665, %parallel_loop3A_667 : vector<16xi32>
      %parallel_loop3A_669 = arith.addi %parallel_loop3A_664, %parallel_loop3A_668 : vector<16xi32>
      tpu.vector_store_idx %arg8[%parallel_loop3A_669], %parallel_loop3A_653 {add = true} : memref<32768xf32, #tpu.memory_space<vmem>>[vector<16xi32>], vector<16xf32>,
    } {sc.loop_unroll_factor = 4 : i64, sc.parallel_access}
    %mul3A_229 = arith.constant 1000000 : i32
    %mul3A_230 = arith.muli %add3A_19, %mul3A_229 : i32
    %add3A_231 = arith.addi %mul3A_230, %mul3A_39 : i32
    %add3A_232 = arith.constant 100000 : i32
    %add3A_233 = arith.addi %add3A_231, %add3A_232 : i32
    %dma_start3A_234 = tpu.memref_slice %arg2[%add3A_233] : memref<8000000xf32, #tpu.memory_space<hbm>> -> memref<10000xf32, #tpu.memory_space<hbm>>
    %dma_start3A_235 = tpu.memref_slice %arg2[%add3A_233] : memref<8000000xf32, #tpu.memory_space<hbm>> -> memref<10000xf32, #tpu.memory_space<hbm>>
    tpu.enqueue_dma source(%dma_start3A_235 : memref<10000xf32, #tpu.memory_space<hbm>>) target(%arg9 : memref<10000xf32, #tpu.memory_space<vmem>>) target_semaphore(%arg21 : memref<!tpu.dma_semaphore, #tpu.memory_space<semaphore_mem>>)
    %dma_start3A_236 = tpu.memref_slice %arg3[%add3A_233] : memref<8000000xf32, #tpu.memory_space<hbm>> -> memref<10000xf32, #tpu.memory_space<hbm>>
    %dma_start3A_237 = tpu.memref_slice %arg3[%add3A_233] : memref<8000000xf32, #tpu.memory_space<hbm>> -> memref<10000xf32, #tpu.memory_space<hbm>>
    tpu.enqueue_dma source(%dma_start3A_237 : memref<10000xf32, #tpu.memory_space<hbm>>) target(%arg10 : memref<10000xf32, #tpu.memory_space<vmem>>) target_semaphore(%arg21 : memref<!tpu.dma_semaphore, #tpu.memory_space<semaphore_mem>>)
    %dma_start3A_238 = tpu.memref_slice %arg4[%add3A_233] : memref<8000000xf32, #tpu.memory_space<hbm>> -> memref<10000xf32, #tpu.memory_space<hbm>>
    %dma_start3A_239 = tpu.memref_slice %arg4[%add3A_233] : memref<8000000xf32, #tpu.memory_space<hbm>> -> memref<10000xf32, #tpu.memory_space<hbm>>
    tpu.enqueue_dma source(%dma_start3A_239 : memref<10000xf32, #tpu.memory_space<hbm>>) target(%arg11 : memref<10000xf32, #tpu.memory_space<vmem>>) target_semaphore(%arg21 : memref<!tpu.dma_semaphore, #tpu.memory_space<semaphore_mem>>)
    %dma_wait3A_240 = tpu.memref_slice %arg2[%add3A_213] : memref<8000000xf32, #tpu.memory_space<hbm>> -> memref<10000xf32, #tpu.memory_space<hbm>>
    %dma_wait3A_241 = tpu.memref_slice %arg2[%add3A_213] : memref<8000000xf32, #tpu.memory_space<hbm>> -> memref<10000xf32, #tpu.memory_space<hbm>>
    tpu.wait_dma2 semaphore(%arg22 : memref<!tpu.dma_semaphore, #tpu.memory_space<semaphore_mem>>) src(%dma_wait3A_241 : memref<10000xf32, #tpu.memory_space<hbm>>) dst(%arg12 : memref<10000xf32, #tpu.memory_space<vmem>>)
    %dma_wait3A_242 = tpu.memref_slice %arg3[%add3A_213] : memref<8000000xf32, #tpu.memory_space<hbm>> -> memref<10000xf32, #tpu.memory_space<hbm>>
    %dma_wait3A_243 = tpu.memref_slice %arg3[%add3A_213] : memref<8000000xf32, #tpu.memory_space<hbm>> -> memref<10000xf32, #tpu.memory_space<hbm>>
    tpu.wait_dma2 semaphore(%arg22 : memref<!tpu.dma_semaphore, #tpu.memory_space<semaphore_mem>>) src(%dma_wait3A_243 : memref<10000xf32, #tpu.memory_space<hbm>>) dst(%arg13 : memref<10000xf32, #tpu.memory_space<vmem>>)
    %dma_wait3A_244 = tpu.memref_slice %arg4[%add3A_213] : memref<8000000xf32, #tpu.memory_space<hbm>> -> memref<10000xf32, #tpu.memory_space<hbm>>
    %dma_wait3A_245 = tpu.memref_slice %arg4[%add3A_213] : memref<8000000xf32, #tpu.memory_space<hbm>> -> memref<10000xf32, #tpu.memory_space<hbm>>
    tpu.wait_dma2 semaphore(%arg22 : memref<!tpu.dma_semaphore, #tpu.memory_space<semaphore_mem>>) src(%dma_wait3A_245 : memref<10000xf32, #tpu.memory_space<hbm>>) dst(%arg14 : memref<10000xf32, #tpu.memory_space<vmem>>)
    %parallel_loop3A_246 = arith.constant 0 : i32
    %parallel_loop3A_247 = arith.constant 625 : i32
    %parallel_loop3A_248 = arith.constant 1 : i32
    scf.for %parallel_loop3A_641 = %parallel_loop3A_246 to %parallel_loop3A_247 step %parallel_loop3A_248  : i32 {
      %parallel_loop3A_642 = arith.constant 16 : i32
      %parallel_loop3A_643 = arith.muli %parallel_loop3A_641, %parallel_loop3A_642 : i32
      %parallel_loop3A_644 = arith.index_cast %parallel_loop3A_643 : i32 to index
      %parallel_loop3A_645 = tpu.vector_load %arg12[%parallel_loop3A_644] {strides = array<i32>} : memref<10000xf32, #tpu.memory_space<vmem>>, vector<16xf32>,
      %parallel_loop3A_646 = arith.constant 16 : i32
      %parallel_loop3A_647 = arith.muli %parallel_loop3A_641, %parallel_loop3A_646 : i32
      %parallel_loop3A_648 = arith.index_cast %parallel_loop3A_647 : i32 to index
      %parallel_loop3A_649 = tpu.vector_load %arg13[%parallel_loop3A_648] {strides = array<i32>} : memref<10000xf32, #tpu.memory_space<vmem>>, vector<16xf32>,
      %parallel_loop3A_650 = arith.constant 16 : i32
      %parallel_loop3A_651 = arith.muli %parallel_loop3A_641, %parallel_loop3A_650 : i32
      %parallel_loop3A_652 = arith.index_cast %parallel_loop3A_651 : i32 to index
      %parallel_loop3A_653 = tpu.vector_load %arg14[%parallel_loop3A_652] {strides = array<i32>} : memref<10000xf32, #tpu.memory_space<vmem>>, vector<16xf32>,
      %parallel_loop3A_654 = tpu.bitcast %parallel_loop3A_645 : vector<16xf32> -> vector<16xi32>
      %parallel_loop3A_655 = arith.constant 31 : i32
      %parallel_loop3A_656 = vector.broadcast %parallel_loop3A_655 : i32 to vector<16xi32>
      %parallel_loop3A_657 = arith.shrsi %parallel_loop3A_654, %parallel_loop3A_656 : vector<16xi32>
      %parallel_loop3A_658 = arith.constant -2147483648 : i32
      %parallel_loop3A_659 = vector.broadcast %parallel_loop3A_658 : i32 to vector<16xi32>
      %parallel_loop3A_660 = arith.ori %parallel_loop3A_657, %parallel_loop3A_659 : vector<16xi32>
      %parallel_loop3A_661 = arith.xori %parallel_loop3A_654, %parallel_loop3A_660 : vector<16xi32>
      %parallel_loop3A_662 = arith.constant 18 : i32
      %parallel_loop3A_663 = vector.broadcast %parallel_loop3A_662 : i32 to vector<16xi32>
      %parallel_loop3A_664 = arith.shrui %parallel_loop3A_661, %parallel_loop3A_663 : vector<16xi32>
      %parallel_loop3A_665 = arith.fptosi %parallel_loop3A_649 : vector<16xf32> to vector<16xi32>
      %parallel_loop3A_666 = arith.constant 14 : i32
      %parallel_loop3A_667 = vector.broadcast %parallel_loop3A_666 : i32 to vector<16xi32>
      %parallel_loop3A_668 = arith.shli %parallel_loop3A_665, %parallel_loop3A_667 : vector<16xi32>
      %parallel_loop3A_669 = arith.addi %parallel_loop3A_664, %parallel_loop3A_668 : vector<16xi32>
      tpu.vector_store_idx %arg8[%parallel_loop3A_669], %parallel_loop3A_653 {add = true} : memref<32768xf32, #tpu.memory_space<vmem>>[vector<16xi32>], vector<16xf32>,
    } {sc.loop_unroll_factor = 4 : i64, sc.parallel_access}
    %mul3A_249 = arith.constant 1000000 : i32
    %mul3A_250 = arith.muli %add3A_19, %mul3A_249 : i32
    %add3A_251 = arith.addi %mul3A_250, %mul3A_39 : i32
    %add3A_252 = arith.constant 110000 : i32
    %add3A_253 = arith.addi %add3A_251, %add3A_252 : i32
    %dma_start3A_254 = tpu.memref_slice %arg2[%add3A_253] : memref<8000000xf32, #tpu.memory_space<hbm>> -> memref<10000xf32, #tpu.memory_space<hbm>>
    %dma_start3A_255 = tpu.memref_slice %arg2[%add3A_253] : memref<8000000xf32, #tpu.memory_space<hbm>> -> memref<10000xf32, #tpu.memory_space<hbm>>
    tpu.enqueue_dma source(%dma_start3A_255 : memref<10000xf32, #tpu.memory_space<hbm>>) target(%arg12 : memref<10000xf32, #tpu.memory_space<vmem>>) target_semaphore(%arg22 : memref<!tpu.dma_semaphore, #tpu.memory_space<semaphore_mem>>)
    %dma_start3A_256 = tpu.memref_slice %arg3[%add3A_253] : memref<8000000xf32, #tpu.memory_space<hbm>> -> memref<10000xf32, #tpu.memory_space<hbm>>
    %dma_start3A_257 = tpu.memref_slice %arg3[%add3A_253] : memref<8000000xf32, #tpu.memory_space<hbm>> -> memref<10000xf32, #tpu.memory_space<hbm>>
    tpu.enqueue_dma source(%dma_start3A_257 : memref<10000xf32, #tpu.memory_space<hbm>>) target(%arg13 : memref<10000xf32, #tpu.memory_space<vmem>>) target_semaphore(%arg22 : memref<!tpu.dma_semaphore, #tpu.memory_space<semaphore_mem>>)
    %dma_start3A_258 = tpu.memref_slice %arg4[%add3A_253] : memref<8000000xf32, #tpu.memory_space<hbm>> -> memref<10000xf32, #tpu.memory_space<hbm>>
    %dma_start3A_259 = tpu.memref_slice %arg4[%add3A_253] : memref<8000000xf32, #tpu.memory_space<hbm>> -> memref<10000xf32, #tpu.memory_space<hbm>>
    tpu.enqueue_dma source(%dma_start3A_259 : memref<10000xf32, #tpu.memory_space<hbm>>) target(%arg14 : memref<10000xf32, #tpu.memory_space<vmem>>) target_semaphore(%arg22 : memref<!tpu.dma_semaphore, #tpu.memory_space<semaphore_mem>>)
    %dma_wait3A_260 = tpu.memref_slice %arg2[%add3A_233] : memref<8000000xf32, #tpu.memory_space<hbm>> -> memref<10000xf32, #tpu.memory_space<hbm>>
    %dma_wait3A_261 = tpu.memref_slice %arg2[%add3A_233] : memref<8000000xf32, #tpu.memory_space<hbm>> -> memref<10000xf32, #tpu.memory_space<hbm>>
    tpu.wait_dma2 semaphore(%arg21 : memref<!tpu.dma_semaphore, #tpu.memory_space<semaphore_mem>>) src(%dma_wait3A_261 : memref<10000xf32, #tpu.memory_space<hbm>>) dst(%arg9 : memref<10000xf32, #tpu.memory_space<vmem>>)
    %dma_wait3A_262 = tpu.memref_slice %arg3[%add3A_233] : memref<8000000xf32, #tpu.memory_space<hbm>> -> memref<10000xf32, #tpu.memory_space<hbm>>
    %dma_wait3A_263 = tpu.memref_slice %arg3[%add3A_233] : memref<8000000xf32, #tpu.memory_space<hbm>> -> memref<10000xf32, #tpu.memory_space<hbm>>
    tpu.wait_dma2 semaphore(%arg21 : memref<!tpu.dma_semaphore, #tpu.memory_space<semaphore_mem>>) src(%dma_wait3A_263 : memref<10000xf32, #tpu.memory_space<hbm>>) dst(%arg10 : memref<10000xf32, #tpu.memory_space<vmem>>)
    %dma_wait3A_264 = tpu.memref_slice %arg4[%add3A_233] : memref<8000000xf32, #tpu.memory_space<hbm>> -> memref<10000xf32, #tpu.memory_space<hbm>>
    %dma_wait3A_265 = tpu.memref_slice %arg4[%add3A_233] : memref<8000000xf32, #tpu.memory_space<hbm>> -> memref<10000xf32, #tpu.memory_space<hbm>>
    tpu.wait_dma2 semaphore(%arg21 : memref<!tpu.dma_semaphore, #tpu.memory_space<semaphore_mem>>) src(%dma_wait3A_265 : memref<10000xf32, #tpu.memory_space<hbm>>) dst(%arg11 : memref<10000xf32, #tpu.memory_space<vmem>>)
    %parallel_loop3A_266 = arith.constant 0 : i32
    %parallel_loop3A_267 = arith.constant 625 : i32
    %parallel_loop3A_268 = arith.constant 1 : i32
    scf.for %parallel_loop3A_641 = %parallel_loop3A_266 to %parallel_loop3A_267 step %parallel_loop3A_268  : i32 {
      %parallel_loop3A_642 = arith.constant 16 : i32
      %parallel_loop3A_643 = arith.muli %parallel_loop3A_641, %parallel_loop3A_642 : i32
      %parallel_loop3A_644 = arith.index_cast %parallel_loop3A_643 : i32 to index
      %parallel_loop3A_645 = tpu.vector_load %arg9[%parallel_loop3A_644] {strides = array<i32>} : memref<10000xf32, #tpu.memory_space<vmem>>, vector<16xf32>,
      %parallel_loop3A_646 = arith.constant 16 : i32
      %parallel_loop3A_647 = arith.muli %parallel_loop3A_641, %parallel_loop3A_646 : i32
      %parallel_loop3A_648 = arith.index_cast %parallel_loop3A_647 : i32 to index
      %parallel_loop3A_649 = tpu.vector_load %arg10[%parallel_loop3A_648] {strides = array<i32>} : memref<10000xf32, #tpu.memory_space<vmem>>, vector<16xf32>,
      %parallel_loop3A_650 = arith.constant 16 : i32
      %parallel_loop3A_651 = arith.muli %parallel_loop3A_641, %parallel_loop3A_650 : i32
      %parallel_loop3A_652 = arith.index_cast %parallel_loop3A_651 : i32 to index
      %parallel_loop3A_653 = tpu.vector_load %arg11[%parallel_loop3A_652] {strides = array<i32>} : memref<10000xf32, #tpu.memory_space<vmem>>, vector<16xf32>,
      %parallel_loop3A_654 = tpu.bitcast %parallel_loop3A_645 : vector<16xf32> -> vector<16xi32>
      %parallel_loop3A_655 = arith.constant 31 : i32
      %parallel_loop3A_656 = vector.broadcast %parallel_loop3A_655 : i32 to vector<16xi32>
      %parallel_loop3A_657 = arith.shrsi %parallel_loop3A_654, %parallel_loop3A_656 : vector<16xi32>
      %parallel_loop3A_658 = arith.constant -2147483648 : i32
      %parallel_loop3A_659 = vector.broadcast %parallel_loop3A_658 : i32 to vector<16xi32>
      %parallel_loop3A_660 = arith.ori %parallel_loop3A_657, %parallel_loop3A_659 : vector<16xi32>
      %parallel_loop3A_661 = arith.xori %parallel_loop3A_654, %parallel_loop3A_660 : vector<16xi32>
      %parallel_loop3A_662 = arith.constant 18 : i32
      %parallel_loop3A_663 = vector.broadcast %parallel_loop3A_662 : i32 to vector<16xi32>
      %parallel_loop3A_664 = arith.shrui %parallel_loop3A_661, %parallel_loop3A_663 : vector<16xi32>
      %parallel_loop3A_665 = arith.fptosi %parallel_loop3A_649 : vector<16xf32> to vector<16xi32>
      %parallel_loop3A_666 = arith.constant 14 : i32
      %parallel_loop3A_667 = vector.broadcast %parallel_loop3A_666 : i32 to vector<16xi32>
      %parallel_loop3A_668 = arith.shli %parallel_loop3A_665, %parallel_loop3A_667 : vector<16xi32>
      %parallel_loop3A_669 = arith.addi %parallel_loop3A_664, %parallel_loop3A_668 : vector<16xi32>
      tpu.vector_store_idx %arg8[%parallel_loop3A_669], %parallel_loop3A_653 {add = true} : memref<32768xf32, #tpu.memory_space<vmem>>[vector<16xi32>], vector<16xf32>,
    } {sc.loop_unroll_factor = 4 : i64, sc.parallel_access}
    %mul3A_269 = arith.constant 1000000 : i32
    %mul3A_270 = arith.muli %add3A_19, %mul3A_269 : i32
    %add3A_271 = arith.addi %mul3A_270, %mul3A_39 : i32
    %add3A_272 = arith.constant 120000 : i32
    %add3A_273 = arith.addi %add3A_271, %add3A_272 : i32
    %dma_start3A_274 = tpu.memref_slice %arg2[%add3A_273] : memref<8000000xf32, #tpu.memory_space<hbm>> -> memref<10000xf32, #tpu.memory_space<hbm>>
    %dma_start3A_275 = tpu.memref_slice %arg2[%add3A_273] : memref<8000000xf32, #tpu.memory_space<hbm>> -> memref<10000xf32, #tpu.memory_space<hbm>>
    tpu.enqueue_dma source(%dma_start3A_275 : memref<10000xf32, #tpu.memory_space<hbm>>) target(%arg9 : memref<10000xf32, #tpu.memory_space<vmem>>) target_semaphore(%arg21 : memref<!tpu.dma_semaphore, #tpu.memory_space<semaphore_mem>>)
    %dma_start3A_276 = tpu.memref_slice %arg3[%add3A_273] : memref<8000000xf32, #tpu.memory_space<hbm>> -> memref<10000xf32, #tpu.memory_space<hbm>>
    %dma_start3A_277 = tpu.memref_slice %arg3[%add3A_273] : memref<8000000xf32, #tpu.memory_space<hbm>> -> memref<10000xf32, #tpu.memory_space<hbm>>
    tpu.enqueue_dma source(%dma_start3A_277 : memref<10000xf32, #tpu.memory_space<hbm>>) target(%arg10 : memref<10000xf32, #tpu.memory_space<vmem>>) target_semaphore(%arg21 : memref<!tpu.dma_semaphore, #tpu.memory_space<semaphore_mem>>)
    %dma_start3A_278 = tpu.memref_slice %arg4[%add3A_273] : memref<8000000xf32, #tpu.memory_space<hbm>> -> memref<10000xf32, #tpu.memory_space<hbm>>
    %dma_start3A_279 = tpu.memref_slice %arg4[%add3A_273] : memref<8000000xf32, #tpu.memory_space<hbm>> -> memref<10000xf32, #tpu.memory_space<hbm>>
    tpu.enqueue_dma source(%dma_start3A_279 : memref<10000xf32, #tpu.memory_space<hbm>>) target(%arg11 : memref<10000xf32, #tpu.memory_space<vmem>>) target_semaphore(%arg21 : memref<!tpu.dma_semaphore, #tpu.memory_space<semaphore_mem>>)
    %dma_wait3A_280 = tpu.memref_slice %arg2[%add3A_253] : memref<8000000xf32, #tpu.memory_space<hbm>> -> memref<10000xf32, #tpu.memory_space<hbm>>
    %dma_wait3A_281 = tpu.memref_slice %arg2[%add3A_253] : memref<8000000xf32, #tpu.memory_space<hbm>> -> memref<10000xf32, #tpu.memory_space<hbm>>
    tpu.wait_dma2 semaphore(%arg22 : memref<!tpu.dma_semaphore, #tpu.memory_space<semaphore_mem>>) src(%dma_wait3A_281 : memref<10000xf32, #tpu.memory_space<hbm>>) dst(%arg12 : memref<10000xf32, #tpu.memory_space<vmem>>)
    %dma_wait3A_282 = tpu.memref_slice %arg3[%add3A_253] : memref<8000000xf32, #tpu.memory_space<hbm>> -> memref<10000xf32, #tpu.memory_space<hbm>>
    %dma_wait3A_283 = tpu.memref_slice %arg3[%add3A_253] : memref<8000000xf32, #tpu.memory_space<hbm>> -> memref<10000xf32, #tpu.memory_space<hbm>>
    tpu.wait_dma2 semaphore(%arg22 : memref<!tpu.dma_semaphore, #tpu.memory_space<semaphore_mem>>) src(%dma_wait3A_283 : memref<10000xf32, #tpu.memory_space<hbm>>) dst(%arg13 : memref<10000xf32, #tpu.memory_space<vmem>>)
    %dma_wait3A_284 = tpu.memref_slice %arg4[%add3A_253] : memref<8000000xf32, #tpu.memory_space<hbm>> -> memref<10000xf32, #tpu.memory_space<hbm>>
    %dma_wait3A_285 = tpu.memref_slice %arg4[%add3A_253] : memref<8000000xf32, #tpu.memory_space<hbm>> -> memref<10000xf32, #tpu.memory_space<hbm>>
    tpu.wait_dma2 semaphore(%arg22 : memref<!tpu.dma_semaphore, #tpu.memory_space<semaphore_mem>>) src(%dma_wait3A_285 : memref<10000xf32, #tpu.memory_space<hbm>>) dst(%arg14 : memref<10000xf32, #tpu.memory_space<vmem>>)
    %parallel_loop3A_286 = arith.constant 0 : i32
    %parallel_loop3A_287 = arith.constant 625 : i32
    %parallel_loop3A_288 = arith.constant 1 : i32
    scf.for %parallel_loop3A_641 = %parallel_loop3A_286 to %parallel_loop3A_287 step %parallel_loop3A_288  : i32 {
      %parallel_loop3A_642 = arith.constant 16 : i32
      %parallel_loop3A_643 = arith.muli %parallel_loop3A_641, %parallel_loop3A_642 : i32
      %parallel_loop3A_644 = arith.index_cast %parallel_loop3A_643 : i32 to index
      %parallel_loop3A_645 = tpu.vector_load %arg12[%parallel_loop3A_644] {strides = array<i32>} : memref<10000xf32, #tpu.memory_space<vmem>>, vector<16xf32>,
      %parallel_loop3A_646 = arith.constant 16 : i32
      %parallel_loop3A_647 = arith.muli %parallel_loop3A_641, %parallel_loop3A_646 : i32
      %parallel_loop3A_648 = arith.index_cast %parallel_loop3A_647 : i32 to index
      %parallel_loop3A_649 = tpu.vector_load %arg13[%parallel_loop3A_648] {strides = array<i32>} : memref<10000xf32, #tpu.memory_space<vmem>>, vector<16xf32>,
      %parallel_loop3A_650 = arith.constant 16 : i32
      %parallel_loop3A_651 = arith.muli %parallel_loop3A_641, %parallel_loop3A_650 : i32
      %parallel_loop3A_652 = arith.index_cast %parallel_loop3A_651 : i32 to index
      %parallel_loop3A_653 = tpu.vector_load %arg14[%parallel_loop3A_652] {strides = array<i32>} : memref<10000xf32, #tpu.memory_space<vmem>>, vector<16xf32>,
      %parallel_loop3A_654 = tpu.bitcast %parallel_loop3A_645 : vector<16xf32> -> vector<16xi32>
      %parallel_loop3A_655 = arith.constant 31 : i32
      %parallel_loop3A_656 = vector.broadcast %parallel_loop3A_655 : i32 to vector<16xi32>
      %parallel_loop3A_657 = arith.shrsi %parallel_loop3A_654, %parallel_loop3A_656 : vector<16xi32>
      %parallel_loop3A_658 = arith.constant -2147483648 : i32
      %parallel_loop3A_659 = vector.broadcast %parallel_loop3A_658 : i32 to vector<16xi32>
      %parallel_loop3A_660 = arith.ori %parallel_loop3A_657, %parallel_loop3A_659 : vector<16xi32>
      %parallel_loop3A_661 = arith.xori %parallel_loop3A_654, %parallel_loop3A_660 : vector<16xi32>
      %parallel_loop3A_662 = arith.constant 18 : i32
      %parallel_loop3A_663 = vector.broadcast %parallel_loop3A_662 : i32 to vector<16xi32>
      %parallel_loop3A_664 = arith.shrui %parallel_loop3A_661, %parallel_loop3A_663 : vector<16xi32>
      %parallel_loop3A_665 = arith.fptosi %parallel_loop3A_649 : vector<16xf32> to vector<16xi32>
      %parallel_loop3A_666 = arith.constant 14 : i32
      %parallel_loop3A_667 = vector.broadcast %parallel_loop3A_666 : i32 to vector<16xi32>
      %parallel_loop3A_668 = arith.shli %parallel_loop3A_665, %parallel_loop3A_667 : vector<16xi32>
      %parallel_loop3A_669 = arith.addi %parallel_loop3A_664, %parallel_loop3A_668 : vector<16xi32>
      tpu.vector_store_idx %arg8[%parallel_loop3A_669], %parallel_loop3A_653 {add = true} : memref<32768xf32, #tpu.memory_space<vmem>>[vector<16xi32>], vector<16xf32>,
    } {sc.loop_unroll_factor = 4 : i64, sc.parallel_access}
    %mul3A_289 = arith.constant 1000000 : i32
    %mul3A_290 = arith.muli %add3A_19, %mul3A_289 : i32
    %add3A_291 = arith.addi %mul3A_290, %mul3A_39 : i32
    %add3A_292 = arith.constant 130000 : i32
    %add3A_293 = arith.addi %add3A_291, %add3A_292 : i32
    %dma_start3A_294 = tpu.memref_slice %arg2[%add3A_293] : memref<8000000xf32, #tpu.memory_space<hbm>> -> memref<10000xf32, #tpu.memory_space<hbm>>
    %dma_start3A_295 = tpu.memref_slice %arg2[%add3A_293] : memref<8000000xf32, #tpu.memory_space<hbm>> -> memref<10000xf32, #tpu.memory_space<hbm>>
    tpu.enqueue_dma source(%dma_start3A_295 : memref<10000xf32, #tpu.memory_space<hbm>>) target(%arg12 : memref<10000xf32, #tpu.memory_space<vmem>>) target_semaphore(%arg22 : memref<!tpu.dma_semaphore, #tpu.memory_space<semaphore_mem>>)
    %dma_start3A_296 = tpu.memref_slice %arg3[%add3A_293] : memref<8000000xf32, #tpu.memory_space<hbm>> -> memref<10000xf32, #tpu.memory_space<hbm>>
    %dma_start3A_297 = tpu.memref_slice %arg3[%add3A_293] : memref<8000000xf32, #tpu.memory_space<hbm>> -> memref<10000xf32, #tpu.memory_space<hbm>>
    tpu.enqueue_dma source(%dma_start3A_297 : memref<10000xf32, #tpu.memory_space<hbm>>) target(%arg13 : memref<10000xf32, #tpu.memory_space<vmem>>) target_semaphore(%arg22 : memref<!tpu.dma_semaphore, #tpu.memory_space<semaphore_mem>>)
    %dma_start3A_298 = tpu.memref_slice %arg4[%add3A_293] : memref<8000000xf32, #tpu.memory_space<hbm>> -> memref<10000xf32, #tpu.memory_space<hbm>>
    %dma_start3A_299 = tpu.memref_slice %arg4[%add3A_293] : memref<8000000xf32, #tpu.memory_space<hbm>> -> memref<10000xf32, #tpu.memory_space<hbm>>
    tpu.enqueue_dma source(%dma_start3A_299 : memref<10000xf32, #tpu.memory_space<hbm>>) target(%arg14 : memref<10000xf32, #tpu.memory_space<vmem>>) target_semaphore(%arg22 : memref<!tpu.dma_semaphore, #tpu.memory_space<semaphore_mem>>)
    %dma_wait3A_300 = tpu.memref_slice %arg2[%add3A_273] : memref<8000000xf32, #tpu.memory_space<hbm>> -> memref<10000xf32, #tpu.memory_space<hbm>>
    %dma_wait3A_301 = tpu.memref_slice %arg2[%add3A_273] : memref<8000000xf32, #tpu.memory_space<hbm>> -> memref<10000xf32, #tpu.memory_space<hbm>>
    tpu.wait_dma2 semaphore(%arg21 : memref<!tpu.dma_semaphore, #tpu.memory_space<semaphore_mem>>) src(%dma_wait3A_301 : memref<10000xf32, #tpu.memory_space<hbm>>) dst(%arg9 : memref<10000xf32, #tpu.memory_space<vmem>>)
    %dma_wait3A_302 = tpu.memref_slice %arg3[%add3A_273] : memref<8000000xf32, #tpu.memory_space<hbm>> -> memref<10000xf32, #tpu.memory_space<hbm>>
    %dma_wait3A_303 = tpu.memref_slice %arg3[%add3A_273] : memref<8000000xf32, #tpu.memory_space<hbm>> -> memref<10000xf32, #tpu.memory_space<hbm>>
    tpu.wait_dma2 semaphore(%arg21 : memref<!tpu.dma_semaphore, #tpu.memory_space<semaphore_mem>>) src(%dma_wait3A_303 : memref<10000xf32, #tpu.memory_space<hbm>>) dst(%arg10 : memref<10000xf32, #tpu.memory_space<vmem>>)
    %dma_wait3A_304 = tpu.memref_slice %arg4[%add3A_273] : memref<8000000xf32, #tpu.memory_space<hbm>> -> memref<10000xf32, #tpu.memory_space<hbm>>
    %dma_wait3A_305 = tpu.memref_slice %arg4[%add3A_273] : memref<8000000xf32, #tpu.memory_space<hbm>> -> memref<10000xf32, #tpu.memory_space<hbm>>
    tpu.wait_dma2 semaphore(%arg21 : memref<!tpu.dma_semaphore, #tpu.memory_space<semaphore_mem>>) src(%dma_wait3A_305 : memref<10000xf32, #tpu.memory_space<hbm>>) dst(%arg11 : memref<10000xf32, #tpu.memory_space<vmem>>)
    %parallel_loop3A_306 = arith.constant 0 : i32
    %parallel_loop3A_307 = arith.constant 625 : i32
    %parallel_loop3A_308 = arith.constant 1 : i32
    scf.for %parallel_loop3A_641 = %parallel_loop3A_306 to %parallel_loop3A_307 step %parallel_loop3A_308  : i32 {
      %parallel_loop3A_642 = arith.constant 16 : i32
      %parallel_loop3A_643 = arith.muli %parallel_loop3A_641, %parallel_loop3A_642 : i32
      %parallel_loop3A_644 = arith.index_cast %parallel_loop3A_643 : i32 to index
      %parallel_loop3A_645 = tpu.vector_load %arg9[%parallel_loop3A_644] {strides = array<i32>} : memref<10000xf32, #tpu.memory_space<vmem>>, vector<16xf32>,
      %parallel_loop3A_646 = arith.constant 16 : i32
      %parallel_loop3A_647 = arith.muli %parallel_loop3A_641, %parallel_loop3A_646 : i32
      %parallel_loop3A_648 = arith.index_cast %parallel_loop3A_647 : i32 to index
      %parallel_loop3A_649 = tpu.vector_load %arg10[%parallel_loop3A_648] {strides = array<i32>} : memref<10000xf32, #tpu.memory_space<vmem>>, vector<16xf32>,
      %parallel_loop3A_650 = arith.constant 16 : i32
      %parallel_loop3A_651 = arith.muli %parallel_loop3A_641, %parallel_loop3A_650 : i32
      %parallel_loop3A_652 = arith.index_cast %parallel_loop3A_651 : i32 to index
      %parallel_loop3A_653 = tpu.vector_load %arg11[%parallel_loop3A_652] {strides = array<i32>} : memref<10000xf32, #tpu.memory_space<vmem>>, vector<16xf32>,
      %parallel_loop3A_654 = tpu.bitcast %parallel_loop3A_645 : vector<16xf32> -> vector<16xi32>
      %parallel_loop3A_655 = arith.constant 31 : i32
      %parallel_loop3A_656 = vector.broadcast %parallel_loop3A_655 : i32 to vector<16xi32>
      %parallel_loop3A_657 = arith.shrsi %parallel_loop3A_654, %parallel_loop3A_656 : vector<16xi32>
      %parallel_loop3A_658 = arith.constant -2147483648 : i32
      %parallel_loop3A_659 = vector.broadcast %parallel_loop3A_658 : i32 to vector<16xi32>
      %parallel_loop3A_660 = arith.ori %parallel_loop3A_657, %parallel_loop3A_659 : vector<16xi32>
      %parallel_loop3A_661 = arith.xori %parallel_loop3A_654, %parallel_loop3A_660 : vector<16xi32>
      %parallel_loop3A_662 = arith.constant 18 : i32
      %parallel_loop3A_663 = vector.broadcast %parallel_loop3A_662 : i32 to vector<16xi32>
      %parallel_loop3A_664 = arith.shrui %parallel_loop3A_661, %parallel_loop3A_663 : vector<16xi32>
      %parallel_loop3A_665 = arith.fptosi %parallel_loop3A_649 : vector<16xf32> to vector<16xi32>
      %parallel_loop3A_666 = arith.constant 14 : i32
      %parallel_loop3A_667 = vector.broadcast %parallel_loop3A_666 : i32 to vector<16xi32>
      %parallel_loop3A_668 = arith.shli %parallel_loop3A_665, %parallel_loop3A_667 : vector<16xi32>
      %parallel_loop3A_669 = arith.addi %parallel_loop3A_664, %parallel_loop3A_668 : vector<16xi32>
      tpu.vector_store_idx %arg8[%parallel_loop3A_669], %parallel_loop3A_653 {add = true} : memref<32768xf32, #tpu.memory_space<vmem>>[vector<16xi32>], vector<16xf32>,
    } {sc.loop_unroll_factor = 4 : i64, sc.parallel_access}
    %mul3A_309 = arith.constant 1000000 : i32
    %mul3A_310 = arith.muli %add3A_19, %mul3A_309 : i32
    %add3A_311 = arith.addi %mul3A_310, %mul3A_39 : i32
    %add3A_312 = arith.constant 140000 : i32
    %add3A_313 = arith.addi %add3A_311, %add3A_312 : i32
    %dma_start3A_314 = tpu.memref_slice %arg2[%add3A_313] : memref<8000000xf32, #tpu.memory_space<hbm>> -> memref<10000xf32, #tpu.memory_space<hbm>>
    %dma_start3A_315 = tpu.memref_slice %arg2[%add3A_313] : memref<8000000xf32, #tpu.memory_space<hbm>> -> memref<10000xf32, #tpu.memory_space<hbm>>
    tpu.enqueue_dma source(%dma_start3A_315 : memref<10000xf32, #tpu.memory_space<hbm>>) target(%arg9 : memref<10000xf32, #tpu.memory_space<vmem>>) target_semaphore(%arg21 : memref<!tpu.dma_semaphore, #tpu.memory_space<semaphore_mem>>)
    %dma_start3A_316 = tpu.memref_slice %arg3[%add3A_313] : memref<8000000xf32, #tpu.memory_space<hbm>> -> memref<10000xf32, #tpu.memory_space<hbm>>
    %dma_start3A_317 = tpu.memref_slice %arg3[%add3A_313] : memref<8000000xf32, #tpu.memory_space<hbm>> -> memref<10000xf32, #tpu.memory_space<hbm>>
    tpu.enqueue_dma source(%dma_start3A_317 : memref<10000xf32, #tpu.memory_space<hbm>>) target(%arg10 : memref<10000xf32, #tpu.memory_space<vmem>>) target_semaphore(%arg21 : memref<!tpu.dma_semaphore, #tpu.memory_space<semaphore_mem>>)
    %dma_start3A_318 = tpu.memref_slice %arg4[%add3A_313] : memref<8000000xf32, #tpu.memory_space<hbm>> -> memref<10000xf32, #tpu.memory_space<hbm>>
    %dma_start3A_319 = tpu.memref_slice %arg4[%add3A_313] : memref<8000000xf32, #tpu.memory_space<hbm>> -> memref<10000xf32, #tpu.memory_space<hbm>>
    tpu.enqueue_dma source(%dma_start3A_319 : memref<10000xf32, #tpu.memory_space<hbm>>) target(%arg11 : memref<10000xf32, #tpu.memory_space<vmem>>) target_semaphore(%arg21 : memref<!tpu.dma_semaphore, #tpu.memory_space<semaphore_mem>>)
    %dma_wait3A_320 = tpu.memref_slice %arg2[%add3A_293] : memref<8000000xf32, #tpu.memory_space<hbm>> -> memref<10000xf32, #tpu.memory_space<hbm>>
    %dma_wait3A_321 = tpu.memref_slice %arg2[%add3A_293] : memref<8000000xf32, #tpu.memory_space<hbm>> -> memref<10000xf32, #tpu.memory_space<hbm>>
    tpu.wait_dma2 semaphore(%arg22 : memref<!tpu.dma_semaphore, #tpu.memory_space<semaphore_mem>>) src(%dma_wait3A_321 : memref<10000xf32, #tpu.memory_space<hbm>>) dst(%arg12 : memref<10000xf32, #tpu.memory_space<vmem>>)
    %dma_wait3A_322 = tpu.memref_slice %arg3[%add3A_293] : memref<8000000xf32, #tpu.memory_space<hbm>> -> memref<10000xf32, #tpu.memory_space<hbm>>
    %dma_wait3A_323 = tpu.memref_slice %arg3[%add3A_293] : memref<8000000xf32, #tpu.memory_space<hbm>> -> memref<10000xf32, #tpu.memory_space<hbm>>
    tpu.wait_dma2 semaphore(%arg22 : memref<!tpu.dma_semaphore, #tpu.memory_space<semaphore_mem>>) src(%dma_wait3A_323 : memref<10000xf32, #tpu.memory_space<hbm>>) dst(%arg13 : memref<10000xf32, #tpu.memory_space<vmem>>)
    %dma_wait3A_324 = tpu.memref_slice %arg4[%add3A_293] : memref<8000000xf32, #tpu.memory_space<hbm>> -> memref<10000xf32, #tpu.memory_space<hbm>>
    %dma_wait3A_325 = tpu.memref_slice %arg4[%add3A_293] : memref<8000000xf32, #tpu.memory_space<hbm>> -> memref<10000xf32, #tpu.memory_space<hbm>>
    tpu.wait_dma2 semaphore(%arg22 : memref<!tpu.dma_semaphore, #tpu.memory_space<semaphore_mem>>) src(%dma_wait3A_325 : memref<10000xf32, #tpu.memory_space<hbm>>) dst(%arg14 : memref<10000xf32, #tpu.memory_space<vmem>>)
    %parallel_loop3A_326 = arith.constant 0 : i32
    %parallel_loop3A_327 = arith.constant 625 : i32
    %parallel_loop3A_328 = arith.constant 1 : i32
    scf.for %parallel_loop3A_641 = %parallel_loop3A_326 to %parallel_loop3A_327 step %parallel_loop3A_328  : i32 {
      %parallel_loop3A_642 = arith.constant 16 : i32
      %parallel_loop3A_643 = arith.muli %parallel_loop3A_641, %parallel_loop3A_642 : i32
      %parallel_loop3A_644 = arith.index_cast %parallel_loop3A_643 : i32 to index
      %parallel_loop3A_645 = tpu.vector_load %arg12[%parallel_loop3A_644] {strides = array<i32>} : memref<10000xf32, #tpu.memory_space<vmem>>, vector<16xf32>,
      %parallel_loop3A_646 = arith.constant 16 : i32
      %parallel_loop3A_647 = arith.muli %parallel_loop3A_641, %parallel_loop3A_646 : i32
      %parallel_loop3A_648 = arith.index_cast %parallel_loop3A_647 : i32 to index
      %parallel_loop3A_649 = tpu.vector_load %arg13[%parallel_loop3A_648] {strides = array<i32>} : memref<10000xf32, #tpu.memory_space<vmem>>, vector<16xf32>,
      %parallel_loop3A_650 = arith.constant 16 : i32
      %parallel_loop3A_651 = arith.muli %parallel_loop3A_641, %parallel_loop3A_650 : i32
      %parallel_loop3A_652 = arith.index_cast %parallel_loop3A_651 : i32 to index
      %parallel_loop3A_653 = tpu.vector_load %arg14[%parallel_loop3A_652] {strides = array<i32>} : memref<10000xf32, #tpu.memory_space<vmem>>, vector<16xf32>,
      %parallel_loop3A_654 = tpu.bitcast %parallel_loop3A_645 : vector<16xf32> -> vector<16xi32>
      %parallel_loop3A_655 = arith.constant 31 : i32
      %parallel_loop3A_656 = vector.broadcast %parallel_loop3A_655 : i32 to vector<16xi32>
      %parallel_loop3A_657 = arith.shrsi %parallel_loop3A_654, %parallel_loop3A_656 : vector<16xi32>
      %parallel_loop3A_658 = arith.constant -2147483648 : i32
      %parallel_loop3A_659 = vector.broadcast %parallel_loop3A_658 : i32 to vector<16xi32>
      %parallel_loop3A_660 = arith.ori %parallel_loop3A_657, %parallel_loop3A_659 : vector<16xi32>
      %parallel_loop3A_661 = arith.xori %parallel_loop3A_654, %parallel_loop3A_660 : vector<16xi32>
      %parallel_loop3A_662 = arith.constant 18 : i32
      %parallel_loop3A_663 = vector.broadcast %parallel_loop3A_662 : i32 to vector<16xi32>
      %parallel_loop3A_664 = arith.shrui %parallel_loop3A_661, %parallel_loop3A_663 : vector<16xi32>
      %parallel_loop3A_665 = arith.fptosi %parallel_loop3A_649 : vector<16xf32> to vector<16xi32>
      %parallel_loop3A_666 = arith.constant 14 : i32
      %parallel_loop3A_667 = vector.broadcast %parallel_loop3A_666 : i32 to vector<16xi32>
      %parallel_loop3A_668 = arith.shli %parallel_loop3A_665, %parallel_loop3A_667 : vector<16xi32>
      %parallel_loop3A_669 = arith.addi %parallel_loop3A_664, %parallel_loop3A_668 : vector<16xi32>
      tpu.vector_store_idx %arg8[%parallel_loop3A_669], %parallel_loop3A_653 {add = true} : memref<32768xf32, #tpu.memory_space<vmem>>[vector<16xi32>], vector<16xf32>,
    } {sc.loop_unroll_factor = 4 : i64, sc.parallel_access}
    %mul3A_329 = arith.constant 1000000 : i32
    %mul3A_330 = arith.muli %add3A_19, %mul3A_329 : i32
    %add3A_331 = arith.addi %mul3A_330, %mul3A_39 : i32
    %add3A_332 = arith.constant 150000 : i32
    %add3A_333 = arith.addi %add3A_331, %add3A_332 : i32
    %dma_start3A_334 = tpu.memref_slice %arg2[%add3A_333] : memref<8000000xf32, #tpu.memory_space<hbm>> -> memref<10000xf32, #tpu.memory_space<hbm>>
    %dma_start3A_335 = tpu.memref_slice %arg2[%add3A_333] : memref<8000000xf32, #tpu.memory_space<hbm>> -> memref<10000xf32, #tpu.memory_space<hbm>>
    tpu.enqueue_dma source(%dma_start3A_335 : memref<10000xf32, #tpu.memory_space<hbm>>) target(%arg12 : memref<10000xf32, #tpu.memory_space<vmem>>) target_semaphore(%arg22 : memref<!tpu.dma_semaphore, #tpu.memory_space<semaphore_mem>>)
    %dma_start3A_336 = tpu.memref_slice %arg3[%add3A_333] : memref<8000000xf32, #tpu.memory_space<hbm>> -> memref<10000xf32, #tpu.memory_space<hbm>>
    %dma_start3A_337 = tpu.memref_slice %arg3[%add3A_333] : memref<8000000xf32, #tpu.memory_space<hbm>> -> memref<10000xf32, #tpu.memory_space<hbm>>
    tpu.enqueue_dma source(%dma_start3A_337 : memref<10000xf32, #tpu.memory_space<hbm>>) target(%arg13 : memref<10000xf32, #tpu.memory_space<vmem>>) target_semaphore(%arg22 : memref<!tpu.dma_semaphore, #tpu.memory_space<semaphore_mem>>)
    %dma_start3A_338 = tpu.memref_slice %arg4[%add3A_333] : memref<8000000xf32, #tpu.memory_space<hbm>> -> memref<10000xf32, #tpu.memory_space<hbm>>
    %dma_start3A_339 = tpu.memref_slice %arg4[%add3A_333] : memref<8000000xf32, #tpu.memory_space<hbm>> -> memref<10000xf32, #tpu.memory_space<hbm>>
    tpu.enqueue_dma source(%dma_start3A_339 : memref<10000xf32, #tpu.memory_space<hbm>>) target(%arg14 : memref<10000xf32, #tpu.memory_space<vmem>>) target_semaphore(%arg22 : memref<!tpu.dma_semaphore, #tpu.memory_space<semaphore_mem>>)
    %dma_wait3A_340 = tpu.memref_slice %arg2[%add3A_313] : memref<8000000xf32, #tpu.memory_space<hbm>> -> memref<10000xf32, #tpu.memory_space<hbm>>
    %dma_wait3A_341 = tpu.memref_slice %arg2[%add3A_313] : memref<8000000xf32, #tpu.memory_space<hbm>> -> memref<10000xf32, #tpu.memory_space<hbm>>
    tpu.wait_dma2 semaphore(%arg21 : memref<!tpu.dma_semaphore, #tpu.memory_space<semaphore_mem>>) src(%dma_wait3A_341 : memref<10000xf32, #tpu.memory_space<hbm>>) dst(%arg9 : memref<10000xf32, #tpu.memory_space<vmem>>)
    %dma_wait3A_342 = tpu.memref_slice %arg3[%add3A_313] : memref<8000000xf32, #tpu.memory_space<hbm>> -> memref<10000xf32, #tpu.memory_space<hbm>>
    %dma_wait3A_343 = tpu.memref_slice %arg3[%add3A_313] : memref<8000000xf32, #tpu.memory_space<hbm>> -> memref<10000xf32, #tpu.memory_space<hbm>>
    tpu.wait_dma2 semaphore(%arg21 : memref<!tpu.dma_semaphore, #tpu.memory_space<semaphore_mem>>) src(%dma_wait3A_343 : memref<10000xf32, #tpu.memory_space<hbm>>) dst(%arg10 : memref<10000xf32, #tpu.memory_space<vmem>>)
    %dma_wait3A_344 = tpu.memref_slice %arg4[%add3A_313] : memref<8000000xf32, #tpu.memory_space<hbm>> -> memref<10000xf32, #tpu.memory_space<hbm>>
    %dma_wait3A_345 = tpu.memref_slice %arg4[%add3A_313] : memref<8000000xf32, #tpu.memory_space<hbm>> -> memref<10000xf32, #tpu.memory_space<hbm>>
    tpu.wait_dma2 semaphore(%arg21 : memref<!tpu.dma_semaphore, #tpu.memory_space<semaphore_mem>>) src(%dma_wait3A_345 : memref<10000xf32, #tpu.memory_space<hbm>>) dst(%arg11 : memref<10000xf32, #tpu.memory_space<vmem>>)
    %parallel_loop3A_346 = arith.constant 0 : i32
    %parallel_loop3A_347 = arith.constant 625 : i32
    %parallel_loop3A_348 = arith.constant 1 : i32
    scf.for %parallel_loop3A_641 = %parallel_loop3A_346 to %parallel_loop3A_347 step %parallel_loop3A_348  : i32 {
      %parallel_loop3A_642 = arith.constant 16 : i32
      %parallel_loop3A_643 = arith.muli %parallel_loop3A_641, %parallel_loop3A_642 : i32
      %parallel_loop3A_644 = arith.index_cast %parallel_loop3A_643 : i32 to index
      %parallel_loop3A_645 = tpu.vector_load %arg9[%parallel_loop3A_644] {strides = array<i32>} : memref<10000xf32, #tpu.memory_space<vmem>>, vector<16xf32>,
      %parallel_loop3A_646 = arith.constant 16 : i32
      %parallel_loop3A_647 = arith.muli %parallel_loop3A_641, %parallel_loop3A_646 : i32
      %parallel_loop3A_648 = arith.index_cast %parallel_loop3A_647 : i32 to index
      %parallel_loop3A_649 = tpu.vector_load %arg10[%parallel_loop3A_648] {strides = array<i32>} : memref<10000xf32, #tpu.memory_space<vmem>>, vector<16xf32>,
      %parallel_loop3A_650 = arith.constant 16 : i32
      %parallel_loop3A_651 = arith.muli %parallel_loop3A_641, %parallel_loop3A_650 : i32
      %parallel_loop3A_652 = arith.index_cast %parallel_loop3A_651 : i32 to index
      %parallel_loop3A_653 = tpu.vector_load %arg11[%parallel_loop3A_652] {strides = array<i32>} : memref<10000xf32, #tpu.memory_space<vmem>>, vector<16xf32>,
      %parallel_loop3A_654 = tpu.bitcast %parallel_loop3A_645 : vector<16xf32> -> vector<16xi32>
      %parallel_loop3A_655 = arith.constant 31 : i32
      %parallel_loop3A_656 = vector.broadcast %parallel_loop3A_655 : i32 to vector<16xi32>
      %parallel_loop3A_657 = arith.shrsi %parallel_loop3A_654, %parallel_loop3A_656 : vector<16xi32>
      %parallel_loop3A_658 = arith.constant -2147483648 : i32
      %parallel_loop3A_659 = vector.broadcast %parallel_loop3A_658 : i32 to vector<16xi32>
      %parallel_loop3A_660 = arith.ori %parallel_loop3A_657, %parallel_loop3A_659 : vector<16xi32>
      %parallel_loop3A_661 = arith.xori %parallel_loop3A_654, %parallel_loop3A_660 : vector<16xi32>
      %parallel_loop3A_662 = arith.constant 18 : i32
      %parallel_loop3A_663 = vector.broadcast %parallel_loop3A_662 : i32 to vector<16xi32>
      %parallel_loop3A_664 = arith.shrui %parallel_loop3A_661, %parallel_loop3A_663 : vector<16xi32>
      %parallel_loop3A_665 = arith.fptosi %parallel_loop3A_649 : vector<16xf32> to vector<16xi32>
      %parallel_loop3A_666 = arith.constant 14 : i32
      %parallel_loop3A_667 = vector.broadcast %parallel_loop3A_666 : i32 to vector<16xi32>
      %parallel_loop3A_668 = arith.shli %parallel_loop3A_665, %parallel_loop3A_667 : vector<16xi32>
      %parallel_loop3A_669 = arith.addi %parallel_loop3A_664, %parallel_loop3A_668 : vector<16xi32>
      tpu.vector_store_idx %arg8[%parallel_loop3A_669], %parallel_loop3A_653 {add = true} : memref<32768xf32, #tpu.memory_space<vmem>>[vector<16xi32>], vector<16xf32>,
    } {sc.loop_unroll_factor = 4 : i64, sc.parallel_access}
    %mul3A_349 = arith.constant 1000000 : i32
    %mul3A_350 = arith.muli %add3A_19, %mul3A_349 : i32
    %add3A_351 = arith.addi %mul3A_350, %mul3A_39 : i32
    %add3A_352 = arith.constant 160000 : i32
    %add3A_353 = arith.addi %add3A_351, %add3A_352 : i32
    %dma_start3A_354 = tpu.memref_slice %arg2[%add3A_353] : memref<8000000xf32, #tpu.memory_space<hbm>> -> memref<10000xf32, #tpu.memory_space<hbm>>
    %dma_start3A_355 = tpu.memref_slice %arg2[%add3A_353] : memref<8000000xf32, #tpu.memory_space<hbm>> -> memref<10000xf32, #tpu.memory_space<hbm>>
    tpu.enqueue_dma source(%dma_start3A_355 : memref<10000xf32, #tpu.memory_space<hbm>>) target(%arg9 : memref<10000xf32, #tpu.memory_space<vmem>>) target_semaphore(%arg21 : memref<!tpu.dma_semaphore, #tpu.memory_space<semaphore_mem>>)
    %dma_start3A_356 = tpu.memref_slice %arg3[%add3A_353] : memref<8000000xf32, #tpu.memory_space<hbm>> -> memref<10000xf32, #tpu.memory_space<hbm>>
    %dma_start3A_357 = tpu.memref_slice %arg3[%add3A_353] : memref<8000000xf32, #tpu.memory_space<hbm>> -> memref<10000xf32, #tpu.memory_space<hbm>>
    tpu.enqueue_dma source(%dma_start3A_357 : memref<10000xf32, #tpu.memory_space<hbm>>) target(%arg10 : memref<10000xf32, #tpu.memory_space<vmem>>) target_semaphore(%arg21 : memref<!tpu.dma_semaphore, #tpu.memory_space<semaphore_mem>>)
    %dma_start3A_358 = tpu.memref_slice %arg4[%add3A_353] : memref<8000000xf32, #tpu.memory_space<hbm>> -> memref<10000xf32, #tpu.memory_space<hbm>>
    %dma_start3A_359 = tpu.memref_slice %arg4[%add3A_353] : memref<8000000xf32, #tpu.memory_space<hbm>> -> memref<10000xf32, #tpu.memory_space<hbm>>
    tpu.enqueue_dma source(%dma_start3A_359 : memref<10000xf32, #tpu.memory_space<hbm>>) target(%arg11 : memref<10000xf32, #tpu.memory_space<vmem>>) target_semaphore(%arg21 : memref<!tpu.dma_semaphore, #tpu.memory_space<semaphore_mem>>)
    %dma_wait3A_360 = tpu.memref_slice %arg2[%add3A_333] : memref<8000000xf32, #tpu.memory_space<hbm>> -> memref<10000xf32, #tpu.memory_space<hbm>>
    %dma_wait3A_361 = tpu.memref_slice %arg2[%add3A_333] : memref<8000000xf32, #tpu.memory_space<hbm>> -> memref<10000xf32, #tpu.memory_space<hbm>>
    tpu.wait_dma2 semaphore(%arg22 : memref<!tpu.dma_semaphore, #tpu.memory_space<semaphore_mem>>) src(%dma_wait3A_361 : memref<10000xf32, #tpu.memory_space<hbm>>) dst(%arg12 : memref<10000xf32, #tpu.memory_space<vmem>>)
    %dma_wait3A_362 = tpu.memref_slice %arg3[%add3A_333] : memref<8000000xf32, #tpu.memory_space<hbm>> -> memref<10000xf32, #tpu.memory_space<hbm>>
    %dma_wait3A_363 = tpu.memref_slice %arg3[%add3A_333] : memref<8000000xf32, #tpu.memory_space<hbm>> -> memref<10000xf32, #tpu.memory_space<hbm>>
    tpu.wait_dma2 semaphore(%arg22 : memref<!tpu.dma_semaphore, #tpu.memory_space<semaphore_mem>>) src(%dma_wait3A_363 : memref<10000xf32, #tpu.memory_space<hbm>>) dst(%arg13 : memref<10000xf32, #tpu.memory_space<vmem>>)
    %dma_wait3A_364 = tpu.memref_slice %arg4[%add3A_333] : memref<8000000xf32, #tpu.memory_space<hbm>> -> memref<10000xf32, #tpu.memory_space<hbm>>
    %dma_wait3A_365 = tpu.memref_slice %arg4[%add3A_333] : memref<8000000xf32, #tpu.memory_space<hbm>> -> memref<10000xf32, #tpu.memory_space<hbm>>
    tpu.wait_dma2 semaphore(%arg22 : memref<!tpu.dma_semaphore, #tpu.memory_space<semaphore_mem>>) src(%dma_wait3A_365 : memref<10000xf32, #tpu.memory_space<hbm>>) dst(%arg14 : memref<10000xf32, #tpu.memory_space<vmem>>)
    %parallel_loop3A_366 = arith.constant 0 : i32
    %parallel_loop3A_367 = arith.constant 625 : i32
    %parallel_loop3A_368 = arith.constant 1 : i32
    scf.for %parallel_loop3A_641 = %parallel_loop3A_366 to %parallel_loop3A_367 step %parallel_loop3A_368  : i32 {
      %parallel_loop3A_642 = arith.constant 16 : i32
      %parallel_loop3A_643 = arith.muli %parallel_loop3A_641, %parallel_loop3A_642 : i32
      %parallel_loop3A_644 = arith.index_cast %parallel_loop3A_643 : i32 to index
      %parallel_loop3A_645 = tpu.vector_load %arg12[%parallel_loop3A_644] {strides = array<i32>} : memref<10000xf32, #tpu.memory_space<vmem>>, vector<16xf32>,
      %parallel_loop3A_646 = arith.constant 16 : i32
      %parallel_loop3A_647 = arith.muli %parallel_loop3A_641, %parallel_loop3A_646 : i32
      %parallel_loop3A_648 = arith.index_cast %parallel_loop3A_647 : i32 to index
      %parallel_loop3A_649 = tpu.vector_load %arg13[%parallel_loop3A_648] {strides = array<i32>} : memref<10000xf32, #tpu.memory_space<vmem>>, vector<16xf32>,
      %parallel_loop3A_650 = arith.constant 16 : i32
      %parallel_loop3A_651 = arith.muli %parallel_loop3A_641, %parallel_loop3A_650 : i32
      %parallel_loop3A_652 = arith.index_cast %parallel_loop3A_651 : i32 to index
      %parallel_loop3A_653 = tpu.vector_load %arg14[%parallel_loop3A_652] {strides = array<i32>} : memref<10000xf32, #tpu.memory_space<vmem>>, vector<16xf32>,
      %parallel_loop3A_654 = tpu.bitcast %parallel_loop3A_645 : vector<16xf32> -> vector<16xi32>
      %parallel_loop3A_655 = arith.constant 31 : i32
      %parallel_loop3A_656 = vector.broadcast %parallel_loop3A_655 : i32 to vector<16xi32>
      %parallel_loop3A_657 = arith.shrsi %parallel_loop3A_654, %parallel_loop3A_656 : vector<16xi32>
      %parallel_loop3A_658 = arith.constant -2147483648 : i32
      %parallel_loop3A_659 = vector.broadcast %parallel_loop3A_658 : i32 to vector<16xi32>
      %parallel_loop3A_660 = arith.ori %parallel_loop3A_657, %parallel_loop3A_659 : vector<16xi32>
      %parallel_loop3A_661 = arith.xori %parallel_loop3A_654, %parallel_loop3A_660 : vector<16xi32>
      %parallel_loop3A_662 = arith.constant 18 : i32
      %parallel_loop3A_663 = vector.broadcast %parallel_loop3A_662 : i32 to vector<16xi32>
      %parallel_loop3A_664 = arith.shrui %parallel_loop3A_661, %parallel_loop3A_663 : vector<16xi32>
      %parallel_loop3A_665 = arith.fptosi %parallel_loop3A_649 : vector<16xf32> to vector<16xi32>
      %parallel_loop3A_666 = arith.constant 14 : i32
      %parallel_loop3A_667 = vector.broadcast %parallel_loop3A_666 : i32 to vector<16xi32>
      %parallel_loop3A_668 = arith.shli %parallel_loop3A_665, %parallel_loop3A_667 : vector<16xi32>
      %parallel_loop3A_669 = arith.addi %parallel_loop3A_664, %parallel_loop3A_668 : vector<16xi32>
      tpu.vector_store_idx %arg8[%parallel_loop3A_669], %parallel_loop3A_653 {add = true} : memref<32768xf32, #tpu.memory_space<vmem>>[vector<16xi32>], vector<16xf32>,
    } {sc.loop_unroll_factor = 4 : i64, sc.parallel_access}
    %mul3A_369 = arith.constant 1000000 : i32
    %mul3A_370 = arith.muli %add3A_19, %mul3A_369 : i32
    %add3A_371 = arith.addi %mul3A_370, %mul3A_39 : i32
    %add3A_372 = arith.constant 170000 : i32
    %add3A_373 = arith.addi %add3A_371, %add3A_372 : i32
    %dma_start3A_374 = tpu.memref_slice %arg2[%add3A_373] : memref<8000000xf32, #tpu.memory_space<hbm>> -> memref<10000xf32, #tpu.memory_space<hbm>>
    %dma_start3A_375 = tpu.memref_slice %arg2[%add3A_373] : memref<8000000xf32, #tpu.memory_space<hbm>> -> memref<10000xf32, #tpu.memory_space<hbm>>
    tpu.enqueue_dma source(%dma_start3A_375 : memref<10000xf32, #tpu.memory_space<hbm>>) target(%arg12 : memref<10000xf32, #tpu.memory_space<vmem>>) target_semaphore(%arg22 : memref<!tpu.dma_semaphore, #tpu.memory_space<semaphore_mem>>)
    %dma_start3A_376 = tpu.memref_slice %arg3[%add3A_373] : memref<8000000xf32, #tpu.memory_space<hbm>> -> memref<10000xf32, #tpu.memory_space<hbm>>
    %dma_start3A_377 = tpu.memref_slice %arg3[%add3A_373] : memref<8000000xf32, #tpu.memory_space<hbm>> -> memref<10000xf32, #tpu.memory_space<hbm>>
    tpu.enqueue_dma source(%dma_start3A_377 : memref<10000xf32, #tpu.memory_space<hbm>>) target(%arg13 : memref<10000xf32, #tpu.memory_space<vmem>>) target_semaphore(%arg22 : memref<!tpu.dma_semaphore, #tpu.memory_space<semaphore_mem>>)
    %dma_start3A_378 = tpu.memref_slice %arg4[%add3A_373] : memref<8000000xf32, #tpu.memory_space<hbm>> -> memref<10000xf32, #tpu.memory_space<hbm>>
    %dma_start3A_379 = tpu.memref_slice %arg4[%add3A_373] : memref<8000000xf32, #tpu.memory_space<hbm>> -> memref<10000xf32, #tpu.memory_space<hbm>>
    tpu.enqueue_dma source(%dma_start3A_379 : memref<10000xf32, #tpu.memory_space<hbm>>) target(%arg14 : memref<10000xf32, #tpu.memory_space<vmem>>) target_semaphore(%arg22 : memref<!tpu.dma_semaphore, #tpu.memory_space<semaphore_mem>>)
    %dma_wait3A_380 = tpu.memref_slice %arg2[%add3A_353] : memref<8000000xf32, #tpu.memory_space<hbm>> -> memref<10000xf32, #tpu.memory_space<hbm>>
    %dma_wait3A_381 = tpu.memref_slice %arg2[%add3A_353] : memref<8000000xf32, #tpu.memory_space<hbm>> -> memref<10000xf32, #tpu.memory_space<hbm>>
    tpu.wait_dma2 semaphore(%arg21 : memref<!tpu.dma_semaphore, #tpu.memory_space<semaphore_mem>>) src(%dma_wait3A_381 : memref<10000xf32, #tpu.memory_space<hbm>>) dst(%arg9 : memref<10000xf32, #tpu.memory_space<vmem>>)
    %dma_wait3A_382 = tpu.memref_slice %arg3[%add3A_353] : memref<8000000xf32, #tpu.memory_space<hbm>> -> memref<10000xf32, #tpu.memory_space<hbm>>
    %dma_wait3A_383 = tpu.memref_slice %arg3[%add3A_353] : memref<8000000xf32, #tpu.memory_space<hbm>> -> memref<10000xf32, #tpu.memory_space<hbm>>
    tpu.wait_dma2 semaphore(%arg21 : memref<!tpu.dma_semaphore, #tpu.memory_space<semaphore_mem>>) src(%dma_wait3A_383 : memref<10000xf32, #tpu.memory_space<hbm>>) dst(%arg10 : memref<10000xf32, #tpu.memory_space<vmem>>)
    %dma_wait3A_384 = tpu.memref_slice %arg4[%add3A_353] : memref<8000000xf32, #tpu.memory_space<hbm>> -> memref<10000xf32, #tpu.memory_space<hbm>>
    %dma_wait3A_385 = tpu.memref_slice %arg4[%add3A_353] : memref<8000000xf32, #tpu.memory_space<hbm>> -> memref<10000xf32, #tpu.memory_space<hbm>>
    tpu.wait_dma2 semaphore(%arg21 : memref<!tpu.dma_semaphore, #tpu.memory_space<semaphore_mem>>) src(%dma_wait3A_385 : memref<10000xf32, #tpu.memory_space<hbm>>) dst(%arg11 : memref<10000xf32, #tpu.memory_space<vmem>>)
    %parallel_loop3A_386 = arith.constant 0 : i32
    %parallel_loop3A_387 = arith.constant 625 : i32
    %parallel_loop3A_388 = arith.constant 1 : i32
    scf.for %parallel_loop3A_641 = %parallel_loop3A_386 to %parallel_loop3A_387 step %parallel_loop3A_388  : i32 {
      %parallel_loop3A_642 = arith.constant 16 : i32
      %parallel_loop3A_643 = arith.muli %parallel_loop3A_641, %parallel_loop3A_642 : i32
      %parallel_loop3A_644 = arith.index_cast %parallel_loop3A_643 : i32 to index
      %parallel_loop3A_645 = tpu.vector_load %arg9[%parallel_loop3A_644] {strides = array<i32>} : memref<10000xf32, #tpu.memory_space<vmem>>, vector<16xf32>,
      %parallel_loop3A_646 = arith.constant 16 : i32
      %parallel_loop3A_647 = arith.muli %parallel_loop3A_641, %parallel_loop3A_646 : i32
      %parallel_loop3A_648 = arith.index_cast %parallel_loop3A_647 : i32 to index
      %parallel_loop3A_649 = tpu.vector_load %arg10[%parallel_loop3A_648] {strides = array<i32>} : memref<10000xf32, #tpu.memory_space<vmem>>, vector<16xf32>,
      %parallel_loop3A_650 = arith.constant 16 : i32
      %parallel_loop3A_651 = arith.muli %parallel_loop3A_641, %parallel_loop3A_650 : i32
      %parallel_loop3A_652 = arith.index_cast %parallel_loop3A_651 : i32 to index
      %parallel_loop3A_653 = tpu.vector_load %arg11[%parallel_loop3A_652] {strides = array<i32>} : memref<10000xf32, #tpu.memory_space<vmem>>, vector<16xf32>,
      %parallel_loop3A_654 = tpu.bitcast %parallel_loop3A_645 : vector<16xf32> -> vector<16xi32>
      %parallel_loop3A_655 = arith.constant 31 : i32
      %parallel_loop3A_656 = vector.broadcast %parallel_loop3A_655 : i32 to vector<16xi32>
      %parallel_loop3A_657 = arith.shrsi %parallel_loop3A_654, %parallel_loop3A_656 : vector<16xi32>
      %parallel_loop3A_658 = arith.constant -2147483648 : i32
      %parallel_loop3A_659 = vector.broadcast %parallel_loop3A_658 : i32 to vector<16xi32>
      %parallel_loop3A_660 = arith.ori %parallel_loop3A_657, %parallel_loop3A_659 : vector<16xi32>
      %parallel_loop3A_661 = arith.xori %parallel_loop3A_654, %parallel_loop3A_660 : vector<16xi32>
      %parallel_loop3A_662 = arith.constant 18 : i32
      %parallel_loop3A_663 = vector.broadcast %parallel_loop3A_662 : i32 to vector<16xi32>
      %parallel_loop3A_664 = arith.shrui %parallel_loop3A_661, %parallel_loop3A_663 : vector<16xi32>
      %parallel_loop3A_665 = arith.fptosi %parallel_loop3A_649 : vector<16xf32> to vector<16xi32>
      %parallel_loop3A_666 = arith.constant 14 : i32
      %parallel_loop3A_667 = vector.broadcast %parallel_loop3A_666 : i32 to vector<16xi32>
      %parallel_loop3A_668 = arith.shli %parallel_loop3A_665, %parallel_loop3A_667 : vector<16xi32>
      %parallel_loop3A_669 = arith.addi %parallel_loop3A_664, %parallel_loop3A_668 : vector<16xi32>
      tpu.vector_store_idx %arg8[%parallel_loop3A_669], %parallel_loop3A_653 {add = true} : memref<32768xf32, #tpu.memory_space<vmem>>[vector<16xi32>], vector<16xf32>,
    } {sc.loop_unroll_factor = 4 : i64, sc.parallel_access}
    %mul3A_389 = arith.constant 1000000 : i32
    %mul3A_390 = arith.muli %add3A_19, %mul3A_389 : i32
    %add3A_391 = arith.addi %mul3A_390, %mul3A_39 : i32
    %add3A_392 = arith.constant 180000 : i32
    %add3A_393 = arith.addi %add3A_391, %add3A_392 : i32
    %dma_start3A_394 = tpu.memref_slice %arg2[%add3A_393] : memref<8000000xf32, #tpu.memory_space<hbm>> -> memref<10000xf32, #tpu.memory_space<hbm>>
    %dma_start3A_395 = tpu.memref_slice %arg2[%add3A_393] : memref<8000000xf32, #tpu.memory_space<hbm>> -> memref<10000xf32, #tpu.memory_space<hbm>>
    tpu.enqueue_dma source(%dma_start3A_395 : memref<10000xf32, #tpu.memory_space<hbm>>) target(%arg9 : memref<10000xf32, #tpu.memory_space<vmem>>) target_semaphore(%arg21 : memref<!tpu.dma_semaphore, #tpu.memory_space<semaphore_mem>>)
    %dma_start3A_396 = tpu.memref_slice %arg3[%add3A_393] : memref<8000000xf32, #tpu.memory_space<hbm>> -> memref<10000xf32, #tpu.memory_space<hbm>>
    %dma_start3A_397 = tpu.memref_slice %arg3[%add3A_393] : memref<8000000xf32, #tpu.memory_space<hbm>> -> memref<10000xf32, #tpu.memory_space<hbm>>
    tpu.enqueue_dma source(%dma_start3A_397 : memref<10000xf32, #tpu.memory_space<hbm>>) target(%arg10 : memref<10000xf32, #tpu.memory_space<vmem>>) target_semaphore(%arg21 : memref<!tpu.dma_semaphore, #tpu.memory_space<semaphore_mem>>)
    %dma_start3A_398 = tpu.memref_slice %arg4[%add3A_393] : memref<8000000xf32, #tpu.memory_space<hbm>> -> memref<10000xf32, #tpu.memory_space<hbm>>
    %dma_start3A_399 = tpu.memref_slice %arg4[%add3A_393] : memref<8000000xf32, #tpu.memory_space<hbm>> -> memref<10000xf32, #tpu.memory_space<hbm>>
    tpu.enqueue_dma source(%dma_start3A_399 : memref<10000xf32, #tpu.memory_space<hbm>>) target(%arg11 : memref<10000xf32, #tpu.memory_space<vmem>>) target_semaphore(%arg21 : memref<!tpu.dma_semaphore, #tpu.memory_space<semaphore_mem>>)
    %dma_wait3A_400 = tpu.memref_slice %arg2[%add3A_373] : memref<8000000xf32, #tpu.memory_space<hbm>> -> memref<10000xf32, #tpu.memory_space<hbm>>
    %dma_wait3A_401 = tpu.memref_slice %arg2[%add3A_373] : memref<8000000xf32, #tpu.memory_space<hbm>> -> memref<10000xf32, #tpu.memory_space<hbm>>
    tpu.wait_dma2 semaphore(%arg22 : memref<!tpu.dma_semaphore, #tpu.memory_space<semaphore_mem>>) src(%dma_wait3A_401 : memref<10000xf32, #tpu.memory_space<hbm>>) dst(%arg12 : memref<10000xf32, #tpu.memory_space<vmem>>)
    %dma_wait3A_402 = tpu.memref_slice %arg3[%add3A_373] : memref<8000000xf32, #tpu.memory_space<hbm>> -> memref<10000xf32, #tpu.memory_space<hbm>>
    %dma_wait3A_403 = tpu.memref_slice %arg3[%add3A_373] : memref<8000000xf32, #tpu.memory_space<hbm>> -> memref<10000xf32, #tpu.memory_space<hbm>>
    tpu.wait_dma2 semaphore(%arg22 : memref<!tpu.dma_semaphore, #tpu.memory_space<semaphore_mem>>) src(%dma_wait3A_403 : memref<10000xf32, #tpu.memory_space<hbm>>) dst(%arg13 : memref<10000xf32, #tpu.memory_space<vmem>>)
    %dma_wait3A_404 = tpu.memref_slice %arg4[%add3A_373] : memref<8000000xf32, #tpu.memory_space<hbm>> -> memref<10000xf32, #tpu.memory_space<hbm>>
    %dma_wait3A_405 = tpu.memref_slice %arg4[%add3A_373] : memref<8000000xf32, #tpu.memory_space<hbm>> -> memref<10000xf32, #tpu.memory_space<hbm>>
    tpu.wait_dma2 semaphore(%arg22 : memref<!tpu.dma_semaphore, #tpu.memory_space<semaphore_mem>>) src(%dma_wait3A_405 : memref<10000xf32, #tpu.memory_space<hbm>>) dst(%arg14 : memref<10000xf32, #tpu.memory_space<vmem>>)
    %parallel_loop3A_406 = arith.constant 0 : i32
    %parallel_loop3A_407 = arith.constant 625 : i32
    %parallel_loop3A_408 = arith.constant 1 : i32
    scf.for %parallel_loop3A_641 = %parallel_loop3A_406 to %parallel_loop3A_407 step %parallel_loop3A_408  : i32 {
      %parallel_loop3A_642 = arith.constant 16 : i32
      %parallel_loop3A_643 = arith.muli %parallel_loop3A_641, %parallel_loop3A_642 : i32
      %parallel_loop3A_644 = arith.index_cast %parallel_loop3A_643 : i32 to index
      %parallel_loop3A_645 = tpu.vector_load %arg12[%parallel_loop3A_644] {strides = array<i32>} : memref<10000xf32, #tpu.memory_space<vmem>>, vector<16xf32>,
      %parallel_loop3A_646 = arith.constant 16 : i32
      %parallel_loop3A_647 = arith.muli %parallel_loop3A_641, %parallel_loop3A_646 : i32
      %parallel_loop3A_648 = arith.index_cast %parallel_loop3A_647 : i32 to index
      %parallel_loop3A_649 = tpu.vector_load %arg13[%parallel_loop3A_648] {strides = array<i32>} : memref<10000xf32, #tpu.memory_space<vmem>>, vector<16xf32>,
      %parallel_loop3A_650 = arith.constant 16 : i32
      %parallel_loop3A_651 = arith.muli %parallel_loop3A_641, %parallel_loop3A_650 : i32
      %parallel_loop3A_652 = arith.index_cast %parallel_loop3A_651 : i32 to index
      %parallel_loop3A_653 = tpu.vector_load %arg14[%parallel_loop3A_652] {strides = array<i32>} : memref<10000xf32, #tpu.memory_space<vmem>>, vector<16xf32>,
      %parallel_loop3A_654 = tpu.bitcast %parallel_loop3A_645 : vector<16xf32> -> vector<16xi32>
      %parallel_loop3A_655 = arith.constant 31 : i32
      %parallel_loop3A_656 = vector.broadcast %parallel_loop3A_655 : i32 to vector<16xi32>
      %parallel_loop3A_657 = arith.shrsi %parallel_loop3A_654, %parallel_loop3A_656 : vector<16xi32>
      %parallel_loop3A_658 = arith.constant -2147483648 : i32
      %parallel_loop3A_659 = vector.broadcast %parallel_loop3A_658 : i32 to vector<16xi32>
      %parallel_loop3A_660 = arith.ori %parallel_loop3A_657, %parallel_loop3A_659 : vector<16xi32>
      %parallel_loop3A_661 = arith.xori %parallel_loop3A_654, %parallel_loop3A_660 : vector<16xi32>
      %parallel_loop3A_662 = arith.constant 18 : i32
      %parallel_loop3A_663 = vector.broadcast %parallel_loop3A_662 : i32 to vector<16xi32>
      %parallel_loop3A_664 = arith.shrui %parallel_loop3A_661, %parallel_loop3A_663 : vector<16xi32>
      %parallel_loop3A_665 = arith.fptosi %parallel_loop3A_649 : vector<16xf32> to vector<16xi32>
      %parallel_loop3A_666 = arith.constant 14 : i32
      %parallel_loop3A_667 = vector.broadcast %parallel_loop3A_666 : i32 to vector<16xi32>
      %parallel_loop3A_668 = arith.shli %parallel_loop3A_665, %parallel_loop3A_667 : vector<16xi32>
      %parallel_loop3A_669 = arith.addi %parallel_loop3A_664, %parallel_loop3A_668 : vector<16xi32>
      tpu.vector_store_idx %arg8[%parallel_loop3A_669], %parallel_loop3A_653 {add = true} : memref<32768xf32, #tpu.memory_space<vmem>>[vector<16xi32>], vector<16xf32>,
    } {sc.loop_unroll_factor = 4 : i64, sc.parallel_access}
    %mul3A_409 = arith.constant 1000000 : i32
    %mul3A_410 = arith.muli %add3A_19, %mul3A_409 : i32
    %add3A_411 = arith.addi %mul3A_410, %mul3A_39 : i32
    %add3A_412 = arith.constant 190000 : i32
    %add3A_413 = arith.addi %add3A_411, %add3A_412 : i32
    %dma_start3A_414 = tpu.memref_slice %arg2[%add3A_413] : memref<8000000xf32, #tpu.memory_space<hbm>> -> memref<10000xf32, #tpu.memory_space<hbm>>
    %dma_start3A_415 = tpu.memref_slice %arg2[%add3A_413] : memref<8000000xf32, #tpu.memory_space<hbm>> -> memref<10000xf32, #tpu.memory_space<hbm>>
    tpu.enqueue_dma source(%dma_start3A_415 : memref<10000xf32, #tpu.memory_space<hbm>>) target(%arg12 : memref<10000xf32, #tpu.memory_space<vmem>>) target_semaphore(%arg22 : memref<!tpu.dma_semaphore, #tpu.memory_space<semaphore_mem>>)
    %dma_start3A_416 = tpu.memref_slice %arg3[%add3A_413] : memref<8000000xf32, #tpu.memory_space<hbm>> -> memref<10000xf32, #tpu.memory_space<hbm>>
    %dma_start3A_417 = tpu.memref_slice %arg3[%add3A_413] : memref<8000000xf32, #tpu.memory_space<hbm>> -> memref<10000xf32, #tpu.memory_space<hbm>>
    tpu.enqueue_dma source(%dma_start3A_417 : memref<10000xf32, #tpu.memory_space<hbm>>) target(%arg13 : memref<10000xf32, #tpu.memory_space<vmem>>) target_semaphore(%arg22 : memref<!tpu.dma_semaphore, #tpu.memory_space<semaphore_mem>>)
    %dma_start3A_418 = tpu.memref_slice %arg4[%add3A_413] : memref<8000000xf32, #tpu.memory_space<hbm>> -> memref<10000xf32, #tpu.memory_space<hbm>>
    %dma_start3A_419 = tpu.memref_slice %arg4[%add3A_413] : memref<8000000xf32, #tpu.memory_space<hbm>> -> memref<10000xf32, #tpu.memory_space<hbm>>
    tpu.enqueue_dma source(%dma_start3A_419 : memref<10000xf32, #tpu.memory_space<hbm>>) target(%arg14 : memref<10000xf32, #tpu.memory_space<vmem>>) target_semaphore(%arg22 : memref<!tpu.dma_semaphore, #tpu.memory_space<semaphore_mem>>)
    %dma_wait3A_420 = tpu.memref_slice %arg2[%add3A_393] : memref<8000000xf32, #tpu.memory_space<hbm>> -> memref<10000xf32, #tpu.memory_space<hbm>>
    %dma_wait3A_421 = tpu.memref_slice %arg2[%add3A_393] : memref<8000000xf32, #tpu.memory_space<hbm>> -> memref<10000xf32, #tpu.memory_space<hbm>>
    tpu.wait_dma2 semaphore(%arg21 : memref<!tpu.dma_semaphore, #tpu.memory_space<semaphore_mem>>) src(%dma_wait3A_421 : memref<10000xf32, #tpu.memory_space<hbm>>) dst(%arg9 : memref<10000xf32, #tpu.memory_space<vmem>>)
    %dma_wait3A_422 = tpu.memref_slice %arg3[%add3A_393] : memref<8000000xf32, #tpu.memory_space<hbm>> -> memref<10000xf32, #tpu.memory_space<hbm>>
    %dma_wait3A_423 = tpu.memref_slice %arg3[%add3A_393] : memref<8000000xf32, #tpu.memory_space<hbm>> -> memref<10000xf32, #tpu.memory_space<hbm>>
    tpu.wait_dma2 semaphore(%arg21 : memref<!tpu.dma_semaphore, #tpu.memory_space<semaphore_mem>>) src(%dma_wait3A_423 : memref<10000xf32, #tpu.memory_space<hbm>>) dst(%arg10 : memref<10000xf32, #tpu.memory_space<vmem>>)
    %dma_wait3A_424 = tpu.memref_slice %arg4[%add3A_393] : memref<8000000xf32, #tpu.memory_space<hbm>> -> memref<10000xf32, #tpu.memory_space<hbm>>
    %dma_wait3A_425 = tpu.memref_slice %arg4[%add3A_393] : memref<8000000xf32, #tpu.memory_space<hbm>> -> memref<10000xf32, #tpu.memory_space<hbm>>
    tpu.wait_dma2 semaphore(%arg21 : memref<!tpu.dma_semaphore, #tpu.memory_space<semaphore_mem>>) src(%dma_wait3A_425 : memref<10000xf32, #tpu.memory_space<hbm>>) dst(%arg11 : memref<10000xf32, #tpu.memory_space<vmem>>)
    %parallel_loop3A_426 = arith.constant 0 : i32
    %parallel_loop3A_427 = arith.constant 625 : i32
    %parallel_loop3A_428 = arith.constant 1 : i32
    scf.for %parallel_loop3A_641 = %parallel_loop3A_426 to %parallel_loop3A_427 step %parallel_loop3A_428  : i32 {
      %parallel_loop3A_642 = arith.constant 16 : i32
      %parallel_loop3A_643 = arith.muli %parallel_loop3A_641, %parallel_loop3A_642 : i32
      %parallel_loop3A_644 = arith.index_cast %parallel_loop3A_643 : i32 to index
      %parallel_loop3A_645 = tpu.vector_load %arg9[%parallel_loop3A_644] {strides = array<i32>} : memref<10000xf32, #tpu.memory_space<vmem>>, vector<16xf32>,
      %parallel_loop3A_646 = arith.constant 16 : i32
      %parallel_loop3A_647 = arith.muli %parallel_loop3A_641, %parallel_loop3A_646 : i32
      %parallel_loop3A_648 = arith.index_cast %parallel_loop3A_647 : i32 to index
      %parallel_loop3A_649 = tpu.vector_load %arg10[%parallel_loop3A_648] {strides = array<i32>} : memref<10000xf32, #tpu.memory_space<vmem>>, vector<16xf32>,
      %parallel_loop3A_650 = arith.constant 16 : i32
      %parallel_loop3A_651 = arith.muli %parallel_loop3A_641, %parallel_loop3A_650 : i32
      %parallel_loop3A_652 = arith.index_cast %parallel_loop3A_651 : i32 to index
      %parallel_loop3A_653 = tpu.vector_load %arg11[%parallel_loop3A_652] {strides = array<i32>} : memref<10000xf32, #tpu.memory_space<vmem>>, vector<16xf32>,
      %parallel_loop3A_654 = tpu.bitcast %parallel_loop3A_645 : vector<16xf32> -> vector<16xi32>
      %parallel_loop3A_655 = arith.constant 31 : i32
      %parallel_loop3A_656 = vector.broadcast %parallel_loop3A_655 : i32 to vector<16xi32>
      %parallel_loop3A_657 = arith.shrsi %parallel_loop3A_654, %parallel_loop3A_656 : vector<16xi32>
      %parallel_loop3A_658 = arith.constant -2147483648 : i32
      %parallel_loop3A_659 = vector.broadcast %parallel_loop3A_658 : i32 to vector<16xi32>
      %parallel_loop3A_660 = arith.ori %parallel_loop3A_657, %parallel_loop3A_659 : vector<16xi32>
      %parallel_loop3A_661 = arith.xori %parallel_loop3A_654, %parallel_loop3A_660 : vector<16xi32>
      %parallel_loop3A_662 = arith.constant 18 : i32
      %parallel_loop3A_663 = vector.broadcast %parallel_loop3A_662 : i32 to vector<16xi32>
      %parallel_loop3A_664 = arith.shrui %parallel_loop3A_661, %parallel_loop3A_663 : vector<16xi32>
      %parallel_loop3A_665 = arith.fptosi %parallel_loop3A_649 : vector<16xf32> to vector<16xi32>
      %parallel_loop3A_666 = arith.constant 14 : i32
      %parallel_loop3A_667 = vector.broadcast %parallel_loop3A_666 : i32 to vector<16xi32>
      %parallel_loop3A_668 = arith.shli %parallel_loop3A_665, %parallel_loop3A_667 : vector<16xi32>
      %parallel_loop3A_669 = arith.addi %parallel_loop3A_664, %parallel_loop3A_668 : vector<16xi32>
      tpu.vector_store_idx %arg8[%parallel_loop3A_669], %parallel_loop3A_653 {add = true} : memref<32768xf32, #tpu.memory_space<vmem>>[vector<16xi32>], vector<16xf32>,
    } {sc.loop_unroll_factor = 4 : i64, sc.parallel_access}
    %mul3A_429 = arith.constant 1000000 : i32
    %mul3A_430 = arith.muli %add3A_19, %mul3A_429 : i32
    %add3A_431 = arith.addi %mul3A_430, %mul3A_39 : i32
    %add3A_432 = arith.constant 200000 : i32
    %add3A_433 = arith.addi %add3A_431, %add3A_432 : i32
    %dma_start3A_434 = tpu.memref_slice %arg2[%add3A_433] : memref<8000000xf32, #tpu.memory_space<hbm>> -> memref<10000xf32, #tpu.memory_space<hbm>>
    %dma_start3A_435 = tpu.memref_slice %arg2[%add3A_433] : memref<8000000xf32, #tpu.memory_space<hbm>> -> memref<10000xf32, #tpu.memory_space<hbm>>
    tpu.enqueue_dma source(%dma_start3A_435 : memref<10000xf32, #tpu.memory_space<hbm>>) target(%arg9 : memref<10000xf32, #tpu.memory_space<vmem>>) target_semaphore(%arg21 : memref<!tpu.dma_semaphore, #tpu.memory_space<semaphore_mem>>)
    %dma_start3A_436 = tpu.memref_slice %arg3[%add3A_433] : memref<8000000xf32, #tpu.memory_space<hbm>> -> memref<10000xf32, #tpu.memory_space<hbm>>
    %dma_start3A_437 = tpu.memref_slice %arg3[%add3A_433] : memref<8000000xf32, #tpu.memory_space<hbm>> -> memref<10000xf32, #tpu.memory_space<hbm>>
    tpu.enqueue_dma source(%dma_start3A_437 : memref<10000xf32, #tpu.memory_space<hbm>>) target(%arg10 : memref<10000xf32, #tpu.memory_space<vmem>>) target_semaphore(%arg21 : memref<!tpu.dma_semaphore, #tpu.memory_space<semaphore_mem>>)
    %dma_start3A_438 = tpu.memref_slice %arg4[%add3A_433] : memref<8000000xf32, #tpu.memory_space<hbm>> -> memref<10000xf32, #tpu.memory_space<hbm>>
    %dma_start3A_439 = tpu.memref_slice %arg4[%add3A_433] : memref<8000000xf32, #tpu.memory_space<hbm>> -> memref<10000xf32, #tpu.memory_space<hbm>>
    tpu.enqueue_dma source(%dma_start3A_439 : memref<10000xf32, #tpu.memory_space<hbm>>) target(%arg11 : memref<10000xf32, #tpu.memory_space<vmem>>) target_semaphore(%arg21 : memref<!tpu.dma_semaphore, #tpu.memory_space<semaphore_mem>>)
    %dma_wait3A_440 = tpu.memref_slice %arg2[%add3A_413] : memref<8000000xf32, #tpu.memory_space<hbm>> -> memref<10000xf32, #tpu.memory_space<hbm>>
    %dma_wait3A_441 = tpu.memref_slice %arg2[%add3A_413] : memref<8000000xf32, #tpu.memory_space<hbm>> -> memref<10000xf32, #tpu.memory_space<hbm>>
    tpu.wait_dma2 semaphore(%arg22 : memref<!tpu.dma_semaphore, #tpu.memory_space<semaphore_mem>>) src(%dma_wait3A_441 : memref<10000xf32, #tpu.memory_space<hbm>>) dst(%arg12 : memref<10000xf32, #tpu.memory_space<vmem>>)
    %dma_wait3A_442 = tpu.memref_slice %arg3[%add3A_413] : memref<8000000xf32, #tpu.memory_space<hbm>> -> memref<10000xf32, #tpu.memory_space<hbm>>
    %dma_wait3A_443 = tpu.memref_slice %arg3[%add3A_413] : memref<8000000xf32, #tpu.memory_space<hbm>> -> memref<10000xf32, #tpu.memory_space<hbm>>
    tpu.wait_dma2 semaphore(%arg22 : memref<!tpu.dma_semaphore, #tpu.memory_space<semaphore_mem>>) src(%dma_wait3A_443 : memref<10000xf32, #tpu.memory_space<hbm>>) dst(%arg13 : memref<10000xf32, #tpu.memory_space<vmem>>)
    %dma_wait3A_444 = tpu.memref_slice %arg4[%add3A_413] : memref<8000000xf32, #tpu.memory_space<hbm>> -> memref<10000xf32, #tpu.memory_space<hbm>>
    %dma_wait3A_445 = tpu.memref_slice %arg4[%add3A_413] : memref<8000000xf32, #tpu.memory_space<hbm>> -> memref<10000xf32, #tpu.memory_space<hbm>>
    tpu.wait_dma2 semaphore(%arg22 : memref<!tpu.dma_semaphore, #tpu.memory_space<semaphore_mem>>) src(%dma_wait3A_445 : memref<10000xf32, #tpu.memory_space<hbm>>) dst(%arg14 : memref<10000xf32, #tpu.memory_space<vmem>>)
    %parallel_loop3A_446 = arith.constant 0 : i32
    %parallel_loop3A_447 = arith.constant 625 : i32
    %parallel_loop3A_448 = arith.constant 1 : i32
    scf.for %parallel_loop3A_641 = %parallel_loop3A_446 to %parallel_loop3A_447 step %parallel_loop3A_448  : i32 {
      %parallel_loop3A_642 = arith.constant 16 : i32
      %parallel_loop3A_643 = arith.muli %parallel_loop3A_641, %parallel_loop3A_642 : i32
      %parallel_loop3A_644 = arith.index_cast %parallel_loop3A_643 : i32 to index
      %parallel_loop3A_645 = tpu.vector_load %arg12[%parallel_loop3A_644] {strides = array<i32>} : memref<10000xf32, #tpu.memory_space<vmem>>, vector<16xf32>,
      %parallel_loop3A_646 = arith.constant 16 : i32
      %parallel_loop3A_647 = arith.muli %parallel_loop3A_641, %parallel_loop3A_646 : i32
      %parallel_loop3A_648 = arith.index_cast %parallel_loop3A_647 : i32 to index
      %parallel_loop3A_649 = tpu.vector_load %arg13[%parallel_loop3A_648] {strides = array<i32>} : memref<10000xf32, #tpu.memory_space<vmem>>, vector<16xf32>,
      %parallel_loop3A_650 = arith.constant 16 : i32
      %parallel_loop3A_651 = arith.muli %parallel_loop3A_641, %parallel_loop3A_650 : i32
      %parallel_loop3A_652 = arith.index_cast %parallel_loop3A_651 : i32 to index
      %parallel_loop3A_653 = tpu.vector_load %arg14[%parallel_loop3A_652] {strides = array<i32>} : memref<10000xf32, #tpu.memory_space<vmem>>, vector<16xf32>,
      %parallel_loop3A_654 = tpu.bitcast %parallel_loop3A_645 : vector<16xf32> -> vector<16xi32>
      %parallel_loop3A_655 = arith.constant 31 : i32
      %parallel_loop3A_656 = vector.broadcast %parallel_loop3A_655 : i32 to vector<16xi32>
      %parallel_loop3A_657 = arith.shrsi %parallel_loop3A_654, %parallel_loop3A_656 : vector<16xi32>
      %parallel_loop3A_658 = arith.constant -2147483648 : i32
      %parallel_loop3A_659 = vector.broadcast %parallel_loop3A_658 : i32 to vector<16xi32>
      %parallel_loop3A_660 = arith.ori %parallel_loop3A_657, %parallel_loop3A_659 : vector<16xi32>
      %parallel_loop3A_661 = arith.xori %parallel_loop3A_654, %parallel_loop3A_660 : vector<16xi32>
      %parallel_loop3A_662 = arith.constant 18 : i32
      %parallel_loop3A_663 = vector.broadcast %parallel_loop3A_662 : i32 to vector<16xi32>
      %parallel_loop3A_664 = arith.shrui %parallel_loop3A_661, %parallel_loop3A_663 : vector<16xi32>
      %parallel_loop3A_665 = arith.fptosi %parallel_loop3A_649 : vector<16xf32> to vector<16xi32>
      %parallel_loop3A_666 = arith.constant 14 : i32
      %parallel_loop3A_667 = vector.broadcast %parallel_loop3A_666 : i32 to vector<16xi32>
      %parallel_loop3A_668 = arith.shli %parallel_loop3A_665, %parallel_loop3A_667 : vector<16xi32>
      %parallel_loop3A_669 = arith.addi %parallel_loop3A_664, %parallel_loop3A_668 : vector<16xi32>
      tpu.vector_store_idx %arg8[%parallel_loop3A_669], %parallel_loop3A_653 {add = true} : memref<32768xf32, #tpu.memory_space<vmem>>[vector<16xi32>], vector<16xf32>,
    } {sc.loop_unroll_factor = 4 : i64, sc.parallel_access}
    %mul3A_449 = arith.constant 1000000 : i32
    %mul3A_450 = arith.muli %add3A_19, %mul3A_449 : i32
    %add3A_451 = arith.addi %mul3A_450, %mul3A_39 : i32
    %add3A_452 = arith.constant 210000 : i32
    %add3A_453 = arith.addi %add3A_451, %add3A_452 : i32
    %dma_start3A_454 = tpu.memref_slice %arg2[%add3A_453] : memref<8000000xf32, #tpu.memory_space<hbm>> -> memref<10000xf32, #tpu.memory_space<hbm>>
    %dma_start3A_455 = tpu.memref_slice %arg2[%add3A_453] : memref<8000000xf32, #tpu.memory_space<hbm>> -> memref<10000xf32, #tpu.memory_space<hbm>>
    tpu.enqueue_dma source(%dma_start3A_455 : memref<10000xf32, #tpu.memory_space<hbm>>) target(%arg12 : memref<10000xf32, #tpu.memory_space<vmem>>) target_semaphore(%arg22 : memref<!tpu.dma_semaphore, #tpu.memory_space<semaphore_mem>>)
    %dma_start3A_456 = tpu.memref_slice %arg3[%add3A_453] : memref<8000000xf32, #tpu.memory_space<hbm>> -> memref<10000xf32, #tpu.memory_space<hbm>>
    %dma_start3A_457 = tpu.memref_slice %arg3[%add3A_453] : memref<8000000xf32, #tpu.memory_space<hbm>> -> memref<10000xf32, #tpu.memory_space<hbm>>
    tpu.enqueue_dma source(%dma_start3A_457 : memref<10000xf32, #tpu.memory_space<hbm>>) target(%arg13 : memref<10000xf32, #tpu.memory_space<vmem>>) target_semaphore(%arg22 : memref<!tpu.dma_semaphore, #tpu.memory_space<semaphore_mem>>)
    %dma_start3A_458 = tpu.memref_slice %arg4[%add3A_453] : memref<8000000xf32, #tpu.memory_space<hbm>> -> memref<10000xf32, #tpu.memory_space<hbm>>
    %dma_start3A_459 = tpu.memref_slice %arg4[%add3A_453] : memref<8000000xf32, #tpu.memory_space<hbm>> -> memref<10000xf32, #tpu.memory_space<hbm>>
    tpu.enqueue_dma source(%dma_start3A_459 : memref<10000xf32, #tpu.memory_space<hbm>>) target(%arg14 : memref<10000xf32, #tpu.memory_space<vmem>>) target_semaphore(%arg22 : memref<!tpu.dma_semaphore, #tpu.memory_space<semaphore_mem>>)
    %dma_wait3A_460 = tpu.memref_slice %arg2[%add3A_433] : memref<8000000xf32, #tpu.memory_space<hbm>> -> memref<10000xf32, #tpu.memory_space<hbm>>
    %dma_wait3A_461 = tpu.memref_slice %arg2[%add3A_433] : memref<8000000xf32, #tpu.memory_space<hbm>> -> memref<10000xf32, #tpu.memory_space<hbm>>
    tpu.wait_dma2 semaphore(%arg21 : memref<!tpu.dma_semaphore, #tpu.memory_space<semaphore_mem>>) src(%dma_wait3A_461 : memref<10000xf32, #tpu.memory_space<hbm>>) dst(%arg9 : memref<10000xf32, #tpu.memory_space<vmem>>)
    %dma_wait3A_462 = tpu.memref_slice %arg3[%add3A_433] : memref<8000000xf32, #tpu.memory_space<hbm>> -> memref<10000xf32, #tpu.memory_space<hbm>>
    %dma_wait3A_463 = tpu.memref_slice %arg3[%add3A_433] : memref<8000000xf32, #tpu.memory_space<hbm>> -> memref<10000xf32, #tpu.memory_space<hbm>>
    tpu.wait_dma2 semaphore(%arg21 : memref<!tpu.dma_semaphore, #tpu.memory_space<semaphore_mem>>) src(%dma_wait3A_463 : memref<10000xf32, #tpu.memory_space<hbm>>) dst(%arg10 : memref<10000xf32, #tpu.memory_space<vmem>>)
    %dma_wait3A_464 = tpu.memref_slice %arg4[%add3A_433] : memref<8000000xf32, #tpu.memory_space<hbm>> -> memref<10000xf32, #tpu.memory_space<hbm>>
    %dma_wait3A_465 = tpu.memref_slice %arg4[%add3A_433] : memref<8000000xf32, #tpu.memory_space<hbm>> -> memref<10000xf32, #tpu.memory_space<hbm>>
    tpu.wait_dma2 semaphore(%arg21 : memref<!tpu.dma_semaphore, #tpu.memory_space<semaphore_mem>>) src(%dma_wait3A_465 : memref<10000xf32, #tpu.memory_space<hbm>>) dst(%arg11 : memref<10000xf32, #tpu.memory_space<vmem>>)
    %parallel_loop3A_466 = arith.constant 0 : i32
    %parallel_loop3A_467 = arith.constant 625 : i32
    %parallel_loop3A_468 = arith.constant 1 : i32
    scf.for %parallel_loop3A_641 = %parallel_loop3A_466 to %parallel_loop3A_467 step %parallel_loop3A_468  : i32 {
      %parallel_loop3A_642 = arith.constant 16 : i32
      %parallel_loop3A_643 = arith.muli %parallel_loop3A_641, %parallel_loop3A_642 : i32
      %parallel_loop3A_644 = arith.index_cast %parallel_loop3A_643 : i32 to index
      %parallel_loop3A_645 = tpu.vector_load %arg9[%parallel_loop3A_644] {strides = array<i32>} : memref<10000xf32, #tpu.memory_space<vmem>>, vector<16xf32>,
      %parallel_loop3A_646 = arith.constant 16 : i32
      %parallel_loop3A_647 = arith.muli %parallel_loop3A_641, %parallel_loop3A_646 : i32
      %parallel_loop3A_648 = arith.index_cast %parallel_loop3A_647 : i32 to index
      %parallel_loop3A_649 = tpu.vector_load %arg10[%parallel_loop3A_648] {strides = array<i32>} : memref<10000xf32, #tpu.memory_space<vmem>>, vector<16xf32>,
      %parallel_loop3A_650 = arith.constant 16 : i32
      %parallel_loop3A_651 = arith.muli %parallel_loop3A_641, %parallel_loop3A_650 : i32
      %parallel_loop3A_652 = arith.index_cast %parallel_loop3A_651 : i32 to index
      %parallel_loop3A_653 = tpu.vector_load %arg11[%parallel_loop3A_652] {strides = array<i32>} : memref<10000xf32, #tpu.memory_space<vmem>>, vector<16xf32>,
      %parallel_loop3A_654 = tpu.bitcast %parallel_loop3A_645 : vector<16xf32> -> vector<16xi32>
      %parallel_loop3A_655 = arith.constant 31 : i32
      %parallel_loop3A_656 = vector.broadcast %parallel_loop3A_655 : i32 to vector<16xi32>
      %parallel_loop3A_657 = arith.shrsi %parallel_loop3A_654, %parallel_loop3A_656 : vector<16xi32>
      %parallel_loop3A_658 = arith.constant -2147483648 : i32
      %parallel_loop3A_659 = vector.broadcast %parallel_loop3A_658 : i32 to vector<16xi32>
      %parallel_loop3A_660 = arith.ori %parallel_loop3A_657, %parallel_loop3A_659 : vector<16xi32>
      %parallel_loop3A_661 = arith.xori %parallel_loop3A_654, %parallel_loop3A_660 : vector<16xi32>
      %parallel_loop3A_662 = arith.constant 18 : i32
      %parallel_loop3A_663 = vector.broadcast %parallel_loop3A_662 : i32 to vector<16xi32>
      %parallel_loop3A_664 = arith.shrui %parallel_loop3A_661, %parallel_loop3A_663 : vector<16xi32>
      %parallel_loop3A_665 = arith.fptosi %parallel_loop3A_649 : vector<16xf32> to vector<16xi32>
      %parallel_loop3A_666 = arith.constant 14 : i32
      %parallel_loop3A_667 = vector.broadcast %parallel_loop3A_666 : i32 to vector<16xi32>
      %parallel_loop3A_668 = arith.shli %parallel_loop3A_665, %parallel_loop3A_667 : vector<16xi32>
      %parallel_loop3A_669 = arith.addi %parallel_loop3A_664, %parallel_loop3A_668 : vector<16xi32>
      tpu.vector_store_idx %arg8[%parallel_loop3A_669], %parallel_loop3A_653 {add = true} : memref<32768xf32, #tpu.memory_space<vmem>>[vector<16xi32>], vector<16xf32>,
    } {sc.loop_unroll_factor = 4 : i64, sc.parallel_access}
    %mul3A_469 = arith.constant 1000000 : i32
    %mul3A_470 = arith.muli %add3A_19, %mul3A_469 : i32
    %add3A_471 = arith.addi %mul3A_470, %mul3A_39 : i32
    %add3A_472 = arith.constant 220000 : i32
    %add3A_473 = arith.addi %add3A_471, %add3A_472 : i32
    %dma_start3A_474 = tpu.memref_slice %arg2[%add3A_473] : memref<8000000xf32, #tpu.memory_space<hbm>> -> memref<10000xf32, #tpu.memory_space<hbm>>
    %dma_start3A_475 = tpu.memref_slice %arg2[%add3A_473] : memref<8000000xf32, #tpu.memory_space<hbm>> -> memref<10000xf32, #tpu.memory_space<hbm>>
    tpu.enqueue_dma source(%dma_start3A_475 : memref<10000xf32, #tpu.memory_space<hbm>>) target(%arg9 : memref<10000xf32, #tpu.memory_space<vmem>>) target_semaphore(%arg21 : memref<!tpu.dma_semaphore, #tpu.memory_space<semaphore_mem>>)
    %dma_start3A_476 = tpu.memref_slice %arg3[%add3A_473] : memref<8000000xf32, #tpu.memory_space<hbm>> -> memref<10000xf32, #tpu.memory_space<hbm>>
    %dma_start3A_477 = tpu.memref_slice %arg3[%add3A_473] : memref<8000000xf32, #tpu.memory_space<hbm>> -> memref<10000xf32, #tpu.memory_space<hbm>>
    tpu.enqueue_dma source(%dma_start3A_477 : memref<10000xf32, #tpu.memory_space<hbm>>) target(%arg10 : memref<10000xf32, #tpu.memory_space<vmem>>) target_semaphore(%arg21 : memref<!tpu.dma_semaphore, #tpu.memory_space<semaphore_mem>>)
    %dma_start3A_478 = tpu.memref_slice %arg4[%add3A_473] : memref<8000000xf32, #tpu.memory_space<hbm>> -> memref<10000xf32, #tpu.memory_space<hbm>>
    %dma_start3A_479 = tpu.memref_slice %arg4[%add3A_473] : memref<8000000xf32, #tpu.memory_space<hbm>> -> memref<10000xf32, #tpu.memory_space<hbm>>
    tpu.enqueue_dma source(%dma_start3A_479 : memref<10000xf32, #tpu.memory_space<hbm>>) target(%arg11 : memref<10000xf32, #tpu.memory_space<vmem>>) target_semaphore(%arg21 : memref<!tpu.dma_semaphore, #tpu.memory_space<semaphore_mem>>)
    %dma_wait3A_480 = tpu.memref_slice %arg2[%add3A_453] : memref<8000000xf32, #tpu.memory_space<hbm>> -> memref<10000xf32, #tpu.memory_space<hbm>>
    %dma_wait3A_481 = tpu.memref_slice %arg2[%add3A_453] : memref<8000000xf32, #tpu.memory_space<hbm>> -> memref<10000xf32, #tpu.memory_space<hbm>>
    tpu.wait_dma2 semaphore(%arg22 : memref<!tpu.dma_semaphore, #tpu.memory_space<semaphore_mem>>) src(%dma_wait3A_481 : memref<10000xf32, #tpu.memory_space<hbm>>) dst(%arg12 : memref<10000xf32, #tpu.memory_space<vmem>>)
    %dma_wait3A_482 = tpu.memref_slice %arg3[%add3A_453] : memref<8000000xf32, #tpu.memory_space<hbm>> -> memref<10000xf32, #tpu.memory_space<hbm>>
    %dma_wait3A_483 = tpu.memref_slice %arg3[%add3A_453] : memref<8000000xf32, #tpu.memory_space<hbm>> -> memref<10000xf32, #tpu.memory_space<hbm>>
    tpu.wait_dma2 semaphore(%arg22 : memref<!tpu.dma_semaphore, #tpu.memory_space<semaphore_mem>>) src(%dma_wait3A_483 : memref<10000xf32, #tpu.memory_space<hbm>>) dst(%arg13 : memref<10000xf32, #tpu.memory_space<vmem>>)
    %dma_wait3A_484 = tpu.memref_slice %arg4[%add3A_453] : memref<8000000xf32, #tpu.memory_space<hbm>> -> memref<10000xf32, #tpu.memory_space<hbm>>
    %dma_wait3A_485 = tpu.memref_slice %arg4[%add3A_453] : memref<8000000xf32, #tpu.memory_space<hbm>> -> memref<10000xf32, #tpu.memory_space<hbm>>
    tpu.wait_dma2 semaphore(%arg22 : memref<!tpu.dma_semaphore, #tpu.memory_space<semaphore_mem>>) src(%dma_wait3A_485 : memref<10000xf32, #tpu.memory_space<hbm>>) dst(%arg14 : memref<10000xf32, #tpu.memory_space<vmem>>)
    %parallel_loop3A_486 = arith.constant 0 : i32
    %parallel_loop3A_487 = arith.constant 625 : i32
    %parallel_loop3A_488 = arith.constant 1 : i32
    scf.for %parallel_loop3A_641 = %parallel_loop3A_486 to %parallel_loop3A_487 step %parallel_loop3A_488  : i32 {
      %parallel_loop3A_642 = arith.constant 16 : i32
      %parallel_loop3A_643 = arith.muli %parallel_loop3A_641, %parallel_loop3A_642 : i32
      %parallel_loop3A_644 = arith.index_cast %parallel_loop3A_643 : i32 to index
      %parallel_loop3A_645 = tpu.vector_load %arg12[%parallel_loop3A_644] {strides = array<i32>} : memref<10000xf32, #tpu.memory_space<vmem>>, vector<16xf32>,
      %parallel_loop3A_646 = arith.constant 16 : i32
      %parallel_loop3A_647 = arith.muli %parallel_loop3A_641, %parallel_loop3A_646 : i32
      %parallel_loop3A_648 = arith.index_cast %parallel_loop3A_647 : i32 to index
      %parallel_loop3A_649 = tpu.vector_load %arg13[%parallel_loop3A_648] {strides = array<i32>} : memref<10000xf32, #tpu.memory_space<vmem>>, vector<16xf32>,
      %parallel_loop3A_650 = arith.constant 16 : i32
      %parallel_loop3A_651 = arith.muli %parallel_loop3A_641, %parallel_loop3A_650 : i32
      %parallel_loop3A_652 = arith.index_cast %parallel_loop3A_651 : i32 to index
      %parallel_loop3A_653 = tpu.vector_load %arg14[%parallel_loop3A_652] {strides = array<i32>} : memref<10000xf32, #tpu.memory_space<vmem>>, vector<16xf32>,
      %parallel_loop3A_654 = tpu.bitcast %parallel_loop3A_645 : vector<16xf32> -> vector<16xi32>
      %parallel_loop3A_655 = arith.constant 31 : i32
      %parallel_loop3A_656 = vector.broadcast %parallel_loop3A_655 : i32 to vector<16xi32>
      %parallel_loop3A_657 = arith.shrsi %parallel_loop3A_654, %parallel_loop3A_656 : vector<16xi32>
      %parallel_loop3A_658 = arith.constant -2147483648 : i32
      %parallel_loop3A_659 = vector.broadcast %parallel_loop3A_658 : i32 to vector<16xi32>
      %parallel_loop3A_660 = arith.ori %parallel_loop3A_657, %parallel_loop3A_659 : vector<16xi32>
      %parallel_loop3A_661 = arith.xori %parallel_loop3A_654, %parallel_loop3A_660 : vector<16xi32>
      %parallel_loop3A_662 = arith.constant 18 : i32
      %parallel_loop3A_663 = vector.broadcast %parallel_loop3A_662 : i32 to vector<16xi32>
      %parallel_loop3A_664 = arith.shrui %parallel_loop3A_661, %parallel_loop3A_663 : vector<16xi32>
      %parallel_loop3A_665 = arith.fptosi %parallel_loop3A_649 : vector<16xf32> to vector<16xi32>
      %parallel_loop3A_666 = arith.constant 14 : i32
      %parallel_loop3A_667 = vector.broadcast %parallel_loop3A_666 : i32 to vector<16xi32>
      %parallel_loop3A_668 = arith.shli %parallel_loop3A_665, %parallel_loop3A_667 : vector<16xi32>
      %parallel_loop3A_669 = arith.addi %parallel_loop3A_664, %parallel_loop3A_668 : vector<16xi32>
      tpu.vector_store_idx %arg8[%parallel_loop3A_669], %parallel_loop3A_653 {add = true} : memref<32768xf32, #tpu.memory_space<vmem>>[vector<16xi32>], vector<16xf32>,
    } {sc.loop_unroll_factor = 4 : i64, sc.parallel_access}
    %mul3A_489 = arith.constant 1000000 : i32
    %mul3A_490 = arith.muli %add3A_19, %mul3A_489 : i32
    %add3A_491 = arith.addi %mul3A_490, %mul3A_39 : i32
    %add3A_492 = arith.constant 230000 : i32
    %add3A_493 = arith.addi %add3A_491, %add3A_492 : i32
    %dma_start3A_494 = tpu.memref_slice %arg2[%add3A_493] : memref<8000000xf32, #tpu.memory_space<hbm>> -> memref<10000xf32, #tpu.memory_space<hbm>>
    %dma_start3A_495 = tpu.memref_slice %arg2[%add3A_493] : memref<8000000xf32, #tpu.memory_space<hbm>> -> memref<10000xf32, #tpu.memory_space<hbm>>
    tpu.enqueue_dma source(%dma_start3A_495 : memref<10000xf32, #tpu.memory_space<hbm>>) target(%arg12 : memref<10000xf32, #tpu.memory_space<vmem>>) target_semaphore(%arg22 : memref<!tpu.dma_semaphore, #tpu.memory_space<semaphore_mem>>)
    %dma_start3A_496 = tpu.memref_slice %arg3[%add3A_493] : memref<8000000xf32, #tpu.memory_space<hbm>> -> memref<10000xf32, #tpu.memory_space<hbm>>
    %dma_start3A_497 = tpu.memref_slice %arg3[%add3A_493] : memref<8000000xf32, #tpu.memory_space<hbm>> -> memref<10000xf32, #tpu.memory_space<hbm>>
    tpu.enqueue_dma source(%dma_start3A_497 : memref<10000xf32, #tpu.memory_space<hbm>>) target(%arg13 : memref<10000xf32, #tpu.memory_space<vmem>>) target_semaphore(%arg22 : memref<!tpu.dma_semaphore, #tpu.memory_space<semaphore_mem>>)
    %dma_start3A_498 = tpu.memref_slice %arg4[%add3A_493] : memref<8000000xf32, #tpu.memory_space<hbm>> -> memref<10000xf32, #tpu.memory_space<hbm>>
    %dma_start3A_499 = tpu.memref_slice %arg4[%add3A_493] : memref<8000000xf32, #tpu.memory_space<hbm>> -> memref<10000xf32, #tpu.memory_space<hbm>>
    tpu.enqueue_dma source(%dma_start3A_499 : memref<10000xf32, #tpu.memory_space<hbm>>) target(%arg14 : memref<10000xf32, #tpu.memory_space<vmem>>) target_semaphore(%arg22 : memref<!tpu.dma_semaphore, #tpu.memory_space<semaphore_mem>>)
    %dma_wait3A_500 = tpu.memref_slice %arg2[%add3A_473] : memref<8000000xf32, #tpu.memory_space<hbm>> -> memref<10000xf32, #tpu.memory_space<hbm>>
    %dma_wait3A_501 = tpu.memref_slice %arg2[%add3A_473] : memref<8000000xf32, #tpu.memory_space<hbm>> -> memref<10000xf32, #tpu.memory_space<hbm>>
    tpu.wait_dma2 semaphore(%arg21 : memref<!tpu.dma_semaphore, #tpu.memory_space<semaphore_mem>>) src(%dma_wait3A_501 : memref<10000xf32, #tpu.memory_space<hbm>>) dst(%arg9 : memref<10000xf32, #tpu.memory_space<vmem>>)
    %dma_wait3A_502 = tpu.memref_slice %arg3[%add3A_473] : memref<8000000xf32, #tpu.memory_space<hbm>> -> memref<10000xf32, #tpu.memory_space<hbm>>
    %dma_wait3A_503 = tpu.memref_slice %arg3[%add3A_473] : memref<8000000xf32, #tpu.memory_space<hbm>> -> memref<10000xf32, #tpu.memory_space<hbm>>
    tpu.wait_dma2 semaphore(%arg21 : memref<!tpu.dma_semaphore, #tpu.memory_space<semaphore_mem>>) src(%dma_wait3A_503 : memref<10000xf32, #tpu.memory_space<hbm>>) dst(%arg10 : memref<10000xf32, #tpu.memory_space<vmem>>)
    %dma_wait3A_504 = tpu.memref_slice %arg4[%add3A_473] : memref<8000000xf32, #tpu.memory_space<hbm>> -> memref<10000xf32, #tpu.memory_space<hbm>>
    %dma_wait3A_505 = tpu.memref_slice %arg4[%add3A_473] : memref<8000000xf32, #tpu.memory_space<hbm>> -> memref<10000xf32, #tpu.memory_space<hbm>>
    tpu.wait_dma2 semaphore(%arg21 : memref<!tpu.dma_semaphore, #tpu.memory_space<semaphore_mem>>) src(%dma_wait3A_505 : memref<10000xf32, #tpu.memory_space<hbm>>) dst(%arg11 : memref<10000xf32, #tpu.memory_space<vmem>>)
    %parallel_loop3A_506 = arith.constant 0 : i32
    %parallel_loop3A_507 = arith.constant 625 : i32
    %parallel_loop3A_508 = arith.constant 1 : i32
    scf.for %parallel_loop3A_641 = %parallel_loop3A_506 to %parallel_loop3A_507 step %parallel_loop3A_508  : i32 {
      %parallel_loop3A_642 = arith.constant 16 : i32
      %parallel_loop3A_643 = arith.muli %parallel_loop3A_641, %parallel_loop3A_642 : i32
      %parallel_loop3A_644 = arith.index_cast %parallel_loop3A_643 : i32 to index
      %parallel_loop3A_645 = tpu.vector_load %arg9[%parallel_loop3A_644] {strides = array<i32>} : memref<10000xf32, #tpu.memory_space<vmem>>, vector<16xf32>,
      %parallel_loop3A_646 = arith.constant 16 : i32
      %parallel_loop3A_647 = arith.muli %parallel_loop3A_641, %parallel_loop3A_646 : i32
      %parallel_loop3A_648 = arith.index_cast %parallel_loop3A_647 : i32 to index
      %parallel_loop3A_649 = tpu.vector_load %arg10[%parallel_loop3A_648] {strides = array<i32>} : memref<10000xf32, #tpu.memory_space<vmem>>, vector<16xf32>,
      %parallel_loop3A_650 = arith.constant 16 : i32
      %parallel_loop3A_651 = arith.muli %parallel_loop3A_641, %parallel_loop3A_650 : i32
      %parallel_loop3A_652 = arith.index_cast %parallel_loop3A_651 : i32 to index
      %parallel_loop3A_653 = tpu.vector_load %arg11[%parallel_loop3A_652] {strides = array<i32>} : memref<10000xf32, #tpu.memory_space<vmem>>, vector<16xf32>,
      %parallel_loop3A_654 = tpu.bitcast %parallel_loop3A_645 : vector<16xf32> -> vector<16xi32>
      %parallel_loop3A_655 = arith.constant 31 : i32
      %parallel_loop3A_656 = vector.broadcast %parallel_loop3A_655 : i32 to vector<16xi32>
      %parallel_loop3A_657 = arith.shrsi %parallel_loop3A_654, %parallel_loop3A_656 : vector<16xi32>
      %parallel_loop3A_658 = arith.constant -2147483648 : i32
      %parallel_loop3A_659 = vector.broadcast %parallel_loop3A_658 : i32 to vector<16xi32>
      %parallel_loop3A_660 = arith.ori %parallel_loop3A_657, %parallel_loop3A_659 : vector<16xi32>
      %parallel_loop3A_661 = arith.xori %parallel_loop3A_654, %parallel_loop3A_660 : vector<16xi32>
      %parallel_loop3A_662 = arith.constant 18 : i32
      %parallel_loop3A_663 = vector.broadcast %parallel_loop3A_662 : i32 to vector<16xi32>
      %parallel_loop3A_664 = arith.shrui %parallel_loop3A_661, %parallel_loop3A_663 : vector<16xi32>
      %parallel_loop3A_665 = arith.fptosi %parallel_loop3A_649 : vector<16xf32> to vector<16xi32>
      %parallel_loop3A_666 = arith.constant 14 : i32
      %parallel_loop3A_667 = vector.broadcast %parallel_loop3A_666 : i32 to vector<16xi32>
      %parallel_loop3A_668 = arith.shli %parallel_loop3A_665, %parallel_loop3A_667 : vector<16xi32>
      %parallel_loop3A_669 = arith.addi %parallel_loop3A_664, %parallel_loop3A_668 : vector<16xi32>
      tpu.vector_store_idx %arg8[%parallel_loop3A_669], %parallel_loop3A_653 {add = true} : memref<32768xf32, #tpu.memory_space<vmem>>[vector<16xi32>], vector<16xf32>,
    } {sc.loop_unroll_factor = 4 : i64, sc.parallel_access}
    %mul3A_509 = arith.constant 1000000 : i32
    %mul3A_510 = arith.muli %add3A_19, %mul3A_509 : i32
    %add3A_511 = arith.addi %mul3A_510, %mul3A_39 : i32
    %add3A_512 = arith.constant 240000 : i32
    %add3A_513 = arith.addi %add3A_511, %add3A_512 : i32
    %dma_start3A_514 = tpu.memref_slice %arg2[%add3A_513] : memref<8000000xf32, #tpu.memory_space<hbm>> -> memref<10000xf32, #tpu.memory_space<hbm>>
    %dma_start3A_515 = tpu.memref_slice %arg2[%add3A_513] : memref<8000000xf32, #tpu.memory_space<hbm>> -> memref<10000xf32, #tpu.memory_space<hbm>>
    tpu.enqueue_dma source(%dma_start3A_515 : memref<10000xf32, #tpu.memory_space<hbm>>) target(%arg9 : memref<10000xf32, #tpu.memory_space<vmem>>) target_semaphore(%arg21 : memref<!tpu.dma_semaphore, #tpu.memory_space<semaphore_mem>>)
    %dma_start3A_516 = tpu.memref_slice %arg3[%add3A_513] : memref<8000000xf32, #tpu.memory_space<hbm>> -> memref<10000xf32, #tpu.memory_space<hbm>>
    %dma_start3A_517 = tpu.memref_slice %arg3[%add3A_513] : memref<8000000xf32, #tpu.memory_space<hbm>> -> memref<10000xf32, #tpu.memory_space<hbm>>
    tpu.enqueue_dma source(%dma_start3A_517 : memref<10000xf32, #tpu.memory_space<hbm>>) target(%arg10 : memref<10000xf32, #tpu.memory_space<vmem>>) target_semaphore(%arg21 : memref<!tpu.dma_semaphore, #tpu.memory_space<semaphore_mem>>)
    %dma_start3A_518 = tpu.memref_slice %arg4[%add3A_513] : memref<8000000xf32, #tpu.memory_space<hbm>> -> memref<10000xf32, #tpu.memory_space<hbm>>
    %dma_start3A_519 = tpu.memref_slice %arg4[%add3A_513] : memref<8000000xf32, #tpu.memory_space<hbm>> -> memref<10000xf32, #tpu.memory_space<hbm>>
    tpu.enqueue_dma source(%dma_start3A_519 : memref<10000xf32, #tpu.memory_space<hbm>>) target(%arg11 : memref<10000xf32, #tpu.memory_space<vmem>>) target_semaphore(%arg21 : memref<!tpu.dma_semaphore, #tpu.memory_space<semaphore_mem>>)
    %dma_wait3A_520 = tpu.memref_slice %arg2[%add3A_493] : memref<8000000xf32, #tpu.memory_space<hbm>> -> memref<10000xf32, #tpu.memory_space<hbm>>
    %dma_wait3A_521 = tpu.memref_slice %arg2[%add3A_493] : memref<8000000xf32, #tpu.memory_space<hbm>> -> memref<10000xf32, #tpu.memory_space<hbm>>
    tpu.wait_dma2 semaphore(%arg22 : memref<!tpu.dma_semaphore, #tpu.memory_space<semaphore_mem>>) src(%dma_wait3A_521 : memref<10000xf32, #tpu.memory_space<hbm>>) dst(%arg12 : memref<10000xf32, #tpu.memory_space<vmem>>)
    %dma_wait3A_522 = tpu.memref_slice %arg3[%add3A_493] : memref<8000000xf32, #tpu.memory_space<hbm>> -> memref<10000xf32, #tpu.memory_space<hbm>>
    %dma_wait3A_523 = tpu.memref_slice %arg3[%add3A_493] : memref<8000000xf32, #tpu.memory_space<hbm>> -> memref<10000xf32, #tpu.memory_space<hbm>>
    tpu.wait_dma2 semaphore(%arg22 : memref<!tpu.dma_semaphore, #tpu.memory_space<semaphore_mem>>) src(%dma_wait3A_523 : memref<10000xf32, #tpu.memory_space<hbm>>) dst(%arg13 : memref<10000xf32, #tpu.memory_space<vmem>>)
    %dma_wait3A_524 = tpu.memref_slice %arg4[%add3A_493] : memref<8000000xf32, #tpu.memory_space<hbm>> -> memref<10000xf32, #tpu.memory_space<hbm>>
    %dma_wait3A_525 = tpu.memref_slice %arg4[%add3A_493] : memref<8000000xf32, #tpu.memory_space<hbm>> -> memref<10000xf32, #tpu.memory_space<hbm>>
    tpu.wait_dma2 semaphore(%arg22 : memref<!tpu.dma_semaphore, #tpu.memory_space<semaphore_mem>>) src(%dma_wait3A_525 : memref<10000xf32, #tpu.memory_space<hbm>>) dst(%arg14 : memref<10000xf32, #tpu.memory_space<vmem>>)
    %parallel_loop3A_526 = arith.constant 0 : i32
    %parallel_loop3A_527 = arith.constant 625 : i32
    %parallel_loop3A_528 = arith.constant 1 : i32
    scf.for %parallel_loop3A_641 = %parallel_loop3A_526 to %parallel_loop3A_527 step %parallel_loop3A_528  : i32 {
      %parallel_loop3A_642 = arith.constant 16 : i32
      %parallel_loop3A_643 = arith.muli %parallel_loop3A_641, %parallel_loop3A_642 : i32
      %parallel_loop3A_644 = arith.index_cast %parallel_loop3A_643 : i32 to index
      %parallel_loop3A_645 = tpu.vector_load %arg12[%parallel_loop3A_644] {strides = array<i32>} : memref<10000xf32, #tpu.memory_space<vmem>>, vector<16xf32>,
      %parallel_loop3A_646 = arith.constant 16 : i32
      %parallel_loop3A_647 = arith.muli %parallel_loop3A_641, %parallel_loop3A_646 : i32
      %parallel_loop3A_648 = arith.index_cast %parallel_loop3A_647 : i32 to index
      %parallel_loop3A_649 = tpu.vector_load %arg13[%parallel_loop3A_648] {strides = array<i32>} : memref<10000xf32, #tpu.memory_space<vmem>>, vector<16xf32>,
      %parallel_loop3A_650 = arith.constant 16 : i32
      %parallel_loop3A_651 = arith.muli %parallel_loop3A_641, %parallel_loop3A_650 : i32
      %parallel_loop3A_652 = arith.index_cast %parallel_loop3A_651 : i32 to index
      %parallel_loop3A_653 = tpu.vector_load %arg14[%parallel_loop3A_652] {strides = array<i32>} : memref<10000xf32, #tpu.memory_space<vmem>>, vector<16xf32>,
      %parallel_loop3A_654 = tpu.bitcast %parallel_loop3A_645 : vector<16xf32> -> vector<16xi32>
      %parallel_loop3A_655 = arith.constant 31 : i32
      %parallel_loop3A_656 = vector.broadcast %parallel_loop3A_655 : i32 to vector<16xi32>
      %parallel_loop3A_657 = arith.shrsi %parallel_loop3A_654, %parallel_loop3A_656 : vector<16xi32>
      %parallel_loop3A_658 = arith.constant -2147483648 : i32
      %parallel_loop3A_659 = vector.broadcast %parallel_loop3A_658 : i32 to vector<16xi32>
      %parallel_loop3A_660 = arith.ori %parallel_loop3A_657, %parallel_loop3A_659 : vector<16xi32>
      %parallel_loop3A_661 = arith.xori %parallel_loop3A_654, %parallel_loop3A_660 : vector<16xi32>
      %parallel_loop3A_662 = arith.constant 18 : i32
      %parallel_loop3A_663 = vector.broadcast %parallel_loop3A_662 : i32 to vector<16xi32>
      %parallel_loop3A_664 = arith.shrui %parallel_loop3A_661, %parallel_loop3A_663 : vector<16xi32>
      %parallel_loop3A_665 = arith.fptosi %parallel_loop3A_649 : vector<16xf32> to vector<16xi32>
      %parallel_loop3A_666 = arith.constant 14 : i32
      %parallel_loop3A_667 = vector.broadcast %parallel_loop3A_666 : i32 to vector<16xi32>
      %parallel_loop3A_668 = arith.shli %parallel_loop3A_665, %parallel_loop3A_667 : vector<16xi32>
      %parallel_loop3A_669 = arith.addi %parallel_loop3A_664, %parallel_loop3A_668 : vector<16xi32>
      tpu.vector_store_idx %arg8[%parallel_loop3A_669], %parallel_loop3A_653 {add = true} : memref<32768xf32, #tpu.memory_space<vmem>>[vector<16xi32>], vector<16xf32>,
    } {sc.loop_unroll_factor = 4 : i64, sc.parallel_access}
    %dma_wait3A_529 = tpu.memref_slice %arg2[%add3A_513] : memref<8000000xf32, #tpu.memory_space<hbm>> -> memref<10000xf32, #tpu.memory_space<hbm>>
    %dma_wait3A_530 = tpu.memref_slice %arg2[%add3A_513] : memref<8000000xf32, #tpu.memory_space<hbm>> -> memref<10000xf32, #tpu.memory_space<hbm>>
    tpu.wait_dma2 semaphore(%arg21 : memref<!tpu.dma_semaphore, #tpu.memory_space<semaphore_mem>>) src(%dma_wait3A_530 : memref<10000xf32, #tpu.memory_space<hbm>>) dst(%arg9 : memref<10000xf32, #tpu.memory_space<vmem>>)
    %dma_wait3A_531 = tpu.memref_slice %arg3[%add3A_513] : memref<8000000xf32, #tpu.memory_space<hbm>> -> memref<10000xf32, #tpu.memory_space<hbm>>
    %dma_wait3A_532 = tpu.memref_slice %arg3[%add3A_513] : memref<8000000xf32, #tpu.memory_space<hbm>> -> memref<10000xf32, #tpu.memory_space<hbm>>
    tpu.wait_dma2 semaphore(%arg21 : memref<!tpu.dma_semaphore, #tpu.memory_space<semaphore_mem>>) src(%dma_wait3A_532 : memref<10000xf32, #tpu.memory_space<hbm>>) dst(%arg10 : memref<10000xf32, #tpu.memory_space<vmem>>)
    %dma_wait3A_533 = tpu.memref_slice %arg4[%add3A_513] : memref<8000000xf32, #tpu.memory_space<hbm>> -> memref<10000xf32, #tpu.memory_space<hbm>>
    %dma_wait3A_534 = tpu.memref_slice %arg4[%add3A_513] : memref<8000000xf32, #tpu.memory_space<hbm>> -> memref<10000xf32, #tpu.memory_space<hbm>>
    tpu.wait_dma2 semaphore(%arg21 : memref<!tpu.dma_semaphore, #tpu.memory_space<semaphore_mem>>) src(%dma_wait3A_534 : memref<10000xf32, #tpu.memory_space<hbm>>) dst(%arg11 : memref<10000xf32, #tpu.memory_space<vmem>>)
    %parallel_loop3A_535 = arith.constant 0 : i32
    %parallel_loop3A_536 = arith.constant 625 : i32
    %parallel_loop3A_537 = arith.constant 1 : i32
    scf.for %parallel_loop3A_641 = %parallel_loop3A_535 to %parallel_loop3A_536 step %parallel_loop3A_537  : i32 {
      %parallel_loop3A_642 = arith.constant 16 : i32
      %parallel_loop3A_643 = arith.muli %parallel_loop3A_641, %parallel_loop3A_642 : i32
      %parallel_loop3A_644 = arith.index_cast %parallel_loop3A_643 : i32 to index
      %parallel_loop3A_645 = tpu.vector_load %arg9[%parallel_loop3A_644] {strides = array<i32>} : memref<10000xf32, #tpu.memory_space<vmem>>, vector<16xf32>,
      %parallel_loop3A_646 = arith.constant 16 : i32
      %parallel_loop3A_647 = arith.muli %parallel_loop3A_641, %parallel_loop3A_646 : i32
      %parallel_loop3A_648 = arith.index_cast %parallel_loop3A_647 : i32 to index
      %parallel_loop3A_649 = tpu.vector_load %arg10[%parallel_loop3A_648] {strides = array<i32>} : memref<10000xf32, #tpu.memory_space<vmem>>, vector<16xf32>,
      %parallel_loop3A_650 = arith.constant 16 : i32
      %parallel_loop3A_651 = arith.muli %parallel_loop3A_641, %parallel_loop3A_650 : i32
      %parallel_loop3A_652 = arith.index_cast %parallel_loop3A_651 : i32 to index
      %parallel_loop3A_653 = tpu.vector_load %arg11[%parallel_loop3A_652] {strides = array<i32>} : memref<10000xf32, #tpu.memory_space<vmem>>, vector<16xf32>,
      %parallel_loop3A_654 = tpu.bitcast %parallel_loop3A_645 : vector<16xf32> -> vector<16xi32>
      %parallel_loop3A_655 = arith.constant 31 : i32
      %parallel_loop3A_656 = vector.broadcast %parallel_loop3A_655 : i32 to vector<16xi32>
      %parallel_loop3A_657 = arith.shrsi %parallel_loop3A_654, %parallel_loop3A_656 : vector<16xi32>
      %parallel_loop3A_658 = arith.constant -2147483648 : i32
      %parallel_loop3A_659 = vector.broadcast %parallel_loop3A_658 : i32 to vector<16xi32>
      %parallel_loop3A_660 = arith.ori %parallel_loop3A_657, %parallel_loop3A_659 : vector<16xi32>
      %parallel_loop3A_661 = arith.xori %parallel_loop3A_654, %parallel_loop3A_660 : vector<16xi32>
      %parallel_loop3A_662 = arith.constant 18 : i32
      %parallel_loop3A_663 = vector.broadcast %parallel_loop3A_662 : i32 to vector<16xi32>
      %parallel_loop3A_664 = arith.shrui %parallel_loop3A_661, %parallel_loop3A_663 : vector<16xi32>
      %parallel_loop3A_665 = arith.fptosi %parallel_loop3A_649 : vector<16xf32> to vector<16xi32>
      %parallel_loop3A_666 = arith.constant 14 : i32
      %parallel_loop3A_667 = vector.broadcast %parallel_loop3A_666 : i32 to vector<16xi32>
      %parallel_loop3A_668 = arith.shli %parallel_loop3A_665, %parallel_loop3A_667 : vector<16xi32>
      %parallel_loop3A_669 = arith.addi %parallel_loop3A_664, %parallel_loop3A_668 : vector<16xi32>
      tpu.vector_store_idx %arg8[%parallel_loop3A_669], %parallel_loop3A_653 {add = true} : memref<32768xf32, #tpu.memory_space<vmem>>[vector<16xi32>], vector<16xf32>,
    } {sc.loop_unroll_factor = 4 : i64, sc.parallel_access}
    %mul3A_538 = arith.constant 32768 : i32
    %mul3A_539 = arith.muli %add3A, %mul3A_538 : i32
    "tpu.region"() ({
      %run_scoped3A = tpu.sem_alloc : memref<!tpu.dma_semaphore, #tpu.memory_space<semaphore_mem>>
      %dma_start3A_641 = tpu.memref_slice %arg6[%mul3A_539] : memref<1048576xf32, #tpu.memory_space<hbm>> -> memref<32768xf32, #tpu.memory_space<hbm>>
      %dma_start3A_642 = tpu.memref_slice %arg6[%mul3A_539] : memref<1048576xf32, #tpu.memory_space<hbm>> -> memref<32768xf32, #tpu.memory_space<hbm>>
      tpu.enqueue_dma source(%arg8 : memref<32768xf32, #tpu.memory_space<vmem>>) target(%dma_start3A_642 : memref<32768xf32, #tpu.memory_space<hbm>>) target_semaphore(%run_scoped3A : memref<!tpu.dma_semaphore, #tpu.memory_space<semaphore_mem>>)
      %dma_wait3A_643 = tpu.memref_slice %arg6[%mul3A_539] : memref<1048576xf32, #tpu.memory_space<hbm>> -> memref<32768xf32, #tpu.memory_space<hbm>>
      %dma_wait3A_644 = tpu.memref_slice %arg6[%mul3A_539] : memref<1048576xf32, #tpu.memory_space<hbm>> -> memref<32768xf32, #tpu.memory_space<hbm>>
      tpu.wait_dma2 semaphore(%run_scoped3A : memref<!tpu.dma_semaphore, #tpu.memory_space<semaphore_mem>>) src(%arg8 : memref<32768xf32, #tpu.memory_space<vmem>>) dst(%dma_wait3A_644 : memref<32768xf32, #tpu.memory_space<hbm>>)
      tpu.yield
    }) : () -> ()
    %barrier3A = arith.constant 0 : index
    tpu.barrier barrier_id(%barrier3A)
    %mul3A_540 = arith.constant 4096 : i32
    %mul3A_541 = arith.muli %select_n3A_33, %mul3A_540 : i32
    %mul3A_542 = arith.constant 32768 : i32
    %mul3A_543 = arith.muli %sub3A_34, %mul3A_542 : i32
    %add3A_544 = arith.addi %mul3A_543, %mul3A_541 : i32
    "tpu.region"() ({
      %run_scoped3A = tpu.sem_alloc : memref<!tpu.dma_semaphore, #tpu.memory_space<semaphore_mem>>
      %dma_start3A_641 = tpu.memref_slice %arg6[%add3A_544] : memref<1048576xf32, #tpu.memory_space<hbm>> -> memref<4096xf32, #tpu.memory_space<hbm>>
      %dma_start3A_642 = tpu.memref_slice %arg6[%add3A_544] : memref<1048576xf32, #tpu.memory_space<hbm>> -> memref<4096xf32, #tpu.memory_space<hbm>>
      tpu.enqueue_dma source(%dma_start3A_642 : memref<4096xf32, #tpu.memory_space<hbm>>) target(%arg15 : memref<4096xf32, #tpu.memory_space<vmem>>) target_semaphore(%run_scoped3A : memref<!tpu.dma_semaphore, #tpu.memory_space<semaphore_mem>>)
      %dma_wait3A_643 = tpu.memref_slice %arg6[%add3A_544] : memref<1048576xf32, #tpu.memory_space<hbm>> -> memref<4096xf32, #tpu.memory_space<hbm>>
      %dma_wait3A_644 = tpu.memref_slice %arg6[%add3A_544] : memref<1048576xf32, #tpu.memory_space<hbm>> -> memref<4096xf32, #tpu.memory_space<hbm>>
      tpu.wait_dma2 semaphore(%run_scoped3A : memref<!tpu.dma_semaphore, #tpu.memory_space<semaphore_mem>>) src(%dma_wait3A_644 : memref<4096xf32, #tpu.memory_space<hbm>>) dst(%arg15 : memref<4096xf32, #tpu.memory_space<vmem>>)
      tpu.yield
    }) : () -> ()
    %mul3A_545 = arith.constant 32768 : i32
    %mul3A_546 = arith.muli %sub3A_34, %mul3A_545 : i32
    %add3A_547 = arith.constant 16384 : i32
    %add3A_548 = arith.addi %mul3A_546, %add3A_547 : i32
    %add3A_549 = arith.addi %add3A_548, %mul3A_541 : i32
    "tpu.region"() ({
      %run_scoped3A = tpu.sem_alloc : memref<!tpu.dma_semaphore, #tpu.memory_space<semaphore_mem>>
      %dma_start3A_641 = tpu.memref_slice %arg6[%add3A_549] : memref<1048576xf32, #tpu.memory_space<hbm>> -> memref<4096xf32, #tpu.memory_space<hbm>>
      %dma_start3A_642 = tpu.memref_slice %arg6[%add3A_549] : memref<1048576xf32, #tpu.memory_space<hbm>> -> memref<4096xf32, #tpu.memory_space<hbm>>
      tpu.enqueue_dma source(%dma_start3A_642 : memref<4096xf32, #tpu.memory_space<hbm>>) target(%arg16 : memref<4096xf32, #tpu.memory_space<vmem>>) target_semaphore(%run_scoped3A : memref<!tpu.dma_semaphore, #tpu.memory_space<semaphore_mem>>)
      %dma_wait3A_643 = tpu.memref_slice %arg6[%add3A_549] : memref<1048576xf32, #tpu.memory_space<hbm>> -> memref<4096xf32, #tpu.memory_space<hbm>>
      %dma_wait3A_644 = tpu.memref_slice %arg6[%add3A_549] : memref<1048576xf32, #tpu.memory_space<hbm>> -> memref<4096xf32, #tpu.memory_space<hbm>>
      tpu.wait_dma2 semaphore(%run_scoped3A : memref<!tpu.dma_semaphore, #tpu.memory_space<semaphore_mem>>) src(%dma_wait3A_644 : memref<4096xf32, #tpu.memory_space<hbm>>) dst(%arg16 : memref<4096xf32, #tpu.memory_space<vmem>>)
      tpu.yield
    }) : () -> ()
    %add3A_550 = arith.constant 1 : i32
    %add3A_551 = arith.addi %sub3A_34, %add3A_550 : i32
    %mul3A_552 = arith.constant 32768 : i32
    %mul3A_553 = arith.muli %add3A_551, %mul3A_552 : i32
    %add3A_554 = arith.addi %mul3A_553, %mul3A_541 : i32
    "tpu.region"() ({
      %run_scoped3A = tpu.sem_alloc : memref<!tpu.dma_semaphore, #tpu.memory_space<semaphore_mem>>
      %dma_start3A_641 = tpu.memref_slice %arg6[%add3A_554] : memref<1048576xf32, #tpu.memory_space<hbm>> -> memref<4096xf32, #tpu.memory_space<hbm>>
      %dma_start3A_642 = tpu.memref_slice %arg6[%add3A_554] : memref<1048576xf32, #tpu.memory_space<hbm>> -> memref<4096xf32, #tpu.memory_space<hbm>>
      tpu.enqueue_dma source(%dma_start3A_642 : memref<4096xf32, #tpu.memory_space<hbm>>) target(%arg17 : memref<4096xf32, #tpu.memory_space<vmem>>) target_semaphore(%run_scoped3A : memref<!tpu.dma_semaphore, #tpu.memory_space<semaphore_mem>>)
      %dma_wait3A_643 = tpu.memref_slice %arg6[%add3A_554] : memref<1048576xf32, #tpu.memory_space<hbm>> -> memref<4096xf32, #tpu.memory_space<hbm>>
      %dma_wait3A_644 = tpu.memref_slice %arg6[%add3A_554] : memref<1048576xf32, #tpu.memory_space<hbm>> -> memref<4096xf32, #tpu.memory_space<hbm>>
      tpu.wait_dma2 semaphore(%run_scoped3A : memref<!tpu.dma_semaphore, #tpu.memory_space<semaphore_mem>>) src(%dma_wait3A_644 : memref<4096xf32, #tpu.memory_space<hbm>>) dst(%arg17 : memref<4096xf32, #tpu.memory_space<vmem>>)
      tpu.yield
    }) : () -> ()
    %parallel_loop3A_555 = arith.constant 0 : i32
    %parallel_loop3A_556 = arith.constant 256 : i32
    %parallel_loop3A_557 = arith.constant 1 : i32
    scf.for %parallel_loop3A_641 = %parallel_loop3A_555 to %parallel_loop3A_556 step %parallel_loop3A_557  : i32 {
      %parallel_loop3A_642 = arith.constant 16 : i32
      %parallel_loop3A_643 = arith.muli %parallel_loop3A_641, %parallel_loop3A_642 : i32
      %parallel_loop3A_644 = arith.index_cast %parallel_loop3A_643 : i32 to index
      %parallel_loop3A_645 = tpu.vector_load %arg15[%parallel_loop3A_644] {strides = array<i32>} : memref<4096xf32, #tpu.memory_space<vmem>>, vector<16xf32>,
      %parallel_loop3A_646 = arith.index_cast %parallel_loop3A_643 : i32 to index
      %parallel_loop3A_647 = tpu.vector_load %arg17[%parallel_loop3A_646] {strides = array<i32>} : memref<4096xf32, #tpu.memory_space<vmem>>, vector<16xf32>,
      %parallel_loop3A_648 = arith.addf %parallel_loop3A_645, %parallel_loop3A_647 : vector<16xf32>
      %parallel_loop3A_649 = arith.index_cast %parallel_loop3A_643 : i32 to index
      %parallel_loop3A_650 = tpu.vector_load %arg15[%parallel_loop3A_649] {strides = array<i32>} : memref<4096xf32, #tpu.memory_space<vmem>>, vector<16xf32>,
      tpu.vector_store %arg15[%parallel_loop3A_649], %parallel_loop3A_648 {strides = array<i32>} : memref<4096xf32, #tpu.memory_space<vmem>>, vector<16xf32>,
    } {sc.loop_unroll_factor = 4 : i64, sc.parallel_access}
    %add3A_558 = arith.constant 1 : i32
    %add3A_559 = arith.addi %sub3A_34, %add3A_558 : i32
    %mul3A_560 = arith.constant 32768 : i32
    %mul3A_561 = arith.muli %add3A_559, %mul3A_560 : i32
    %add3A_562 = arith.constant 16384 : i32
    %add3A_563 = arith.addi %mul3A_561, %add3A_562 : i32
    %add3A_564 = arith.addi %add3A_563, %mul3A_541 : i32
    "tpu.region"() ({
      %run_scoped3A = tpu.sem_alloc : memref<!tpu.dma_semaphore, #tpu.memory_space<semaphore_mem>>
      %dma_start3A_641 = tpu.memref_slice %arg6[%add3A_564] : memref<1048576xf32, #tpu.memory_space<hbm>> -> memref<4096xf32, #tpu.memory_space<hbm>>
      %dma_start3A_642 = tpu.memref_slice %arg6[%add3A_564] : memref<1048576xf32, #tpu.memory_space<hbm>> -> memref<4096xf32, #tpu.memory_space<hbm>>
      tpu.enqueue_dma source(%dma_start3A_642 : memref<4096xf32, #tpu.memory_space<hbm>>) target(%arg17 : memref<4096xf32, #tpu.memory_space<vmem>>) target_semaphore(%run_scoped3A : memref<!tpu.dma_semaphore, #tpu.memory_space<semaphore_mem>>)
      %dma_wait3A_643 = tpu.memref_slice %arg6[%add3A_564] : memref<1048576xf32, #tpu.memory_space<hbm>> -> memref<4096xf32, #tpu.memory_space<hbm>>
      %dma_wait3A_644 = tpu.memref_slice %arg6[%add3A_564] : memref<1048576xf32, #tpu.memory_space<hbm>> -> memref<4096xf32, #tpu.memory_space<hbm>>
      tpu.wait_dma2 semaphore(%run_scoped3A : memref<!tpu.dma_semaphore, #tpu.memory_space<semaphore_mem>>) src(%dma_wait3A_644 : memref<4096xf32, #tpu.memory_space<hbm>>) dst(%arg17 : memref<4096xf32, #tpu.memory_space<vmem>>)
      tpu.yield
    }) : () -> ()
    %parallel_loop3A_565 = arith.constant 0 : i32
    %parallel_loop3A_566 = arith.constant 256 : i32
    %parallel_loop3A_567 = arith.constant 1 : i32
    scf.for %parallel_loop3A_641 = %parallel_loop3A_565 to %parallel_loop3A_566 step %parallel_loop3A_567  : i32 {
      %parallel_loop3A_642 = arith.constant 16 : i32
      %parallel_loop3A_643 = arith.muli %parallel_loop3A_641, %parallel_loop3A_642 : i32
      %parallel_loop3A_644 = arith.index_cast %parallel_loop3A_643 : i32 to index
      %parallel_loop3A_645 = tpu.vector_load %arg16[%parallel_loop3A_644] {strides = array<i32>} : memref<4096xf32, #tpu.memory_space<vmem>>, vector<16xf32>,
      %parallel_loop3A_646 = arith.index_cast %parallel_loop3A_643 : i32 to index
      %parallel_loop3A_647 = tpu.vector_load %arg17[%parallel_loop3A_646] {strides = array<i32>} : memref<4096xf32, #tpu.memory_space<vmem>>, vector<16xf32>,
      %parallel_loop3A_648 = arith.addf %parallel_loop3A_645, %parallel_loop3A_647 : vector<16xf32>
      %parallel_loop3A_649 = arith.index_cast %parallel_loop3A_643 : i32 to index
      %parallel_loop3A_650 = tpu.vector_load %arg16[%parallel_loop3A_649] {strides = array<i32>} : memref<4096xf32, #tpu.memory_space<vmem>>, vector<16xf32>,
      tpu.vector_store %arg16[%parallel_loop3A_649], %parallel_loop3A_648 {strides = array<i32>} : memref<4096xf32, #tpu.memory_space<vmem>>, vector<16xf32>,
    } {sc.loop_unroll_factor = 4 : i64, sc.parallel_access}
    %add3A_568 = arith.constant 2 : i32
    %add3A_569 = arith.addi %sub3A_34, %add3A_568 : i32
    %mul3A_570 = arith.constant 32768 : i32
    %mul3A_571 = arith.muli %add3A_569, %mul3A_570 : i32
    %add3A_572 = arith.addi %mul3A_571, %mul3A_541 : i32
    "tpu.region"() ({
      %run_scoped3A = tpu.sem_alloc : memref<!tpu.dma_semaphore, #tpu.memory_space<semaphore_mem>>
      %dma_start3A_641 = tpu.memref_slice %arg6[%add3A_572] : memref<1048576xf32, #tpu.memory_space<hbm>> -> memref<4096xf32, #tpu.memory_space<hbm>>
      %dma_start3A_642 = tpu.memref_slice %arg6[%add3A_572] : memref<1048576xf32, #tpu.memory_space<hbm>> -> memref<4096xf32, #tpu.memory_space<hbm>>
      tpu.enqueue_dma source(%dma_start3A_642 : memref<4096xf32, #tpu.memory_space<hbm>>) target(%arg17 : memref<4096xf32, #tpu.memory_space<vmem>>) target_semaphore(%run_scoped3A : memref<!tpu.dma_semaphore, #tpu.memory_space<semaphore_mem>>)
      %dma_wait3A_643 = tpu.memref_slice %arg6[%add3A_572] : memref<1048576xf32, #tpu.memory_space<hbm>> -> memref<4096xf32, #tpu.memory_space<hbm>>
      %dma_wait3A_644 = tpu.memref_slice %arg6[%add3A_572] : memref<1048576xf32, #tpu.memory_space<hbm>> -> memref<4096xf32, #tpu.memory_space<hbm>>
      tpu.wait_dma2 semaphore(%run_scoped3A : memref<!tpu.dma_semaphore, #tpu.memory_space<semaphore_mem>>) src(%dma_wait3A_644 : memref<4096xf32, #tpu.memory_space<hbm>>) dst(%arg17 : memref<4096xf32, #tpu.memory_space<vmem>>)
      tpu.yield
    }) : () -> ()
    %parallel_loop3A_573 = arith.constant 0 : i32
    %parallel_loop3A_574 = arith.constant 256 : i32
    %parallel_loop3A_575 = arith.constant 1 : i32
    scf.for %parallel_loop3A_641 = %parallel_loop3A_573 to %parallel_loop3A_574 step %parallel_loop3A_575  : i32 {
      %parallel_loop3A_642 = arith.constant 16 : i32
      %parallel_loop3A_643 = arith.muli %parallel_loop3A_641, %parallel_loop3A_642 : i32
      %parallel_loop3A_644 = arith.index_cast %parallel_loop3A_643 : i32 to index
      %parallel_loop3A_645 = tpu.vector_load %arg15[%parallel_loop3A_644] {strides = array<i32>} : memref<4096xf32, #tpu.memory_space<vmem>>, vector<16xf32>,
      %parallel_loop3A_646 = arith.index_cast %parallel_loop3A_643 : i32 to index
      %parallel_loop3A_647 = tpu.vector_load %arg17[%parallel_loop3A_646] {strides = array<i32>} : memref<4096xf32, #tpu.memory_space<vmem>>, vector<16xf32>,
      %parallel_loop3A_648 = arith.addf %parallel_loop3A_645, %parallel_loop3A_647 : vector<16xf32>
      %parallel_loop3A_649 = arith.index_cast %parallel_loop3A_643 : i32 to index
      %parallel_loop3A_650 = tpu.vector_load %arg15[%parallel_loop3A_649] {strides = array<i32>} : memref<4096xf32, #tpu.memory_space<vmem>>, vector<16xf32>,
      tpu.vector_store %arg15[%parallel_loop3A_649], %parallel_loop3A_648 {strides = array<i32>} : memref<4096xf32, #tpu.memory_space<vmem>>, vector<16xf32>,
    } {sc.loop_unroll_factor = 4 : i64, sc.parallel_access}
    %add3A_576 = arith.constant 2 : i32
    %add3A_577 = arith.addi %sub3A_34, %add3A_576 : i32
    %mul3A_578 = arith.constant 32768 : i32
    %mul3A_579 = arith.muli %add3A_577, %mul3A_578 : i32
    %add3A_580 = arith.constant 16384 : i32
    %add3A_581 = arith.addi %mul3A_579, %add3A_580 : i32
    %add3A_582 = arith.addi %add3A_581, %mul3A_541 : i32
    "tpu.region"() ({
      %run_scoped3A = tpu.sem_alloc : memref<!tpu.dma_semaphore, #tpu.memory_space<semaphore_mem>>
      %dma_start3A_641 = tpu.memref_slice %arg6[%add3A_582] : memref<1048576xf32, #tpu.memory_space<hbm>> -> memref<4096xf32, #tpu.memory_space<hbm>>
      %dma_start3A_642 = tpu.memref_slice %arg6[%add3A_582] : memref<1048576xf32, #tpu.memory_space<hbm>> -> memref<4096xf32, #tpu.memory_space<hbm>>
      tpu.enqueue_dma source(%dma_start3A_642 : memref<4096xf32, #tpu.memory_space<hbm>>) target(%arg17 : memref<4096xf32, #tpu.memory_space<vmem>>) target_semaphore(%run_scoped3A : memref<!tpu.dma_semaphore, #tpu.memory_space<semaphore_mem>>)
      %dma_wait3A_643 = tpu.memref_slice %arg6[%add3A_582] : memref<1048576xf32, #tpu.memory_space<hbm>> -> memref<4096xf32, #tpu.memory_space<hbm>>
      %dma_wait3A_644 = tpu.memref_slice %arg6[%add3A_582] : memref<1048576xf32, #tpu.memory_space<hbm>> -> memref<4096xf32, #tpu.memory_space<hbm>>
      tpu.wait_dma2 semaphore(%run_scoped3A : memref<!tpu.dma_semaphore, #tpu.memory_space<semaphore_mem>>) src(%dma_wait3A_644 : memref<4096xf32, #tpu.memory_space<hbm>>) dst(%arg17 : memref<4096xf32, #tpu.memory_space<vmem>>)
      tpu.yield
    }) : () -> ()
    %parallel_loop3A_583 = arith.constant 0 : i32
    %parallel_loop3A_584 = arith.constant 256 : i32
    %parallel_loop3A_585 = arith.constant 1 : i32
    scf.for %parallel_loop3A_641 = %parallel_loop3A_583 to %parallel_loop3A_584 step %parallel_loop3A_585  : i32 {
      %parallel_loop3A_642 = arith.constant 16 : i32
      %parallel_loop3A_643 = arith.muli %parallel_loop3A_641, %parallel_loop3A_642 : i32
      %parallel_loop3A_644 = arith.index_cast %parallel_loop3A_643 : i32 to index
      %parallel_loop3A_645 = tpu.vector_load %arg16[%parallel_loop3A_644] {strides = array<i32>} : memref<4096xf32, #tpu.memory_space<vmem>>, vector<16xf32>,
      %parallel_loop3A_646 = arith.index_cast %parallel_loop3A_643 : i32 to index
      %parallel_loop3A_647 = tpu.vector_load %arg17[%parallel_loop3A_646] {strides = array<i32>} : memref<4096xf32, #tpu.memory_space<vmem>>, vector<16xf32>,
      %parallel_loop3A_648 = arith.addf %parallel_loop3A_645, %parallel_loop3A_647 : vector<16xf32>
      %parallel_loop3A_649 = arith.index_cast %parallel_loop3A_643 : i32 to index
      %parallel_loop3A_650 = tpu.vector_load %arg16[%parallel_loop3A_649] {strides = array<i32>} : memref<4096xf32, #tpu.memory_space<vmem>>, vector<16xf32>,
      tpu.vector_store %arg16[%parallel_loop3A_649], %parallel_loop3A_648 {strides = array<i32>} : memref<4096xf32, #tpu.memory_space<vmem>>, vector<16xf32>,
    } {sc.loop_unroll_factor = 4 : i64, sc.parallel_access}
    %add3A_586 = arith.constant 3 : i32
    %add3A_587 = arith.addi %sub3A_34, %add3A_586 : i32
    %mul3A_588 = arith.constant 32768 : i32
    %mul3A_589 = arith.muli %add3A_587, %mul3A_588 : i32
    %add3A_590 = arith.addi %mul3A_589, %mul3A_541 : i32
    "tpu.region"() ({
      %run_scoped3A = tpu.sem_alloc : memref<!tpu.dma_semaphore, #tpu.memory_space<semaphore_mem>>
      %dma_start3A_641 = tpu.memref_slice %arg6[%add3A_590] : memref<1048576xf32, #tpu.memory_space<hbm>> -> memref<4096xf32, #tpu.memory_space<hbm>>
      %dma_start3A_642 = tpu.memref_slice %arg6[%add3A_590] : memref<1048576xf32, #tpu.memory_space<hbm>> -> memref<4096xf32, #tpu.memory_space<hbm>>
      tpu.enqueue_dma source(%dma_start3A_642 : memref<4096xf32, #tpu.memory_space<hbm>>) target(%arg17 : memref<4096xf32, #tpu.memory_space<vmem>>) target_semaphore(%run_scoped3A : memref<!tpu.dma_semaphore, #tpu.memory_space<semaphore_mem>>)
      %dma_wait3A_643 = tpu.memref_slice %arg6[%add3A_590] : memref<1048576xf32, #tpu.memory_space<hbm>> -> memref<4096xf32, #tpu.memory_space<hbm>>
      %dma_wait3A_644 = tpu.memref_slice %arg6[%add3A_590] : memref<1048576xf32, #tpu.memory_space<hbm>> -> memref<4096xf32, #tpu.memory_space<hbm>>
      tpu.wait_dma2 semaphore(%run_scoped3A : memref<!tpu.dma_semaphore, #tpu.memory_space<semaphore_mem>>) src(%dma_wait3A_644 : memref<4096xf32, #tpu.memory_space<hbm>>) dst(%arg17 : memref<4096xf32, #tpu.memory_space<vmem>>)
      tpu.yield
    }) : () -> ()
    %parallel_loop3A_591 = arith.constant 0 : i32
    %parallel_loop3A_592 = arith.constant 256 : i32
    %parallel_loop3A_593 = arith.constant 1 : i32
    scf.for %parallel_loop3A_641 = %parallel_loop3A_591 to %parallel_loop3A_592 step %parallel_loop3A_593  : i32 {
      %parallel_loop3A_642 = arith.constant 16 : i32
      %parallel_loop3A_643 = arith.muli %parallel_loop3A_641, %parallel_loop3A_642 : i32
      %parallel_loop3A_644 = arith.index_cast %parallel_loop3A_643 : i32 to index
      %parallel_loop3A_645 = tpu.vector_load %arg15[%parallel_loop3A_644] {strides = array<i32>} : memref<4096xf32, #tpu.memory_space<vmem>>, vector<16xf32>,
      %parallel_loop3A_646 = arith.index_cast %parallel_loop3A_643 : i32 to index
      %parallel_loop3A_647 = tpu.vector_load %arg17[%parallel_loop3A_646] {strides = array<i32>} : memref<4096xf32, #tpu.memory_space<vmem>>, vector<16xf32>,
      %parallel_loop3A_648 = arith.addf %parallel_loop3A_645, %parallel_loop3A_647 : vector<16xf32>
      %parallel_loop3A_649 = arith.index_cast %parallel_loop3A_643 : i32 to index
      %parallel_loop3A_650 = tpu.vector_load %arg15[%parallel_loop3A_649] {strides = array<i32>} : memref<4096xf32, #tpu.memory_space<vmem>>, vector<16xf32>,
      tpu.vector_store %arg15[%parallel_loop3A_649], %parallel_loop3A_648 {strides = array<i32>} : memref<4096xf32, #tpu.memory_space<vmem>>, vector<16xf32>,
    } {sc.loop_unroll_factor = 4 : i64, sc.parallel_access}
    %add3A_594 = arith.constant 3 : i32
    %add3A_595 = arith.addi %sub3A_34, %add3A_594 : i32
    %mul3A_596 = arith.constant 32768 : i32
    %mul3A_597 = arith.muli %add3A_595, %mul3A_596 : i32
    %add3A_598 = arith.constant 16384 : i32
    %add3A_599 = arith.addi %mul3A_597, %add3A_598 : i32
    %add3A_600 = arith.addi %add3A_599, %mul3A_541 : i32
    "tpu.region"() ({
      %run_scoped3A = tpu.sem_alloc : memref<!tpu.dma_semaphore, #tpu.memory_space<semaphore_mem>>
      %dma_start3A_641 = tpu.memref_slice %arg6[%add3A_600] : memref<1048576xf32, #tpu.memory_space<hbm>> -> memref<4096xf32, #tpu.memory_space<hbm>>
      %dma_start3A_642 = tpu.memref_slice %arg6[%add3A_600] : memref<1048576xf32, #tpu.memory_space<hbm>> -> memref<4096xf32, #tpu.memory_space<hbm>>
      tpu.enqueue_dma source(%dma_start3A_642 : memref<4096xf32, #tpu.memory_space<hbm>>) target(%arg17 : memref<4096xf32, #tpu.memory_space<vmem>>) target_semaphore(%run_scoped3A : memref<!tpu.dma_semaphore, #tpu.memory_space<semaphore_mem>>)
      %dma_wait3A_643 = tpu.memref_slice %arg6[%add3A_600] : memref<1048576xf32, #tpu.memory_space<hbm>> -> memref<4096xf32, #tpu.memory_space<hbm>>
      %dma_wait3A_644 = tpu.memref_slice %arg6[%add3A_600] : memref<1048576xf32, #tpu.memory_space<hbm>> -> memref<4096xf32, #tpu.memory_space<hbm>>
      tpu.wait_dma2 semaphore(%run_scoped3A : memref<!tpu.dma_semaphore, #tpu.memory_space<semaphore_mem>>) src(%dma_wait3A_644 : memref<4096xf32, #tpu.memory_space<hbm>>) dst(%arg17 : memref<4096xf32, #tpu.memory_space<vmem>>)
      tpu.yield
    }) : () -> ()
    %parallel_loop3A_601 = arith.constant 0 : i32
    %parallel_loop3A_602 = arith.constant 256 : i32
    %parallel_loop3A_603 = arith.constant 1 : i32
    scf.for %parallel_loop3A_641 = %parallel_loop3A_601 to %parallel_loop3A_602 step %parallel_loop3A_603  : i32 {
      %parallel_loop3A_642 = arith.constant 16 : i32
      %parallel_loop3A_643 = arith.muli %parallel_loop3A_641, %parallel_loop3A_642 : i32
      %parallel_loop3A_644 = arith.index_cast %parallel_loop3A_643 : i32 to index
      %parallel_loop3A_645 = tpu.vector_load %arg16[%parallel_loop3A_644] {strides = array<i32>} : memref<4096xf32, #tpu.memory_space<vmem>>, vector<16xf32>,
      %parallel_loop3A_646 = arith.index_cast %parallel_loop3A_643 : i32 to index
      %parallel_loop3A_647 = tpu.vector_load %arg17[%parallel_loop3A_646] {strides = array<i32>} : memref<4096xf32, #tpu.memory_space<vmem>>, vector<16xf32>,
      %parallel_loop3A_648 = arith.addf %parallel_loop3A_645, %parallel_loop3A_647 : vector<16xf32>
      %parallel_loop3A_649 = arith.index_cast %parallel_loop3A_643 : i32 to index
      %parallel_loop3A_650 = tpu.vector_load %arg16[%parallel_loop3A_649] {strides = array<i32>} : memref<4096xf32, #tpu.memory_space<vmem>>, vector<16xf32>,
      tpu.vector_store %arg16[%parallel_loop3A_649], %parallel_loop3A_648 {strides = array<i32>} : memref<4096xf32, #tpu.memory_space<vmem>>, vector<16xf32>,
    } {sc.loop_unroll_factor = 4 : i64, sc.parallel_access}
    %parallel_loop3A_604 = arith.constant 0 : i32
    %parallel_loop3A_605 = arith.constant 256 : i32
    %parallel_loop3A_606 = arith.constant 1 : i32
    %parallel_loop3A_607:4 = scf.for %parallel_loop3A_641 = %parallel_loop3A_604 to %parallel_loop3A_605 step %parallel_loop3A_606 iter_args(%parallel_loop3A_642 = %broadcast_in_dim3A_35, %parallel_loop3A_643 = %broadcast_in_dim3A_35, %parallel_loop3A_644 = %broadcast_in_dim3A_35, %parallel_loop3A_645 = %broadcast_in_dim3A_35) -> (vector<16xf32>, vector<16xf32>, vector<16xf32>, vector<16xf32>)  : i32 {
      %parallel_loop3A_646 = arith.constant 16 : i32
      %parallel_loop3A_647 = arith.muli %parallel_loop3A_641, %parallel_loop3A_646 : i32
      %parallel_loop3A_648 = arith.index_cast %parallel_loop3A_647 : i32 to index
      %parallel_loop3A_649 = tpu.vector_load %arg16[%parallel_loop3A_648] {strides = array<i32>} : memref<4096xf32, #tpu.memory_space<vmem>>, vector<16xf32>,
      %parallel_loop3A_650 = arith.constant 16 : i32
      %parallel_loop3A_651 = arith.muli %parallel_loop3A_641, %parallel_loop3A_650 : i32
      %parallel_loop3A_652 = arith.index_cast %parallel_loop3A_651 : i32 to index
      %parallel_loop3A_653 = tpu.vector_load %arg15[%parallel_loop3A_652] {strides = array<i32>} : memref<4096xf32, #tpu.memory_space<vmem>>, vector<16xf32>,
      %parallel_loop3A_654 = arith.constant true
      %parallel_loop3A_655 = vector.broadcast %parallel_loop3A_654 : i1 to vector<16xi1>
      %parallel_loop3A_656 = tpu.scan <sum>, %parallel_loop3A_649 masked %parallel_loop3A_655 : vector<16xf32>, vector<16xi1> -> vector<16xf32>
      %parallel_loop3A_657 = arith.addf %parallel_loop3A_642, %parallel_loop3A_656 : vector<16xf32>
      %parallel_loop3A_658 = arith.mulf %parallel_loop3A_653, %parallel_loop3A_657 : vector<16xf32>
      %parallel_loop3A_659 = arith.addf %parallel_loop3A_643, %parallel_loop3A_658 : vector<16xf32>
      %parallel_loop3A_660 = arith.mulf %parallel_loop3A_649, %parallel_loop3A_653 : vector<16xf32>
      %parallel_loop3A_661 = arith.addf %parallel_loop3A_644, %parallel_loop3A_660 : vector<16xf32>
      %parallel_loop3A_662 = arith.addf %parallel_loop3A_645, %parallel_loop3A_653 : vector<16xf32>
      %parallel_loop3A_663 = arith.constant true
      %parallel_loop3A_664 = vector.broadcast %parallel_loop3A_663 : i1 to vector<16xi1>
      %parallel_loop3A_665 = tpu.scan <sum>, %parallel_loop3A_649 masked %parallel_loop3A_664 : vector<16xf32>, vector<16xi1> -> vector<16xf32>
      %parallel_loop3A_666 = vector.extract %parallel_loop3A_665[15] : f32 from vector<16xf32>
      %parallel_loop3A_667 = vector.broadcast %parallel_loop3A_666 : f32 to vector<16xf32>
      %parallel_loop3A_668 = arith.addf %parallel_loop3A_642, %parallel_loop3A_667 : vector<16xf32>
      scf.yield %parallel_loop3A_668, %parallel_loop3A_659, %parallel_loop3A_661, %parallel_loop3A_662 : vector<16xf32>, vector<16xf32>, vector<16xf32>, vector<16xf32>
    } {sc.loop_unroll_factor = 2 : i64, sc.parallel_access}
    %reduce_sum3A = arith.constant true
    %reduce_sum3A_608 = vector.broadcast %reduce_sum3A : i1 to vector<16xi1>
    %reduce_sum3A_609 = tpu.scan <sum>, %parallel_loop3A_607#3 masked %reduce_sum3A_608 : vector<16xf32>, vector<16xi1> -> vector<16xf32>
    %reduce_sum3A_610 = vector.extract %reduce_sum3A_609[15] : f32 from vector<16xf32>
    %broadcast_in_dim3A_611 = vector.broadcast %reduce_sum3A_610 : f32 to vector<16xf32>
    %mul3A_612 = arith.mulf %parallel_loop3A_607#0, %broadcast_in_dim3A_611 : vector<16xf32>
    %reduce_sum3A_613 = arith.constant true
    %reduce_sum3A_614 = vector.broadcast %reduce_sum3A_613 : i1 to vector<16xi1>
    %reduce_sum3A_615 = tpu.scan <sum>, %parallel_loop3A_607#1 masked %reduce_sum3A_614 : vector<16xf32>, vector<16xi1> -> vector<16xf32>
    %reduce_sum3A_616 = vector.extract %reduce_sum3A_615[15] : f32 from vector<16xf32>
    %broadcast_in_dim3A_617 = vector.broadcast %reduce_sum3A_616 : f32 to vector<16xf32>
    %sub3A_618 = arith.subf %mul3A_612, %broadcast_in_dim3A_617 : vector<16xf32>
    %reduce_sum3A_619 = arith.constant true
    %reduce_sum3A_620 = vector.broadcast %reduce_sum3A_619 : i1 to vector<16xi1>
    %reduce_sum3A_621 = tpu.scan <sum>, %parallel_loop3A_607#2 masked %reduce_sum3A_620 : vector<16xf32>, vector<16xi1> -> vector<16xf32>
    %reduce_sum3A_622 = vector.extract %reduce_sum3A_621[15] : f32 from vector<16xf32>
    %broadcast_in_dim3A_623 = vector.broadcast %reduce_sum3A_622 : f32 to vector<16xf32>
    %mul3A_624 = arith.constant 5.000000e-01 : f32
    %mul3A_625 = vector.broadcast %mul3A_624 : f32 to vector<16xf32>
    %mul3A_626 = arith.mulf %mul3A_625, %broadcast_in_dim3A_623 : vector<16xf32>
    %add3A_627 = arith.addf %sub3A_618, %mul3A_626 : vector<16xf32>
    %swap3A = arith.constant 0 : index
    %swap3A_628 = tpu.vector_load %arg18[%swap3A] {strides = array<i32>} : memref<48xf32, #tpu.memory_space<vmem>>, vector<16xf32>,
    tpu.vector_store %arg18[%swap3A], %parallel_loop3A_607#0 {strides = array<i32>} : memref<48xf32, #tpu.memory_space<vmem>>, vector<16xf32>,
    %swap3A_629 = arith.constant 16 : index
    %swap3A_630 = tpu.vector_load %arg18[%swap3A_629] {strides = array<i32>} : memref<48xf32, #tpu.memory_space<vmem>>, vector<16xf32>,
    tpu.vector_store %arg18[%swap3A_629], %broadcast_in_dim3A_611 {strides = array<i32>} : memref<48xf32, #tpu.memory_space<vmem>>, vector<16xf32>,
    %swap3A_631 = arith.constant 32 : index
    %swap3A_632 = tpu.vector_load %arg18[%swap3A_631] {strides = array<i32>} : memref<48xf32, #tpu.memory_space<vmem>>, vector<16xf32>,
    tpu.vector_store %arg18[%swap3A_631], %add3A_627 {strides = array<i32>} : memref<48xf32, #tpu.memory_space<vmem>>, vector<16xf32>,
    %mul3A_633 = arith.constant 3 : i32
    %mul3A_634 = arith.muli %add3A, %mul3A_633 : i32
    %mul3A_635 = arith.constant 16 : i32
    %mul3A_636 = arith.muli %mul3A_634, %mul3A_635 : i32
    "tpu.region"() ({
      %run_scoped3A = tpu.sem_alloc : memref<!tpu.dma_semaphore, #tpu.memory_space<semaphore_mem>>
      %dma_start3A_641 = tpu.memref_slice %arg7[%mul3A_636] : memref<1536xf32, #tpu.memory_space<hbm>> -> memref<48xf32, #tpu.memory_space<hbm>>
      %dma_start3A_642 = tpu.memref_slice %arg7[%mul3A_636] : memref<1536xf32, #tpu.memory_space<hbm>> -> memref<48xf32, #tpu.memory_space<hbm>>
      tpu.enqueue_dma source(%arg18 : memref<48xf32, #tpu.memory_space<vmem>>) target(%dma_start3A_642 : memref<48xf32, #tpu.memory_space<hbm>>) target_semaphore(%run_scoped3A : memref<!tpu.dma_semaphore, #tpu.memory_space<semaphore_mem>>)
      %dma_wait3A_643 = tpu.memref_slice %arg7[%mul3A_636] : memref<1536xf32, #tpu.memory_space<hbm>> -> memref<48xf32, #tpu.memory_space<hbm>>
      %dma_wait3A_644 = tpu.memref_slice %arg7[%mul3A_636] : memref<1536xf32, #tpu.memory_space<hbm>> -> memref<48xf32, #tpu.memory_space<hbm>>
      tpu.wait_dma2 semaphore(%run_scoped3A : memref<!tpu.dma_semaphore, #tpu.memory_space<semaphore_mem>>) src(%arg18 : memref<48xf32, #tpu.memory_space<vmem>>) dst(%dma_wait3A_644 : memref<48xf32, #tpu.memory_space<hbm>>)
      tpu.yield
    }) : () -> ()
    %barrier3A_637 = arith.constant 0 : index
    tpu.barrier barrier_id(%barrier3A_637)
    %eq3A_638 = arith.constant 0 : i32
    %eq3A_639 = arith.cmpi eq, %select_n3A_33, %eq3A_638 : i32
    %convert_element_type3A = arith.extui %eq3A_639 : i1 to i32
    %cond3A = arith.constant 0 : i32
    %cond3A_640 = arith.cmpi ne, %convert_element_type3A, %cond3A : i32
    scf.if %cond3A_640 {
      %mul3A_641 = arith.constant 3 : i32
      %mul3A_642 = arith.muli %sub3A_34, %mul3A_641 : i32
      %mul3A_643 = arith.constant 16 : i32
      %mul3A_644 = arith.muli %mul3A_642, %mul3A_643 : i32
      "tpu.region"() ({
        %run_scoped3A = tpu.sem_alloc : memref<!tpu.dma_semaphore, #tpu.memory_space<semaphore_mem>>
        %dma_start3A_700 = tpu.memref_slice %arg7[%mul3A_644] : memref<1536xf32, #tpu.memory_space<hbm>> -> memref<192xf32, #tpu.memory_space<hbm>>
        %dma_start3A_701 = tpu.memref_slice %arg7[%mul3A_644] : memref<1536xf32, #tpu.memory_space<hbm>> -> memref<192xf32, #tpu.memory_space<hbm>>
        tpu.enqueue_dma source(%dma_start3A_701 : memref<192xf32, #tpu.memory_space<hbm>>) target(%arg19 : memref<192xf32, #tpu.memory_space<vmem>>) target_semaphore(%run_scoped3A : memref<!tpu.dma_semaphore, #tpu.memory_space<semaphore_mem>>)
        %dma_wait3A_702 = tpu.memref_slice %arg7[%mul3A_644] : memref<1536xf32, #tpu.memory_space<hbm>> -> memref<192xf32, #tpu.memory_space<hbm>>
        %dma_wait3A_703 = tpu.memref_slice %arg7[%mul3A_644] : memref<1536xf32, #tpu.memory_space<hbm>> -> memref<192xf32, #tpu.memory_space<hbm>>
        tpu.wait_dma2 semaphore(%run_scoped3A : memref<!tpu.dma_semaphore, #tpu.memory_space<semaphore_mem>>) src(%dma_wait3A_703 : memref<192xf32, #tpu.memory_space<hbm>>) dst(%arg19 : memref<192xf32, #tpu.memory_space<vmem>>)
        tpu.yield
      }) : () -> ()
      %get3A = arith.constant 144 : index
      %get3A_645 = tpu.vector_load %arg19[%get3A] {strides = array<i32>} : memref<192xf32, #tpu.memory_space<vmem>>, vector<16xf32>,
      %get3A_646 = arith.constant 160 : index
      %get3A_647 = tpu.vector_load %arg19[%get3A_646] {strides = array<i32>} : memref<192xf32, #tpu.memory_space<vmem>>, vector<16xf32>,
      %get3A_648 = arith.constant 176 : index
      %get3A_649 = tpu.vector_load %arg19[%get3A_648] {strides = array<i32>} : memref<192xf32, #tpu.memory_space<vmem>>, vector<16xf32>,
      %add3A_650 = arith.addf %broadcast_in_dim3A_35, %get3A_649 : vector<16xf32>
      %mul3A_651 = arith.mulf %get3A_647, %broadcast_in_dim3A_35 : vector<16xf32>
      %add3A_652 = arith.addf %add3A_650, %mul3A_651 : vector<16xf32>
      %add3A_653 = arith.addf %broadcast_in_dim3A_35, %get3A_645 : vector<16xf32>
      %add3A_654 = arith.addf %broadcast_in_dim3A_35, %get3A_647 : vector<16xf32>
      %get3A_655 = arith.constant 96 : index
      %get3A_656 = tpu.vector_load %arg19[%get3A_655] {strides = array<i32>} : memref<192xf32, #tpu.memory_space<vmem>>, vector<16xf32>,
      %get3A_657 = arith.constant 112 : index
      %get3A_658 = tpu.vector_load %arg19[%get3A_657] {strides = array<i32>} : memref<192xf32, #tpu.memory_space<vmem>>, vector<16xf32>,
      %get3A_659 = arith.constant 128 : index
      %get3A_660 = tpu.vector_load %arg19[%get3A_659] {strides = array<i32>} : memref<192xf32, #tpu.memory_space<vmem>>, vector<16xf32>,
      %add3A_661 = arith.addf %add3A_652, %get3A_660 : vector<16xf32>
      %mul3A_662 = arith.mulf %get3A_658, %add3A_653 : vector<16xf32>
      %add3A_663 = arith.addf %add3A_661, %mul3A_662 : vector<16xf32>
      %add3A_664 = arith.addf %add3A_653, %get3A_656 : vector<16xf32>
      %add3A_665 = arith.addf %add3A_654, %get3A_658 : vector<16xf32>
      %get3A_666 = arith.constant 48 : index
      %get3A_667 = tpu.vector_load %arg19[%get3A_666] {strides = array<i32>} : memref<192xf32, #tpu.memory_space<vmem>>, vector<16xf32>,
      %get3A_668 = arith.constant 64 : index
      %get3A_669 = tpu.vector_load %arg19[%get3A_668] {strides = array<i32>} : memref<192xf32, #tpu.memory_space<vmem>>, vector<16xf32>,
      %get3A_670 = arith.constant 80 : index
      %get3A_671 = tpu.vector_load %arg19[%get3A_670] {strides = array<i32>} : memref<192xf32, #tpu.memory_space<vmem>>, vector<16xf32>,
      %add3A_672 = arith.addf %add3A_663, %get3A_671 : vector<16xf32>
      %mul3A_673 = arith.mulf %get3A_669, %add3A_664 : vector<16xf32>
      %add3A_674 = arith.addf %add3A_672, %mul3A_673 : vector<16xf32>
      %add3A_675 = arith.addf %add3A_664, %get3A_667 : vector<16xf32>
      %add3A_676 = arith.addf %add3A_665, %get3A_669 : vector<16xf32>
      %get3A_677 = arith.constant 0 : index
      %get3A_678 = tpu.vector_load %arg19[%get3A_677] {strides = array<i32>} : memref<192xf32, #tpu.memory_space<vmem>>, vector<16xf32>,
      %get3A_679 = arith.constant 16 : index
      %get3A_680 = tpu.vector_load %arg19[%get3A_679] {strides = array<i32>} : memref<192xf32, #tpu.memory_space<vmem>>, vector<16xf32>,
      %get3A_681 = arith.constant 32 : index
      %get3A_682 = tpu.vector_load %arg19[%get3A_681] {strides = array<i32>} : memref<192xf32, #tpu.memory_space<vmem>>, vector<16xf32>,
      %add3A_683 = arith.addf %add3A_674, %get3A_682 : vector<16xf32>
      %mul3A_684 = arith.mulf %get3A_680, %add3A_675 : vector<16xf32>
      %add3A_685 = arith.addf %add3A_683, %mul3A_684 : vector<16xf32>
      %add3A_686 = arith.addf %add3A_675, %get3A_678 : vector<16xf32>
      %add3A_687 = arith.addf %add3A_676, %get3A_680 : vector<16xf32>
      %mul3A_688 = arith.mulf %add3A_686, %add3A_687 : vector<16xf32>
      %eq3A_689 = arith.constant 0.000000e+00 : f32
      %eq3A_690 = vector.broadcast %eq3A_689 : f32 to vector<16xf32>
      %eq3A_691 = arith.cmpf oeq, %mul3A_688, %eq3A_690 : vector<16xf32>
      %broadcast_in_dim3A_692 = arith.constant 5.000000e-01 : f32
      %broadcast_in_dim3A_693 = vector.broadcast %broadcast_in_dim3A_692 : f32 to vector<16xf32>
      %div3A_694 = arith.divf %add3A_685, %mul3A_688 : vector<16xf32>
      %select_n3A_695 = arith.select %eq3A_691, %broadcast_in_dim3A_693, %div3A_694 : vector<16xi1>, vector<16xf32>
      %swap3A_696 = arith.constant 0 : index
      %swap3A_697 = tpu.vector_load %arg20[%swap3A_696] {strides = array<i32>} : memref<16xf32, #tpu.memory_space<vmem>>, vector<16xf32>,
      tpu.vector_store %arg20[%swap3A_696], %select_n3A_695 {strides = array<i32>} : memref<16xf32, #tpu.memory_space<vmem>>, vector<16xf32>,
      %mul3A_698 = arith.constant 16 : i32
      %mul3A_699 = arith.muli %add3A_19, %mul3A_698 : i32
      "tpu.region"() ({
        %run_scoped3A = tpu.sem_alloc : memref<!tpu.dma_semaphore, #tpu.memory_space<semaphore_mem>>
        %dma_start3A_700 = tpu.memref_slice %arg5[%mul3A_699] : memref<128xf32, #tpu.memory_space<hbm>> -> memref<16xf32, #tpu.memory_space<hbm>>
        %dma_start3A_701 = tpu.memref_slice %arg5[%mul3A_699] : memref<128xf32, #tpu.memory_space<hbm>> -> memref<16xf32, #tpu.memory_space<hbm>>
        tpu.enqueue_dma source(%arg20 : memref<16xf32, #tpu.memory_space<vmem>>) target(%dma_start3A_701 : memref<16xf32, #tpu.memory_space<hbm>>) target_semaphore(%run_scoped3A : memref<!tpu.dma_semaphore, #tpu.memory_space<semaphore_mem>>)
        %dma_wait3A_702 = tpu.memref_slice %arg5[%mul3A_699] : memref<128xf32, #tpu.memory_space<hbm>> -> memref<16xf32, #tpu.memory_space<hbm>>
        %dma_wait3A_703 = tpu.memref_slice %arg5[%mul3A_699] : memref<128xf32, #tpu.memory_space<hbm>> -> memref<16xf32, #tpu.memory_space<hbm>>
        tpu.wait_dma2 semaphore(%run_scoped3A : memref<!tpu.dma_semaphore, #tpu.memory_space<semaphore_mem>>) src(%arg20 : memref<16xf32, #tpu.memory_space<vmem>>) dst(%dma_wait3A_703 : memref<16xf32, #tpu.memory_space<hbm>>)
        tpu.yield
      }) : () -> ()
    } else {
    }
    return
  }
}

</mosaic_0001>

<sc_bundles>
// kernel: _auc_sc.3.cloned.1.call-start
scs
__scs_entry_jumppad:
0x0: {  	(pc) =	sbr.rel $0x88, $3  }
0x1: {  	(tag) =	ssettag $0x0;
	lr =	simm.s32 $0x1  }
0x2: {  	[smem:$0x3F9E] =	sst lr;
	_ =	strace $0xD0000000  }
0x3: {  	_ = 	snop  }
0x4: {  	_ = 	snop  }
0x5: {  	_ = 	snop  }
0x6: {  	_ = 	snop  }
0x7: {  	_ = 	snop  }
__scs_overlays_trampoline_lowered:
0x8: {  	[smem:$0x3FAD] =	sst s0  }
0x9: {  	[smem:$0x3FAE] =	sst s1  }
0xa: {  	[smem:$0x3FAF] =	sst s2  }
0xb: {  	[smem:$0x3FB0] =	sst s3  }
0xc: {  	[smem:$0x3FB1] =	sst s4  }
0xd: {  	[smem:$0x3FB2] =	sst s5  }
0xe: {  	[smem:$0x3FB3] =	sst s6  }
0xf: {  	[smem:$0x3FB4] =	sst s7  }
0x10: {  	[smem:$0x3FB5] =	sst s8  }
0x11: {  	[smem:$0x3FB6] =	sst s9;
	s0 =	simm.s32 @!p0 $0x0  }
0x12: {  	s1 =	sld [smem:$0x3F9C];
	s0 =	simm.s32 @p0 $0x1  }
0x13: {  	[smem:$0x3FB7] =	sst s0;
	s0 =	simm.s32 @!p1 $0x0  }
0x14: {  	s2 =	sld [smem:$0x3F9B];
	s0 =	simm.s32 @p1 $0x1  }
0x15: {  	[smem:$0x3FB8] =	sst s0;
	s0 =	simm.s32 @!p2 $0x0  }
0x16: {  	s3 =	sld [smem:$0x3FDB];
	s0 =	simm.s32 @p2 $0x1  }
0x17: {  	s4 =	simm.s32 $0x1BF5;
	[smem:$0x3FBA] =	sst s0  }
0x18: {  	s0 =	sld [smem:$0x3F9D];
	_ =	swait.ge [sflag:s4], $0x0  }
0x19: {  	s7 =	sld [smem:$0x3F9E]  }
0x1a: {  	s8 =	sadd.s32 $0xFFFFE003, lr  }
0x1b: {  	s9 =	sadd.s32 $0xFFFFFEF7, lr;
	s5 =	simm.s32 $0xFFFFFFFF;
	p2 =	slt.u32 s8, $0xFFFFF086  }
0x1c: {  	p1 =	slt.u32 s9, $0xF7A;
	s5 =	simm.s32 @!p2 $0x0  }
0x1d: {  	s5 =	simm.s32 @p1 $0x1;
	p0 =	seq.s32 s7, s2  }
0x1e: {  	s7 =	smul.u32 @!p0 $0xF7A, s2;
	p2 =	seq.s32 @!p0 s5, $0x0  }
0x1f: {  	s9 =	smul.u32 $0xF7A, s1;
	s8 =	simm.s32 @!p0 $0x1BF5;
	p2 =	por !p2, p0  }
0x20: {  	[sflag:s8] =	ssyncset.s32 @!p0 $0xFFFFF086;
	s6 =	sadd.s32 @!p0 s3, s7;
	s7 =	simm.s32 @!p0 $0x108  }
0x21: {  	s3 =	sadd.s32 s3, s9;
	s6 =	sadd.s32 @!p0 $0x88, s6;
	s7 =	simm.s32 @p2 $0x1082  }
0x22: {  	[simem:s7], [sflag:s8] =	dma.local @!p0 [hbm:s6], $0xF7A  }
0x23: {  	s9 =	sor.u32 $0xD0000000, s2;
	s6 =	simm.s32 $0x108;
	_ =	swait.ge @!p0 [sflag:s8], $0x0  }
0x24: {  	s3 =	sadd.s32 $0x88, s3;
	s6 =	simm.s32 @!p1 $0x1082;
	[sflag:s4] =	ssyncset.s32 $0xFFFFF086  }
0x25: {  	[simem:s6], [sflag:s4] =	dma.local [hbm:s3], $0xF7A  }
0x26: {  	[smem:$0x3F9E] =	sst s1;
	(tag) =	ssettag s2;
	_ =	strace s9  }
0x27: {  	s1 =	sld [smem:$0x3FAE]  }
0x28: {  	s2 =	sld [smem:$0x3FAF]  }
0x29: {  	s4 =	sld [smem:$0x3FB1]  }
0x2a: {  	p0 =	seq.s32 s5, $0x0;
	s5 =	sld [smem:$0x3FB2]  }
0x2b: {  	s6 =	sld [smem:$0x3FB3]  }
0x2c: {  	s7 =	sld [smem:$0x3FB4]  }
0x2d: {  	s3 =	simm.s32 $0x108;
	s8 =	sld [smem:$0x3FB5]  }
0x2e: {  	s3 =	simm.s32 @!p0 $0x1082;
	s9 =	sld [smem:$0x3FB6]  }
0x2f: {  	lr =	sadd.s32 s0, s3;
	s0 =	sld [smem:$0x3FAD]  }
0x30: {  	s3 =	sld [smem:$0x3FB0]  }
0x31: {  	[smem:$0x3FB9] =	sst s10  }
0x32: {  	s10 =	sld [smem:$0x3FB7];
	_ =	sdelay $0x3  }
0x33: {  	p0 =	seq.s32 s10, $0x1;
	s10 =	sld [smem:$0x3FB9];
	_ =	sdelay $0x3  }
0x34: {  	[smem:$0x3FB9] =	sst s10  }
0x35: {  	s10 =	sld [smem:$0x3FB8];
	_ =	sdelay $0x3  }
0x36: {  	p1 =	seq.s32 s10, $0x1;
	s10 =	sld [smem:$0x3FB9];
	_ =	sdelay $0x3  }
0x37: {  	[smem:$0x3FB9] =	sst s10  }
0x38: {  	s10 =	sld [smem:$0x3FBA]  }
0x39: {  	_ = 	snop;
	(pc) =	sbr.ind lr, $3  }
0x3a: {  	_ = 	snop  }
0x3b: {  	_ = 	snop  }
0x3c: {  	p2 =	seq.s32 s10, $0x1;
	s10 =	sld [smem:$0x3FB9]  }
0x3d: {  	_ =	shalt  }
0x3e: {  	_ =	shalt  }
0x3f: {  	_ =	shalt  }
0x40: {  	_ =	shalt  }
0x41: {  	_ =	shalt  }
0x42: {  	_ =	shalt  }
0x43: {  	_ =	shalt  }
0x44: {  	_ =	shalt  }
0x45: {  	_ =	shalt  }
0x46: {  	_ =	shalt  }
0x47: {  	_ =	shalt  }
0x48: {  	_ =	shalt  }
0x49: {  	_ =	shalt  }
0x4a: {  	_ =	shalt  }
0x4b: {  	_ =	shalt  }
0x4c: {  	_ =	shalt  }
0x4d: {  	_ =	shalt  }
0x4e: {  	_ =	shalt  }
0x4f: {  	_ =	shalt  }
0x50: {  	_ =	shalt  }
0x51: {  	_ =	shalt  }
0x52: {  	_ =	shalt  }
0x53: {  	_ =	shalt  }
0x54: {  	_ =	shalt  }
0x55: {  	_ =	shalt  }
0x56: {  	_ =	shalt  }
0x57: {  	_ =	shalt  }
0x58: {  	_ =	shalt  }
0x59: {  	_ =	shalt  }
0x5a: {  	_ =	shalt  }
0x5b: {  	_ =	shalt  }
0x5c: {  	_ =	shalt  }
0x5d: {  	_ =	shalt  }
0x5e: {  	_ =	shalt  }
0x5f: {  	_ =	shalt  }
0x60: {  	_ =	shalt  }
0x61: {  	_ =	shalt  }
0x62: {  	_ =	shalt  }
0x63: {  	_ =	shalt  }
0x64: {  	_ =	shalt  }
0x65: {  	_ =	shalt  }
0x66: {  	_ =	shalt  }
0x67: {  	_ =	shalt  }
0x68: {  	_ =	shalt  }
0x69: {  	_ =	shalt  }
0x6a: {  	_ =	shalt  }
0x6b: {  	_ =	shalt  }
0x6c: {  	_ =	shalt  }
0x6d: {  	_ =	shalt  }
0x6e: {  	_ =	shalt  }
0x6f: {  	_ =	shalt  }
0x70: {  	_ =	shalt  }
0x71: {  	_ =	shalt  }
0x72: {  	_ =	shalt  }
0x73: {  	_ =	shalt  }
0x74: {  	_ =	shalt  }
0x75: {  	_ =	shalt  }
0x76: {  	_ =	shalt  }
0x77: {  	_ =	shalt  }
0x78: {  	_ =	shalt  }
0x79: {  	_ =	shalt  }
0x7a: {  	_ =	shalt  }
0x7b: {  	_ =	shalt  }
0x7c: {  	_ =	shalt  }
0x7d: {  	_ =	shalt  }
0x7e: {  	_ =	shalt  }
0x7f: {  	_ =	shalt  }
0x80: {  	_ =	shalt  }
0x81: {  	_ =	shalt  }
0x82: {  	_ =	shalt  }
0x83: {  	_ =	shalt  }
0x84: {  	_ =	shalt  }
0x85: {  	_ =	shalt  }
0x86: {  	_ =	shalt  }
0x87: {  	_ =	shalt  }
.Lfunc_end0:
.L_simem_size_0:
called_computation_lowered:
.L_overlay_start_0:
0x88: {  	s2 =	sld [smem:$0x3FD9]  }
0x89: {  	s3 =	sld [smem:$0x3FFE];
	_ =	sdelay $0x1  }
0x8a: {  	s1 =	srdreg.scid  }
0x8b: {  	s0 =	sand.u32 $0x1, s1  }
0x8c: {  	s17 =	sshll.u32 s0, $0xA;
	s2 =	sadd.s32 s3, s2  }
0x8d: {  	s2 =	sadd.s32 s2, s17  }
0x8e: {  	[smem:$0x3FC5] =	sst s2  }
0x8f: {  	_ = 	snop  }
0x90: {  	s2 =	sld [smem:$0x3FD0];
	(tm) =	ssettm $0x1  }
0x91: {  	s18 =	sld [smem:$0x3FFB];
	_ =	sdelay $0x3  }
0x92: {  	_ =	strace s18  }
0x93: {  	s3 =	sld [smem:$0x3FFC];
	_ =	sdelay $0x3  }
0x94: {  	_ =	strace s3  }
0x95: {  	s3 =	sld [smem:$0x3FFD];
	_ =	sdelay $0x3  }
0x96: {  	_ =	strace s3  }
0x97: {  	_ =	strace $0x8FFFFFFF  }
0x98: {  	s19 =	sld [smem:$0x3FDB];
	_ =	sdelay $0x1  }
0x99: {  	s4 =	simm.s32 $_scs_section_size  }
0x9a: {  	s5 =	simm.s32 $_size__tile_overlayer_lowered;
	s6 =	simm.s32 $_tile_overlayer_lowered  }
0x9b: {  	s22 =	simm.s32 $0x1BFF;
	s21 =	sshll.u32 s6, $0x1;
	s3 =	sadd.s32 s4, s19  }
0x9c: {  	s7 =	simm.s32 $0x0;
	s20 =	sshll.u32 s5, $0x1;
	s5 =	sadd.s32 s21, s3  }
0x9d: {  	[timem:s7], [sflag:s22] =	dma.local [hbm:s5], s20  }
0x9e: {  	_ =	swait.ge [sflag:s22], s20  }
0x9f: {  	s4 =	ssub.s32 $0x0, s20;
	[sflag:s22] =	ssyncset.done $0x0  }
0xa0: {  	[sflag:s22] =	ssyncadd.s32 s4;
	_ =	sdelay $0x1  }
0xa1: {  	s23 =	simm.s32 $0x1B8B  }
0xa2: {  	_ =	swait.ge [sflag:s23], $0x1  }
0xa3: {  	[sflag:s23] =	ssyncset.done $0x0  }
0xa4: {  	s25 =	simm.s32 $0x1B8E;
	s24 =	sld [smem:$0x3FFE];
	[sflag:s23] =	ssyncadd.s32 $0xFFFFFFFF  }
0xa5: {  	s26 =	simm.s32 $execute0_lowered;
	[smem:$0x3FD2] =	sst s25  }
0xa6: {  	s5 =	sshll.u32 s26, $0x1;
	_ =	strace $0x80000046;
	[dreg:$0x1] =	wrdreg $0xFFFFFFFF  }
0xa7: {  	s28 =	simm.s32 $_size_execute0_lowered;
	s3 =	sadd.s32 s3, s5;
	[dreg:$0x0] =	wrdreg $0x0  }
0xa8: {  	s5 =	sshll.u32 s28, $0x1;
	[dreg:$0x2] =	wrdreg s3  }
0xa9: {  	[dreg:$0x3] =	wrdreg s5  }
0xaa: {  	[dreg:$0x4] =	wrdreg $0xC0  }
0xab: {  	_ =	task [dreg:s7], $0x5FFFF  }
0xac: {  	[dreg:$0x1] =	wrdreg $0xFFFFFFFF  }
0xad: {  	[dreg:$0x0] =	wrdreg $0x60  }
0xae: {  	[dreg:$0x2] =	wrdreg s24  }
0xaf: {  	[dreg:$0x3] =	wrdreg s2  }
0xb0: {  	[dreg:$0x4] =	wrdreg $0x9  }
0xb1: {  	_ =	task.clear_ibuf [dreg:s7], $0x5FFFF;
	_ =	strace $0x90000046  }
0xb2: {  	s29 =	simm.s32 $0x9;
	_ =	strace $0x80000048  }
0xb3: {  	_ =	swait.ge [sflag:s29], $0x1  }
0xb4: {  	[sflag:s29] =	ssyncadd.s32 $0xFFFFFFFF  }
0xb5: {  	_ =	strace $0x90000048  }
0xb6: {  	_ =	sfence  }
0xb7: {  	s30 =	sld [smem:$0x0];
	_ =	sdelay $0x2  }
0xb8: {  	s31 =	sshll.u32 s1, $0xD;
	s1 =	sshrl.u32 s1, $0x2  }
0xb9: {  	s3 =	sand.u32 $0x4000, s31;
	s1 =	sadd.s32 s1, s30  }
0xba: {  	s0 =	sor.u32 s3, s0;
	s1 =	sshll.u32 s1, $0x11  }
0xbb: {  	s0 =	sor.u32 s1, s0  }
0xbc: {  	s0 =	sadd.s32 $0x8F2B, s0  }
0xbd: {  	[sflag:s0] =	ssyncadd.remote.s32 $0x1  }
0xbe: {  	_ =	sfence.sel $0xFFFF  }
0xbf: {  	[dreg:$0x0] =	wrdreg $0xFFFFFFFF;
	(pc) =	sbr.abs _section_cstart, $3  }
0xc0: {  	[dreg:$0x1] =	wrdreg $0xFFFFFFFF  }
0xc1: {  	_ =	task.clear_ibuf [dreg:s7], $0x2FFFF;
	_ =	strace $0x9FFFFFFF  }
0xc2: {  	(tm) =	ssettm $0x7FFFFFFF  }
0xc3: {  	_ =	shalt  }
tec
execute0_lowered:
.L_overlay_start_1:
0x0: {  	(tag) =	ssettag $0x1  }
0x1: {  	s0 =	srdreg.scid  }
0x2: {  	s8 =	stileid.u32;
	s2 =	sand.u32 $0x1, s0  }
0x3: {  	s3 =	sshrl.u32 s8, $0x2;
	s0 =	sand.u32 $0x3, s8;
	s1 =	sshll.u32 s2, $0x2  }
0x4: {  	s13 =	smul.u32 $0x3D090, s0;
	s1 =	sor.u32 s3, s1  }
0x5: {  	s7 =	smul.u32 $0xF4240, s1;
	_ =	sdelay $0x1  }
0x6: {  	s5 =	sshll.u32 s2, $0x4;
	s14 =	sadd.s32 s13, s7  }
0x7: {  	s4 =	rddreg [dreg:$0x0];
	s5 =	sor.u32 s8, s5;
	s8 =	sshrl.u32 s14, $0x3  }
0x8: {  	s6 =	sadd.s32 $0xF4400, s4;
	s9 =	smul.u32 $0x6, s5;
	s16 =	sadd.s32 $0x4E2, s8  }
0x9: {  	s10 =	ssub.s32 $0x2, s2;
	s7 =	sadd.s32 $0x1E8A00, s4;
	s11 =	sadd.s32 s6, s16  }
0xa: {  	s2 =	sadd.s32 s9, s4;
	s12 =	sadd.s32 s7, s16;
	[dreg:$0x3] =	wrdreg s11  }
0xb: {  	s18 =	sadd.s32 $0x9C4, s8;
	s9 =	sadd.s32 s4, s16;
	[dreg:$0x4] =	wrdreg s12  }
0xc: {  	s15 =	sshrl.u32 s10, $0x1;
	s19 =	sadd.s32 s6, s18;
	[dreg:$0x5] =	wrdreg s9  }
0xd: {  	s3 =	ssub.s32 s10, s15;
	s20 =	sadd.s32 s7, s18;
	[dreg:$0x6] =	wrdreg s19  }
0xe: {  	s22 =	sadd.s32 $0xEA6, s8;
	s21 =	sadd.s32 s4, s18;
	[dreg:$0x7] =	wrdreg s20  }
0xf: {  	s17 =	ssub.s32 s5, s0;
	s23 =	sadd.s32 s6, s22;
	[dreg:$0x8] =	wrdreg s21  }
0x10: {  	s25 =	sadd.s32 $0x1388, s8;
	s24 =	sadd.s32 s7, s22;
	[dreg:$0x9] =	wrdreg s23  }
0x11: {  	s13 =	sadd.s32 $0x186A, s8;
	s26 =	sadd.s32 s6, s25;
	[dreg:$0xa] =	wrdreg s24  }
0x12: {  	s10 =	sshll.u32 s17, $0xF;
	s15 =	sadd.s32 s6, s13;
	[dreg:$0xc] =	wrdreg s26  }
0x13: {  	s17 =	sadd.s32 $0x1D4C, s8;
	s16 =	sadd.s32 s7, s13;
	[dreg:$0xf] =	wrdreg s15  }
0x14: {  	s18 =	sadd.s32 s6, s17;
	[dreg:$0x10] =	wrdreg s16  }
0x15: {  	s9 =	sadd.s32 s4, s22;
	[dreg:$0x12] =	wrdreg s18  }
0x16: {  	s12 =	sadd.s32 s7, s25;
	[dreg:$0xb] =	wrdreg s9  }
0x17: {  	s11 =	sadd.s32 s4, s25;
	[dreg:$0xd] =	wrdreg s12  }
0x18: {  	s19 =	sadd.s32 s7, s17;
	[dreg:$0xe] =	wrdreg s11  }
0x19: {  	s21 =	sadd.s32 $0x222E, s8;
	s9 =	sadd.s32 s4, s13;
	[dreg:$0x13] =	wrdreg s19  }
0x1a: {  	s14 =	sshll.u32 s0, $0xC;
	s22 =	sadd.s32 s6, s21;
	[dreg:$0x11] =	wrdreg s9  }
0x1b: {  	s20 =	sor.u32 s14, s10;
	s24 =	sadd.s32 s7, s21;
	[dreg:$0x15] =	wrdreg s22  }
0x1c: {  	s23 =	sadd.s32 $0x2710, s8;
	s10 =	sadd.s32 s4, s21;
	[dreg:$0x16] =	wrdreg s24  }
0x1d: {  	s25 =	sadd.s32 s6, s23;
	[dreg:$0x17] =	wrdreg s10  }
0x1e: {  	s14 =	sadd.s32 $0x30D4, s8;
	s26 =	sadd.s32 s7, s23;
	[dreg:$0x18] =	wrdreg s25  }
0x1f: {  	s16 =	sadd.s32 $0x35B6, s8;
	s15 =	sadd.s32 s6, s14;
	[dreg:$0x19] =	wrdreg s26  }
0x20: {  	s18 =	sadd.s32 s6, s16;
	[dreg:$0x1e] =	wrdreg s15  }
0x21: {  	s19 =	sadd.s32 s7, s16;
	[smem:$0x7D2] =	sst s18  }
0x22: {  	s11 =	sadd.s32 $0x2BF2, s8;
	s9 =	sadd.s32 s4, s17;
	[smem:$0x7D3] =	sst s19  }
0x23: {  	s12 =	sadd.s32 s6, s11;
	[dreg:$0x14] =	wrdreg s9  }
0x24: {  	s13 =	sadd.s32 s7, s11;
	[dreg:$0x1b] =	wrdreg s12  }
0x25: {  	s17 =	sadd.s32 s7, s14;
	[dreg:$0x1c] =	wrdreg s13  }
0x26: {  	s21 =	sadd.s32 $0x3A98, s8;
	s10 =	sadd.s32 s4, s14;
	[dreg:$0x1f] =	wrdreg s17  }
0x27: {  	s22 =	sadd.s32 s6, s21;
	[smem:$0x7D1] =	sst s10  }
0x28: {  	s9 =	sadd.s32 s4, s23;
	[smem:$0x7D5] =	sst s22  }
0x29: {  	s24 =	sadd.s32 $0x3F7A, s8;
	s23 =	sadd.s32 s7, s21;
	[dreg:$0x1a] =	wrdreg s9  }
0x2a: {  	s25 =	sadd.s32 s6, s24;
	[smem:$0x7D6] =	sst s23  }
0x2b: {  	s12 =	sadd.s32 s7, s24;
	[smem:$0x7D8] =	sst s25  }
0x2c: {  	s26 =	sadd.s32 $0x445C, s8;
	s10 =	sadd.s32 s4, s24;
	[smem:$0x7D9] =	sst s12  }
0x2d: {  	s13 =	sadd.s32 s6, s26;
	[smem:$0x7DA] =	sst s10  }
0x2e: {  	s15 =	sadd.s32 $0x493E, s8;
	s14 =	sadd.s32 s7, s26;
	[smem:$0x7DB] =	sst s13  }
0x2f: {  	s18 =	sadd.s32 $0x4E20, s8;
	s17 =	sadd.s32 s7, s15;
	[smem:$0x7DC] =	sst s14  }
0x30: {  	s19 =	sadd.s32 s6, s18;
	[smem:$0x7DF] =	sst s17  }
0x31: {  	s22 =	sadd.s32 s7, s18;
	[smem:$0x7E1] =	sst s19  }
0x32: {  	s9 =	sadd.s32 s4, s11;
	[smem:$0x7E2] =	sst s22  }
0x33: {  	s10 =	sadd.s32 s4, s18;
	[dreg:$0x1d] =	wrdreg s9  }
0x34: {  	s9 =	sadd.s32 s4, s16;
	[smem:$0x7E3] =	sst s10  }
0x35: {  	s25 =	sadd.s32 $0x57E4, s8;
	s16 =	sadd.s32 s6, s15;
	[smem:$0x7D4] =	sst s9  }
0x36: {  	s12 =	sadd.s32 $0x5CC6, s8;
	s11 =	sadd.s32 s7, s25;
	[smem:$0x7DE] =	sst s16  }
0x37: {  	s13 =	sadd.s32 s6, s12;
	[smem:$0x7E8] =	sst s11  }
0x38: {  	s14 =	sadd.s32 $0x61A8, s8;
	s10 =	sadd.s32 s4, s12;
	[smem:$0x7EA] =	sst s13  }
0x39: {  	s18 =	sadd.s32 $0x668A, s8;
	s17 =	sadd.s32 s7, s14;
	[smem:$0x7EC] =	sst s10  }
0x3a: {  	s19 =	sadd.s32 s6, s18;
	[smem:$0x7EE] =	sst s17  }
0x3b: {  	s9 =	sadd.s32 s4, s21;
	[smem:$0x7F0] =	sst s19  }
0x3c: {  	s22 =	sadd.s32 $0x6B6C, s8;
	s16 =	sadd.s32 s6, s14;
	[smem:$0x7D7] =	sst s9  }
0x3d: {  	s10 =	sadd.s32 s4, s22;
	[smem:$0x7ED] =	sst s16  }
0x3e: {  	s13 =	sadd.s32 s7, s8;
	[smem:$0x7F5] =	sst s10  }
0x3f: {  	s21 =	sadd.s32 $0x5302, s8;
	s9 =	sadd.s32 s4, s26;
	[smem:$0x7FA] =	sst s13  }
0x40: {  	s23 =	sadd.s32 s6, s21;
	[smem:$0x7DD] =	sst s9  }
0x41: {  	s28 =	simm.s32 $0x8000;
	s24 =	sadd.s32 s7, s21;
	[smem:$0x7E4] =	sst s23  }
0x42: {  	s29 =	simm.s32 $0xA780;
	s26 =	sadd.s32 s6, s25;
	[smem:$0x7E5] =	sst s24  }
0x43: {  	s30 =	simm.s32 $0xCF00;
	s9 =	sadd.s32 s4, s15;
	[smem:$0x7E7] =	sst s26  }
0x44: {  	s31 =	simm.s32 $0xF680;
	s15 =	sadd.s32 s7, s12;
	[smem:$0x7E0] =	sst s9  }
0x45: {  	p0 =	sne.s32 s0, $0x0;
	s23 =	sadd.s32 s6, s22;
	[smem:$0x7EB] =	sst s15  }
0x46: {  	s5 =	sshll.u32 s5, $0xC;
	s12 =	sadd.s32 s6, s8;
	[smem:$0x7F3] =	sst s23  }
0x47: {  	s1 =	sshll.u32 s1, $0x1;
	s9 =	sadd.s32 s4, s21;
	[smem:$0x7F9] =	sst s12  }
0x48: {  	s24 =	sadd.s32 $0x704E, s8;
	s21 =	sadd.s32 s7, s18;
	[smem:$0x7E6] =	sst s9  }
0x49: {  	s0 =	simm.s32 $0x11E00;
	s26 =	sadd.s32 s6, s24;
	[smem:$0x7F1] =	sst s21  }
0x4a: {  	s17 =	sadd.s32 $0x8000, s20;
	s11 =	sadd.s32 s7, s24;
	[smem:$0x7F6] =	sst s26  }
0x4b: {  	s19 =	sadd.s32 $0x10000, s20;
	s16 =	sshrl.u32 s20, $0x3;
	[smem:$0x7F7] =	sst s11  }
0x4c: {  	s23 =	sadd.s32 $0x18000, s20;
	s9 =	sadd.s32 s4, s25;
	s26 =	rddreg [dreg:$0x1]  }
0x4d: {  	s25 =	sadd.s32 s7, s22;
	s21 =	sshrl.u32 s19, $0x3;
	[smem:$0x7E9] =	sst s9  }
0x4e: {  	s22 =	sadd.s32 $0x14000, s20;
	s9 =	sadd.s32 s4, s14;
	[smem:$0x7F4] =	sst s25  }
0x4f: {  	s14 =	sadd.s32 s4, s8;
	s8 =	sadd.s32 $0x7530, s8;
	[smem:$0x7EF] =	sst s9  }
0x50: {  	s9 =	sadd.s32 s4, s18;
	[smem:$0x7FB] =	sst s14;
	s6 =	sadd.s32 s6, s8  }
0x51: {  	s15 =	sadd.s32 s7, s8;
	s13 =	sadd.s32 s4, s8;
	[smem:$0x7F2] =	sst s9  }
0x52: {  	s14 =	simm.s32 $0x0;
	s18 =	sadd.s32 $0xC000, s20;
	[smem:$0x7FC] =	sst s6  }
0x53: {  	s9 =	sadd.s32 s4, s24;
	[smem:$0x7FD] =	sst s15;
	s4 =	sadd.s32 $0x2DCE00, s4  }
0x54: {  	[smem:$0x7FF] =	sst s14;
	s6 =	sshrl.u32 s18, $0x3;
	s24 =	sadd.s32 $0x1C000, s20  }
0x55: {  	[smem:$0x7F8] =	sst s9;
	s15 =	sadd.s32 s4, s5;
	s16 =	sadd.s32 s4, s16  }
0x56: {  	s5 =	sshrl.u32 s17, $0x3;
	s18 =	sadd.s32 s4, s6;
	s19 =	sadd.s32 s4, s21  }
0x57: {  	s6 =	sshrl.u32 s23, $0x3;
	s25 =	sshrl.u32 s24, $0x3;
	s23 =	sadd.s32 s26, s1  }
0x58: {  	s24 =	sadd.s32 $0x2FCE00, s2;
	s1 =	simm.s32 $0x14580;
	s2 =	simm.s32 $0x1  }
0x59: {  	s17 =	sadd.s32 s4, s5;
	s5 =	sshrl.u32 s22, $0x3;
	s21 =	sadd.s32 s4, s6  }
0x5a: {  	s22 =	sadd.s32 s4, s25;
	_ =	strace $0x80000047;
	s25 =	smax.u32 s3, $0x1  }
0x5b: {  	s26 =	sadd.s32 $0x800, s16;
	s3 =	simm.s32 $0x2;
	s6 =	simm.s32 $0x0  }
0x5c: {  	v0 =	vimm.f32 $0.0e+00;
	s20 =	sadd.s32 s4, s5;
	s4 =	simm.s32 $0x3;
	s5 =	simm.s32 $0x18D00  }
.LBB2_1:
0x5d: {  	s7 =	simm.s32 $0x20  }
0x5e: {  	[tilespmem:s7+$0xFFFFFFE0] =	vst v0  }
0x5f: {  	[tilespmem:s7+$0x10] =	vst v0  }
0x60: {  	s8 =	simm.s32 $0x0;
	[tilespmem:s7+$0x0] =	vst v0  }
.LBB2_2:
0x61: {  	s8 =	sadd.s32 $0x4, s8  }
0x62: {  	[tilespmem:s7+$0xFFFFFFF0] =	vst v0;
	s7 =	sadd.s32 $0x40, s7;
	p1 =	slt.u32 s8, $0x7FC  }
.Ltmp0:
0x63: {  	[tilespmem:s7+$0xFFFFFFE0] =	vst v0;
	(pc) =	sbr.rel @p1 .LBB2_2-.Ltmp0, $3  }
0x64: {  	_ =	sdelay $0x1  }
0x65: {  	[tilespmem:s7+$0x10] =	vst v0  }
0x66: {  	[tilespmem:s7+$0x0] =	vst v0  }
0x67: {  	[tilespmem:s7+$0xFFFFFFF0] =	vst v0  }
0x68: {  	s7 =	sld [smem:$0x7F9];
	_ =	sdelay $0x1  }
0x69: {  	s8 =	sld [smem:$0x7FA]  }
0x6a: {  	[tilespmem:s28], [sflag:$0x1] =	stream.linear.gather [hbm4b:s7+s14], $0x2710, $0x38;
	[tilespmem:$0x19F00] =	vst v63  }
0x6b: {  	s9 =	sld [smem:$0x7FB]  }
0x6c: {  	[tilespmem:s29], [sflag:$0x1] =	stream.linear.gather [hbm4b:s8+s14], $0x2710, $0x38;
	[tilespmem:$0x19F00] =	vst v63  }
0x6d: {  	_ = 	snop  }
0x6e: {  	[tilespmem:s30], [sflag:$0x1] =	stream.linear.gather [hbm4b:s9+s14], $0x2710, $0x38;
	[tilespmem:$0x19F00] =	vst v63  }
0x6f: {  	s10 =	rddreg [dreg:$0x3]  }
0x70: {  	[tilespmem:s31], [sflag:$0x2] =	stream.linear.gather [hbm4b:s10+s14], $0x2710, $0x38;
	[tilespmem:$0x19F00] =	vst v63  }
0x71: {  	s11 =	rddreg [dreg:$0x4]  }
0x72: {  	[tilespmem:s0], [sflag:$0x2] =	stream.linear.gather [hbm4b:s11+s14], $0x2710, $0x38;
	[tilespmem:$0x19F00] =	vst v63  }
0x73: {  	s12 =	rddreg [dreg:$0x5]  }
0x74: {  	[tilespmem:s1], [sflag:$0x2] =	stream.linear.gather [hbm4b:s12+s14], $0x2710, $0x38;
	[tilespmem:$0x19F00] =	vst v63  }
0x75: {  	_ =	swait.ge [sflag:s2], $0x2710  }
0x76: {  	[sflag:s2] =	ssyncset.done $0x0  }
0x77: {  	[sflag:s2] =	ssyncadd.s32 $0xFFFFD8F0  }
0x78: {  	_ =	swait.ge [sflag:s2], $0x2710  }
0x79: {  	[sflag:s2] =	ssyncset.done $0x0  }
0x7a: {  	[sflag:s2] =	ssyncadd.s32 $0xFFFFD8F0  }
0x7b: {  	_ =	swait.ge [sflag:s2], $0x2710  }
0x7c: {  	[sflag:s2] =	ssyncset.done $0x0  }
0x7d: {  	s8 =	simm.s32 $0x8020;
	[sflag:s2] =	ssyncadd.s32 $0xFFFFD8F0  }
0x7e: {  	s7 =	simm.s32 $0xA7A0;
	v1 =	vld [tilespmem:s8+$0x10]  }
0x7f: {  	v2 =	vld [tilespmem:s7+$0x10]  }
0x80: {  	v3 =	vld [tilespmem:s8+$0xFFFFFFF0]  }
0x81: {  	v5 =	vld [tilespmem:s8+$0xFFFFFFE0]  }
0x82: {  	v6 =	vld [tilespmem:s7+$0xFFFFFFE0]  }
0x83: {  	v8 =	vld [tilespmem:s7+$0xFFFFFFF0]  }
0x84: {  	v10 =	vld [tilespmem:s7+$0x0];
	v7 =	vshra.s32 v1, $0x1F  }
0x85: {  	v4 =	vld [tilespmem:s8+$0x0];
	v2 =	vtrunc.f32 v2;
	v7 =	vor.u32 $0x80000000, v7  }
0x86: {  	v9 =	vshra.s32 v3, $0x1F;
	v2 =	vcvt.f32.s32 v2;
	v1 =	vxor.u32 v1, v7  }
0x87: {  	v11 =	vshra.s32 v5, $0x1F;
	v6 =	vtrunc.f32 v6;
	v1 =	vshrl.u32 v1, $0x1  }
0x88: {  	s8 =	simm.s32 $0xCF20;
	v8 =	vtrunc.f32 v8;
	v2 =	vshll.u32 v2, $0xE;
	v1 =	vshrl.u32 v1, $0x11  }
0x89: {  	v12 =	vld [tilespmem:s8+$0x10];
	v10 =	vtrunc.f32 v10;
	v11 =	vor.u32 $0x80000000, v11;
	v13 =	vor.u32 v1, v2  }
0x8a: {  	v7 =	vor.u32 $0x80000000, v9;
	v9 =	vshra.s32 v4, $0x1F;
	v5 =	vxor.u32 v5, v11  }
0x8b: {  	v9 =	vor.u32 $0x80000000, v9;
	v7 =	vxor.u32 v3, v7;
	v11 =	vshrl.u32 v5, $0x1;
	v3 =	vld [tilespmem:s8+$0x0]  }
0x8c: {  	v5 =	vcvt.f32.s32 v8;
	v9 =	vxor.u32 v4, v9;
	v4 =	vcvt.f32.s32 v6;
	v1 =	vld [tilespmem:s8+$0xFFFFFFE0]  }
0x8d: {  	v7 =	vshrl.u32 v7, $0x1;
	v6 =	vcvt.f32.s32 v10;
	v2 =	vld [tilespmem:s8+$0xFFFFFFF0];
	v8 =	vshrl.u32 v9, $0x1  }
0x8e: {  	s9 =	simm.s32 $0x0;
	s10 =	simm.s32 $0x8060;
	v9 =	vshrl.u32 v11, $0x11;
	v7 =	vshrl.u32 v7, $0x11;
	v8 =	vshrl.u32 v8, $0x11;
	[tilespmem:v13+s14+$0x0] =	vst.idx.add.f32.msk $0xffff, v12  }
.LBB2_4:
0x8f: {  	v10 =	vld [tilespmem:s10+$0x10];
	s9 =	sadd.s32 $0x4, s9;
	v4 =	vshll.u32 v4, $0xE;
	v5 =	vshll.u32 v5, $0xE;
	v6 =	vshll.u32 v6, $0xE;
	s7 =	sadd.s32 $0x40, s7  }
0x90: {  	v11 =	vld [tilespmem:s7+$0x10];
	p1 =	slt.u32 s9, $0x26C;
	v4 =	vor.u32 v9, v4;
	v5 =	vor.u32 v7, v5;
	v7 =	vor.u32 v8, v6  }
0x91: {  	v6 =	vld [tilespmem:s10+$0xFFFFFFF0];
	v8 =	vmov v3  }
0x92: {  	v3 =	vld [tilespmem:s10+$0x0]  }
0x93: {  	v9 =	vld [tilespmem:s10+$0xFFFFFFE0]  }
0x94: {  	v12 =	vld [tilespmem:s7+$0xFFFFFFE0];
	v13 =	vshra.s32 v10, $0x1F  }
0x95: {  	v14 =	vld [tilespmem:s7+$0xFFFFFFF0];
	v13 =	vor.u32 $0x80000000, v13;
	v11 =	vtrunc.f32 v11  }
0x96: {  	v15 =	vshra.s32 v6, $0x1F;
	v16 =	vld [tilespmem:s7+$0x0];
	v10 =	vxor.u32 v10, v13;
	v11 =	vcvt.f32.s32 v11  }
0x97: {  	v13 =	vor.u32 $0x80000000, v15;
	v15 =	vshra.s32 v3, $0x1F;
	v10 =	vshrl.u32 v10, $0x1;
	[tilespmem:v4+s14+$0x0] =	vst.idx.add.f32.msk $0xffff, v1  }
0x98: {  	s8 =	sadd.s32 $0x40, s8;
	v1 =	vshra.s32 v9, $0x1F;
	v4 =	vshrl.u32 v10, $0x11;
	v10 =	vshll.u32 v11, $0xE;
	[tilespmem:v5+s14+$0x0] =	vst.idx.add.f32.msk $0xffff, v2  }
0x99: {  	v5 =	vor.u32 $0x80000000, v15;
	v2 =	vor.u32 $0x80000000, v1;
	v11 =	vld [tilespmem:s8+$0x10];
	v10 =	vor.u32 v4, v10  }
.Ltmp1:
0x9a: {  	v4 =	vtrunc.f32 v12;
	v1 =	vld [tilespmem:s8+$0xFFFFFFE0];
	v9 =	vxor.u32 v9, v2;
	v12 =	vtrunc.f32 v14;
	(pc) =	sbr.rel @p1 .LBB2_4-.Ltmp1, $4  }
0x9b: {  	v6 =	vxor.u32 v6, v13;
	v13 =	vxor.u32 v3, v5;
	v2 =	vld [tilespmem:s8+$0xFFFFFFF0];
	v14 =	vtrunc.f32 v16  }
0x9c: {  	v4 =	vcvt.f32.s32 v4;
	v9 =	vshrl.u32 v9, $0x1;
	v5 =	vcvt.f32.s32 v12;
	v3 =	vld [tilespmem:s8+$0x0]  }
0x9d: {  	v13 =	vshrl.u32 v13, $0x1;
	v12 =	vshrl.u32 v6, $0x1;
	v6 =	vcvt.f32.s32 v14;
	[tilespmem:v7+s14+$0x0] =	vst.idx.add.f32.msk $0xffff, v8  }
0x9e: {  	s10 =	sadd.s32 $0x40, s10;
	v9 =	vshrl.u32 v9, $0x11;
	v7 =	vshrl.u32 v12, $0x11;
	v8 =	vshrl.u32 v13, $0x11;
	[tilespmem:v10+s14+$0x0] =	vst.idx.add.f32.msk $0xffff, v11  }
0x9f: {  	v4 =	vshll.u32 v4, $0xE  }
0xa0: {  	v5 =	vshll.u32 v5, $0xE;
	v4 =	vor.u32 v9, v4  }
0xa1: {  	v6 =	vshll.u32 v6, $0xE;
	v5 =	vor.u32 v7, v5  }
0xa2: {  	v6 =	vor.u32 v8, v6;
	_ =	sdelay $0x2  }
0xa3: {  	[tilespmem:v4+s14+$0x0] =	vst.idx.add.f32.msk $0xffff, v1  }
0xa4: {  	[tilespmem:v5+s14+$0x0] =	vst.idx.add.f32.msk $0xffff, v2  }
0xa5: {  	[tilespmem:v6+s14+$0x0] =	vst.idx.add.f32.msk $0xffff, v3  }
0xa6: {  	v1 =	vld [tilespmem:$0xA700]  }
0xa7: {  	v2 =	vld [tilespmem:$0xCE80];
	_ =	sdelay $0x3  }
0xa8: {  	v3 =	vshra.s32 v1, $0x1F  }
0xa9: {  	v2 =	vtrunc.f32 v2;
	v3 =	vor.u32 $0x80000000, v3  }
0xaa: {  	v2 =	vcvt.f32.s32 v2;
	v1 =	vxor.u32 v1, v3  }
0xab: {  	v1 =	vshrl.u32 v1, $0x1  }
0xac: {  	v2 =	vshll.u32 v2, $0xE;
	v1 =	vshrl.u32 v1, $0x11  }
0xad: {  	v3 =	vld [tilespmem:$0xF600];
	v1 =	vor.u32 v1, v2;
	_ =	sdelay $0x4  }
0xae: {  	s7 =	rddreg [dreg:$0x6];
	[tilespmem:v1+s14+$0x0] =	vst.idx.add.f32.msk $0xffff, v3  }
0xaf: {  	[tilespmem:s28], [sflag:$0x1] =	stream.linear.gather [hbm4b:s7+s14], $0x2710, $0x38;
	[tilespmem:$0x19F00] =	vst v63  }
0xb0: {  	s11 =	rddreg [dreg:$0x7]  }
0xb1: {  	[tilespmem:s29], [sflag:$0x1] =	stream.linear.gather [hbm4b:s11+s14], $0x2710, $0x38;
	[tilespmem:$0x19F00] =	vst v63  }
0xb2: {  	s12 =	rddreg [dreg:$0x8]  }
0xb3: {  	[tilespmem:s30], [sflag:$0x1] =	stream.linear.gather [hbm4b:s12+s14], $0x2710, $0x38;
	[tilespmem:$0x19F00] =	vst v63  }
0xb4: {  	_ =	swait.ge [sflag:s3], $0x2710  }
0xb5: {  	[sflag:s3] =	ssyncset.done $0x0  }
0xb6: {  	[sflag:s3] =	ssyncadd.s32 $0xFFFFD8F0  }
0xb7: {  	_ =	swait.ge [sflag:s3], $0x2710  }
0xb8: {  	[sflag:s3] =	ssyncset.done $0x0  }
0xb9: {  	[sflag:s3] =	ssyncadd.s32 $0xFFFFD8F0  }
0xba: {  	_ =	swait.ge [sflag:s3], $0x2710  }
0xbb: {  	[sflag:s3] =	ssyncset.done $0x0  }
0xbc: {  	s8 =	simm.s32 $0xF6A0;
	[sflag:s3] =	ssyncadd.s32 $0xFFFFD8F0  }
0xbd: {  	s7 =	simm.s32 $0x11E20;
	v1 =	vld [tilespmem:s8+$0x10]  }
0xbe: {  	v2 =	vld [tilespmem:s7+$0x10]  }
0xbf: {  	v3 =	vld [tilespmem:s8+$0xFFFFFFF0]  }
0xc0: {  	v5 =	vld [tilespmem:s8+$0xFFFFFFE0]  }
0xc1: {  	v6 =	vld [tilespmem:s7+$0xFFFFFFE0]  }
0xc2: {  	v8 =	vld [tilespmem:s7+$0xFFFFFFF0]  }
0xc3: {  	v10 =	vld [tilespmem:s7+$0x0];
	v7 =	vshra.s32 v1, $0x1F  }
0xc4: {  	v4 =	vld [tilespmem:s8+$0x0];
	v2 =	vtrunc.f32 v2;
	v7 =	vor.u32 $0x80000000, v7  }
0xc5: {  	v9 =	vshra.s32 v3, $0x1F;
	v2 =	vcvt.f32.s32 v2;
	v1 =	vxor.u32 v1, v7  }
0xc6: {  	v11 =	vshra.s32 v5, $0x1F;
	v6 =	vtrunc.f32 v6;
	v1 =	vshrl.u32 v1, $0x1  }
0xc7: {  	s8 =	simm.s32 $0x145A0;
	v8 =	vtrunc.f32 v8;
	v2 =	vshll.u32 v2, $0xE;
	v1 =	vshrl.u32 v1, $0x11  }
0xc8: {  	v12 =	vld [tilespmem:s8+$0x10];
	v10 =	vtrunc.f32 v10;
	v11 =	vor.u32 $0x80000000, v11;
	v13 =	vor.u32 v1, v2  }
0xc9: {  	v7 =	vor.u32 $0x80000000, v9;
	v9 =	vshra.s32 v4, $0x1F;
	v5 =	vxor.u32 v5, v11  }
0xca: {  	v9 =	vor.u32 $0x80000000, v9;
	v7 =	vxor.u32 v3, v7;
	v11 =	vshrl.u32 v5, $0x1;
	v3 =	vld [tilespmem:s8+$0x0]  }
0xcb: {  	v5 =	vcvt.f32.s32 v8;
	v9 =	vxor.u32 v4, v9;
	v4 =	vcvt.f32.s32 v6;
	v1 =	vld [tilespmem:s8+$0xFFFFFFE0]  }
0xcc: {  	v7 =	vshrl.u32 v7, $0x1;
	v6 =	vcvt.f32.s32 v10;
	v2 =	vld [tilespmem:s8+$0xFFFFFFF0];
	v8 =	vshrl.u32 v9, $0x1  }
0xcd: {  	s9 =	simm.s32 $0x0;
	s10 =	simm.s32 $0xF6E0;
	v9 =	vshrl.u32 v11, $0x11;
	v7 =	vshrl.u32 v7, $0x11;
	v8 =	vshrl.u32 v8, $0x11;
	[tilespmem:v13+s14+$0x0] =	vst.idx.add.f32.msk $0xffff, v12  }
.LBB2_6:
0xce: {  	v10 =	vld [tilespmem:s10+$0x10];
	s9 =	sadd.s32 $0x4, s9;
	v4 =	vshll.u32 v4, $0xE;
	v5 =	vshll.u32 v5, $0xE;
	v6 =	vshll.u32 v6, $0xE;
	s7 =	sadd.s32 $0x40, s7  }
0xcf: {  	v11 =	vld [tilespmem:s7+$0x10];
	p1 =	slt.u32 s9, $0x26C;
	v4 =	vor.u32 v9, v4;
	v5 =	vor.u32 v7, v5;
	v7 =	vor.u32 v8, v6  }
0xd0: {  	v6 =	vld [tilespmem:s10+$0xFFFFFFF0];
	v8 =	vmov v3  }
0xd1: {  	v3 =	vld [tilespmem:s10+$0x0]  }
0xd2: {  	v9 =	vld [tilespmem:s10+$0xFFFFFFE0]  }
0xd3: {  	v12 =	vld [tilespmem:s7+$0xFFFFFFE0];
	v13 =	vshra.s32 v10, $0x1F  }
0xd4: {  	v14 =	vld [tilespmem:s7+$0xFFFFFFF0];
	v13 =	vor.u32 $0x80000000, v13;
	v11 =	vtrunc.f32 v11  }
0xd5: {  	v15 =	vshra.s32 v6, $0x1F;
	v16 =	vld [tilespmem:s7+$0x0];
	v10 =	vxor.u32 v10, v13;
	v11 =	vcvt.f32.s32 v11  }
0xd6: {  	v13 =	vor.u32 $0x80000000, v15;
	v15 =	vshra.s32 v3, $0x1F;
	v10 =	vshrl.u32 v10, $0x1;
	[tilespmem:v4+s14+$0x0] =	vst.idx.add.f32.msk $0xffff, v1  }
0xd7: {  	s8 =	sadd.s32 $0x40, s8;
	v1 =	vshra.s32 v9, $0x1F;
	v4 =	vshrl.u32 v10, $0x11;
	v10 =	vshll.u32 v11, $0xE;
	[tilespmem:v5+s14+$0x0] =	vst.idx.add.f32.msk $0xffff, v2  }
0xd8: {  	v5 =	vor.u32 $0x80000000, v15;
	v2 =	vor.u32 $0x80000000, v1;
	v11 =	vld [tilespmem:s8+$0x10];
	v10 =	vor.u32 v4, v10  }
.Ltmp2:
0xd9: {  	v4 =	vtrunc.f32 v12;
	v1 =	vld [tilespmem:s8+$0xFFFFFFE0];
	v9 =	vxor.u32 v9, v2;
	v12 =	vtrunc.f32 v14;
	(pc) =	sbr.rel @p1 .LBB2_6-.Ltmp2, $4  }
0xda: {  	v6 =	vxor.u32 v6, v13;
	v13 =	vxor.u32 v3, v5;
	v2 =	vld [tilespmem:s8+$0xFFFFFFF0];
	v14 =	vtrunc.f32 v16  }
0xdb: {  	v4 =	vcvt.f32.s32 v4;
	v9 =	vshrl.u32 v9, $0x1;
	v5 =	vcvt.f32.s32 v12;
	v3 =	vld [tilespmem:s8+$0x0]  }
0xdc: {  	v13 =	vshrl.u32 v13, $0x1;
	v12 =	vshrl.u32 v6, $0x1;
	v6 =	vcvt.f32.s32 v14;
	[tilespmem:v7+s14+$0x0] =	vst.idx.add.f32.msk $0xffff, v8  }
0xdd: {  	s10 =	sadd.s32 $0x40, s10;
	v9 =	vshrl.u32 v9, $0x11;
	v7 =	vshrl.u32 v12, $0x11;
	v8 =	vshrl.u32 v13, $0x11;
	[tilespmem:v10+s14+$0x0] =	vst.idx.add.f32.msk $0xffff, v11  }
0xde: {  	v4 =	vshll.u32 v4, $0xE  }
0xdf: {  	v5 =	vshll.u32 v5, $0xE;
	v4 =	vor.u32 v9, v4  }
0xe0: {  	v6 =	vshll.u32 v6, $0xE;
	v5 =	vor.u32 v7, v5  }
0xe1: {  	v6 =	vor.u32 v8, v6;
	_ =	sdelay $0x2  }
0xe2: {  	[tilespmem:v4+s14+$0x0] =	vst.idx.add.f32.msk $0xffff, v1  }
0xe3: {  	[tilespmem:v5+s14+$0x0] =	vst.idx.add.f32.msk $0xffff, v2  }
0xe4: {  	[tilespmem:v6+s14+$0x0] =	vst.idx.add.f32.msk $0xffff, v3  }
0xe5: {  	v1 =	vld [tilespmem:$0x11D80]  }
0xe6: {  	v2 =	vld [tilespmem:$0x14500];
	_ =	sdelay $0x3  }
0xe7: {  	v3 =	vshra.s32 v1, $0x1F  }
0xe8: {  	v2 =	vtrunc.f32 v2;
	v3 =	vor.u32 $0x80000000, v3  }
0xe9: {  	v2 =	vcvt.f32.s32 v2;
	v1 =	vxor.u32 v1, v3  }
0xea: {  	v1 =	vshrl.u32 v1, $0x1  }
0xeb: {  	v2 =	vshll.u32 v2, $0xE;
	v1 =	vshrl.u32 v1, $0x11  }
0xec: {  	v3 =	vld [tilespmem:$0x16C80];
	v1 =	vor.u32 v1, v2;
	_ =	sdelay $0x4  }
0xed: {  	s7 =	rddreg [dreg:$0x9];
	[tilespmem:v1+s14+$0x0] =	vst.idx.add.f32.msk $0xffff, v3  }
0xee: {  	[tilespmem:s31], [sflag:$0x2] =	stream.linear.gather [hbm4b:s7+s14], $0x2710, $0x38;
	[tilespmem:$0x19F00] =	vst v63  }
0xef: {  	s11 =	rddreg [dreg:$0xa]  }
0xf0: {  	[tilespmem:s0], [sflag:$0x2] =	stream.linear.gather [hbm4b:s11+s14], $0x2710, $0x38;
	[tilespmem:$0x19F00] =	vst v63  }
0xf1: {  	s12 =	rddreg [dreg:$0xb]  }
0xf2: {  	[tilespmem:s1], [sflag:$0x2] =	stream.linear.gather [hbm4b:s12+s14], $0x2710, $0x38;
	[tilespmem:$0x19F00] =	vst v63  }
0xf3: {  	_ =	swait.ge [sflag:s2], $0x2710  }
0xf4: {  	[sflag:s2] =	ssyncset.done $0x0  }
0xf5: {  	[sflag:s2] =	ssyncadd.s32 $0xFFFFD8F0  }
0xf6: {  	_ =	swait.ge [sflag:s2], $0x2710  }
0xf7: {  	[sflag:s2] =	ssyncset.done $0x0  }
0xf8: {  	[sflag:s2] =	ssyncadd.s32 $0xFFFFD8F0  }
0xf9: {  	_ =	swait.ge [sflag:s2], $0x2710  }
0xfa: {  	[sflag:s2] =	ssyncset.done $0x0  }
0xfb: {  	s8 =	simm.s32 $0x8020;
	[sflag:s2] =	ssyncadd.s32 $0xFFFFD8F0  }
0xfc: {  	s7 =	simm.s32 $0xA7A0;
	v1 =	vld [tilespmem:s8+$0x10]  }
0xfd: {  	v2 =	vld [tilespmem:s7+$0x10]  }
0xfe: {  	v3 =	vld [tilespmem:s8+$0xFFFFFFF0]  }
0xff: {  	v5 =	vld [tilespmem:s8+$0xFFFFFFE0]  }
0x100: {  	v6 =	vld [tilespmem:s7+$0xFFFFFFE0]  }
0x101: {  	v8 =	vld [tilespmem:s7+$0xFFFFFFF0]  }
0x102: {  	v10 =	vld [tilespmem:s7+$0x0];
	v7 =	vshra.s32 v1, $0x1F  }
0x103: {  	v4 =	vld [tilespmem:s8+$0x0];
	v2 =	vtrunc.f32 v2;
	v7 =	vor.u32 $0x80000000, v7  }
0x104: {  	v9 =	vshra.s32 v3, $0x1F;
	v2 =	vcvt.f32.s32 v2;
	v1 =	vxor.u32 v1, v7  }
0x105: {  	v11 =	vshra.s32 v5, $0x1F;
	v6 =	vtrunc.f32 v6;
	v1 =	vshrl.u32 v1, $0x1  }
0x106: {  	s8 =	simm.s32 $0xCF20;
	v8 =	vtrunc.f32 v8;
	v2 =	vshll.u32 v2, $0xE;
	v1 =	vshrl.u32 v1, $0x11  }
0x107: {  	v12 =	vld [tilespmem:s8+$0x10];
	v10 =	vtrunc.f32 v10;
	v11 =	vor.u32 $0x80000000, v11;
	v13 =	vor.u32 v1, v2  }
0x108: {  	v7 =	vor.u32 $0x80000000, v9;
	v9 =	vshra.s32 v4, $0x1F;
	v5 =	vxor.u32 v5, v11  }
0x109: {  	v9 =	vor.u32 $0x80000000, v9;
	v7 =	vxor.u32 v3, v7;
	v11 =	vshrl.u32 v5, $0x1;
	v3 =	vld [tilespmem:s8+$0x0]  }
0x10a: {  	v5 =	vcvt.f32.s32 v8;
	v9 =	vxor.u32 v4, v9;
	v4 =	vcvt.f32.s32 v6;
	v1 =	vld [tilespmem:s8+$0xFFFFFFE0]  }
0x10b: {  	v7 =	vshrl.u32 v7, $0x1;
	v6 =	vcvt.f32.s32 v10;
	v2 =	vld [tilespmem:s8+$0xFFFFFFF0];
	v8 =	vshrl.u32 v9, $0x1  }
0x10c: {  	s9 =	simm.s32 $0x0;
	s10 =	simm.s32 $0x8060;
	v9 =	vshrl.u32 v11, $0x11;
	v7 =	vshrl.u32 v7, $0x11;
	v8 =	vshrl.u32 v8, $0x11;
	[tilespmem:v13+s14+$0x0] =	vst.idx.add.f32.msk $0xffff, v12  }
.LBB2_8:
0x10d: {  	v10 =	vld [tilespmem:s10+$0x10];
	s9 =	sadd.s32 $0x4, s9;
	v4 =	vshll.u32 v4, $0xE;
	v5 =	vshll.u32 v5, $0xE;
	v6 =	vshll.u32 v6, $0xE;
	s7 =	sadd.s32 $0x40, s7  }
0x10e: {  	v11 =	vld [tilespmem:s7+$0x10];
	p1 =	slt.u32 s9, $0x26C;
	v4 =	vor.u32 v9, v4;
	v5 =	vor.u32 v7, v5;
	v7 =	vor.u32 v8, v6  }
0x10f: {  	v6 =	vld [tilespmem:s10+$0xFFFFFFF0];
	v8 =	vmov v3  }
0x110: {  	v3 =	vld [tilespmem:s10+$0x0]  }
0x111: {  	v9 =	vld [tilespmem:s10+$0xFFFFFFE0]  }
0x112: {  	v12 =	vld [tilespmem:s7+$0xFFFFFFE0];
	v13 =	vshra.s32 v10, $0x1F  }
0x113: {  	v14 =	vld [tilespmem:s7+$0xFFFFFFF0];
	v13 =	vor.u32 $0x80000000, v13;
	v11 =	vtrunc.f32 v11  }
0x114: {  	v15 =	vshra.s32 v6, $0x1F;
	v16 =	vld [tilespmem:s7+$0x0];
	v10 =	vxor.u32 v10, v13;
	v11 =	vcvt.f32.s32 v11  }
0x115: {  	v13 =	vor.u32 $0x80000000, v15;
	v15 =	vshra.s32 v3, $0x1F;
	v10 =	vshrl.u32 v10, $0x1;
	[tilespmem:v4+s14+$0x0] =	vst.idx.add.f32.msk $0xffff, v1  }
0x116: {  	s8 =	sadd.s32 $0x40, s8;
	v1 =	vshra.s32 v9, $0x1F;
	v4 =	vshrl.u32 v10, $0x11;
	v10 =	vshll.u32 v11, $0xE;
	[tilespmem:v5+s14+$0x0] =	vst.idx.add.f32.msk $0xffff, v2  }
0x117: {  	v5 =	vor.u32 $0x80000000, v15;
	v2 =	vor.u32 $0x80000000, v1;
	v11 =	vld [tilespmem:s8+$0x10];
	v10 =	vor.u32 v4, v10  }
.Ltmp3:
0x118: {  	v4 =	vtrunc.f32 v12;
	v1 =	vld [tilespmem:s8+$0xFFFFFFE0];
	v9 =	vxor.u32 v9, v2;
	v12 =	vtrunc.f32 v14;
	(pc) =	sbr.rel @p1 .LBB2_8-.Ltmp3, $4  }
0x119: {  	v6 =	vxor.u32 v6, v13;
	v13 =	vxor.u32 v3, v5;
	v2 =	vld [tilespmem:s8+$0xFFFFFFF0];
	v14 =	vtrunc.f32 v16  }
0x11a: {  	v4 =	vcvt.f32.s32 v4;
	v9 =	vshrl.u32 v9, $0x1;
	v5 =	vcvt.f32.s32 v12;
	v3 =	vld [tilespmem:s8+$0x0]  }
0x11b: {  	v13 =	vshrl.u32 v13, $0x1;
	v12 =	vshrl.u32 v6, $0x1;
	v6 =	vcvt.f32.s32 v14;
	[tilespmem:v7+s14+$0x0] =	vst.idx.add.f32.msk $0xffff, v8  }
0x11c: {  	s10 =	sadd.s32 $0x40, s10;
	v9 =	vshrl.u32 v9, $0x11;
	v7 =	vshrl.u32 v12, $0x11;
	v8 =	vshrl.u32 v13, $0x11;
	[tilespmem:v10+s14+$0x0] =	vst.idx.add.f32.msk $0xffff, v11  }
0x11d: {  	v4 =	vshll.u32 v4, $0xE  }
0x11e: {  	v5 =	vshll.u32 v5, $0xE;
	v4 =	vor.u32 v9, v4  }
0x11f: {  	v6 =	vshll.u32 v6, $0xE;
	v5 =	vor.u32 v7, v5  }
0x120: {  	v6 =	vor.u32 v8, v6;
	_ =	sdelay $0x2  }
0x121: {  	[tilespmem:v4+s14+$0x0] =	vst.idx.add.f32.msk $0xffff, v1  }
0x122: {  	[tilespmem:v5+s14+$0x0] =	vst.idx.add.f32.msk $0xffff, v2  }
0x123: {  	[tilespmem:v6+s14+$0x0] =	vst.idx.add.f32.msk $0xffff, v3  }
0x124: {  	v1 =	vld [tilespmem:$0xA700]  }
0x125: {  	v2 =	vld [tilespmem:$0xCE80];
	_ =	sdelay $0x3  }
0x126: {  	v3 =	vshra.s32 v1, $0x1F  }
0x127: {  	v2 =	vtrunc.f32 v2;
	v3 =	vor.u32 $0x80000000, v3  }
0x128: {  	v2 =	vcvt.f32.s32 v2;
	v1 =	vxor.u32 v1, v3  }
0x129: {  	v1 =	vshrl.u32 v1, $0x1  }
0x12a: {  	v2 =	vshll.u32 v2, $0xE;
	v1 =	vshrl.u32 v1, $0x11  }
0x12b: {  	v3 =	vld [tilespmem:$0xF600];
	v1 =	vor.u32 v1, v2;
	_ =	sdelay $0x4  }
0x12c: {  	s7 =	rddreg [dreg:$0xc];
	[tilespmem:v1+s14+$0x0] =	vst.idx.add.f32.msk $0xffff, v3  }
0x12d: {  	[tilespmem:s28], [sflag:$0x1] =	stream.linear.gather [hbm4b:s7+s14], $0x2710, $0x38;
	[tilespmem:$0x19F00] =	vst v63  }
0x12e: {  	s11 =	rddreg [dreg:$0xd]  }
0x12f: {  	[tilespmem:s29], [sflag:$0x1] =	stream.linear.gather [hbm4b:s11+s14], $0x2710, $0x38;
	[tilespmem:$0x19F00] =	vst v63  }
0x130: {  	s12 =	rddreg [dreg:$0xe]  }
0x131: {  	[tilespmem:s30], [sflag:$0x1] =	stream.linear.gather [hbm4b:s12+s14], $0x2710, $0x38;
	[tilespmem:$0x19F00] =	vst v63  }
0x132: {  	_ =	swait.ge [sflag:s3], $0x2710  }
0x133: {  	[sflag:s3] =	ssyncset.done $0x0  }
0x134: {  	[sflag:s3] =	ssyncadd.s32 $0xFFFFD8F0  }
0x135: {  	_ =	swait.ge [sflag:s3], $0x2710  }
0x136: {  	[sflag:s3] =	ssyncset.done $0x0  }
0x137: {  	[sflag:s3] =	ssyncadd.s32 $0xFFFFD8F0  }
0x138: {  	_ =	swait.ge [sflag:s3], $0x2710  }
0x139: {  	[sflag:s3] =	ssyncset.done $0x0  }
0x13a: {  	s8 =	simm.s32 $0xF6A0;
	[sflag:s3] =	ssyncadd.s32 $0xFFFFD8F0  }
0x13b: {  	s7 =	simm.s32 $0x11E20;
	v1 =	vld [tilespmem:s8+$0x10]  }
0x13c: {  	v2 =	vld [tilespmem:s7+$0x10]  }
0x13d: {  	v3 =	vld [tilespmem:s8+$0xFFFFFFF0]  }
0x13e: {  	v5 =	vld [tilespmem:s8+$0xFFFFFFE0]  }
0x13f: {  	v6 =	vld [tilespmem:s7+$0xFFFFFFE0]  }
0x140: {  	v8 =	vld [tilespmem:s7+$0xFFFFFFF0]  }
0x141: {  	v10 =	vld [tilespmem:s7+$0x0];
	v7 =	vshra.s32 v1, $0x1F  }
0x142: {  	v4 =	vld [tilespmem:s8+$0x0];
	v2 =	vtrunc.f32 v2;
	v7 =	vor.u32 $0x80000000, v7  }
0x143: {  	v9 =	vshra.s32 v3, $0x1F;
	v2 =	vcvt.f32.s32 v2;
	v1 =	vxor.u32 v1, v7  }
0x144: {  	v11 =	vshra.s32 v5, $0x1F;
	v6 =	vtrunc.f32 v6;
	v1 =	vshrl.u32 v1, $0x1  }
0x145: {  	s8 =	simm.s32 $0x145A0;
	v8 =	vtrunc.f32 v8;
	v2 =	vshll.u32 v2, $0xE;
	v1 =	vshrl.u32 v1, $0x11  }
0x146: {  	v12 =	vld [tilespmem:s8+$0x10];
	v10 =	vtrunc.f32 v10;
	v11 =	vor.u32 $0x80000000, v11;
	v13 =	vor.u32 v1, v2  }
0x147: {  	v7 =	vor.u32 $0x80000000, v9;
	v9 =	vshra.s32 v4, $0x1F;
	v5 =	vxor.u32 v5, v11  }
0x148: {  	v9 =	vor.u32 $0x80000000, v9;
	v7 =	vxor.u32 v3, v7;
	v11 =	vshrl.u32 v5, $0x1;
	v3 =	vld [tilespmem:s8+$0x0]  }
0x149: {  	v5 =	vcvt.f32.s32 v8;
	v9 =	vxor.u32 v4, v9;
	v4 =	vcvt.f32.s32 v6;
	v1 =	vld [tilespmem:s8+$0xFFFFFFE0]  }
0x14a: {  	v7 =	vshrl.u32 v7, $0x1;
	v6 =	vcvt.f32.s32 v10;
	v2 =	vld [tilespmem:s8+$0xFFFFFFF0];
	v8 =	vshrl.u32 v9, $0x1  }
0x14b: {  	s9 =	simm.s32 $0x0;
	s10 =	simm.s32 $0xF6E0;
	v9 =	vshrl.u32 v11, $0x11;
	v7 =	vshrl.u32 v7, $0x11;
	v8 =	vshrl.u32 v8, $0x11;
	[tilespmem:v13+s14+$0x0] =	vst.idx.add.f32.msk $0xffff, v12  }
.LBB2_10:
0x14c: {  	v10 =	vld [tilespmem:s10+$0x10];
	s9 =	sadd.s32 $0x4, s9;
	v4 =	vshll.u32 v4, $0xE;
	v5 =	vshll.u32 v5, $0xE;
	v6 =	vshll.u32 v6, $0xE;
	s7 =	sadd.s32 $0x40, s7  }
0x14d: {  	v11 =	vld [tilespmem:s7+$0x10];
	p1 =	slt.u32 s9, $0x26C;
	v4 =	vor.u32 v9, v4;
	v5 =	vor.u32 v7, v5;
	v7 =	vor.u32 v8, v6  }
0x14e: {  	v6 =	vld [tilespmem:s10+$0xFFFFFFF0];
	v8 =	vmov v3  }
0x14f: {  	v3 =	vld [tilespmem:s10+$0x0]  }
0x150: {  	v9 =	vld [tilespmem:s10+$0xFFFFFFE0]  }
0x151: {  	v12 =	vld [tilespmem:s7+$0xFFFFFFE0];
	v13 =	vshra.s32 v10, $0x1F  }
0x152: {  	v14 =	vld [tilespmem:s7+$0xFFFFFFF0];
	v13 =	vor.u32 $0x80000000, v13;
	v11 =	vtrunc.f32 v11  }
0x153: {  	v15 =	vshra.s32 v6, $0x1F;
	v16 =	vld [tilespmem:s7+$0x0];
	v10 =	vxor.u32 v10, v13;
	v11 =	vcvt.f32.s32 v11  }
0x154: {  	v13 =	vor.u32 $0x80000000, v15;
	v15 =	vshra.s32 v3, $0x1F;
	v10 =	vshrl.u32 v10, $0x1;
	[tilespmem:v4+s14+$0x0] =	vst.idx.add.f32.msk $0xffff, v1  }
0x155: {  	s8 =	sadd.s32 $0x40, s8;
	v1 =	vshra.s32 v9, $0x1F;
	v4 =	vshrl.u32 v10, $0x11;
	v10 =	vshll.u32 v11, $0xE;
	[tilespmem:v5+s14+$0x0] =	vst.idx.add.f32.msk $0xffff, v2  }
0x156: {  	v5 =	vor.u32 $0x80000000, v15;
	v2 =	vor.u32 $0x80000000, v1;
	v11 =	vld [tilespmem:s8+$0x10];
	v10 =	vor.u32 v4, v10  }
.Ltmp4:
0x157: {  	v4 =	vtrunc.f32 v12;
	v1 =	vld [tilespmem:s8+$0xFFFFFFE0];
	v9 =	vxor.u32 v9, v2;
	v12 =	vtrunc.f32 v14;
	(pc) =	sbr.rel @p1 .LBB2_10-.Ltmp4, $4  }
0x158: {  	v6 =	vxor.u32 v6, v13;
	v13 =	vxor.u32 v3, v5;
	v2 =	vld [tilespmem:s8+$0xFFFFFFF0];
	v14 =	vtrunc.f32 v16  }
0x159: {  	v4 =	vcvt.f32.s32 v4;
	v9 =	vshrl.u32 v9, $0x1;
	v5 =	vcvt.f32.s32 v12;
	v3 =	vld [tilespmem:s8+$0x0]  }
0x15a: {  	v13 =	vshrl.u32 v13, $0x1;
	v12 =	vshrl.u32 v6, $0x1;
	v6 =	vcvt.f32.s32 v14;
	[tilespmem:v7+s14+$0x0] =	vst.idx.add.f32.msk $0xffff, v8  }
0x15b: {  	s10 =	sadd.s32 $0x40, s10;
	v9 =	vshrl.u32 v9, $0x11;
	v7 =	vshrl.u32 v12, $0x11;
	v8 =	vshrl.u32 v13, $0x11;
	[tilespmem:v10+s14+$0x0] =	vst.idx.add.f32.msk $0xffff, v11  }
0x15c: {  	v4 =	vshll.u32 v4, $0xE  }
0x15d: {  	v5 =	vshll.u32 v5, $0xE;
	v4 =	vor.u32 v9, v4  }
0x15e: {  	v6 =	vshll.u32 v6, $0xE;
	v5 =	vor.u32 v7, v5  }
0x15f: {  	v6 =	vor.u32 v8, v6;
	_ =	sdelay $0x2  }
0x160: {  	[tilespmem:v4+s14+$0x0] =	vst.idx.add.f32.msk $0xffff, v1  }
0x161: {  	[tilespmem:v5+s14+$0x0] =	vst.idx.add.f32.msk $0xffff, v2  }
0x162: {  	[tilespmem:v6+s14+$0x0] =	vst.idx.add.f32.msk $0xffff, v3  }
0x163: {  	v1 =	vld [tilespmem:$0x11D80]  }
0x164: {  	v2 =	vld [tilespmem:$0x14500];
	_ =	sdelay $0x3  }
0x165: {  	v3 =	vshra.s32 v1, $0x1F  }
0x166: {  	v2 =	vtrunc.f32 v2;
	v3 =	vor.u32 $0x80000000, v3  }
0x167: {  	v2 =	vcvt.f32.s32 v2;
	v1 =	vxor.u32 v1, v3  }
0x168: {  	v1 =	vshrl.u32 v1, $0x1  }
0x169: {  	v2 =	vshll.u32 v2, $0xE;
	v1 =	vshrl.u32 v1, $0x11  }
0x16a: {  	v3 =	vld [tilespmem:$0x16C80];
	v1 =	vor.u32 v1, v2;
	_ =	sdelay $0x4  }
0x16b: {  	s7 =	rddreg [dreg:$0xf];
	[tilespmem:v1+s14+$0x0] =	vst.idx.add.f32.msk $0xffff, v3  }
0x16c: {  	[tilespmem:s31], [sflag:$0x2] =	stream.linear.gather [hbm4b:s7+s14], $0x2710, $0x38;
	[tilespmem:$0x19F00] =	vst v63  }
0x16d: {  	s11 =	rddreg [dreg:$0x10]  }
0x16e: {  	[tilespmem:s0], [sflag:$0x2] =	stream.linear.gather [hbm4b:s11+s14], $0x2710, $0x38;
	[tilespmem:$0x19F00] =	vst v63  }
0x16f: {  	s12 =	rddreg [dreg:$0x11]  }
0x170: {  	[tilespmem:s1], [sflag:$0x2] =	stream.linear.gather [hbm4b:s12+s14], $0x2710, $0x38;
	[tilespmem:$0x19F00] =	vst v63  }
0x171: {  	_ =	swait.ge [sflag:s2], $0x2710  }
0x172: {  	[sflag:s2] =	ssyncset.done $0x0  }
0x173: {  	[sflag:s2] =	ssyncadd.s32 $0xFFFFD8F0  }
0x174: {  	_ =	swait.ge [sflag:s2], $0x2710  }
0x175: {  	[sflag:s2] =	ssyncset.done $0x0  }
0x176: {  	[sflag:s2] =	ssyncadd.s32 $0xFFFFD8F0  }
0x177: {  	_ =	swait.ge [sflag:s2], $0x2710  }
0x178: {  	[sflag:s2] =	ssyncset.done $0x0  }
0x179: {  	s8 =	simm.s32 $0x8020;
	[sflag:s2] =	ssyncadd.s32 $0xFFFFD8F0  }
0x17a: {  	s7 =	simm.s32 $0xA7A0;
	v1 =	vld [tilespmem:s8+$0x10]  }
0x17b: {  	v2 =	vld [tilespmem:s7+$0x10]  }
0x17c: {  	v3 =	vld [tilespmem:s8+$0xFFFFFFF0]  }
0x17d: {  	v5 =	vld [tilespmem:s8+$0xFFFFFFE0]  }
0x17e: {  	v6 =	vld [tilespmem:s7+$0xFFFFFFE0]  }
0x17f: {  	v8 =	vld [tilespmem:s7+$0xFFFFFFF0]  }
0x180: {  	v10 =	vld [tilespmem:s7+$0x0];
	v7 =	vshra.s32 v1, $0x1F  }
0x181: {  	v4 =	vld [tilespmem:s8+$0x0];
	v2 =	vtrunc.f32 v2;
	v7 =	vor.u32 $0x80000000, v7  }
0x182: {  	v9 =	vshra.s32 v3, $0x1F;
	v2 =	vcvt.f32.s32 v2;
	v1 =	vxor.u32 v1, v7  }
0x183: {  	v11 =	vshra.s32 v5, $0x1F;
	v6 =	vtrunc.f32 v6;
	v1 =	vshrl.u32 v1, $0x1  }
0x184: {  	s8 =	simm.s32 $0xCF20;
	v8 =	vtrunc.f32 v8;
	v2 =	vshll.u32 v2, $0xE;
	v1 =	vshrl.u32 v1, $0x11  }
0x185: {  	v12 =	vld [tilespmem:s8+$0x10];
	v10 =	vtrunc.f32 v10;
	v11 =	vor.u32 $0x80000000, v11;
	v13 =	vor.u32 v1, v2  }
0x186: {  	v7 =	vor.u32 $0x80000000, v9;
	v9 =	vshra.s32 v4, $0x1F;
	v5 =	vxor.u32 v5, v11  }
0x187: {  	v9 =	vor.u32 $0x80000000, v9;
	v7 =	vxor.u32 v3, v7;
	v11 =	vshrl.u32 v5, $0x1;
	v3 =	vld [tilespmem:s8+$0x0]  }
0x188: {  	v5 =	vcvt.f32.s32 v8;
	v9 =	vxor.u32 v4, v9;
	v4 =	vcvt.f32.s32 v6;
	v1 =	vld [tilespmem:s8+$0xFFFFFFE0]  }
0x189: {  	v7 =	vshrl.u32 v7, $0x1;
	v6 =	vcvt.f32.s32 v10;
	v2 =	vld [tilespmem:s8+$0xFFFFFFF0];
	v8 =	vshrl.u32 v9, $0x1  }
0x18a: {  	s9 =	simm.s32 $0x0;
	s10 =	simm.s32 $0x8060;
	v9 =	vshrl.u32 v11, $0x11;
	v7 =	vshrl.u32 v7, $0x11;
	v8 =	vshrl.u32 v8, $0x11;
	[tilespmem:v13+s14+$0x0] =	vst.idx.add.f32.msk $0xffff, v12  }
.LBB2_12:
0x18b: {  	v10 =	vld [tilespmem:s10+$0x10];
	s9 =	sadd.s32 $0x4, s9;
	v4 =	vshll.u32 v4, $0xE;
	v5 =	vshll.u32 v5, $0xE;
	v6 =	vshll.u32 v6, $0xE;
	s7 =	sadd.s32 $0x40, s7  }
0x18c: {  	v11 =	vld [tilespmem:s7+$0x10];
	p1 =	slt.u32 s9, $0x26C;
	v4 =	vor.u32 v9, v4;
	v5 =	vor.u32 v7, v5;
	v7 =	vor.u32 v8, v6  }
0x18d: {  	v6 =	vld [tilespmem:s10+$0xFFFFFFF0];
	v8 =	vmov v3  }
0x18e: {  	v3 =	vld [tilespmem:s10+$0x0]  }
0x18f: {  	v9 =	vld [tilespmem:s10+$0xFFFFFFE0]  }
0x190: {  	v12 =	vld [tilespmem:s7+$0xFFFFFFE0];
	v13 =	vshra.s32 v10, $0x1F  }
0x191: {  	v14 =	vld [tilespmem:s7+$0xFFFFFFF0];
	v13 =	vor.u32 $0x80000000, v13;
	v11 =	vtrunc.f32 v11  }
0x192: {  	v15 =	vshra.s32 v6, $0x1F;
	v16 =	vld [tilespmem:s7+$0x0];
	v10 =	vxor.u32 v10, v13;
	v11 =	vcvt.f32.s32 v11  }
0x193: {  	v13 =	vor.u32 $0x80000000, v15;
	v15 =	vshra.s32 v3, $0x1F;
	v10 =	vshrl.u32 v10, $0x1;
	[tilespmem:v4+s14+$0x0] =	vst.idx.add.f32.msk $0xffff, v1  }
0x194: {  	s8 =	sadd.s32 $0x40, s8;
	v1 =	vshra.s32 v9, $0x1F;
	v4 =	vshrl.u32 v10, $0x11;
	v10 =	vshll.u32 v11, $0xE;
	[tilespmem:v5+s14+$0x0] =	vst.idx.add.f32.msk $0xffff, v2  }
0x195: {  	v5 =	vor.u32 $0x80000000, v15;
	v2 =	vor.u32 $0x80000000, v1;
	v11 =	vld [tilespmem:s8+$0x10];
	v10 =	vor.u32 v4, v10  }
.Ltmp5:
0x196: {  	v4 =	vtrunc.f32 v12;
	v1 =	vld [tilespmem:s8+$0xFFFFFFE0];
	v9 =	vxor.u32 v9, v2;
	v12 =	vtrunc.f32 v14;
	(pc) =	sbr.rel @p1 .LBB2_12-.Ltmp5, $4  }
0x197: {  	v6 =	vxor.u32 v6, v13;
	v13 =	vxor.u32 v3, v5;
	v2 =	vld [tilespmem:s8+$0xFFFFFFF0];
	v14 =	vtrunc.f32 v16  }
0x198: {  	v4 =	vcvt.f32.s32 v4;
	v9 =	vshrl.u32 v9, $0x1;
	v5 =	vcvt.f32.s32 v12;
	v3 =	vld [tilespmem:s8+$0x0]  }
0x199: {  	v13 =	vshrl.u32 v13, $0x1;
	v12 =	vshrl.u32 v6, $0x1;
	v6 =	vcvt.f32.s32 v14;
	[tilespmem:v7+s14+$0x0] =	vst.idx.add.f32.msk $0xffff, v8  }
0x19a: {  	s10 =	sadd.s32 $0x40, s10;
	v9 =	vshrl.u32 v9, $0x11;
	v7 =	vshrl.u32 v12, $0x11;
	v8 =	vshrl.u32 v13, $0x11;
	[tilespmem:v10+s14+$0x0] =	vst.idx.add.f32.msk $0xffff, v11  }
0x19b: {  	v4 =	vshll.u32 v4, $0xE  }
0x19c: {  	v5 =	vshll.u32 v5, $0xE;
	v4 =	vor.u32 v9, v4  }
0x19d: {  	v6 =	vshll.u32 v6, $0xE;
	v5 =	vor.u32 v7, v5  }
0x19e: {  	v6 =	vor.u32 v8, v6;
	_ =	sdelay $0x2  }
0x19f: {  	[tilespmem:v4+s14+$0x0] =	vst.idx.add.f32.msk $0xffff, v1  }
0x1a0: {  	[tilespmem:v5+s14+$0x0] =	vst.idx.add.f32.msk $0xffff, v2  }
0x1a1: {  	[tilespmem:v6+s14+$0x0] =	vst.idx.add.f32.msk $0xffff, v3  }
0x1a2: {  	v1 =	vld [tilespmem:$0xA700]  }
0x1a3: {  	v2 =	vld [tilespmem:$0xCE80];
	_ =	sdelay $0x3  }
0x1a4: {  	v3 =	vshra.s32 v1, $0x1F  }
0x1a5: {  	v2 =	vtrunc.f32 v2;
	v3 =	vor.u32 $0x80000000, v3  }
0x1a6: {  	v2 =	vcvt.f32.s32 v2;
	v1 =	vxor.u32 v1, v3  }
0x1a7: {  	v1 =	vshrl.u32 v1, $0x1  }
0x1a8: {  	v2 =	vshll.u32 v2, $0xE;
	v1 =	vshrl.u32 v1, $0x11  }
0x1a9: {  	v3 =	vld [tilespmem:$0xF600];
	v1 =	vor.u32 v1, v2;
	_ =	sdelay $0x4  }
0x1aa: {  	s7 =	rddreg [dreg:$0x12];
	[tilespmem:v1+s14+$0x0] =	vst.idx.add.f32.msk $0xffff, v3  }
0x1ab: {  	[tilespmem:s28], [sflag:$0x1] =	stream.linear.gather [hbm4b:s7+s14], $0x2710, $0x38;
	[tilespmem:$0x19F00] =	vst v63  }
0x1ac: {  	s11 =	rddreg [dreg:$0x13]  }
0x1ad: {  	[tilespmem:s29], [sflag:$0x1] =	stream.linear.gather [hbm4b:s11+s14], $0x2710, $0x38;
	[tilespmem:$0x19F00] =	vst v63  }
0x1ae: {  	s12 =	rddreg [dreg:$0x14]  }
0x1af: {  	[tilespmem:s30], [sflag:$0x1] =	stream.linear.gather [hbm4b:s12+s14], $0x2710, $0x38;
	[tilespmem:$0x19F00] =	vst v63  }
0x1b0: {  	_ =	swait.ge [sflag:s3], $0x2710  }
0x1b1: {  	[sflag:s3] =	ssyncset.done $0x0  }
0x1b2: {  	[sflag:s3] =	ssyncadd.s32 $0xFFFFD8F0  }
0x1b3: {  	_ =	swait.ge [sflag:s3], $0x2710  }
0x1b4: {  	[sflag:s3] =	ssyncset.done $0x0  }
0x1b5: {  	[sflag:s3] =	ssyncadd.s32 $0xFFFFD8F0  }
0x1b6: {  	_ =	swait.ge [sflag:s3], $0x2710  }
0x1b7: {  	[sflag:s3] =	ssyncset.done $0x0  }
0x1b8: {  	s8 =	simm.s32 $0xF6A0;
	[sflag:s3] =	ssyncadd.s32 $0xFFFFD8F0  }
0x1b9: {  	s7 =	simm.s32 $0x11E20;
	v1 =	vld [tilespmem:s8+$0x10]  }
0x1ba: {  	v2 =	vld [tilespmem:s7+$0x10]  }
0x1bb: {  	v3 =	vld [tilespmem:s8+$0xFFFFFFF0]  }
0x1bc: {  	v5 =	vld [tilespmem:s8+$0xFFFFFFE0]  }
0x1bd: {  	v6 =	vld [tilespmem:s7+$0xFFFFFFE0]  }
0x1be: {  	v8 =	vld [tilespmem:s7+$0xFFFFFFF0]  }
0x1bf: {  	v10 =	vld [tilespmem:s7+$0x0];
	v7 =	vshra.s32 v1, $0x1F  }
0x1c0: {  	v4 =	vld [tilespmem:s8+$0x0];
	v2 =	vtrunc.f32 v2;
	v7 =	vor.u32 $0x80000000, v7  }
0x1c1: {  	v9 =	vshra.s32 v3, $0x1F;
	v2 =	vcvt.f32.s32 v2;
	v1 =	vxor.u32 v1, v7  }
0x1c2: {  	v11 =	vshra.s32 v5, $0x1F;
	v6 =	vtrunc.f32 v6;
	v1 =	vshrl.u32 v1, $0x1  }
0x1c3: {  	s8 =	simm.s32 $0x145A0;
	v8 =	vtrunc.f32 v8;
	v2 =	vshll.u32 v2, $0xE;
	v1 =	vshrl.u32 v1, $0x11  }
0x1c4: {  	v12 =	vld [tilespmem:s8+$0x10];
	v10 =	vtrunc.f32 v10;
	v11 =	vor.u32 $0x80000000, v11;
	v13 =	vor.u32 v1, v2  }
0x1c5: {  	v7 =	vor.u32 $0x80000000, v9;
	v9 =	vshra.s32 v4, $0x1F;
	v5 =	vxor.u32 v5, v11  }
0x1c6: {  	v9 =	vor.u32 $0x80000000, v9;
	v7 =	vxor.u32 v3, v7;
	v11 =	vshrl.u32 v5, $0x1;
	v3 =	vld [tilespmem:s8+$0x0]  }
0x1c7: {  	v5 =	vcvt.f32.s32 v8;
	v9 =	vxor.u32 v4, v9;
	v4 =	vcvt.f32.s32 v6;
	v1 =	vld [tilespmem:s8+$0xFFFFFFE0]  }
0x1c8: {  	v7 =	vshrl.u32 v7, $0x1;
	v6 =	vcvt.f32.s32 v10;
	v2 =	vld [tilespmem:s8+$0xFFFFFFF0];
	v8 =	vshrl.u32 v9, $0x1  }
0x1c9: {  	s9 =	simm.s32 $0x0;
	s10 =	simm.s32 $0xF6E0;
	v9 =	vshrl.u32 v11, $0x11;
	v7 =	vshrl.u32 v7, $0x11;
	v8 =	vshrl.u32 v8, $0x11;
	[tilespmem:v13+s14+$0x0] =	vst.idx.add.f32.msk $0xffff, v12  }
.LBB2_14:
0x1ca: {  	v10 =	vld [tilespmem:s10+$0x10];
	s9 =	sadd.s32 $0x4, s9;
	v4 =	vshll.u32 v4, $0xE;
	v5 =	vshll.u32 v5, $0xE;
	v6 =	vshll.u32 v6, $0xE;
	s7 =	sadd.s32 $0x40, s7  }
0x1cb: {  	v11 =	vld [tilespmem:s7+$0x10];
	p1 =	slt.u32 s9, $0x26C;
	v4 =	vor.u32 v9, v4;
	v5 =	vor.u32 v7, v5;
	v7 =	vor.u32 v8, v6  }
0x1cc: {  	v6 =	vld [tilespmem:s10+$0xFFFFFFF0];
	v8 =	vmov v3  }
0x1cd: {  	v3 =	vld [tilespmem:s10+$0x0]  }
0x1ce: {  	v9 =	vld [tilespmem:s10+$0xFFFFFFE0]  }
0x1cf: {  	v12 =	vld [tilespmem:s7+$0xFFFFFFE0];
	v13 =	vshra.s32 v10, $0x1F  }
0x1d0: {  	v14 =	vld [tilespmem:s7+$0xFFFFFFF0];
	v13 =	vor.u32 $0x80000000, v13;
	v11 =	vtrunc.f32 v11  }
0x1d1: {  	v15 =	vshra.s32 v6, $0x1F;
	v16 =	vld [tilespmem:s7+$0x0];
	v10 =	vxor.u32 v10, v13;
	v11 =	vcvt.f32.s32 v11  }
0x1d2: {  	v13 =	vor.u32 $0x80000000, v15;
	v15 =	vshra.s32 v3, $0x1F;
	v10 =	vshrl.u32 v10, $0x1;
	[tilespmem:v4+s14+$0x0] =	vst.idx.add.f32.msk $0xffff, v1  }
0x1d3: {  	s8 =	sadd.s32 $0x40, s8;
	v1 =	vshra.s32 v9, $0x1F;
	v4 =	vshrl.u32 v10, $0x11;
	v10 =	vshll.u32 v11, $0xE;
	[tilespmem:v5+s14+$0x0] =	vst.idx.add.f32.msk $0xffff, v2  }
0x1d4: {  	v5 =	vor.u32 $0x80000000, v15;
	v2 =	vor.u32 $0x80000000, v1;
	v11 =	vld [tilespmem:s8+$0x10];
	v10 =	vor.u32 v4, v10  }
.Ltmp6:
0x1d5: {  	v4 =	vtrunc.f32 v12;
	v1 =	vld [tilespmem:s8+$0xFFFFFFE0];
	v9 =	vxor.u32 v9, v2;
	v12 =	vtrunc.f32 v14;
	(pc) =	sbr.rel @p1 .LBB2_14-.Ltmp6, $4  }
0x1d6: {  	v6 =	vxor.u32 v6, v13;
	v13 =	vxor.u32 v3, v5;
	v2 =	vld [tilespmem:s8+$0xFFFFFFF0];
	v14 =	vtrunc.f32 v16  }
0x1d7: {  	v4 =	vcvt.f32.s32 v4;
	v9 =	vshrl.u32 v9, $0x1;
	v5 =	vcvt.f32.s32 v12;
	v3 =	vld [tilespmem:s8+$0x0]  }
0x1d8: {  	v13 =	vshrl.u32 v13, $0x1;
	v12 =	vshrl.u32 v6, $0x1;
	v6 =	vcvt.f32.s32 v14;
	[tilespmem:v7+s14+$0x0] =	vst.idx.add.f32.msk $0xffff, v8  }
0x1d9: {  	s10 =	sadd.s32 $0x40, s10;
	v9 =	vshrl.u32 v9, $0x11;
	v7 =	vshrl.u32 v12, $0x11;
	v8 =	vshrl.u32 v13, $0x11;
	[tilespmem:v10+s14+$0x0] =	vst.idx.add.f32.msk $0xffff, v11  }
0x1da: {  	v4 =	vshll.u32 v4, $0xE  }
0x1db: {  	v5 =	vshll.u32 v5, $0xE;
	v4 =	vor.u32 v9, v4  }
0x1dc: {  	v6 =	vshll.u32 v6, $0xE;
	v5 =	vor.u32 v7, v5  }
0x1dd: {  	v6 =	vor.u32 v8, v6;
	_ =	sdelay $0x2  }
0x1de: {  	[tilespmem:v4+s14+$0x0] =	vst.idx.add.f32.msk $0xffff, v1  }
0x1df: {  	[tilespmem:v5+s14+$0x0] =	vst.idx.add.f32.msk $0xffff, v2  }
0x1e0: {  	[tilespmem:v6+s14+$0x0] =	vst.idx.add.f32.msk $0xffff, v3  }
0x1e1: {  	v1 =	vld [tilespmem:$0x11D80]  }
0x1e2: {  	v2 =	vld [tilespmem:$0x14500];
	_ =	sdelay $0x3  }
0x1e3: {  	v3 =	vshra.s32 v1, $0x1F  }
0x1e4: {  	v2 =	vtrunc.f32 v2;
	v3 =	vor.u32 $0x80000000, v3  }
0x1e5: {  	v2 =	vcvt.f32.s32 v2;
	v1 =	vxor.u32 v1, v3  }
0x1e6: {  	v1 =	vshrl.u32 v1, $0x1  }
0x1e7: {  	v2 =	vshll.u32 v2, $0xE;
	v1 =	vshrl.u32 v1, $0x11  }
0x1e8: {  	v3 =	vld [tilespmem:$0x16C80];
	v1 =	vor.u32 v1, v2;
	_ =	sdelay $0x4  }
0x1e9: {  	s7 =	rddreg [dreg:$0x15];
	[tilespmem:v1+s14+$0x0] =	vst.idx.add.f32.msk $0xffff, v3  }
0x1ea: {  	[tilespmem:s31], [sflag:$0x2] =	stream.linear.gather [hbm4b:s7+s14], $0x2710, $0x38;
	[tilespmem:$0x19F00] =	vst v63  }
0x1eb: {  	s11 =	rddreg [dreg:$0x16]  }
0x1ec: {  	[tilespmem:s0], [sflag:$0x2] =	stream.linear.gather [hbm4b:s11+s14], $0x2710, $0x38;
	[tilespmem:$0x19F00] =	vst v63  }
0x1ed: {  	s12 =	rddreg [dreg:$0x17]  }
0x1ee: {  	[tilespmem:s1], [sflag:$0x2] =	stream.linear.gather [hbm4b:s12+s14], $0x2710, $0x38;
	[tilespmem:$0x19F00] =	vst v63  }
0x1ef: {  	_ =	swait.ge [sflag:s2], $0x2710  }
0x1f0: {  	[sflag:s2] =	ssyncset.done $0x0  }
0x1f1: {  	[sflag:s2] =	ssyncadd.s32 $0xFFFFD8F0  }
0x1f2: {  	_ =	swait.ge [sflag:s2], $0x2710  }
0x1f3: {  	[sflag:s2] =	ssyncset.done $0x0  }
0x1f4: {  	[sflag:s2] =	ssyncadd.s32 $0xFFFFD8F0  }
0x1f5: {  	_ =	swait.ge [sflag:s2], $0x2710  }
0x1f6: {  	[sflag:s2] =	ssyncset.done $0x0  }
0x1f7: {  	s8 =	simm.s32 $0x8020;
	[sflag:s2] =	ssyncadd.s32 $0xFFFFD8F0  }
0x1f8: {  	s7 =	simm.s32 $0xA7A0;
	v1 =	vld [tilespmem:s8+$0x10]  }
0x1f9: {  	v2 =	vld [tilespmem:s7+$0x10]  }
0x1fa: {  	v3 =	vld [tilespmem:s8+$0xFFFFFFF0]  }
0x1fb: {  	v5 =	vld [tilespmem:s8+$0xFFFFFFE0]  }
0x1fc: {  	v6 =	vld [tilespmem:s7+$0xFFFFFFE0]  }
0x1fd: {  	v8 =	vld [tilespmem:s7+$0xFFFFFFF0]  }
0x1fe: {  	v10 =	vld [tilespmem:s7+$0x0];
	v7 =	vshra.s32 v1, $0x1F  }
0x1ff: {  	v4 =	vld [tilespmem:s8+$0x0];
	v2 =	vtrunc.f32 v2;
	v7 =	vor.u32 $0x80000000, v7  }
0x200: {  	v9 =	vshra.s32 v3, $0x1F;
	v2 =	vcvt.f32.s32 v2;
	v1 =	vxor.u32 v1, v7  }
0x201: {  	v11 =	vshra.s32 v5, $0x1F;
	v6 =	vtrunc.f32 v6;
	v1 =	vshrl.u32 v1, $0x1  }
0x202: {  	s8 =	simm.s32 $0xCF20;
	v8 =	vtrunc.f32 v8;
	v2 =	vshll.u32 v2, $0xE;
	v1 =	vshrl.u32 v1, $0x11  }
0x203: {  	v12 =	vld [tilespmem:s8+$0x10];
	v10 =	vtrunc.f32 v10;
	v11 =	vor.u32 $0x80000000, v11;
	v13 =	vor.u32 v1, v2  }
0x204: {  	v7 =	vor.u32 $0x80000000, v9;
	v9 =	vshra.s32 v4, $0x1F;
	v5 =	vxor.u32 v5, v11  }
0x205: {  	v9 =	vor.u32 $0x80000000, v9;
	v7 =	vxor.u32 v3, v7;
	v11 =	vshrl.u32 v5, $0x1;
	v3 =	vld [tilespmem:s8+$0x0]  }
0x206: {  	v5 =	vcvt.f32.s32 v8;
	v9 =	vxor.u32 v4, v9;
	v4 =	vcvt.f32.s32 v6;
	v1 =	vld [tilespmem:s8+$0xFFFFFFE0]  }
0x207: {  	v7 =	vshrl.u32 v7, $0x1;
	v6 =	vcvt.f32.s32 v10;
	v2 =	vld [tilespmem:s8+$0xFFFFFFF0];
	v8 =	vshrl.u32 v9, $0x1  }
0x208: {  	s9 =	simm.s32 $0x0;
	s10 =	simm.s32 $0x8060;
	v9 =	vshrl.u32 v11, $0x11;
	v7 =	vshrl.u32 v7, $0x11;
	v8 =	vshrl.u32 v8, $0x11;
	[tilespmem:v13+s14+$0x0] =	vst.idx.add.f32.msk $0xffff, v12  }
.LBB2_16:
0x209: {  	v10 =	vld [tilespmem:s10+$0x10];
	s9 =	sadd.s32 $0x4, s9;
	v4 =	vshll.u32 v4, $0xE;
	v5 =	vshll.u32 v5, $0xE;
	v6 =	vshll.u32 v6, $0xE;
	s7 =	sadd.s32 $0x40, s7  }
0x20a: {  	v11 =	vld [tilespmem:s7+$0x10];
	p1 =	slt.u32 s9, $0x26C;
	v4 =	vor.u32 v9, v4;
	v5 =	vor.u32 v7, v5;
	v7 =	vor.u32 v8, v6  }
0x20b: {  	v6 =	vld [tilespmem:s10+$0xFFFFFFF0];
	v8 =	vmov v3  }
0x20c: {  	v3 =	vld [tilespmem:s10+$0x0]  }
0x20d: {  	v9 =	vld [tilespmem:s10+$0xFFFFFFE0]  }
0x20e: {  	v12 =	vld [tilespmem:s7+$0xFFFFFFE0];
	v13 =	vshra.s32 v10, $0x1F  }
0x20f: {  	v14 =	vld [tilespmem:s7+$0xFFFFFFF0];
	v13 =	vor.u32 $0x80000000, v13;
	v11 =	vtrunc.f32 v11  }
0x210: {  	v15 =	vshra.s32 v6, $0x1F;
	v16 =	vld [tilespmem:s7+$0x0];
	v10 =	vxor.u32 v10, v13;
	v11 =	vcvt.f32.s32 v11  }
0x211: {  	v13 =	vor.u32 $0x80000000, v15;
	v15 =	vshra.s32 v3, $0x1F;
	v10 =	vshrl.u32 v10, $0x1;
	[tilespmem:v4+s14+$0x0] =	vst.idx.add.f32.msk $0xffff, v1  }
0x212: {  	s8 =	sadd.s32 $0x40, s8;
	v1 =	vshra.s32 v9, $0x1F;
	v4 =	vshrl.u32 v10, $0x11;
	v10 =	vshll.u32 v11, $0xE;
	[tilespmem:v5+s14+$0x0] =	vst.idx.add.f32.msk $0xffff, v2  }
0x213: {  	v5 =	vor.u32 $0x80000000, v15;
	v2 =	vor.u32 $0x80000000, v1;
	v11 =	vld [tilespmem:s8+$0x10];
	v10 =	vor.u32 v4, v10  }
.Ltmp7:
0x214: {  	v4 =	vtrunc.f32 v12;
	v1 =	vld [tilespmem:s8+$0xFFFFFFE0];
	v9 =	vxor.u32 v9, v2;
	v12 =	vtrunc.f32 v14;
	(pc) =	sbr.rel @p1 .LBB2_16-.Ltmp7, $4  }
0x215: {  	v6 =	vxor.u32 v6, v13;
	v13 =	vxor.u32 v3, v5;
	v2 =	vld [tilespmem:s8+$0xFFFFFFF0];
	v14 =	vtrunc.f32 v16  }
0x216: {  	v4 =	vcvt.f32.s32 v4;
	v9 =	vshrl.u32 v9, $0x1;
	v5 =	vcvt.f32.s32 v12;
	v3 =	vld [tilespmem:s8+$0x0]  }
0x217: {  	v13 =	vshrl.u32 v13, $0x1;
	v12 =	vshrl.u32 v6, $0x1;
	v6 =	vcvt.f32.s32 v14;
	[tilespmem:v7+s14+$0x0] =	vst.idx.add.f32.msk $0xffff, v8  }
0x218: {  	s10 =	sadd.s32 $0x40, s10;
	v9 =	vshrl.u32 v9, $0x11;
	v7 =	vshrl.u32 v12, $0x11;
	v8 =	vshrl.u32 v13, $0x11;
	[tilespmem:v10+s14+$0x0] =	vst.idx.add.f32.msk $0xffff, v11  }
0x219: {  	v4 =	vshll.u32 v4, $0xE  }
0x21a: {  	v5 =	vshll.u32 v5, $0xE;
	v4 =	vor.u32 v9, v4  }
0x21b: {  	v6 =	vshll.u32 v6, $0xE;
	v5 =	vor.u32 v7, v5  }
0x21c: {  	v6 =	vor.u32 v8, v6;
	_ =	sdelay $0x2  }
0x21d: {  	[tilespmem:v4+s14+$0x0] =	vst.idx.add.f32.msk $0xffff, v1  }
0x21e: {  	[tilespmem:v5+s14+$0x0] =	vst.idx.add.f32.msk $0xffff, v2  }
0x21f: {  	[tilespmem:v6+s14+$0x0] =	vst.idx.add.f32.msk $0xffff, v3  }
0x220: {  	v1 =	vld [tilespmem:$0xA700]  }
0x221: {  	v2 =	vld [tilespmem:$0xCE80];
	_ =	sdelay $0x3  }
0x222: {  	v3 =	vshra.s32 v1, $0x1F  }
0x223: {  	v2 =	vtrunc.f32 v2;
	v3 =	vor.u32 $0x80000000, v3  }
0x224: {  	v2 =	vcvt.f32.s32 v2;
	v1 =	vxor.u32 v1, v3  }
0x225: {  	v1 =	vshrl.u32 v1, $0x1  }
0x226: {  	v2 =	vshll.u32 v2, $0xE;
	v1 =	vshrl.u32 v1, $0x11  }
0x227: {  	v3 =	vld [tilespmem:$0xF600];
	v1 =	vor.u32 v1, v2;
	_ =	sdelay $0x4  }
0x228: {  	s7 =	rddreg [dreg:$0x18];
	[tilespmem:v1+s14+$0x0] =	vst.idx.add.f32.msk $0xffff, v3  }
0x229: {  	[tilespmem:s28], [sflag:$0x1] =	stream.linear.gather [hbm4b:s7+s14], $0x2710, $0x38;
	[tilespmem:$0x19F00] =	vst v63  }
0x22a: {  	s11 =	rddreg [dreg:$0x19]  }
0x22b: {  	[tilespmem:s29], [sflag:$0x1] =	stream.linear.gather [hbm4b:s11+s14], $0x2710, $0x38;
	[tilespmem:$0x19F00] =	vst v63  }
0x22c: {  	s12 =	rddreg [dreg:$0x1a]  }
0x22d: {  	[tilespmem:s30], [sflag:$0x1] =	stream.linear.gather [hbm4b:s12+s14], $0x2710, $0x38;
	[tilespmem:$0x19F00] =	vst v63  }
0x22e: {  	_ =	swait.ge [sflag:s3], $0x2710  }
0x22f: {  	[sflag:s3] =	ssyncset.done $0x0  }
0x230: {  	[sflag:s3] =	ssyncadd.s32 $0xFFFFD8F0  }
0x231: {  	_ =	swait.ge [sflag:s3], $0x2710  }
0x232: {  	[sflag:s3] =	ssyncset.done $0x0  }
0x233: {  	[sflag:s3] =	ssyncadd.s32 $0xFFFFD8F0  }
0x234: {  	_ =	swait.ge [sflag:s3], $0x2710  }
0x235: {  	[sflag:s3] =	ssyncset.done $0x0  }
0x236: {  	s8 =	simm.s32 $0xF6A0;
	[sflag:s3] =	ssyncadd.s32 $0xFFFFD8F0  }
0x237: {  	s7 =	simm.s32 $0x11E20;
	v1 =	vld [tilespmem:s8+$0x10]  }
0x238: {  	v2 =	vld [tilespmem:s7+$0x10]  }
0x239: {  	v3 =	vld [tilespmem:s8+$0xFFFFFFF0]  }
0x23a: {  	v5 =	vld [tilespmem:s8+$0xFFFFFFE0]  }
0x23b: {  	v6 =	vld [tilespmem:s7+$0xFFFFFFE0]  }
0x23c: {  	v8 =	vld [tilespmem:s7+$0xFFFFFFF0]  }
0x23d: {  	v10 =	vld [tilespmem:s7+$0x0];
	v7 =	vshra.s32 v1, $0x1F  }
0x23e: {  	v4 =	vld [tilespmem:s8+$0x0];
	v2 =	vtrunc.f32 v2;
	v7 =	vor.u32 $0x80000000, v7  }
0x23f: {  	v9 =	vshra.s32 v3, $0x1F;
	v2 =	vcvt.f32.s32 v2;
	v1 =	vxor.u32 v1, v7  }
0x240: {  	v11 =	vshra.s32 v5, $0x1F;
	v6 =	vtrunc.f32 v6;
	v1 =	vshrl.u32 v1, $0x1  }
0x241: {  	s8 =	simm.s32 $0x145A0;
	v8 =	vtrunc.f32 v8;
	v2 =	vshll.u32 v2, $0xE;
	v1 =	vshrl.u32 v1, $0x11  }
0x242: {  	v12 =	vld [tilespmem:s8+$0x10];
	v10 =	vtrunc.f32 v10;
	v11 =	vor.u32 $0x80000000, v11;
	v13 =	vor.u32 v1, v2  }
0x243: {  	v7 =	vor.u32 $0x80000000, v9;
	v9 =	vshra.s32 v4, $0x1F;
	v5 =	vxor.u32 v5, v11  }
0x244: {  	v9 =	vor.u32 $0x80000000, v9;
	v7 =	vxor.u32 v3, v7;
	v11 =	vshrl.u32 v5, $0x1;
	v3 =	vld [tilespmem:s8+$0x0]  }
0x245: {  	v5 =	vcvt.f32.s32 v8;
	v9 =	vxor.u32 v4, v9;
	v4 =	vcvt.f32.s32 v6;
	v1 =	vld [tilespmem:s8+$0xFFFFFFE0]  }
0x246: {  	v7 =	vshrl.u32 v7, $0x1;
	v6 =	vcvt.f32.s32 v10;
	v2 =	vld [tilespmem:s8+$0xFFFFFFF0];
	v8 =	vshrl.u32 v9, $0x1  }
0x247: {  	s9 =	simm.s32 $0x0;
	s10 =	simm.s32 $0xF6E0;
	v9 =	vshrl.u32 v11, $0x11;
	v7 =	vshrl.u32 v7, $0x11;
	v8 =	vshrl.u32 v8, $0x11;
	[tilespmem:v13+s14+$0x0] =	vst.idx.add.f32.msk $0xffff, v12  }
.LBB2_18:
0x248: {  	v10 =	vld [tilespmem:s10+$0x10];
	s9 =	sadd.s32 $0x4, s9;
	v4 =	vshll.u32 v4, $0xE;
	v5 =	vshll.u32 v5, $0xE;
	v6 =	vshll.u32 v6, $0xE;
	s7 =	sadd.s32 $0x40, s7  }
0x249: {  	v11 =	vld [tilespmem:s7+$0x10];
	p1 =	slt.u32 s9, $0x26C;
	v4 =	vor.u32 v9, v4;
	v5 =	vor.u32 v7, v5;
	v7 =	vor.u32 v8, v6  }
0x24a: {  	v6 =	vld [tilespmem:s10+$0xFFFFFFF0];
	v8 =	vmov v3  }
0x24b: {  	v3 =	vld [tilespmem:s10+$0x0]  }
0x24c: {  	v9 =	vld [tilespmem:s10+$0xFFFFFFE0]  }
0x24d: {  	v12 =	vld [tilespmem:s7+$0xFFFFFFE0];
	v13 =	vshra.s32 v10, $0x1F  }
0x24e: {  	v14 =	vld [tilespmem:s7+$0xFFFFFFF0];
	v13 =	vor.u32 $0x80000000, v13;
	v11 =	vtrunc.f32 v11  }
0x24f: {  	v15 =	vshra.s32 v6, $0x1F;
	v16 =	vld [tilespmem:s7+$0x0];
	v10 =	vxor.u32 v10, v13;
	v11 =	vcvt.f32.s32 v11  }
0x250: {  	v13 =	vor.u32 $0x80000000, v15;
	v15 =	vshra.s32 v3, $0x1F;
	v10 =	vshrl.u32 v10, $0x1;
	[tilespmem:v4+s14+$0x0] =	vst.idx.add.f32.msk $0xffff, v1  }
0x251: {  	s8 =	sadd.s32 $0x40, s8;
	v1 =	vshra.s32 v9, $0x1F;
	v4 =	vshrl.u32 v10, $0x11;
	v10 =	vshll.u32 v11, $0xE;
	[tilespmem:v5+s14+$0x0] =	vst.idx.add.f32.msk $0xffff, v2  }
0x252: {  	v5 =	vor.u32 $0x80000000, v15;
	v2 =	vor.u32 $0x80000000, v1;
	v11 =	vld [tilespmem:s8+$0x10];
	v10 =	vor.u32 v4, v10  }
.Ltmp8:
0x253: {  	v4 =	vtrunc.f32 v12;
	v1 =	vld [tilespmem:s8+$0xFFFFFFE0];
	v9 =	vxor.u32 v9, v2;
	v12 =	vtrunc.f32 v14;
	(pc) =	sbr.rel @p1 .LBB2_18-.Ltmp8, $4  }
0x254: {  	v6 =	vxor.u32 v6, v13;
	v13 =	vxor.u32 v3, v5;
	v2 =	vld [tilespmem:s8+$0xFFFFFFF0];
	v14 =	vtrunc.f32 v16  }
0x255: {  	v4 =	vcvt.f32.s32 v4;
	v9 =	vshrl.u32 v9, $0x1;
	v5 =	vcvt.f32.s32 v12;
	v3 =	vld [tilespmem:s8+$0x0]  }
0x256: {  	v13 =	vshrl.u32 v13, $0x1;
	v12 =	vshrl.u32 v6, $0x1;
	v6 =	vcvt.f32.s32 v14;
	[tilespmem:v7+s14+$0x0] =	vst.idx.add.f32.msk $0xffff, v8  }
0x257: {  	s10 =	sadd.s32 $0x40, s10;
	v9 =	vshrl.u32 v9, $0x11;
	v7 =	vshrl.u32 v12, $0x11;
	v8 =	vshrl.u32 v13, $0x11;
	[tilespmem:v10+s14+$0x0] =	vst.idx.add.f32.msk $0xffff, v11  }
0x258: {  	v4 =	vshll.u32 v4, $0xE  }
0x259: {  	v5 =	vshll.u32 v5, $0xE;
	v4 =	vor.u32 v9, v4  }
0x25a: {  	v6 =	vshll.u32 v6, $0xE;
	v5 =	vor.u32 v7, v5  }
0x25b: {  	v6 =	vor.u32 v8, v6;
	_ =	sdelay $0x2  }
0x25c: {  	[tilespmem:v4+s14+$0x0] =	vst.idx.add.f32.msk $0xffff, v1  }
0x25d: {  	[tilespmem:v5+s14+$0x0] =	vst.idx.add.f32.msk $0xffff, v2  }
0x25e: {  	[tilespmem:v6+s14+$0x0] =	vst.idx.add.f32.msk $0xffff, v3  }
0x25f: {  	v1 =	vld [tilespmem:$0x11D80]  }
0x260: {  	v2 =	vld [tilespmem:$0x14500];
	_ =	sdelay $0x3  }
0x261: {  	v3 =	vshra.s32 v1, $0x1F  }
0x262: {  	v2 =	vtrunc.f32 v2;
	v3 =	vor.u32 $0x80000000, v3  }
0x263: {  	v2 =	vcvt.f32.s32 v2;
	v1 =	vxor.u32 v1, v3  }
0x264: {  	v1 =	vshrl.u32 v1, $0x1  }
0x265: {  	v2 =	vshll.u32 v2, $0xE;
	v1 =	vshrl.u32 v1, $0x11  }
0x266: {  	v3 =	vld [tilespmem:$0x16C80];
	v1 =	vor.u32 v1, v2;
	_ =	sdelay $0x4  }
0x267: {  	s7 =	rddreg [dreg:$0x1b];
	[tilespmem:v1+s14+$0x0] =	vst.idx.add.f32.msk $0xffff, v3  }
0x268: {  	[tilespmem:s31], [sflag:$0x2] =	stream.linear.gather [hbm4b:s7+s14], $0x2710, $0x38;
	[tilespmem:$0x19F00] =	vst v63  }
0x269: {  	s11 =	rddreg [dreg:$0x1c]  }
0x26a: {  	[tilespmem:s0], [sflag:$0x2] =	stream.linear.gather [hbm4b:s11+s14], $0x2710, $0x38;
	[tilespmem:$0x19F00] =	vst v63  }
0x26b: {  	s12 =	rddreg [dreg:$0x1d]  }
0x26c: {  	[tilespmem:s1], [sflag:$0x2] =	stream.linear.gather [hbm4b:s12+s14], $0x2710, $0x38;
	[tilespmem:$0x19F00] =	vst v63  }
0x26d: {  	_ =	swait.ge [sflag:s2], $0x2710  }
0x26e: {  	[sflag:s2] =	ssyncset.done $0x0  }
0x26f: {  	[sflag:s2] =	ssyncadd.s32 $0xFFFFD8F0  }
0x270: {  	_ =	swait.ge [sflag:s2], $0x2710  }
0x271: {  	[sflag:s2] =	ssyncset.done $0x0  }
0x272: {  	[sflag:s2] =	ssyncadd.s32 $0xFFFFD8F0  }
0x273: {  	_ =	swait.ge [sflag:s2], $0x2710  }
0x274: {  	[sflag:s2] =	ssyncset.done $0x0  }
0x275: {  	s8 =	simm.s32 $0x8020;
	[sflag:s2] =	ssyncadd.s32 $0xFFFFD8F0  }
0x276: {  	s7 =	simm.s32 $0xA7A0;
	v1 =	vld [tilespmem:s8+$0x10]  }
0x277: {  	v2 =	vld [tilespmem:s7+$0x10]  }
0x278: {  	v3 =	vld [tilespmem:s8+$0xFFFFFFF0]  }
0x279: {  	v5 =	vld [tilespmem:s8+$0xFFFFFFE0]  }
0x27a: {  	v6 =	vld [tilespmem:s7+$0xFFFFFFE0]  }
0x27b: {  	v8 =	vld [tilespmem:s7+$0xFFFFFFF0]  }
0x27c: {  	v10 =	vld [tilespmem:s7+$0x0];
	v7 =	vshra.s32 v1, $0x1F  }
0x27d: {  	v4 =	vld [tilespmem:s8+$0x0];
	v2 =	vtrunc.f32 v2;
	v7 =	vor.u32 $0x80000000, v7  }
0x27e: {  	v9 =	vshra.s32 v3, $0x1F;
	v2 =	vcvt.f32.s32 v2;
	v1 =	vxor.u32 v1, v7  }
0x27f: {  	v11 =	vshra.s32 v5, $0x1F;
	v6 =	vtrunc.f32 v6;
	v1 =	vshrl.u32 v1, $0x1  }
0x280: {  	s8 =	simm.s32 $0xCF20;
	v8 =	vtrunc.f32 v8;
	v2 =	vshll.u32 v2, $0xE;
	v1 =	vshrl.u32 v1, $0x11  }
0x281: {  	v12 =	vld [tilespmem:s8+$0x10];
	v10 =	vtrunc.f32 v10;
	v11 =	vor.u32 $0x80000000, v11;
	v13 =	vor.u32 v1, v2  }
0x282: {  	v7 =	vor.u32 $0x80000000, v9;
	v9 =	vshra.s32 v4, $0x1F;
	v5 =	vxor.u32 v5, v11  }
0x283: {  	v9 =	vor.u32 $0x80000000, v9;
	v7 =	vxor.u32 v3, v7;
	v11 =	vshrl.u32 v5, $0x1;
	v3 =	vld [tilespmem:s8+$0x0]  }
0x284: {  	v5 =	vcvt.f32.s32 v8;
	v9 =	vxor.u32 v4, v9;
	v4 =	vcvt.f32.s32 v6;
	v1 =	vld [tilespmem:s8+$0xFFFFFFE0]  }
0x285: {  	v7 =	vshrl.u32 v7, $0x1;
	v6 =	vcvt.f32.s32 v10;
	v2 =	vld [tilespmem:s8+$0xFFFFFFF0];
	v8 =	vshrl.u32 v9, $0x1  }
0x286: {  	s9 =	simm.s32 $0x0;
	s10 =	simm.s32 $0x8060;
	v9 =	vshrl.u32 v11, $0x11;
	v7 =	vshrl.u32 v7, $0x11;
	v8 =	vshrl.u32 v8, $0x11;
	[tilespmem:v13+s14+$0x0] =	vst.idx.add.f32.msk $0xffff, v12  }
.LBB2_20:
0x287: {  	v10 =	vld [tilespmem:s10+$0x10];
	s9 =	sadd.s32 $0x4, s9;
	v4 =	vshll.u32 v4, $0xE;
	v5 =	vshll.u32 v5, $0xE;
	v6 =	vshll.u32 v6, $0xE;
	s7 =	sadd.s32 $0x40, s7  }
0x288: {  	v11 =	vld [tilespmem:s7+$0x10];
	p1 =	slt.u32 s9, $0x26C;
	v4 =	vor.u32 v9, v4;
	v5 =	vor.u32 v7, v5;
	v7 =	vor.u32 v8, v6  }
0x289: {  	v6 =	vld [tilespmem:s10+$0xFFFFFFF0];
	v8 =	vmov v3  }
0x28a: {  	v3 =	vld [tilespmem:s10+$0x0]  }
0x28b: {  	v9 =	vld [tilespmem:s10+$0xFFFFFFE0]  }
0x28c: {  	v12 =	vld [tilespmem:s7+$0xFFFFFFE0];
	v13 =	vshra.s32 v10, $0x1F  }
0x28d: {  	v14 =	vld [tilespmem:s7+$0xFFFFFFF0];
	v13 =	vor.u32 $0x80000000, v13;
	v11 =	vtrunc.f32 v11  }
0x28e: {  	v15 =	vshra.s32 v6, $0x1F;
	v16 =	vld [tilespmem:s7+$0x0];
	v10 =	vxor.u32 v10, v13;
	v11 =	vcvt.f32.s32 v11  }
0x28f: {  	v13 =	vor.u32 $0x80000000, v15;
	v15 =	vshra.s32 v3, $0x1F;
	v10 =	vshrl.u32 v10, $0x1;
	[tilespmem:v4+s14+$0x0] =	vst.idx.add.f32.msk $0xffff, v1  }
0x290: {  	s8 =	sadd.s32 $0x40, s8;
	v1 =	vshra.s32 v9, $0x1F;
	v4 =	vshrl.u32 v10, $0x11;
	v10 =	vshll.u32 v11, $0xE;
	[tilespmem:v5+s14+$0x0] =	vst.idx.add.f32.msk $0xffff, v2  }
0x291: {  	v5 =	vor.u32 $0x80000000, v15;
	v2 =	vor.u32 $0x80000000, v1;
	v11 =	vld [tilespmem:s8+$0x10];
	v10 =	vor.u32 v4, v10  }
.Ltmp9:
0x292: {  	v4 =	vtrunc.f32 v12;
	v1 =	vld [tilespmem:s8+$0xFFFFFFE0];
	v9 =	vxor.u32 v9, v2;
	v12 =	vtrunc.f32 v14;
	(pc) =	sbr.rel @p1 .LBB2_20-.Ltmp9, $4  }
0x293: {  	v6 =	vxor.u32 v6, v13;
	v13 =	vxor.u32 v3, v5;
	v2 =	vld [tilespmem:s8+$0xFFFFFFF0];
	v14 =	vtrunc.f32 v16  }
0x294: {  	v4 =	vcvt.f32.s32 v4;
	v9 =	vshrl.u32 v9, $0x1;
	v5 =	vcvt.f32.s32 v12;
	v3 =	vld [tilespmem:s8+$0x0]  }
0x295: {  	v13 =	vshrl.u32 v13, $0x1;
	v12 =	vshrl.u32 v6, $0x1;
	v6 =	vcvt.f32.s32 v14;
	[tilespmem:v7+s14+$0x0] =	vst.idx.add.f32.msk $0xffff, v8  }
0x296: {  	s10 =	sadd.s32 $0x40, s10;
	v9 =	vshrl.u32 v9, $0x11;
	v7 =	vshrl.u32 v12, $0x11;
	v8 =	vshrl.u32 v13, $0x11;
	[tilespmem:v10+s14+$0x0] =	vst.idx.add.f32.msk $0xffff, v11  }
0x297: {  	v4 =	vshll.u32 v4, $0xE  }
0x298: {  	v5 =	vshll.u32 v5, $0xE;
	v4 =	vor.u32 v9, v4  }
0x299: {  	v6 =	vshll.u32 v6, $0xE;
	v5 =	vor.u32 v7, v5  }
0x29a: {  	v6 =	vor.u32 v8, v6;
	_ =	sdelay $0x2  }
0x29b: {  	[tilespmem:v4+s14+$0x0] =	vst.idx.add.f32.msk $0xffff, v1  }
0x29c: {  	[tilespmem:v5+s14+$0x0] =	vst.idx.add.f32.msk $0xffff, v2  }
0x29d: {  	[tilespmem:v6+s14+$0x0] =	vst.idx.add.f32.msk $0xffff, v3  }
0x29e: {  	v1 =	vld [tilespmem:$0xA700]  }
0x29f: {  	v2 =	vld [tilespmem:$0xCE80];
	_ =	sdelay $0x3  }
0x2a0: {  	v3 =	vshra.s32 v1, $0x1F  }
0x2a1: {  	v2 =	vtrunc.f32 v2;
	v3 =	vor.u32 $0x80000000, v3  }
0x2a2: {  	v2 =	vcvt.f32.s32 v2;
	v1 =	vxor.u32 v1, v3  }
0x2a3: {  	v1 =	vshrl.u32 v1, $0x1  }
0x2a4: {  	v2 =	vshll.u32 v2, $0xE;
	v1 =	vshrl.u32 v1, $0x11  }
0x2a5: {  	v3 =	vld [tilespmem:$0xF600];
	v1 =	vor.u32 v1, v2;
	_ =	sdelay $0x3  }
0x2a6: {  	s7 =	rddreg [dreg:$0x1e]  }
0x2a7: {  	s11 =	rddreg [dreg:$0x1f];
	[tilespmem:v1+s14+$0x0] =	vst.idx.add.f32.msk $0xffff, v3  }
0x2a8: {  	[tilespmem:s28], [sflag:$0x1] =	stream.linear.gather [hbm4b:s7+s14], $0x2710, $0x38;
	[tilespmem:$0x19F00] =	vst v63  }
0x2a9: {  	s12 =	sld [smem:$0x7D1]  }
0x2aa: {  	[tilespmem:s29], [sflag:$0x1] =	stream.linear.gather [hbm4b:s11+s14], $0x2710, $0x38;
	[tilespmem:$0x19F00] =	vst v63  }
0x2ab: {  	_ = 	snop  }
0x2ac: {  	[tilespmem:s30], [sflag:$0x1] =	stream.linear.gather [hbm4b:s12+s14], $0x2710, $0x38;
	[tilespmem:$0x19F00] =	vst v63  }
0x2ad: {  	_ =	swait.ge [sflag:s3], $0x2710  }
0x2ae: {  	[sflag:s3] =	ssyncset.done $0x0  }
0x2af: {  	[sflag:s3] =	ssyncadd.s32 $0xFFFFD8F0  }
0x2b0: {  	_ =	swait.ge [sflag:s3], $0x2710  }
0x2b1: {  	[sflag:s3] =	ssyncset.done $0x0  }
0x2b2: {  	[sflag:s3] =	ssyncadd.s32 $0xFFFFD8F0  }
0x2b3: {  	_ =	swait.ge [sflag:s3], $0x2710  }
0x2b4: {  	[sflag:s3] =	ssyncset.done $0x0  }
0x2b5: {  	s8 =	simm.s32 $0xF6A0;
	[sflag:s3] =	ssyncadd.s32 $0xFFFFD8F0  }
0x2b6: {  	s7 =	simm.s32 $0x11E20;
	v1 =	vld [tilespmem:s8+$0x10]  }
0x2b7: {  	v2 =	vld [tilespmem:s7+$0x10]  }
0x2b8: {  	v3 =	vld [tilespmem:s8+$0xFFFFFFF0]  }
0x2b9: {  	v5 =	vld [tilespmem:s8+$0xFFFFFFE0]  }
0x2ba: {  	v6 =	vld [tilespmem:s7+$0xFFFFFFE0]  }
0x2bb: {  	v8 =	vld [tilespmem:s7+$0xFFFFFFF0]  }
0x2bc: {  	v10 =	vld [tilespmem:s7+$0x0];
	v7 =	vshra.s32 v1, $0x1F  }
0x2bd: {  	v4 =	vld [tilespmem:s8+$0x0];
	v2 =	vtrunc.f32 v2;
	v7 =	vor.u32 $0x80000000, v7  }
0x2be: {  	v9 =	vshra.s32 v3, $0x1F;
	v2 =	vcvt.f32.s32 v2;
	v1 =	vxor.u32 v1, v7  }
0x2bf: {  	v11 =	vshra.s32 v5, $0x1F;
	v6 =	vtrunc.f32 v6;
	v1 =	vshrl.u32 v1, $0x1  }
0x2c0: {  	s8 =	simm.s32 $0x145A0;
	v8 =	vtrunc.f32 v8;
	v2 =	vshll.u32 v2, $0xE;
	v1 =	vshrl.u32 v1, $0x11  }
0x2c1: {  	v12 =	vld [tilespmem:s8+$0x10];
	v10 =	vtrunc.f32 v10;
	v11 =	vor.u32 $0x80000000, v11;
	v13 =	vor.u32 v1, v2  }
0x2c2: {  	v7 =	vor.u32 $0x80000000, v9;
	v9 =	vshra.s32 v4, $0x1F;
	v5 =	vxor.u32 v5, v11  }
0x2c3: {  	v9 =	vor.u32 $0x80000000, v9;
	v7 =	vxor.u32 v3, v7;
	v11 =	vshrl.u32 v5, $0x1;
	v3 =	vld [tilespmem:s8+$0x0]  }
0x2c4: {  	v5 =	vcvt.f32.s32 v8;
	v9 =	vxor.u32 v4, v9;
	v4 =	vcvt.f32.s32 v6;
	v1 =	vld [tilespmem:s8+$0xFFFFFFE0]  }
0x2c5: {  	v7 =	vshrl.u32 v7, $0x1;
	v6 =	vcvt.f32.s32 v10;
	v2 =	vld [tilespmem:s8+$0xFFFFFFF0];
	v8 =	vshrl.u32 v9, $0x1  }
0x2c6: {  	s9 =	simm.s32 $0x0;
	s10 =	simm.s32 $0xF6E0;
	v9 =	vshrl.u32 v11, $0x11;
	v7 =	vshrl.u32 v7, $0x11;
	v8 =	vshrl.u32 v8, $0x11;
	[tilespmem:v13+s14+$0x0] =	vst.idx.add.f32.msk $0xffff, v12  }
.LBB2_22:
0x2c7: {  	v10 =	vld [tilespmem:s10+$0x10];
	s9 =	sadd.s32 $0x4, s9;
	v4 =	vshll.u32 v4, $0xE;
	v5 =	vshll.u32 v5, $0xE;
	v6 =	vshll.u32 v6, $0xE;
	s7 =	sadd.s32 $0x40, s7  }
0x2c8: {  	v11 =	vld [tilespmem:s7+$0x10];
	p1 =	slt.u32 s9, $0x26C;
	v4 =	vor.u32 v9, v4;
	v5 =	vor.u32 v7, v5;
	v7 =	vor.u32 v8, v6  }
0x2c9: {  	v6 =	vld [tilespmem:s10+$0xFFFFFFF0];
	v8 =	vmov v3  }
0x2ca: {  	v3 =	vld [tilespmem:s10+$0x0]  }
0x2cb: {  	v9 =	vld [tilespmem:s10+$0xFFFFFFE0]  }
0x2cc: {  	v12 =	vld [tilespmem:s7+$0xFFFFFFE0];
	v13 =	vshra.s32 v10, $0x1F  }
0x2cd: {  	v14 =	vld [tilespmem:s7+$0xFFFFFFF0];
	v13 =	vor.u32 $0x80000000, v13;
	v11 =	vtrunc.f32 v11  }
0x2ce: {  	v15 =	vshra.s32 v6, $0x1F;
	v16 =	vld [tilespmem:s7+$0x0];
	v10 =	vxor.u32 v10, v13;
	v11 =	vcvt.f32.s32 v11  }
0x2cf: {  	v13 =	vor.u32 $0x80000000, v15;
	v15 =	vshra.s32 v3, $0x1F;
	v10 =	vshrl.u32 v10, $0x1;
	[tilespmem:v4+s14+$0x0] =	vst.idx.add.f32.msk $0xffff, v1  }
0x2d0: {  	s8 =	sadd.s32 $0x40, s8;
	v1 =	vshra.s32 v9, $0x1F;
	v4 =	vshrl.u32 v10, $0x11;
	v10 =	vshll.u32 v11, $0xE;
	[tilespmem:v5+s14+$0x0] =	vst.idx.add.f32.msk $0xffff, v2  }
0x2d1: {  	v5 =	vor.u32 $0x80000000, v15;
	v2 =	vor.u32 $0x80000000, v1;
	v11 =	vld [tilespmem:s8+$0x10];
	v10 =	vor.u32 v4, v10  }
.Ltmp10:
0x2d2: {  	v4 =	vtrunc.f32 v12;
	v1 =	vld [tilespmem:s8+$0xFFFFFFE0];
	v9 =	vxor.u32 v9, v2;
	v12 =	vtrunc.f32 v14;
	(pc) =	sbr.rel @p1 .LBB2_22-.Ltmp10, $4  }
0x2d3: {  	v6 =	vxor.u32 v6, v13;
	v13 =	vxor.u32 v3, v5;
	v2 =	vld [tilespmem:s8+$0xFFFFFFF0];
	v14 =	vtrunc.f32 v16  }
0x2d4: {  	v4 =	vcvt.f32.s32 v4;
	v9 =	vshrl.u32 v9, $0x1;
	v5 =	vcvt.f32.s32 v12;
	v3 =	vld [tilespmem:s8+$0x0]  }
0x2d5: {  	v13 =	vshrl.u32 v13, $0x1;
	v12 =	vshrl.u32 v6, $0x1;
	v6 =	vcvt.f32.s32 v14;
	[tilespmem:v7+s14+$0x0] =	vst.idx.add.f32.msk $0xffff, v8  }
0x2d6: {  	s10 =	sadd.s32 $0x40, s10;
	v9 =	vshrl.u32 v9, $0x11;
	v7 =	vshrl.u32 v12, $0x11;
	v8 =	vshrl.u32 v13, $0x11;
	[tilespmem:v10+s14+$0x0] =	vst.idx.add.f32.msk $0xffff, v11  }
0x2d7: {  	v4 =	vshll.u32 v4, $0xE  }
0x2d8: {  	v5 =	vshll.u32 v5, $0xE;
	v4 =	vor.u32 v9, v4  }
0x2d9: {  	v6 =	vshll.u32 v6, $0xE;
	v5 =	vor.u32 v7, v5  }
0x2da: {  	v6 =	vor.u32 v8, v6;
	_ =	sdelay $0x2  }
0x2db: {  	[tilespmem:v4+s14+$0x0] =	vst.idx.add.f32.msk $0xffff, v1  }
0x2dc: {  	[tilespmem:v5+s14+$0x0] =	vst.idx.add.f32.msk $0xffff, v2  }
0x2dd: {  	[tilespmem:v6+s14+$0x0] =	vst.idx.add.f32.msk $0xffff, v3  }
0x2de: {  	v1 =	vld [tilespmem:$0x11D80]  }
0x2df: {  	v2 =	vld [tilespmem:$0x14500];
	_ =	sdelay $0x3  }
0x2e0: {  	v3 =	vshra.s32 v1, $0x1F  }
0x2e1: {  	v2 =	vtrunc.f32 v2;
	v3 =	vor.u32 $0x80000000, v3  }
0x2e2: {  	v2 =	vcvt.f32.s32 v2;
	v1 =	vxor.u32 v1, v3  }
0x2e3: {  	v1 =	vshrl.u32 v1, $0x1  }
0x2e4: {  	v2 =	vshll.u32 v2, $0xE;
	v1 =	vshrl.u32 v1, $0x11  }
0x2e5: {  	v3 =	vld [tilespmem:$0x16C80];
	v1 =	vor.u32 v1, v2;
	_ =	sdelay $0x2  }
0x2e6: {  	s7 =	sld [smem:$0x7D2];
	_ =	sdelay $0x1  }
0x2e7: {  	s11 =	sld [smem:$0x7D3];
	[tilespmem:v1+s14+$0x0] =	vst.idx.add.f32.msk $0xffff, v3  }
0x2e8: {  	[tilespmem:s31], [sflag:$0x2] =	stream.linear.gather [hbm4b:s7+s14], $0x2710, $0x38;
	[tilespmem:$0x19F00] =	vst v63  }
0x2e9: {  	s12 =	sld [smem:$0x7D4]  }
0x2ea: {  	[tilespmem:s0], [sflag:$0x2] =	stream.linear.gather [hbm4b:s11+s14], $0x2710, $0x38;
	[tilespmem:$0x19F00] =	vst v63  }
0x2eb: {  	_ = 	snop  }
0x2ec: {  	[tilespmem:s1], [sflag:$0x2] =	stream.linear.gather [hbm4b:s12+s14], $0x2710, $0x38;
	[tilespmem:$0x19F00] =	vst v63  }
0x2ed: {  	_ =	swait.ge [sflag:s2], $0x2710  }
0x2ee: {  	[sflag:s2] =	ssyncset.done $0x0  }
0x2ef: {  	[sflag:s2] =	ssyncadd.s32 $0xFFFFD8F0  }
0x2f0: {  	_ =	swait.ge [sflag:s2], $0x2710  }
0x2f1: {  	[sflag:s2] =	ssyncset.done $0x0  }
0x2f2: {  	[sflag:s2] =	ssyncadd.s32 $0xFFFFD8F0  }
0x2f3: {  	_ =	swait.ge [sflag:s2], $0x2710  }
0x2f4: {  	[sflag:s2] =	ssyncset.done $0x0  }
0x2f5: {  	s8 =	simm.s32 $0x8020;
	[sflag:s2] =	ssyncadd.s32 $0xFFFFD8F0  }
0x2f6: {  	s7 =	simm.s32 $0xA7A0;
	v1 =	vld [tilespmem:s8+$0x10]  }
0x2f7: {  	v2 =	vld [tilespmem:s7+$0x10]  }
0x2f8: {  	v3 =	vld [tilespmem:s8+$0xFFFFFFF0]  }
0x2f9: {  	v5 =	vld [tilespmem:s8+$0xFFFFFFE0]  }
0x2fa: {  	v6 =	vld [tilespmem:s7+$0xFFFFFFE0]  }
0x2fb: {  	v8 =	vld [tilespmem:s7+$0xFFFFFFF0]  }
0x2fc: {  	v10 =	vld [tilespmem:s7+$0x0];
	v7 =	vshra.s32 v1, $0x1F  }
0x2fd: {  	v4 =	vld [tilespmem:s8+$0x0];
	v2 =	vtrunc.f32 v2;
	v7 =	vor.u32 $0x80000000, v7  }
0x2fe: {  	v9 =	vshra.s32 v3, $0x1F;
	v2 =	vcvt.f32.s32 v2;
	v1 =	vxor.u32 v1, v7  }
0x2ff: {  	v11 =	vshra.s32 v5, $0x1F;
	v6 =	vtrunc.f32 v6;
	v1 =	vshrl.u32 v1, $0x1  }
0x300: {  	s8 =	simm.s32 $0xCF20;
	v8 =	vtrunc.f32 v8;
	v2 =	vshll.u32 v2, $0xE;
	v1 =	vshrl.u32 v1, $0x11  }
0x301: {  	v12 =	vld [tilespmem:s8+$0x10];
	v10 =	vtrunc.f32 v10;
	v11 =	vor.u32 $0x80000000, v11;
	v13 =	vor.u32 v1, v2  }
0x302: {  	v7 =	vor.u32 $0x80000000, v9;
	v9 =	vshra.s32 v4, $0x1F;
	v5 =	vxor.u32 v5, v11  }
0x303: {  	v9 =	vor.u32 $0x80000000, v9;
	v7 =	vxor.u32 v3, v7;
	v11 =	vshrl.u32 v5, $0x1;
	v3 =	vld [tilespmem:s8+$0x0]  }
0x304: {  	v5 =	vcvt.f32.s32 v8;
	v9 =	vxor.u32 v4, v9;
	v4 =	vcvt.f32.s32 v6;
	v1 =	vld [tilespmem:s8+$0xFFFFFFE0]  }
0x305: {  	v7 =	vshrl.u32 v7, $0x1;
	v6 =	vcvt.f32.s32 v10;
	v2 =	vld [tilespmem:s8+$0xFFFFFFF0];
	v8 =	vshrl.u32 v9, $0x1  }
0x306: {  	s9 =	simm.s32 $0x0;
	s10 =	simm.s32 $0x8060;
	v9 =	vshrl.u32 v11, $0x11;
	v7 =	vshrl.u32 v7, $0x11;
	v8 =	vshrl.u32 v8, $0x11;
	[tilespmem:v13+s14+$0x0] =	vst.idx.add.f32.msk $0xffff, v12  }
.LBB2_24:
0x307: {  	v10 =	vld [tilespmem:s10+$0x10];
	s9 =	sadd.s32 $0x4, s9;
	v4 =	vshll.u32 v4, $0xE;
	v5 =	vshll.u32 v5, $0xE;
	v6 =	vshll.u32 v6, $0xE;
	s7 =	sadd.s32 $0x40, s7  }
0x308: {  	v11 =	vld [tilespmem:s7+$0x10];
	p1 =	slt.u32 s9, $0x26C;
	v4 =	vor.u32 v9, v4;
	v5 =	vor.u32 v7, v5;
	v7 =	vor.u32 v8, v6  }
0x309: {  	v6 =	vld [tilespmem:s10+$0xFFFFFFF0];
	v8 =	vmov v3  }
0x30a: {  	v3 =	vld [tilespmem:s10+$0x0]  }
0x30b: {  	v9 =	vld [tilespmem:s10+$0xFFFFFFE0]  }
0x30c: {  	v12 =	vld [tilespmem:s7+$0xFFFFFFE0];
	v13 =	vshra.s32 v10, $0x1F  }
0x30d: {  	v14 =	vld [tilespmem:s7+$0xFFFFFFF0];
	v13 =	vor.u32 $0x80000000, v13;
	v11 =	vtrunc.f32 v11  }
0x30e: {  	v15 =	vshra.s32 v6, $0x1F;
	v16 =	vld [tilespmem:s7+$0x0];
	v10 =	vxor.u32 v10, v13;
	v11 =	vcvt.f32.s32 v11  }
0x30f: {  	v13 =	vor.u32 $0x80000000, v15;
	v15 =	vshra.s32 v3, $0x1F;
	v10 =	vshrl.u32 v10, $0x1;
	[tilespmem:v4+s14+$0x0] =	vst.idx.add.f32.msk $0xffff, v1  }
0x310: {  	s8 =	sadd.s32 $0x40, s8;
	v1 =	vshra.s32 v9, $0x1F;
	v4 =	vshrl.u32 v10, $0x11;
	v10 =	vshll.u32 v11, $0xE;
	[tilespmem:v5+s14+$0x0] =	vst.idx.add.f32.msk $0xffff, v2  }
0x311: {  	v5 =	vor.u32 $0x80000000, v15;
	v2 =	vor.u32 $0x80000000, v1;
	v11 =	vld [tilespmem:s8+$0x10];
	v10 =	vor.u32 v4, v10  }
.Ltmp11:
0x312: {  	v4 =	vtrunc.f32 v12;
	v1 =	vld [tilespmem:s8+$0xFFFFFFE0];
	v9 =	vxor.u32 v9, v2;
	v12 =	vtrunc.f32 v14;
	(pc) =	sbr.rel @p1 .LBB2_24-.Ltmp11, $4  }
0x313: {  	v6 =	vxor.u32 v6, v13;
	v13 =	vxor.u32 v3, v5;
	v2 =	vld [tilespmem:s8+$0xFFFFFFF0];
	v14 =	vtrunc.f32 v16  }
0x314: {  	v4 =	vcvt.f32.s32 v4;
	v9 =	vshrl.u32 v9, $0x1;
	v5 =	vcvt.f32.s32 v12;
	v3 =	vld [tilespmem:s8+$0x0]  }
0x315: {  	v13 =	vshrl.u32 v13, $0x1;
	v12 =	vshrl.u32 v6, $0x1;
	v6 =	vcvt.f32.s32 v14;
	[tilespmem:v7+s14+$0x0] =	vst.idx.add.f32.msk $0xffff, v8  }
0x316: {  	s10 =	sadd.s32 $0x40, s10;
	v9 =	vshrl.u32 v9, $0x11;
	v7 =	vshrl.u32 v12, $0x11;
	v8 =	vshrl.u32 v13, $0x11;
	[tilespmem:v10+s14+$0x0] =	vst.idx.add.f32.msk $0xffff, v11  }
0x317: {  	v4 =	vshll.u32 v4, $0xE  }
0x318: {  	v5 =	vshll.u32 v5, $0xE;
	v4 =	vor.u32 v9, v4  }
0x319: {  	v6 =	vshll.u32 v6, $0xE;
	v5 =	vor.u32 v7, v5  }
0x31a: {  	v6 =	vor.u32 v8, v6;
	_ =	sdelay $0x2  }
0x31b: {  	[tilespmem:v4+s14+$0x0] =	vst.idx.add.f32.msk $0xffff, v1  }
0x31c: {  	[tilespmem:v5+s14+$0x0] =	vst.idx.add.f32.msk $0xffff, v2  }
0x31d: {  	[tilespmem:v6+s14+$0x0] =	vst.idx.add.f32.msk $0xffff, v3  }
0x31e: {  	v1 =	vld [tilespmem:$0xA700]  }
0x31f: {  	v2 =	vld [tilespmem:$0xCE80];
	_ =	sdelay $0x3  }
0x320: {  	v3 =	vshra.s32 v1, $0x1F  }
0x321: {  	v2 =	vtrunc.f32 v2;
	v3 =	vor.u32 $0x80000000, v3  }
0x322: {  	v2 =	vcvt.f32.s32 v2;
	v1 =	vxor.u32 v1, v3  }
0x323: {  	v1 =	vshrl.u32 v1, $0x1  }
0x324: {  	v2 =	vshll.u32 v2, $0xE;
	v1 =	vshrl.u32 v1, $0x11  }
0x325: {  	v3 =	vld [tilespmem:$0xF600];
	v1 =	vor.u32 v1, v2;
	_ =	sdelay $0x2  }
0x326: {  	s7 =	sld [smem:$0x7D5];
	_ =	sdelay $0x1  }
0x327: {  	s11 =	sld [smem:$0x7D6];
	[tilespmem:v1+s14+$0x0] =	vst.idx.add.f32.msk $0xffff, v3  }
0x328: {  	[tilespmem:s28], [sflag:$0x1] =	stream.linear.gather [hbm4b:s7+s14], $0x2710, $0x38;
	[tilespmem:$0x19F00] =	vst v63  }
0x329: {  	s12 =	sld [smem:$0x7D7]  }
0x32a: {  	[tilespmem:s29], [sflag:$0x1] =	stream.linear.gather [hbm4b:s11+s14], $0x2710, $0x38;
	[tilespmem:$0x19F00] =	vst v63  }
0x32b: {  	_ = 	snop  }
0x32c: {  	[tilespmem:s30], [sflag:$0x1] =	stream.linear.gather [hbm4b:s12+s14], $0x2710, $0x38;
	[tilespmem:$0x19F00] =	vst v63  }
0x32d: {  	_ =	swait.ge [sflag:s3], $0x2710  }
0x32e: {  	[sflag:s3] =	ssyncset.done $0x0  }
0x32f: {  	[sflag:s3] =	ssyncadd.s32 $0xFFFFD8F0  }
0x330: {  	_ =	swait.ge [sflag:s3], $0x2710  }
0x331: {  	[sflag:s3] =	ssyncset.done $0x0  }
0x332: {  	[sflag:s3] =	ssyncadd.s32 $0xFFFFD8F0  }
0x333: {  	_ =	swait.ge [sflag:s3], $0x2710  }
0x334: {  	[sflag:s3] =	ssyncset.done $0x0  }
0x335: {  	s8 =	simm.s32 $0xF6A0;
	[sflag:s3] =	ssyncadd.s32 $0xFFFFD8F0  }
0x336: {  	s7 =	simm.s32 $0x11E20;
	v1 =	vld [tilespmem:s8+$0x10]  }
0x337: {  	v2 =	vld [tilespmem:s7+$0x10]  }
0x338: {  	v3 =	vld [tilespmem:s8+$0xFFFFFFF0]  }
0x339: {  	v5 =	vld [tilespmem:s8+$0xFFFFFFE0]  }
0x33a: {  	v6 =	vld [tilespmem:s7+$0xFFFFFFE0]  }
0x33b: {  	v8 =	vld [tilespmem:s7+$0xFFFFFFF0]  }
0x33c: {  	v10 =	vld [tilespmem:s7+$0x0];
	v7 =	vshra.s32 v1, $0x1F  }
0x33d: {  	v4 =	vld [tilespmem:s8+$0x0];
	v2 =	vtrunc.f32 v2;
	v7 =	vor.u32 $0x80000000, v7  }
0x33e: {  	v9 =	vshra.s32 v3, $0x1F;
	v2 =	vcvt.f32.s32 v2;
	v1 =	vxor.u32 v1, v7  }
0x33f: {  	v11 =	vshra.s32 v5, $0x1F;
	v6 =	vtrunc.f32 v6;
	v1 =	vshrl.u32 v1, $0x1  }
0x340: {  	s8 =	simm.s32 $0x145A0;
	v8 =	vtrunc.f32 v8;
	v2 =	vshll.u32 v2, $0xE;
	v1 =	vshrl.u32 v1, $0x11  }
0x341: {  	v12 =	vld [tilespmem:s8+$0x10];
	v10 =	vtrunc.f32 v10;
	v11 =	vor.u32 $0x80000000, v11;
	v13 =	vor.u32 v1, v2  }
0x342: {  	v7 =	vor.u32 $0x80000000, v9;
	v9 =	vshra.s32 v4, $0x1F;
	v5 =	vxor.u32 v5, v11  }
0x343: {  	v9 =	vor.u32 $0x80000000, v9;
	v7 =	vxor.u32 v3, v7;
	v11 =	vshrl.u32 v5, $0x1;
	v3 =	vld [tilespmem:s8+$0x0]  }
0x344: {  	v5 =	vcvt.f32.s32 v8;
	v9 =	vxor.u32 v4, v9;
	v4 =	vcvt.f32.s32 v6;
	v1 =	vld [tilespmem:s8+$0xFFFFFFE0]  }
0x345: {  	v7 =	vshrl.u32 v7, $0x1;
	v6 =	vcvt.f32.s32 v10;
	v2 =	vld [tilespmem:s8+$0xFFFFFFF0];
	v8 =	vshrl.u32 v9, $0x1  }
0x346: {  	s9 =	simm.s32 $0x0;
	s10 =	simm.s32 $0xF6E0;
	v9 =	vshrl.u32 v11, $0x11;
	v7 =	vshrl.u32 v7, $0x11;
	v8 =	vshrl.u32 v8, $0x11;
	[tilespmem:v13+s14+$0x0] =	vst.idx.add.f32.msk $0xffff, v12  }
.LBB2_26:
0x347: {  	v10 =	vld [tilespmem:s10+$0x10];
	s9 =	sadd.s32 $0x4, s9;
	v4 =	vshll.u32 v4, $0xE;
	v5 =	vshll.u32 v5, $0xE;
	v6 =	vshll.u32 v6, $0xE;
	s7 =	sadd.s32 $0x40, s7  }
0x348: {  	v11 =	vld [tilespmem:s7+$0x10];
	p1 =	slt.u32 s9, $0x26C;
	v4 =	vor.u32 v9, v4;
	v5 =	vor.u32 v7, v5;
	v7 =	vor.u32 v8, v6  }
0x349: {  	v6 =	vld [tilespmem:s10+$0xFFFFFFF0];
	v8 =	vmov v3  }
0x34a: {  	v3 =	vld [tilespmem:s10+$0x0]  }
0x34b: {  	v9 =	vld [tilespmem:s10+$0xFFFFFFE0]  }
0x34c: {  	v12 =	vld [tilespmem:s7+$0xFFFFFFE0];
	v13 =	vshra.s32 v10, $0x1F  }
0x34d: {  	v14 =	vld [tilespmem:s7+$0xFFFFFFF0];
	v13 =	vor.u32 $0x80000000, v13;
	v11 =	vtrunc.f32 v11  }
0x34e: {  	v15 =	vshra.s32 v6, $0x1F;
	v16 =	vld [tilespmem:s7+$0x0];
	v10 =	vxor.u32 v10, v13;
	v11 =	vcvt.f32.s32 v11  }
0x34f: {  	v13 =	vor.u32 $0x80000000, v15;
	v15 =	vshra.s32 v3, $0x1F;
	v10 =	vshrl.u32 v10, $0x1;
	[tilespmem:v4+s14+$0x0] =	vst.idx.add.f32.msk $0xffff, v1  }
0x350: {  	s8 =	sadd.s32 $0x40, s8;
	v1 =	vshra.s32 v9, $0x1F;
	v4 =	vshrl.u32 v10, $0x11;
	v10 =	vshll.u32 v11, $0xE;
	[tilespmem:v5+s14+$0x0] =	vst.idx.add.f32.msk $0xffff, v2  }
0x351: {  	v5 =	vor.u32 $0x80000000, v15;
	v2 =	vor.u32 $0x80000000, v1;
	v11 =	vld [tilespmem:s8+$0x10];
	v10 =	vor.u32 v4, v10  }
.Ltmp12:
0x352: {  	v4 =	vtrunc.f32 v12;
	v1 =	vld [tilespmem:s8+$0xFFFFFFE0];
	v9 =	vxor.u32 v9, v2;
	v12 =	vtrunc.f32 v14;
	(pc) =	sbr.rel @p1 .LBB2_26-.Ltmp12, $4  }
0x353: {  	v6 =	vxor.u32 v6, v13;
	v13 =	vxor.u32 v3, v5;
	v2 =	vld [tilespmem:s8+$0xFFFFFFF0];
	v14 =	vtrunc.f32 v16  }
0x354: {  	v4 =	vcvt.f32.s32 v4;
	v9 =	vshrl.u32 v9, $0x1;
	v5 =	vcvt.f32.s32 v12;
	v3 =	vld [tilespmem:s8+$0x0]  }
0x355: {  	v13 =	vshrl.u32 v13, $0x1;
	v12 =	vshrl.u32 v6, $0x1;
	v6 =	vcvt.f32.s32 v14;
	[tilespmem:v7+s14+$0x0] =	vst.idx.add.f32.msk $0xffff, v8  }
0x356: {  	s10 =	sadd.s32 $0x40, s10;
	v9 =	vshrl.u32 v9, $0x11;
	v7 =	vshrl.u32 v12, $0x11;
	v8 =	vshrl.u32 v13, $0x11;
	[tilespmem:v10+s14+$0x0] =	vst.idx.add.f32.msk $0xffff, v11  }
0x357: {  	v4 =	vshll.u32 v4, $0xE  }
0x358: {  	v5 =	vshll.u32 v5, $0xE;
	v4 =	vor.u32 v9, v4  }
0x359: {  	v6 =	vshll.u32 v6, $0xE;
	v5 =	vor.u32 v7, v5  }
0x35a: {  	v6 =	vor.u32 v8, v6;
	_ =	sdelay $0x2  }
0x35b: {  	[tilespmem:v4+s14+$0x0] =	vst.idx.add.f32.msk $0xffff, v1  }
0x35c: {  	[tilespmem:v5+s14+$0x0] =	vst.idx.add.f32.msk $0xffff, v2  }
0x35d: {  	[tilespmem:v6+s14+$0x0] =	vst.idx.add.f32.msk $0xffff, v3  }
0x35e: {  	v1 =	vld [tilespmem:$0x11D80]  }
0x35f: {  	v2 =	vld [tilespmem:$0x14500];
	_ =	sdelay $0x3  }
0x360: {  	v3 =	vshra.s32 v1, $0x1F  }
0x361: {  	v2 =	vtrunc.f32 v2;
	v3 =	vor.u32 $0x80000000, v3  }
0x362: {  	v2 =	vcvt.f32.s32 v2;
	v1 =	vxor.u32 v1, v3  }
0x363: {  	v1 =	vshrl.u32 v1, $0x1  }
0x364: {  	v2 =	vshll.u32 v2, $0xE;
	v1 =	vshrl.u32 v1, $0x11  }
0x365: {  	v3 =	vld [tilespmem:$0x16C80];
	v1 =	vor.u32 v1, v2;
	_ =	sdelay $0x2  }
0x366: {  	s7 =	sld [smem:$0x7D8];
	_ =	sdelay $0x1  }
0x367: {  	s11 =	sld [smem:$0x7D9];
	[tilespmem:v1+s14+$0x0] =	vst.idx.add.f32.msk $0xffff, v3  }
0x368: {  	[tilespmem:s31], [sflag:$0x2] =	stream.linear.gather [hbm4b:s7+s14], $0x2710, $0x38;
	[tilespmem:$0x19F00] =	vst v63  }
0x369: {  	s12 =	sld [smem:$0x7DA]  }
0x36a: {  	[tilespmem:s0], [sflag:$0x2] =	stream.linear.gather [hbm4b:s11+s14], $0x2710, $0x38;
	[tilespmem:$0x19F00] =	vst v63  }
0x36b: {  	_ = 	snop  }
0x36c: {  	[tilespmem:s1], [sflag:$0x2] =	stream.linear.gather [hbm4b:s12+s14], $0x2710, $0x38;
	[tilespmem:$0x19F00] =	vst v63  }
0x36d: {  	_ =	swait.ge [sflag:s2], $0x2710  }
0x36e: {  	[sflag:s2] =	ssyncset.done $0x0  }
0x36f: {  	[sflag:s2] =	ssyncadd.s32 $0xFFFFD8F0  }
0x370: {  	_ =	swait.ge [sflag:s2], $0x2710  }
0x371: {  	[sflag:s2] =	ssyncset.done $0x0  }
0x372: {  	[sflag:s2] =	ssyncadd.s32 $0xFFFFD8F0  }
0x373: {  	_ =	swait.ge [sflag:s2], $0x2710  }
0x374: {  	[sflag:s2] =	ssyncset.done $0x0  }
0x375: {  	s8 =	simm.s32 $0x8020;
	[sflag:s2] =	ssyncadd.s32 $0xFFFFD8F0  }
0x376: {  	s7 =	simm.s32 $0xA7A0;
	v1 =	vld [tilespmem:s8+$0x10]  }
0x377: {  	v2 =	vld [tilespmem:s7+$0x10]  }
0x378: {  	v3 =	vld [tilespmem:s8+$0xFFFFFFF0]  }
0x379: {  	v5 =	vld [tilespmem:s8+$0xFFFFFFE0]  }
0x37a: {  	v6 =	vld [tilespmem:s7+$0xFFFFFFE0]  }
0x37b: {  	v8 =	vld [tilespmem:s7+$0xFFFFFFF0]  }
0x37c: {  	v10 =	vld [tilespmem:s7+$0x0];
	v7 =	vshra.s32 v1, $0x1F  }
0x37d: {  	v4 =	vld [tilespmem:s8+$0x0];
	v2 =	vtrunc.f32 v2;
	v7 =	vor.u32 $0x80000000, v7  }
0x37e: {  	v9 =	vshra.s32 v3, $0x1F;
	v2 =	vcvt.f32.s32 v2;
	v1 =	vxor.u32 v1, v7  }
0x37f: {  	v11 =	vshra.s32 v5, $0x1F;
	v6 =	vtrunc.f32 v6;
	v1 =	vshrl.u32 v1, $0x1  }
0x380: {  	s8 =	simm.s32 $0xCF20;
	v8 =	vtrunc.f32 v8;
	v2 =	vshll.u32 v2, $0xE;
	v1 =	vshrl.u32 v1, $0x11  }
0x381: {  	v12 =	vld [tilespmem:s8+$0x10];
	v10 =	vtrunc.f32 v10;
	v11 =	vor.u32 $0x80000000, v11;
	v13 =	vor.u32 v1, v2  }
0x382: {  	v7 =	vor.u32 $0x80000000, v9;
	v9 =	vshra.s32 v4, $0x1F;
	v5 =	vxor.u32 v5, v11  }
0x383: {  	v9 =	vor.u32 $0x80000000, v9;
	v7 =	vxor.u32 v3, v7;
	v11 =	vshrl.u32 v5, $0x1;
	v3 =	vld [tilespmem:s8+$0x0]  }
0x384: {  	v5 =	vcvt.f32.s32 v8;
	v9 =	vxor.u32 v4, v9;
	v4 =	vcvt.f32.s32 v6;
	v1 =	vld [tilespmem:s8+$0xFFFFFFE0]  }
0x385: {  	v7 =	vshrl.u32 v7, $0x1;
	v6 =	vcvt.f32.s32 v10;
	v2 =	vld [tilespmem:s8+$0xFFFFFFF0];
	v8 =	vshrl.u32 v9, $0x1  }
0x386: {  	s9 =	simm.s32 $0x0;
	s10 =	simm.s32 $0x8060;
	v9 =	vshrl.u32 v11, $0x11;
	v7 =	vshrl.u32 v7, $0x11;
	v8 =	vshrl.u32 v8, $0x11;
	[tilespmem:v13+s14+$0x0] =	vst.idx.add.f32.msk $0xffff, v12  }
.LBB2_28:
0x387: {  	v10 =	vld [tilespmem:s10+$0x10];
	s9 =	sadd.s32 $0x4, s9;
	v4 =	vshll.u32 v4, $0xE;
	v5 =	vshll.u32 v5, $0xE;
	v6 =	vshll.u32 v6, $0xE;
	s7 =	sadd.s32 $0x40, s7  }
0x388: {  	v11 =	vld [tilespmem:s7+$0x10];
	p1 =	slt.u32 s9, $0x26C;
	v4 =	vor.u32 v9, v4;
	v5 =	vor.u32 v7, v5;
	v7 =	vor.u32 v8, v6  }
0x389: {  	v6 =	vld [tilespmem:s10+$0xFFFFFFF0];
	v8 =	vmov v3  }
0x38a: {  	v3 =	vld [tilespmem:s10+$0x0]  }
0x38b: {  	v9 =	vld [tilespmem:s10+$0xFFFFFFE0]  }
0x38c: {  	v12 =	vld [tilespmem:s7+$0xFFFFFFE0];
	v13 =	vshra.s32 v10, $0x1F  }
0x38d: {  	v14 =	vld [tilespmem:s7+$0xFFFFFFF0];
	v13 =	vor.u32 $0x80000000, v13;
	v11 =	vtrunc.f32 v11  }
0x38e: {  	v15 =	vshra.s32 v6, $0x1F;
	v16 =	vld [tilespmem:s7+$0x0];
	v10 =	vxor.u32 v10, v13;
	v11 =	vcvt.f32.s32 v11  }
0x38f: {  	v13 =	vor.u32 $0x80000000, v15;
	v15 =	vshra.s32 v3, $0x1F;
	v10 =	vshrl.u32 v10, $0x1;
	[tilespmem:v4+s14+$0x0] =	vst.idx.add.f32.msk $0xffff, v1  }
0x390: {  	s8 =	sadd.s32 $0x40, s8;
	v1 =	vshra.s32 v9, $0x1F;
	v4 =	vshrl.u32 v10, $0x11;
	v10 =	vshll.u32 v11, $0xE;
	[tilespmem:v5+s14+$0x0] =	vst.idx.add.f32.msk $0xffff, v2  }
0x391: {  	v5 =	vor.u32 $0x80000000, v15;
	v2 =	vor.u32 $0x80000000, v1;
	v11 =	vld [tilespmem:s8+$0x10];
	v10 =	vor.u32 v4, v10  }
.Ltmp13:
0x392: {  	v4 =	vtrunc.f32 v12;
	v1 =	vld [tilespmem:s8+$0xFFFFFFE0];
	v9 =	vxor.u32 v9, v2;
	v12 =	vtrunc.f32 v14;
	(pc) =	sbr.rel @p1 .LBB2_28-.Ltmp13, $4  }
0x393: {  	v6 =	vxor.u32 v6, v13;
	v13 =	vxor.u32 v3, v5;
	v2 =	vld [tilespmem:s8+$0xFFFFFFF0];
	v14 =	vtrunc.f32 v16  }
0x394: {  	v4 =	vcvt.f32.s32 v4;
	v9 =	vshrl.u32 v9, $0x1;
	v5 =	vcvt.f32.s32 v12;
	v3 =	vld [tilespmem:s8+$0x0]  }
0x395: {  	v13 =	vshrl.u32 v13, $0x1;
	v12 =	vshrl.u32 v6, $0x1;
	v6 =	vcvt.f32.s32 v14;
	[tilespmem:v7+s14+$0x0] =	vst.idx.add.f32.msk $0xffff, v8  }
0x396: {  	s10 =	sadd.s32 $0x40, s10;
	v9 =	vshrl.u32 v9, $0x11;
	v7 =	vshrl.u32 v12, $0x11;
	v8 =	vshrl.u32 v13, $0x11;
	[tilespmem:v10+s14+$0x0] =	vst.idx.add.f32.msk $0xffff, v11  }
0x397: {  	v4 =	vshll.u32 v4, $0xE  }
0x398: {  	v5 =	vshll.u32 v5, $0xE;
	v4 =	vor.u32 v9, v4  }
0x399: {  	v6 =	vshll.u32 v6, $0xE;
	v5 =	vor.u32 v7, v5  }
0x39a: {  	v6 =	vor.u32 v8, v6;
	_ =	sdelay $0x2  }
0x39b: {  	[tilespmem:v4+s14+$0x0] =	vst.idx.add.f32.msk $0xffff, v1  }
0x39c: {  	[tilespmem:v5+s14+$0x0] =	vst.idx.add.f32.msk $0xffff, v2  }
0x39d: {  	[tilespmem:v6+s14+$0x0] =	vst.idx.add.f32.msk $0xffff, v3  }
0x39e: {  	v1 =	vld [tilespmem:$0xA700]  }
0x39f: {  	v2 =	vld [tilespmem:$0xCE80];
	_ =	sdelay $0x3  }
0x3a0: {  	v3 =	vshra.s32 v1, $0x1F  }
0x3a1: {  	v2 =	vtrunc.f32 v2;
	v3 =	vor.u32 $0x80000000, v3  }
0x3a2: {  	v2 =	vcvt.f32.s32 v2;
	v1 =	vxor.u32 v1, v3  }
0x3a3: {  	v1 =	vshrl.u32 v1, $0x1  }
0x3a4: {  	v2 =	vshll.u32 v2, $0xE;
	v1 =	vshrl.u32 v1, $0x11  }
0x3a5: {  	v3 =	vld [tilespmem:$0xF600];
	v1 =	vor.u32 v1, v2;
	_ =	sdelay $0x2  }
0x3a6: {  	s7 =	sld [smem:$0x7DB];
	_ =	sdelay $0x1  }
0x3a7: {  	s11 =	sld [smem:$0x7DC];
	[tilespmem:v1+s14+$0x0] =	vst.idx.add.f32.msk $0xffff, v3  }
0x3a8: {  	[tilespmem:s28], [sflag:$0x1] =	stream.linear.gather [hbm4b:s7+s14], $0x2710, $0x38;
	[tilespmem:$0x19F00] =	vst v63  }
0x3a9: {  	s12 =	sld [smem:$0x7DD]  }
0x3aa: {  	[tilespmem:s29], [sflag:$0x1] =	stream.linear.gather [hbm4b:s11+s14], $0x2710, $0x38;
	[tilespmem:$0x19F00] =	vst v63  }
0x3ab: {  	_ = 	snop  }
0x3ac: {  	[tilespmem:s30], [sflag:$0x1] =	stream.linear.gather [hbm4b:s12+s14], $0x2710, $0x38;
	[tilespmem:$0x19F00] =	vst v63  }
0x3ad: {  	_ =	swait.ge [sflag:s3], $0x2710  }
0x3ae: {  	[sflag:s3] =	ssyncset.done $0x0  }
0x3af: {  	[sflag:s3] =	ssyncadd.s32 $0xFFFFD8F0  }
0x3b0: {  	_ =	swait.ge [sflag:s3], $0x2710  }
0x3b1: {  	[sflag:s3] =	ssyncset.done $0x0  }
0x3b2: {  	[sflag:s3] =	ssyncadd.s32 $0xFFFFD8F0  }
0x3b3: {  	_ =	swait.ge [sflag:s3], $0x2710  }
0x3b4: {  	[sflag:s3] =	ssyncset.done $0x0  }
0x3b5: {  	s8 =	simm.s32 $0xF6A0;
	[sflag:s3] =	ssyncadd.s32 $0xFFFFD8F0  }
0x3b6: {  	s7 =	simm.s32 $0x11E20;
	v1 =	vld [tilespmem:s8+$0x10]  }
0x3b7: {  	v2 =	vld [tilespmem:s7+$0x10]  }
0x3b8: {  	v3 =	vld [tilespmem:s8+$0xFFFFFFF0]  }
0x3b9: {  	v5 =	vld [tilespmem:s8+$0xFFFFFFE0]  }
0x3ba: {  	v6 =	vld [tilespmem:s7+$0xFFFFFFE0]  }
0x3bb: {  	v8 =	vld [tilespmem:s7+$0xFFFFFFF0]  }
0x3bc: {  	v10 =	vld [tilespmem:s7+$0x0];
	v7 =	vshra.s32 v1, $0x1F  }
0x3bd: {  	v4 =	vld [tilespmem:s8+$0x0];
	v2 =	vtrunc.f32 v2;
	v7 =	vor.u32 $0x80000000, v7  }
0x3be: {  	v9 =	vshra.s32 v3, $0x1F;
	v2 =	vcvt.f32.s32 v2;
	v1 =	vxor.u32 v1, v7  }
0x3bf: {  	v11 =	vshra.s32 v5, $0x1F;
	v6 =	vtrunc.f32 v6;
	v1 =	vshrl.u32 v1, $0x1  }
0x3c0: {  	s8 =	simm.s32 $0x145A0;
	v8 =	vtrunc.f32 v8;
	v2 =	vshll.u32 v2, $0xE;
	v1 =	vshrl.u32 v1, $0x11  }
0x3c1: {  	v12 =	vld [tilespmem:s8+$0x10];
	v10 =	vtrunc.f32 v10;
	v11 =	vor.u32 $0x80000000, v11;
	v13 =	vor.u32 v1, v2  }
0x3c2: {  	v7 =	vor.u32 $0x80000000, v9;
	v9 =	vshra.s32 v4, $0x1F;
	v5 =	vxor.u32 v5, v11  }
0x3c3: {  	v9 =	vor.u32 $0x80000000, v9;
	v7 =	vxor.u32 v3, v7;
	v11 =	vshrl.u32 v5, $0x1;
	v3 =	vld [tilespmem:s8+$0x0]  }
0x3c4: {  	v5 =	vcvt.f32.s32 v8;
	v9 =	vxor.u32 v4, v9;
	v4 =	vcvt.f32.s32 v6;
	v1 =	vld [tilespmem:s8+$0xFFFFFFE0]  }
0x3c5: {  	v7 =	vshrl.u32 v7, $0x1;
	v6 =	vcvt.f32.s32 v10;
	v2 =	vld [tilespmem:s8+$0xFFFFFFF0];
	v8 =	vshrl.u32 v9, $0x1  }
0x3c6: {  	s9 =	simm.s32 $0x0;
	s10 =	simm.s32 $0xF6E0;
	v9 =	vshrl.u32 v11, $0x11;
	v7 =	vshrl.u32 v7, $0x11;
	v8 =	vshrl.u32 v8, $0x11;
	[tilespmem:v13+s14+$0x0] =	vst.idx.add.f32.msk $0xffff, v12  }
.LBB2_30:
0x3c7: {  	v10 =	vld [tilespmem:s10+$0x10];
	s9 =	sadd.s32 $0x4, s9;
	v4 =	vshll.u32 v4, $0xE;
	v5 =	vshll.u32 v5, $0xE;
	v6 =	vshll.u32 v6, $0xE;
	s7 =	sadd.s32 $0x40, s7  }
0x3c8: {  	v11 =	vld [tilespmem:s7+$0x10];
	p1 =	slt.u32 s9, $0x26C;
	v4 =	vor.u32 v9, v4;
	v5 =	vor.u32 v7, v5;
	v7 =	vor.u32 v8, v6  }
0x3c9: {  	v6 =	vld [tilespmem:s10+$0xFFFFFFF0];
	v8 =	vmov v3  }
0x3ca: {  	v3 =	vld [tilespmem:s10+$0x0]  }
0x3cb: {  	v9 =	vld [tilespmem:s10+$0xFFFFFFE0]  }
0x3cc: {  	v12 =	vld [tilespmem:s7+$0xFFFFFFE0];
	v13 =	vshra.s32 v10, $0x1F  }
0x3cd: {  	v14 =	vld [tilespmem:s7+$0xFFFFFFF0];
	v13 =	vor.u32 $0x80000000, v13;
	v11 =	vtrunc.f32 v11  }
0x3ce: {  	v15 =	vshra.s32 v6, $0x1F;
	v16 =	vld [tilespmem:s7+$0x0];
	v10 =	vxor.u32 v10, v13;
	v11 =	vcvt.f32.s32 v11  }
0x3cf: {  	v13 =	vor.u32 $0x80000000, v15;
	v15 =	vshra.s32 v3, $0x1F;
	v10 =	vshrl.u32 v10, $0x1;
	[tilespmem:v4+s14+$0x0] =	vst.idx.add.f32.msk $0xffff, v1  }
0x3d0: {  	s8 =	sadd.s32 $0x40, s8;
	v1 =	vshra.s32 v9, $0x1F;
	v4 =	vshrl.u32 v10, $0x11;
	v10 =	vshll.u32 v11, $0xE;
	[tilespmem:v5+s14+$0x0] =	vst.idx.add.f32.msk $0xffff, v2  }
0x3d1: {  	v5 =	vor.u32 $0x80000000, v15;
	v2 =	vor.u32 $0x80000000, v1;
	v11 =	vld [tilespmem:s8+$0x10];
	v10 =	vor.u32 v4, v10  }
.Ltmp14:
0x3d2: {  	v4 =	vtrunc.f32 v12;
	v1 =	vld [tilespmem:s8+$0xFFFFFFE0];
	v9 =	vxor.u32 v9, v2;
	v12 =	vtrunc.f32 v14;
	(pc) =	sbr.rel @p1 .LBB2_30-.Ltmp14, $4  }
0x3d3: {  	v6 =	vxor.u32 v6, v13;
	v13 =	vxor.u32 v3, v5;
	v2 =	vld [tilespmem:s8+$0xFFFFFFF0];
	v14 =	vtrunc.f32 v16  }
0x3d4: {  	v4 =	vcvt.f32.s32 v4;
	v9 =	vshrl.u32 v9, $0x1;
	v5 =	vcvt.f32.s32 v12;
	v3 =	vld [tilespmem:s8+$0x0]  }
0x3d5: {  	v13 =	vshrl.u32 v13, $0x1;
	v12 =	vshrl.u32 v6, $0x1;
	v6 =	vcvt.f32.s32 v14;
	[tilespmem:v7+s14+$0x0] =	vst.idx.add.f32.msk $0xffff, v8  }
0x3d6: {  	s10 =	sadd.s32 $0x40, s10;
	v9 =	vshrl.u32 v9, $0x11;
	v7 =	vshrl.u32 v12, $0x11;
	v8 =	vshrl.u32 v13, $0x11;
	[tilespmem:v10+s14+$0x0] =	vst.idx.add.f32.msk $0xffff, v11  }
0x3d7: {  	v4 =	vshll.u32 v4, $0xE  }
0x3d8: {  	v5 =	vshll.u32 v5, $0xE;
	v4 =	vor.u32 v9, v4  }
0x3d9: {  	v6 =	vshll.u32 v6, $0xE;
	v5 =	vor.u32 v7, v5  }
0x3da: {  	v6 =	vor.u32 v8, v6;
	_ =	sdelay $0x2  }
0x3db: {  	[tilespmem:v4+s14+$0x0] =	vst.idx.add.f32.msk $0xffff, v1  }
0x3dc: {  	[tilespmem:v5+s14+$0x0] =	vst.idx.add.f32.msk $0xffff, v2  }
0x3dd: {  	[tilespmem:v6+s14+$0x0] =	vst.idx.add.f32.msk $0xffff, v3  }
0x3de: {  	v1 =	vld [tilespmem:$0x11D80]  }
0x3df: {  	v2 =	vld [tilespmem:$0x14500];
	_ =	sdelay $0x3  }
0x3e0: {  	v3 =	vshra.s32 v1, $0x1F  }
0x3e1: {  	v2 =	vtrunc.f32 v2;
	v3 =	vor.u32 $0x80000000, v3  }
0x3e2: {  	v2 =	vcvt.f32.s32 v2;
	v1 =	vxor.u32 v1, v3  }
0x3e3: {  	v1 =	vshrl.u32 v1, $0x1  }
0x3e4: {  	v2 =	vshll.u32 v2, $0xE;
	v1 =	vshrl.u32 v1, $0x11  }
0x3e5: {  	v3 =	vld [tilespmem:$0x16C80];
	v1 =	vor.u32 v1, v2;
	_ =	sdelay $0x2  }
0x3e6: {  	s7 =	sld [smem:$0x7DE];
	_ =	sdelay $0x1  }
0x3e7: {  	s11 =	sld [smem:$0x7DF];
	[tilespmem:v1+s14+$0x0] =	vst.idx.add.f32.msk $0xffff, v3  }
0x3e8: {  	[tilespmem:s31], [sflag:$0x2] =	stream.linear.gather [hbm4b:s7+s14], $0x2710, $0x38;
	[tilespmem:$0x19F00] =	vst v63  }
0x3e9: {  	s12 =	sld [smem:$0x7E0]  }
0x3ea: {  	[tilespmem:s0], [sflag:$0x2] =	stream.linear.gather [hbm4b:s11+s14], $0x2710, $0x38;
	[tilespmem:$0x19F00] =	vst v63  }
0x3eb: {  	_ = 	snop  }
0x3ec: {  	[tilespmem:s1], [sflag:$0x2] =	stream.linear.gather [hbm4b:s12+s14], $0x2710, $0x38;
	[tilespmem:$0x19F00] =	vst v63  }
0x3ed: {  	_ =	swait.ge [sflag:s2], $0x2710  }
0x3ee: {  	[sflag:s2] =	ssyncset.done $0x0  }
0x3ef: {  	[sflag:s2] =	ssyncadd.s32 $0xFFFFD8F0  }
0x3f0: {  	_ =	swait.ge [sflag:s2], $0x2710  }
0x3f1: {  	[sflag:s2] =	ssyncset.done $0x0  }
0x3f2: {  	[sflag:s2] =	ssyncadd.s32 $0xFFFFD8F0  }
0x3f3: {  	_ =	swait.ge [sflag:s2], $0x2710  }
0x3f4: {  	[sflag:s2] =	ssyncset.done $0x0  }
0x3f5: {  	s8 =	simm.s32 $0x8020;
	[sflag:s2] =	ssyncadd.s32 $0xFFFFD8F0  }
0x3f6: {  	s7 =	simm.s32 $0xA7A0;
	v1 =	vld [tilespmem:s8+$0x10]  }
0x3f7: {  	v2 =	vld [tilespmem:s7+$0x10]  }
0x3f8: {  	v3 =	vld [tilespmem:s8+$0xFFFFFFF0]  }
0x3f9: {  	v5 =	vld [tilespmem:s8+$0xFFFFFFE0]  }
0x3fa: {  	v6 =	vld [tilespmem:s7+$0xFFFFFFE0]  }
0x3fb: {  	v8 =	vld [tilespmem:s7+$0xFFFFFFF0]  }
0x3fc: {  	v10 =	vld [tilespmem:s7+$0x0];
	v7 =	vshra.s32 v1, $0x1F  }
0x3fd: {  	v4 =	vld [tilespmem:s8+$0x0];
	v2 =	vtrunc.f32 v2;
	v7 =	vor.u32 $0x80000000, v7  }
0x3fe: {  	v9 =	vshra.s32 v3, $0x1F;
	v2 =	vcvt.f32.s32 v2;
	v1 =	vxor.u32 v1, v7  }
0x3ff: {  	v11 =	vshra.s32 v5, $0x1F;
	v6 =	vtrunc.f32 v6;
	v1 =	vshrl.u32 v1, $0x1  }
0x400: {  	s8 =	simm.s32 $0xCF20;
	v8 =	vtrunc.f32 v8;
	v2 =	vshll.u32 v2, $0xE;
	v1 =	vshrl.u32 v1, $0x11  }
0x401: {  	v12 =	vld [tilespmem:s8+$0x10];
	v10 =	vtrunc.f32 v10;
	v11 =	vor.u32 $0x80000000, v11;
	v13 =	vor.u32 v1, v2  }
0x402: {  	v7 =	vor.u32 $0x80000000, v9;
	v9 =	vshra.s32 v4, $0x1F;
	v5 =	vxor.u32 v5, v11  }
0x403: {  	v9 =	vor.u32 $0x80000000, v9;
	v7 =	vxor.u32 v3, v7;
	v11 =	vshrl.u32 v5, $0x1;
	v3 =	vld [tilespmem:s8+$0x0]  }
0x404: {  	v5 =	vcvt.f32.s32 v8;
	v9 =	vxor.u32 v4, v9;
	v4 =	vcvt.f32.s32 v6;
	v1 =	vld [tilespmem:s8+$0xFFFFFFE0]  }
0x405: {  	v7 =	vshrl.u32 v7, $0x1;
	v6 =	vcvt.f32.s32 v10;
	v2 =	vld [tilespmem:s8+$0xFFFFFFF0];
	v8 =	vshrl.u32 v9, $0x1  }
0x406: {  	s9 =	simm.s32 $0x0;
	s10 =	simm.s32 $0x8060;
	v9 =	vshrl.u32 v11, $0x11;
	v7 =	vshrl.u32 v7, $0x11;
	v8 =	vshrl.u32 v8, $0x11;
	[tilespmem:v13+s14+$0x0] =	vst.idx.add.f32.msk $0xffff, v12  }
.LBB2_32:
0x407: {  	v10 =	vld [tilespmem:s10+$0x10];
	s9 =	sadd.s32 $0x4, s9;
	v4 =	vshll.u32 v4, $0xE;
	v5 =	vshll.u32 v5, $0xE;
	v6 =	vshll.u32 v6, $0xE;
	s7 =	sadd.s32 $0x40, s7  }
0x408: {  	v11 =	vld [tilespmem:s7+$0x10];
	p1 =	slt.u32 s9, $0x26C;
	v4 =	vor.u32 v9, v4;
	v5 =	vor.u32 v7, v5;
	v7 =	vor.u32 v8, v6  }
0x409: {  	v6 =	vld [tilespmem:s10+$0xFFFFFFF0];
	v8 =	vmov v3  }
0x40a: {  	v3 =	vld [tilespmem:s10+$0x0]  }
0x40b: {  	v9 =	vld [tilespmem:s10+$0xFFFFFFE0]  }
0x40c: {  	v12 =	vld [tilespmem:s7+$0xFFFFFFE0];
	v13 =	vshra.s32 v10, $0x1F  }
0x40d: {  	v14 =	vld [tilespmem:s7+$0xFFFFFFF0];
	v13 =	vor.u32 $0x80000000, v13;
	v11 =	vtrunc.f32 v11  }
0x40e: {  	v15 =	vshra.s32 v6, $0x1F;
	v16 =	vld [tilespmem:s7+$0x0];
	v10 =	vxor.u32 v10, v13;
	v11 =	vcvt.f32.s32 v11  }
0x40f: {  	v13 =	vor.u32 $0x80000000, v15;
	v15 =	vshra.s32 v3, $0x1F;
	v10 =	vshrl.u32 v10, $0x1;
	[tilespmem:v4+s14+$0x0] =	vst.idx.add.f32.msk $0xffff, v1  }
0x410: {  	s8 =	sadd.s32 $0x40, s8;
	v1 =	vshra.s32 v9, $0x1F;
	v4 =	vshrl.u32 v10, $0x11;
	v10 =	vshll.u32 v11, $0xE;
	[tilespmem:v5+s14+$0x0] =	vst.idx.add.f32.msk $0xffff, v2  }
0x411: {  	v5 =	vor.u32 $0x80000000, v15;
	v2 =	vor.u32 $0x80000000, v1;
	v11 =	vld [tilespmem:s8+$0x10];
	v10 =	vor.u32 v4, v10  }
.Ltmp15:
0x412: {  	v4 =	vtrunc.f32 v12;
	v1 =	vld [tilespmem:s8+$0xFFFFFFE0];
	v9 =	vxor.u32 v9, v2;
	v12 =	vtrunc.f32 v14;
	(pc) =	sbr.rel @p1 .LBB2_32-.Ltmp15, $4  }
0x413: {  	v6 =	vxor.u32 v6, v13;
	v13 =	vxor.u32 v3, v5;
	v2 =	vld [tilespmem:s8+$0xFFFFFFF0];
	v14 =	vtrunc.f32 v16  }
0x414: {  	v4 =	vcvt.f32.s32 v4;
	v9 =	vshrl.u32 v9, $0x1;
	v5 =	vcvt.f32.s32 v12;
	v3 =	vld [tilespmem:s8+$0x0]  }
0x415: {  	v13 =	vshrl.u32 v13, $0x1;
	v12 =	vshrl.u32 v6, $0x1;
	v6 =	vcvt.f32.s32 v14;
	[tilespmem:v7+s14+$0x0] =	vst.idx.add.f32.msk $0xffff, v8  }
0x416: {  	s10 =	sadd.s32 $0x40, s10;
	v9 =	vshrl.u32 v9, $0x11;
	v7 =	vshrl.u32 v12, $0x11;
	v8 =	vshrl.u32 v13, $0x11;
	[tilespmem:v10+s14+$0x0] =	vst.idx.add.f32.msk $0xffff, v11  }
0x417: {  	v4 =	vshll.u32 v4, $0xE  }
0x418: {  	v5 =	vshll.u32 v5, $0xE;
	v4 =	vor.u32 v9, v4  }
0x419: {  	v6 =	vshll.u32 v6, $0xE;
	v5 =	vor.u32 v7, v5  }
0x41a: {  	v6 =	vor.u32 v8, v6;
	_ =	sdelay $0x2  }
0x41b: {  	[tilespmem:v4+s14+$0x0] =	vst.idx.add.f32.msk $0xffff, v1  }
0x41c: {  	[tilespmem:v5+s14+$0x0] =	vst.idx.add.f32.msk $0xffff, v2  }
0x41d: {  	[tilespmem:v6+s14+$0x0] =	vst.idx.add.f32.msk $0xffff, v3  }
0x41e: {  	v1 =	vld [tilespmem:$0xA700]  }
0x41f: {  	v2 =	vld [tilespmem:$0xCE80];
	_ =	sdelay $0x3  }
0x420: {  	v3 =	vshra.s32 v1, $0x1F  }
0x421: {  	v2 =	vtrunc.f32 v2;
	v3 =	vor.u32 $0x80000000, v3  }
0x422: {  	v2 =	vcvt.f32.s32 v2;
	v1 =	vxor.u32 v1, v3  }
0x423: {  	v1 =	vshrl.u32 v1, $0x1  }
0x424: {  	v2 =	vshll.u32 v2, $0xE;
	v1 =	vshrl.u32 v1, $0x11  }
0x425: {  	v3 =	vld [tilespmem:$0xF600];
	v1 =	vor.u32 v1, v2;
	_ =	sdelay $0x2  }
0x426: {  	s7 =	sld [smem:$0x7E1];
	_ =	sdelay $0x1  }
0x427: {  	s11 =	sld [smem:$0x7E2];
	[tilespmem:v1+s14+$0x0] =	vst.idx.add.f32.msk $0xffff, v3  }
0x428: {  	[tilespmem:s28], [sflag:$0x1] =	stream.linear.gather [hbm4b:s7+s14], $0x2710, $0x38;
	[tilespmem:$0x19F00] =	vst v63  }
0x429: {  	s12 =	sld [smem:$0x7E3]  }
0x42a: {  	[tilespmem:s29], [sflag:$0x1] =	stream.linear.gather [hbm4b:s11+s14], $0x2710, $0x38;
	[tilespmem:$0x19F00] =	vst v63  }
0x42b: {  	_ = 	snop  }
0x42c: {  	[tilespmem:s30], [sflag:$0x1] =	stream.linear.gather [hbm4b:s12+s14], $0x2710, $0x38;
	[tilespmem:$0x19F00] =	vst v63  }
0x42d: {  	_ =	swait.ge [sflag:s3], $0x2710  }
0x42e: {  	[sflag:s3] =	ssyncset.done $0x0  }
0x42f: {  	[sflag:s3] =	ssyncadd.s32 $0xFFFFD8F0  }
0x430: {  	_ =	swait.ge [sflag:s3], $0x2710  }
0x431: {  	[sflag:s3] =	ssyncset.done $0x0  }
0x432: {  	[sflag:s3] =	ssyncadd.s32 $0xFFFFD8F0  }
0x433: {  	_ =	swait.ge [sflag:s3], $0x2710  }
0x434: {  	[sflag:s3] =	ssyncset.done $0x0  }
0x435: {  	s8 =	simm.s32 $0xF6A0;
	[sflag:s3] =	ssyncadd.s32 $0xFFFFD8F0  }
0x436: {  	s7 =	simm.s32 $0x11E20;
	v1 =	vld [tilespmem:s8+$0x10]  }
0x437: {  	v2 =	vld [tilespmem:s7+$0x10]  }
0x438: {  	v3 =	vld [tilespmem:s8+$0xFFFFFFF0]  }
0x439: {  	v5 =	vld [tilespmem:s8+$0xFFFFFFE0]  }
0x43a: {  	v6 =	vld [tilespmem:s7+$0xFFFFFFE0]  }
0x43b: {  	v8 =	vld [tilespmem:s7+$0xFFFFFFF0]  }
0x43c: {  	v10 =	vld [tilespmem:s7+$0x0];
	v7 =	vshra.s32 v1, $0x1F  }
0x43d: {  	v4 =	vld [tilespmem:s8+$0x0];
	v2 =	vtrunc.f32 v2;
	v7 =	vor.u32 $0x80000000, v7  }
0x43e: {  	v9 =	vshra.s32 v3, $0x1F;
	v2 =	vcvt.f32.s32 v2;
	v1 =	vxor.u32 v1, v7  }
0x43f: {  	v11 =	vshra.s32 v5, $0x1F;
	v6 =	vtrunc.f32 v6;
	v1 =	vshrl.u32 v1, $0x1  }
0x440: {  	s8 =	simm.s32 $0x145A0;
	v8 =	vtrunc.f32 v8;
	v2 =	vshll.u32 v2, $0xE;
	v1 =	vshrl.u32 v1, $0x11  }
0x441: {  	v12 =	vld [tilespmem:s8+$0x10];
	v10 =	vtrunc.f32 v10;
	v11 =	vor.u32 $0x80000000, v11;
	v13 =	vor.u32 v1, v2  }
0x442: {  	v7 =	vor.u32 $0x80000000, v9;
	v9 =	vshra.s32 v4, $0x1F;
	v5 =	vxor.u32 v5, v11  }
0x443: {  	v9 =	vor.u32 $0x80000000, v9;
	v7 =	vxor.u32 v3, v7;
	v11 =	vshrl.u32 v5, $0x1;
	v3 =	vld [tilespmem:s8+$0x0]  }
0x444: {  	v5 =	vcvt.f32.s32 v8;
	v9 =	vxor.u32 v4, v9;
	v4 =	vcvt.f32.s32 v6;
	v1 =	vld [tilespmem:s8+$0xFFFFFFE0]  }
0x445: {  	v7 =	vshrl.u32 v7, $0x1;
	v6 =	vcvt.f32.s32 v10;
	v2 =	vld [tilespmem:s8+$0xFFFFFFF0];
	v8 =	vshrl.u32 v9, $0x1  }
0x446: {  	s9 =	simm.s32 $0x0;
	s10 =	simm.s32 $0xF6E0;
	v9 =	vshrl.u32 v11, $0x11;
	v7 =	vshrl.u32 v7, $0x11;
	v8 =	vshrl.u32 v8, $0x11;
	[tilespmem:v13+s14+$0x0] =	vst.idx.add.f32.msk $0xffff, v12  }
.LBB2_34:
0x447: {  	v10 =	vld [tilespmem:s10+$0x10];
	s9 =	sadd.s32 $0x4, s9;
	v4 =	vshll.u32 v4, $0xE;
	v5 =	vshll.u32 v5, $0xE;
	v6 =	vshll.u32 v6, $0xE;
	s7 =	sadd.s32 $0x40, s7  }
0x448: {  	v11 =	vld [tilespmem:s7+$0x10];
	p1 =	slt.u32 s9, $0x26C;
	v4 =	vor.u32 v9, v4;
	v5 =	vor.u32 v7, v5;
	v7 =	vor.u32 v8, v6  }
0x449: {  	v6 =	vld [tilespmem:s10+$0xFFFFFFF0];
	v8 =	vmov v3  }
0x44a: {  	v3 =	vld [tilespmem:s10+$0x0]  }
0x44b: {  	v9 =	vld [tilespmem:s10+$0xFFFFFFE0]  }
0x44c: {  	v12 =	vld [tilespmem:s7+$0xFFFFFFE0];
	v13 =	vshra.s32 v10, $0x1F  }
0x44d: {  	v14 =	vld [tilespmem:s7+$0xFFFFFFF0];
	v13 =	vor.u32 $0x80000000, v13;
	v11 =	vtrunc.f32 v11  }
0x44e: {  	v15 =	vshra.s32 v6, $0x1F;
	v16 =	vld [tilespmem:s7+$0x0];
	v10 =	vxor.u32 v10, v13;
	v11 =	vcvt.f32.s32 v11  }
0x44f: {  	v13 =	vor.u32 $0x80000000, v15;
	v15 =	vshra.s32 v3, $0x1F;
	v10 =	vshrl.u32 v10, $0x1;
	[tilespmem:v4+s14+$0x0] =	vst.idx.add.f32.msk $0xffff, v1  }
0x450: {  	s8 =	sadd.s32 $0x40, s8;
	v1 =	vshra.s32 v9, $0x1F;
	v4 =	vshrl.u32 v10, $0x11;
	v10 =	vshll.u32 v11, $0xE;
	[tilespmem:v5+s14+$0x0] =	vst.idx.add.f32.msk $0xffff, v2  }
0x451: {  	v5 =	vor.u32 $0x80000000, v15;
	v2 =	vor.u32 $0x80000000, v1;
	v11 =	vld [tilespmem:s8+$0x10];
	v10 =	vor.u32 v4, v10  }
.Ltmp16:
0x452: {  	v4 =	vtrunc.f32 v12;
	v1 =	vld [tilespmem:s8+$0xFFFFFFE0];
	v9 =	vxor.u32 v9, v2;
	v12 =	vtrunc.f32 v14;
	(pc) =	sbr.rel @p1 .LBB2_34-.Ltmp16, $4  }
0x453: {  	v6 =	vxor.u32 v6, v13;
	v13 =	vxor.u32 v3, v5;
	v2 =	vld [tilespmem:s8+$0xFFFFFFF0];
	v14 =	vtrunc.f32 v16  }
0x454: {  	v4 =	vcvt.f32.s32 v4;
	v9 =	vshrl.u32 v9, $0x1;
	v5 =	vcvt.f32.s32 v12;
	v3 =	vld [tilespmem:s8+$0x0]  }
0x455: {  	v13 =	vshrl.u32 v13, $0x1;
	v12 =	vshrl.u32 v6, $0x1;
	v6 =	vcvt.f32.s32 v14;
	[tilespmem:v7+s14+$0x0] =	vst.idx.add.f32.msk $0xffff, v8  }
0x456: {  	s10 =	sadd.s32 $0x40, s10;
	v9 =	vshrl.u32 v9, $0x11;
	v7 =	vshrl.u32 v12, $0x11;
	v8 =	vshrl.u32 v13, $0x11;
	[tilespmem:v10+s14+$0x0] =	vst.idx.add.f32.msk $0xffff, v11  }
0x457: {  	v4 =	vshll.u32 v4, $0xE  }
0x458: {  	v5 =	vshll.u32 v5, $0xE;
	v4 =	vor.u32 v9, v4  }
0x459: {  	v6 =	vshll.u32 v6, $0xE;
	v5 =	vor.u32 v7, v5  }
0x45a: {  	v6 =	vor.u32 v8, v6;
	_ =	sdelay $0x2  }
0x45b: {  	[tilespmem:v4+s14+$0x0] =	vst.idx.add.f32.msk $0xffff, v1  }
0x45c: {  	[tilespmem:v5+s14+$0x0] =	vst.idx.add.f32.msk $0xffff, v2  }
0x45d: {  	[tilespmem:v6+s14+$0x0] =	vst.idx.add.f32.msk $0xffff, v3  }
0x45e: {  	v1 =	vld [tilespmem:$0x11D80]  }
0x45f: {  	v2 =	vld [tilespmem:$0x14500];
	_ =	sdelay $0x3  }
0x460: {  	v3 =	vshra.s32 v1, $0x1F  }
0x461: {  	v2 =	vtrunc.f32 v2;
	v3 =	vor.u32 $0x80000000, v3  }
0x462: {  	v2 =	vcvt.f32.s32 v2;
	v1 =	vxor.u32 v1, v3  }
0x463: {  	v1 =	vshrl.u32 v1, $0x1  }
0x464: {  	v2 =	vshll.u32 v2, $0xE;
	v1 =	vshrl.u32 v1, $0x11  }
0x465: {  	v3 =	vld [tilespmem:$0x16C80];
	v1 =	vor.u32 v1, v2;
	_ =	sdelay $0x2  }
0x466: {  	s7 =	sld [smem:$0x7E4];
	_ =	sdelay $0x1  }
0x467: {  	s11 =	sld [smem:$0x7E5];
	[tilespmem:v1+s14+$0x0] =	vst.idx.add.f32.msk $0xffff, v3  }
0x468: {  	[tilespmem:s31], [sflag:$0x2] =	stream.linear.gather [hbm4b:s7+s14], $0x2710, $0x38;
	[tilespmem:$0x19F00] =	vst v63  }
0x469: {  	s12 =	sld [smem:$0x7E6]  }
0x46a: {  	[tilespmem:s0], [sflag:$0x2] =	stream.linear.gather [hbm4b:s11+s14], $0x2710, $0x38;
	[tilespmem:$0x19F00] =	vst v63  }
0x46b: {  	_ = 	snop  }
0x46c: {  	[tilespmem:s1], [sflag:$0x2] =	stream.linear.gather [hbm4b:s12+s14], $0x2710, $0x38;
	[tilespmem:$0x19F00] =	vst v63  }
0x46d: {  	_ =	swait.ge [sflag:s2], $0x2710  }
0x46e: {  	[sflag:s2] =	ssyncset.done $0x0  }
0x46f: {  	[sflag:s2] =	ssyncadd.s32 $0xFFFFD8F0  }
0x470: {  	_ =	swait.ge [sflag:s2], $0x2710  }
0x471: {  	[sflag:s2] =	ssyncset.done $0x0  }
0x472: {  	[sflag:s2] =	ssyncadd.s32 $0xFFFFD8F0  }
0x473: {  	_ =	swait.ge [sflag:s2], $0x2710  }
0x474: {  	[sflag:s2] =	ssyncset.done $0x0  }
0x475: {  	s8 =	simm.s32 $0x8020;
	[sflag:s2] =	ssyncadd.s32 $0xFFFFD8F0  }
0x476: {  	s7 =	simm.s32 $0xA7A0;
	v1 =	vld [tilespmem:s8+$0x10]  }
0x477: {  	v2 =	vld [tilespmem:s7+$0x10]  }
0x478: {  	v3 =	vld [tilespmem:s8+$0xFFFFFFF0]  }
0x479: {  	v5 =	vld [tilespmem:s8+$0xFFFFFFE0]  }
0x47a: {  	v6 =	vld [tilespmem:s7+$0xFFFFFFE0]  }
0x47b: {  	v8 =	vld [tilespmem:s7+$0xFFFFFFF0]  }
0x47c: {  	v10 =	vld [tilespmem:s7+$0x0];
	v7 =	vshra.s32 v1, $0x1F  }
0x47d: {  	v4 =	vld [tilespmem:s8+$0x0];
	v2 =	vtrunc.f32 v2;
	v7 =	vor.u32 $0x80000000, v7  }
0x47e: {  	v9 =	vshra.s32 v3, $0x1F;
	v2 =	vcvt.f32.s32 v2;
	v1 =	vxor.u32 v1, v7  }
0x47f: {  	v11 =	vshra.s32 v5, $0x1F;
	v6 =	vtrunc.f32 v6;
	v1 =	vshrl.u32 v1, $0x1  }
0x480: {  	s8 =	simm.s32 $0xCF20;
	v8 =	vtrunc.f32 v8;
	v2 =	vshll.u32 v2, $0xE;
	v1 =	vshrl.u32 v1, $0x11  }
0x481: {  	v12 =	vld [tilespmem:s8+$0x10];
	v10 =	vtrunc.f32 v10;
	v11 =	vor.u32 $0x80000000, v11;
	v13 =	vor.u32 v1, v2  }
0x482: {  	v7 =	vor.u32 $0x80000000, v9;
	v9 =	vshra.s32 v4, $0x1F;
	v5 =	vxor.u32 v5, v11  }
0x483: {  	v9 =	vor.u32 $0x80000000, v9;
	v7 =	vxor.u32 v3, v7;
	v11 =	vshrl.u32 v5, $0x1;
	v3 =	vld [tilespmem:s8+$0x0]  }
0x484: {  	v5 =	vcvt.f32.s32 v8;
	v9 =	vxor.u32 v4, v9;
	v4 =	vcvt.f32.s32 v6;
	v1 =	vld [tilespmem:s8+$0xFFFFFFE0]  }
0x485: {  	v7 =	vshrl.u32 v7, $0x1;
	v6 =	vcvt.f32.s32 v10;
	v2 =	vld [tilespmem:s8+$0xFFFFFFF0];
	v8 =	vshrl.u32 v9, $0x1  }
0x486: {  	s9 =	simm.s32 $0x0;
	s10 =	simm.s32 $0x8060;
	v9 =	vshrl.u32 v11, $0x11;
	v7 =	vshrl.u32 v7, $0x11;
	v8 =	vshrl.u32 v8, $0x11;
	[tilespmem:v13+s14+$0x0] =	vst.idx.add.f32.msk $0xffff, v12  }
.LBB2_36:
0x487: {  	v10 =	vld [tilespmem:s10+$0x10];
	s9 =	sadd.s32 $0x4, s9;
	v4 =	vshll.u32 v4, $0xE;
	v5 =	vshll.u32 v5, $0xE;
	v6 =	vshll.u32 v6, $0xE;
	s7 =	sadd.s32 $0x40, s7  }
0x488: {  	v11 =	vld [tilespmem:s7+$0x10];
	p1 =	slt.u32 s9, $0x26C;
	v4 =	vor.u32 v9, v4;
	v5 =	vor.u32 v7, v5;
	v7 =	vor.u32 v8, v6  }
0x489: {  	v6 =	vld [tilespmem:s10+$0xFFFFFFF0];
	v8 =	vmov v3  }
0x48a: {  	v3 =	vld [tilespmem:s10+$0x0]  }
0x48b: {  	v9 =	vld [tilespmem:s10+$0xFFFFFFE0]  }
0x48c: {  	v12 =	vld [tilespmem:s7+$0xFFFFFFE0];
	v13 =	vshra.s32 v10, $0x1F  }
0x48d: {  	v14 =	vld [tilespmem:s7+$0xFFFFFFF0];
	v13 =	vor.u32 $0x80000000, v13;
	v11 =	vtrunc.f32 v11  }
0x48e: {  	v15 =	vshra.s32 v6, $0x1F;
	v16 =	vld [tilespmem:s7+$0x0];
	v10 =	vxor.u32 v10, v13;
	v11 =	vcvt.f32.s32 v11  }
0x48f: {  	v13 =	vor.u32 $0x80000000, v15;
	v15 =	vshra.s32 v3, $0x1F;
	v10 =	vshrl.u32 v10, $0x1;
	[tilespmem:v4+s14+$0x0] =	vst.idx.add.f32.msk $0xffff, v1  }
0x490: {  	s8 =	sadd.s32 $0x40, s8;
	v1 =	vshra.s32 v9, $0x1F;
	v4 =	vshrl.u32 v10, $0x11;
	v10 =	vshll.u32 v11, $0xE;
	[tilespmem:v5+s14+$0x0] =	vst.idx.add.f32.msk $0xffff, v2  }
0x491: {  	v5 =	vor.u32 $0x80000000, v15;
	v2 =	vor.u32 $0x80000000, v1;
	v11 =	vld [tilespmem:s8+$0x10];
	v10 =	vor.u32 v4, v10  }
.Ltmp17:
0x492: {  	v4 =	vtrunc.f32 v12;
	v1 =	vld [tilespmem:s8+$0xFFFFFFE0];
	v9 =	vxor.u32 v9, v2;
	v12 =	vtrunc.f32 v14;
	(pc) =	sbr.rel @p1 .LBB2_36-.Ltmp17, $4  }
0x493: {  	v6 =	vxor.u32 v6, v13;
	v13 =	vxor.u32 v3, v5;
	v2 =	vld [tilespmem:s8+$0xFFFFFFF0];
	v14 =	vtrunc.f32 v16  }
0x494: {  	v4 =	vcvt.f32.s32 v4;
	v9 =	vshrl.u32 v9, $0x1;
	v5 =	vcvt.f32.s32 v12;
	v3 =	vld [tilespmem:s8+$0x0]  }
0x495: {  	v13 =	vshrl.u32 v13, $0x1;
	v12 =	vshrl.u32 v6, $0x1;
	v6 =	vcvt.f32.s32 v14;
	[tilespmem:v7+s14+$0x0] =	vst.idx.add.f32.msk $0xffff, v8  }
0x496: {  	s10 =	sadd.s32 $0x40, s10;
	v9 =	vshrl.u32 v9, $0x11;
	v7 =	vshrl.u32 v12, $0x11;
	v8 =	vshrl.u32 v13, $0x11;
	[tilespmem:v10+s14+$0x0] =	vst.idx.add.f32.msk $0xffff, v11  }
0x497: {  	v4 =	vshll.u32 v4, $0xE  }
0x498: {  	v5 =	vshll.u32 v5, $0xE;
	v4 =	vor.u32 v9, v4  }
0x499: {  	v6 =	vshll.u32 v6, $0xE;
	v5 =	vor.u32 v7, v5  }
0x49a: {  	v6 =	vor.u32 v8, v6;
	_ =	sdelay $0x2  }
0x49b: {  	[tilespmem:v4+s14+$0x0] =	vst.idx.add.f32.msk $0xffff, v1  }
0x49c: {  	[tilespmem:v5+s14+$0x0] =	vst.idx.add.f32.msk $0xffff, v2  }
0x49d: {  	[tilespmem:v6+s14+$0x0] =	vst.idx.add.f32.msk $0xffff, v3  }
0x49e: {  	v1 =	vld [tilespmem:$0xA700]  }
0x49f: {  	v2 =	vld [tilespmem:$0xCE80];
	_ =	sdelay $0x3  }
0x4a0: {  	v3 =	vshra.s32 v1, $0x1F  }
0x4a1: {  	v2 =	vtrunc.f32 v2;
	v3 =	vor.u32 $0x80000000, v3  }
0x4a2: {  	v2 =	vcvt.f32.s32 v2;
	v1 =	vxor.u32 v1, v3  }
0x4a3: {  	v1 =	vshrl.u32 v1, $0x1  }
0x4a4: {  	v2 =	vshll.u32 v2, $0xE;
	v1 =	vshrl.u32 v1, $0x11  }
0x4a5: {  	v3 =	vld [tilespmem:$0xF600];
	v1 =	vor.u32 v1, v2;
	_ =	sdelay $0x2  }
0x4a6: {  	s7 =	sld [smem:$0x7E7];
	_ =	sdelay $0x1  }
0x4a7: {  	s11 =	sld [smem:$0x7E8];
	[tilespmem:v1+s14+$0x0] =	vst.idx.add.f32.msk $0xffff, v3  }
0x4a8: {  	[tilespmem:s28], [sflag:$0x1] =	stream.linear.gather [hbm4b:s7+s14], $0x2710, $0x38;
	[tilespmem:$0x19F00] =	vst v63  }
0x4a9: {  	s12 =	sld [smem:$0x7E9]  }
0x4aa: {  	[tilespmem:s29], [sflag:$0x1] =	stream.linear.gather [hbm4b:s11+s14], $0x2710, $0x38;
	[tilespmem:$0x19F00] =	vst v63  }
0x4ab: {  	_ = 	snop  }
0x4ac: {  	[tilespmem:s30], [sflag:$0x1] =	stream.linear.gather [hbm4b:s12+s14], $0x2710, $0x38;
	[tilespmem:$0x19F00] =	vst v63  }
0x4ad: {  	_ =	swait.ge [sflag:s3], $0x2710  }
0x4ae: {  	[sflag:s3] =	ssyncset.done $0x0  }
0x4af: {  	[sflag:s3] =	ssyncadd.s32 $0xFFFFD8F0  }
0x4b0: {  	_ =	swait.ge [sflag:s3], $0x2710  }
0x4b1: {  	[sflag:s3] =	ssyncset.done $0x0  }
0x4b2: {  	[sflag:s3] =	ssyncadd.s32 $0xFFFFD8F0  }
0x4b3: {  	_ =	swait.ge [sflag:s3], $0x2710  }
0x4b4: {  	[sflag:s3] =	ssyncset.done $0x0  }
0x4b5: {  	s8 =	simm.s32 $0xF6A0;
	[sflag:s3] =	ssyncadd.s32 $0xFFFFD8F0  }
0x4b6: {  	s7 =	simm.s32 $0x11E20;
	v1 =	vld [tilespmem:s8+$0x10]  }
0x4b7: {  	v2 =	vld [tilespmem:s7+$0x10]  }
0x4b8: {  	v3 =	vld [tilespmem:s8+$0xFFFFFFF0]  }
0x4b9: {  	v5 =	vld [tilespmem:s8+$0xFFFFFFE0]  }
0x4ba: {  	v6 =	vld [tilespmem:s7+$0xFFFFFFE0]  }
0x4bb: {  	v8 =	vld [tilespmem:s7+$0xFFFFFFF0]  }
0x4bc: {  	v10 =	vld [tilespmem:s7+$0x0];
	v7 =	vshra.s32 v1, $0x1F  }
0x4bd: {  	v4 =	vld [tilespmem:s8+$0x0];
	v2 =	vtrunc.f32 v2;
	v7 =	vor.u32 $0x80000000, v7  }
0x4be: {  	v9 =	vshra.s32 v3, $0x1F;
	v2 =	vcvt.f32.s32 v2;
	v1 =	vxor.u32 v1, v7  }
0x4bf: {  	v11 =	vshra.s32 v5, $0x1F;
	v6 =	vtrunc.f32 v6;
	v1 =	vshrl.u32 v1, $0x1  }
0x4c0: {  	s8 =	simm.s32 $0x145A0;
	v8 =	vtrunc.f32 v8;
	v2 =	vshll.u32 v2, $0xE;
	v1 =	vshrl.u32 v1, $0x11  }
0x4c1: {  	v12 =	vld [tilespmem:s8+$0x10];
	v10 =	vtrunc.f32 v10;
	v11 =	vor.u32 $0x80000000, v11;
	v13 =	vor.u32 v1, v2  }
0x4c2: {  	v7 =	vor.u32 $0x80000000, v9;
	v9 =	vshra.s32 v4, $0x1F;
	v5 =	vxor.u32 v5, v11  }
0x4c3: {  	v9 =	vor.u32 $0x80000000, v9;
	v7 =	vxor.u32 v3, v7;
	v11 =	vshrl.u32 v5, $0x1;
	v3 =	vld [tilespmem:s8+$0x0]  }
0x4c4: {  	v5 =	vcvt.f32.s32 v8;
	v9 =	vxor.u32 v4, v9;
	v4 =	vcvt.f32.s32 v6;
	v1 =	vld [tilespmem:s8+$0xFFFFFFE0]  }
0x4c5: {  	v7 =	vshrl.u32 v7, $0x1;
	v6 =	vcvt.f32.s32 v10;
	v2 =	vld [tilespmem:s8+$0xFFFFFFF0];
	v8 =	vshrl.u32 v9, $0x1  }
0x4c6: {  	s9 =	simm.s32 $0x0;
	s10 =	simm.s32 $0xF6E0;
	v9 =	vshrl.u32 v11, $0x11;
	v7 =	vshrl.u32 v7, $0x11;
	v8 =	vshrl.u32 v8, $0x11;
	[tilespmem:v13+s14+$0x0] =	vst.idx.add.f32.msk $0xffff, v12  }
.LBB2_38:
0x4c7: {  	v10 =	vld [tilespmem:s10+$0x10];
	s9 =	sadd.s32 $0x4, s9;
	v4 =	vshll.u32 v4, $0xE;
	v5 =	vshll.u32 v5, $0xE;
	v6 =	vshll.u32 v6, $0xE;
	s7 =	sadd.s32 $0x40, s7  }
0x4c8: {  	v11 =	vld [tilespmem:s7+$0x10];
	p1 =	slt.u32 s9, $0x26C;
	v4 =	vor.u32 v9, v4;
	v5 =	vor.u32 v7, v5;
	v7 =	vor.u32 v8, v6  }
0x4c9: {  	v6 =	vld [tilespmem:s10+$0xFFFFFFF0];
	v8 =	vmov v3  }
0x4ca: {  	v3 =	vld [tilespmem:s10+$0x0]  }
0x4cb: {  	v9 =	vld [tilespmem:s10+$0xFFFFFFE0]  }
0x4cc: {  	v12 =	vld [tilespmem:s7+$0xFFFFFFE0];
	v13 =	vshra.s32 v10, $0x1F  }
0x4cd: {  	v14 =	vld [tilespmem:s7+$0xFFFFFFF0];
	v13 =	vor.u32 $0x80000000, v13;
	v11 =	vtrunc.f32 v11  }
0x4ce: {  	v15 =	vshra.s32 v6, $0x1F;
	v16 =	vld [tilespmem:s7+$0x0];
	v10 =	vxor.u32 v10, v13;
	v11 =	vcvt.f32.s32 v11  }
0x4cf: {  	v13 =	vor.u32 $0x80000000, v15;
	v15 =	vshra.s32 v3, $0x1F;
	v10 =	vshrl.u32 v10, $0x1;
	[tilespmem:v4+s14+$0x0] =	vst.idx.add.f32.msk $0xffff, v1  }
0x4d0: {  	s8 =	sadd.s32 $0x40, s8;
	v1 =	vshra.s32 v9, $0x1F;
	v4 =	vshrl.u32 v10, $0x11;
	v10 =	vshll.u32 v11, $0xE;
	[tilespmem:v5+s14+$0x0] =	vst.idx.add.f32.msk $0xffff, v2  }
0x4d1: {  	v5 =	vor.u32 $0x80000000, v15;
	v2 =	vor.u32 $0x80000000, v1;
	v11 =	vld [tilespmem:s8+$0x10];
	v10 =	vor.u32 v4, v10  }
.Ltmp18:
0x4d2: {  	v4 =	vtrunc.f32 v12;
	v1 =	vld [tilespmem:s8+$0xFFFFFFE0];
	v9 =	vxor.u32 v9, v2;
	v12 =	vtrunc.f32 v14;
	(pc) =	sbr.rel @p1 .LBB2_38-.Ltmp18, $4  }
0x4d3: {  	v6 =	vxor.u32 v6, v13;
	v13 =	vxor.u32 v3, v5;
	v2 =	vld [tilespmem:s8+$0xFFFFFFF0];
	v14 =	vtrunc.f32 v16  }
0x4d4: {  	v4 =	vcvt.f32.s32 v4;
	v9 =	vshrl.u32 v9, $0x1;
	v5 =	vcvt.f32.s32 v12;
	v3 =	vld [tilespmem:s8+$0x0]  }
0x4d5: {  	v13 =	vshrl.u32 v13, $0x1;
	v12 =	vshrl.u32 v6, $0x1;
	v6 =	vcvt.f32.s32 v14;
	[tilespmem:v7+s14+$0x0] =	vst.idx.add.f32.msk $0xffff, v8  }
0x4d6: {  	s10 =	sadd.s32 $0x40, s10;
	v9 =	vshrl.u32 v9, $0x11;
	v7 =	vshrl.u32 v12, $0x11;
	v8 =	vshrl.u32 v13, $0x11;
	[tilespmem:v10+s14+$0x0] =	vst.idx.add.f32.msk $0xffff, v11  }
0x4d7: {  	v4 =	vshll.u32 v4, $0xE  }
0x4d8: {  	v5 =	vshll.u32 v5, $0xE;
	v4 =	vor.u32 v9, v4  }
0x4d9: {  	v6 =	vshll.u32 v6, $0xE;
	v5 =	vor.u32 v7, v5  }
0x4da: {  	v6 =	vor.u32 v8, v6;
	_ =	sdelay $0x2  }
0x4db: {  	[tilespmem:v4+s14+$0x0] =	vst.idx.add.f32.msk $0xffff, v1  }
0x4dc: {  	[tilespmem:v5+s14+$0x0] =	vst.idx.add.f32.msk $0xffff, v2  }
0x4dd: {  	[tilespmem:v6+s14+$0x0] =	vst.idx.add.f32.msk $0xffff, v3  }
0x4de: {  	v1 =	vld [tilespmem:$0x11D80]  }
0x4df: {  	v2 =	vld [tilespmem:$0x14500];
	_ =	sdelay $0x3  }
0x4e0: {  	v3 =	vshra.s32 v1, $0x1F  }
0x4e1: {  	v2 =	vtrunc.f32 v2;
	v3 =	vor.u32 $0x80000000, v3  }
0x4e2: {  	v2 =	vcvt.f32.s32 v2;
	v1 =	vxor.u32 v1, v3  }
0x4e3: {  	v1 =	vshrl.u32 v1, $0x1  }
0x4e4: {  	v2 =	vshll.u32 v2, $0xE;
	v1 =	vshrl.u32 v1, $0x11  }
0x4e5: {  	v3 =	vld [tilespmem:$0x16C80];
	v1 =	vor.u32 v1, v2;
	_ =	sdelay $0x2  }
0x4e6: {  	s7 =	sld [smem:$0x7EA];
	_ =	sdelay $0x1  }
0x4e7: {  	s11 =	sld [smem:$0x7EB];
	[tilespmem:v1+s14+$0x0] =	vst.idx.add.f32.msk $0xffff, v3  }
0x4e8: {  	[tilespmem:s31], [sflag:$0x2] =	stream.linear.gather [hbm4b:s7+s14], $0x2710, $0x38;
	[tilespmem:$0x19F00] =	vst v63  }
0x4e9: {  	s12 =	sld [smem:$0x7EC]  }
0x4ea: {  	[tilespmem:s0], [sflag:$0x2] =	stream.linear.gather [hbm4b:s11+s14], $0x2710, $0x38;
	[tilespmem:$0x19F00] =	vst v63  }
0x4eb: {  	_ = 	snop  }
0x4ec: {  	[tilespmem:s1], [sflag:$0x2] =	stream.linear.gather [hbm4b:s12+s14], $0x2710, $0x38;
	[tilespmem:$0x19F00] =	vst v63  }
0x4ed: {  	_ =	swait.ge [sflag:s2], $0x2710  }
0x4ee: {  	[sflag:s2] =	ssyncset.done $0x0  }
0x4ef: {  	[sflag:s2] =	ssyncadd.s32 $0xFFFFD8F0  }
0x4f0: {  	_ =	swait.ge [sflag:s2], $0x2710  }
0x4f1: {  	[sflag:s2] =	ssyncset.done $0x0  }
0x4f2: {  	[sflag:s2] =	ssyncadd.s32 $0xFFFFD8F0  }
0x4f3: {  	_ =	swait.ge [sflag:s2], $0x2710  }
0x4f4: {  	[sflag:s2] =	ssyncset.done $0x0  }
0x4f5: {  	s8 =	simm.s32 $0x8020;
	[sflag:s2] =	ssyncadd.s32 $0xFFFFD8F0  }
0x4f6: {  	s7 =	simm.s32 $0xA7A0;
	v1 =	vld [tilespmem:s8+$0x10]  }
0x4f7: {  	v2 =	vld [tilespmem:s7+$0x10]  }
0x4f8: {  	v3 =	vld [tilespmem:s8+$0xFFFFFFF0]  }
0x4f9: {  	v5 =	vld [tilespmem:s8+$0xFFFFFFE0]  }
0x4fa: {  	v6 =	vld [tilespmem:s7+$0xFFFFFFE0]  }
0x4fb: {  	v8 =	vld [tilespmem:s7+$0xFFFFFFF0]  }
0x4fc: {  	v10 =	vld [tilespmem:s7+$0x0];
	v7 =	vshra.s32 v1, $0x1F  }
0x4fd: {  	v4 =	vld [tilespmem:s8+$0x0];
	v2 =	vtrunc.f32 v2;
	v7 =	vor.u32 $0x80000000, v7  }
0x4fe: {  	v9 =	vshra.s32 v3, $0x1F;
	v2 =	vcvt.f32.s32 v2;
	v1 =	vxor.u32 v1, v7  }
0x4ff: {  	v11 =	vshra.s32 v5, $0x1F;
	v6 =	vtrunc.f32 v6;
	v1 =	vshrl.u32 v1, $0x1  }
0x500: {  	s8 =	simm.s32 $0xCF20;
	v8 =	vtrunc.f32 v8;
	v2 =	vshll.u32 v2, $0xE;
	v1 =	vshrl.u32 v1, $0x11  }
0x501: {  	v12 =	vld [tilespmem:s8+$0x10];
	v10 =	vtrunc.f32 v10;
	v11 =	vor.u32 $0x80000000, v11;
	v13 =	vor.u32 v1, v2  }
0x502: {  	v7 =	vor.u32 $0x80000000, v9;
	v9 =	vshra.s32 v4, $0x1F;
	v5 =	vxor.u32 v5, v11  }
0x503: {  	v9 =	vor.u32 $0x80000000, v9;
	v7 =	vxor.u32 v3, v7;
	v11 =	vshrl.u32 v5, $0x1;
	v3 =	vld [tilespmem:s8+$0x0]  }
0x504: {  	v5 =	vcvt.f32.s32 v8;
	v9 =	vxor.u32 v4, v9;
	v4 =	vcvt.f32.s32 v6;
	v1 =	vld [tilespmem:s8+$0xFFFFFFE0]  }
0x505: {  	v7 =	vshrl.u32 v7, $0x1;
	v6 =	vcvt.f32.s32 v10;
	v2 =	vld [tilespmem:s8+$0xFFFFFFF0];
	v8 =	vshrl.u32 v9, $0x1  }
0x506: {  	s9 =	simm.s32 $0x0;
	s10 =	simm.s32 $0x8060;
	v9 =	vshrl.u32 v11, $0x11;
	v7 =	vshrl.u32 v7, $0x11;
	v8 =	vshrl.u32 v8, $0x11;
	[tilespmem:v13+s14+$0x0] =	vst.idx.add.f32.msk $0xffff, v12  }
.LBB2_40:
0x507: {  	v10 =	vld [tilespmem:s10+$0x10];
	s9 =	sadd.s32 $0x4, s9;
	v4 =	vshll.u32 v4, $0xE;
	v5 =	vshll.u32 v5, $0xE;
	v6 =	vshll.u32 v6, $0xE;
	s7 =	sadd.s32 $0x40, s7  }
0x508: {  	v11 =	vld [tilespmem:s7+$0x10];
	p1 =	slt.u32 s9, $0x26C;
	v4 =	vor.u32 v9, v4;
	v5 =	vor.u32 v7, v5;
	v7 =	vor.u32 v8, v6  }
0x509: {  	v6 =	vld [tilespmem:s10+$0xFFFFFFF0];
	v8 =	vmov v3  }
0x50a: {  	v3 =	vld [tilespmem:s10+$0x0]  }
0x50b: {  	v9 =	vld [tilespmem:s10+$0xFFFFFFE0]  }
0x50c: {  	v12 =	vld [tilespmem:s7+$0xFFFFFFE0];
	v13 =	vshra.s32 v10, $0x1F  }
0x50d: {  	v14 =	vld [tilespmem:s7+$0xFFFFFFF0];
	v13 =	vor.u32 $0x80000000, v13;
	v11 =	vtrunc.f32 v11  }
0x50e: {  	v15 =	vshra.s32 v6, $0x1F;
	v16 =	vld [tilespmem:s7+$0x0];
	v10 =	vxor.u32 v10, v13;
	v11 =	vcvt.f32.s32 v11  }
0x50f: {  	v13 =	vor.u32 $0x80000000, v15;
	v15 =	vshra.s32 v3, $0x1F;
	v10 =	vshrl.u32 v10, $0x1;
	[tilespmem:v4+s14+$0x0] =	vst.idx.add.f32.msk $0xffff, v1  }
0x510: {  	s8 =	sadd.s32 $0x40, s8;
	v1 =	vshra.s32 v9, $0x1F;
	v4 =	vshrl.u32 v10, $0x11;
	v10 =	vshll.u32 v11, $0xE;
	[tilespmem:v5+s14+$0x0] =	vst.idx.add.f32.msk $0xffff, v2  }
0x511: {  	v5 =	vor.u32 $0x80000000, v15;
	v2 =	vor.u32 $0x80000000, v1;
	v11 =	vld [tilespmem:s8+$0x10];
	v10 =	vor.u32 v4, v10  }
.Ltmp19:
0x512: {  	v4 =	vtrunc.f32 v12;
	v1 =	vld [tilespmem:s8+$0xFFFFFFE0];
	v9 =	vxor.u32 v9, v2;
	v12 =	vtrunc.f32 v14;
	(pc) =	sbr.rel @p1 .LBB2_40-.Ltmp19, $4  }
0x513: {  	v6 =	vxor.u32 v6, v13;
	v13 =	vxor.u32 v3, v5;
	v2 =	vld [tilespmem:s8+$0xFFFFFFF0];
	v14 =	vtrunc.f32 v16  }
0x514: {  	v4 =	vcvt.f32.s32 v4;
	v9 =	vshrl.u32 v9, $0x1;
	v5 =	vcvt.f32.s32 v12;
	v3 =	vld [tilespmem:s8+$0x0]  }
0x515: {  	v13 =	vshrl.u32 v13, $0x1;
	v12 =	vshrl.u32 v6, $0x1;
	v6 =	vcvt.f32.s32 v14;
	[tilespmem:v7+s14+$0x0] =	vst.idx.add.f32.msk $0xffff, v8  }
0x516: {  	s10 =	sadd.s32 $0x40, s10;
	v9 =	vshrl.u32 v9, $0x11;
	v7 =	vshrl.u32 v12, $0x11;
	v8 =	vshrl.u32 v13, $0x11;
	[tilespmem:v10+s14+$0x0] =	vst.idx.add.f32.msk $0xffff, v11  }
0x517: {  	v4 =	vshll.u32 v4, $0xE  }
0x518: {  	v5 =	vshll.u32 v5, $0xE;
	v4 =	vor.u32 v9, v4  }
0x519: {  	v6 =	vshll.u32 v6, $0xE;
	v5 =	vor.u32 v7, v5  }
0x51a: {  	v6 =	vor.u32 v8, v6;
	_ =	sdelay $0x2  }
0x51b: {  	[tilespmem:v4+s14+$0x0] =	vst.idx.add.f32.msk $0xffff, v1  }
0x51c: {  	[tilespmem:v5+s14+$0x0] =	vst.idx.add.f32.msk $0xffff, v2  }
0x51d: {  	[tilespmem:v6+s14+$0x0] =	vst.idx.add.f32.msk $0xffff, v3  }
0x51e: {  	v1 =	vld [tilespmem:$0xA700]  }
0x51f: {  	v2 =	vld [tilespmem:$0xCE80];
	_ =	sdelay $0x3  }
0x520: {  	v3 =	vshra.s32 v1, $0x1F  }
0x521: {  	v2 =	vtrunc.f32 v2;
	v3 =	vor.u32 $0x80000000, v3  }
0x522: {  	v2 =	vcvt.f32.s32 v2;
	v1 =	vxor.u32 v1, v3  }
0x523: {  	v1 =	vshrl.u32 v1, $0x1  }
0x524: {  	v2 =	vshll.u32 v2, $0xE;
	v1 =	vshrl.u32 v1, $0x11  }
0x525: {  	v3 =	vld [tilespmem:$0xF600];
	v1 =	vor.u32 v1, v2;
	_ =	sdelay $0x2  }
0x526: {  	s7 =	sld [smem:$0x7ED];
	_ =	sdelay $0x1  }
0x527: {  	s11 =	sld [smem:$0x7EE];
	[tilespmem:v1+s14+$0x0] =	vst.idx.add.f32.msk $0xffff, v3  }
0x528: {  	[tilespmem:s28], [sflag:$0x1] =	stream.linear.gather [hbm4b:s7+s14], $0x2710, $0x38;
	[tilespmem:$0x19F00] =	vst v63  }
0x529: {  	s12 =	sld [smem:$0x7EF]  }
0x52a: {  	[tilespmem:s29], [sflag:$0x1] =	stream.linear.gather [hbm4b:s11+s14], $0x2710, $0x38;
	[tilespmem:$0x19F00] =	vst v63  }
0x52b: {  	_ = 	snop  }
0x52c: {  	[tilespmem:s30], [sflag:$0x1] =	stream.linear.gather [hbm4b:s12+s14], $0x2710, $0x38;
	[tilespmem:$0x19F00] =	vst v63  }
0x52d: {  	_ =	swait.ge [sflag:s3], $0x2710  }
0x52e: {  	[sflag:s3] =	ssyncset.done $0x0  }
0x52f: {  	[sflag:s3] =	ssyncadd.s32 $0xFFFFD8F0  }
0x530: {  	_ =	swait.ge [sflag:s3], $0x2710  }
0x531: {  	[sflag:s3] =	ssyncset.done $0x0  }
0x532: {  	[sflag:s3] =	ssyncadd.s32 $0xFFFFD8F0  }
0x533: {  	_ =	swait.ge [sflag:s3], $0x2710  }
0x534: {  	[sflag:s3] =	ssyncset.done $0x0  }
0x535: {  	s8 =	simm.s32 $0xF6A0;
	[sflag:s3] =	ssyncadd.s32 $0xFFFFD8F0  }
0x536: {  	s7 =	simm.s32 $0x11E20;
	v1 =	vld [tilespmem:s8+$0x10]  }
0x537: {  	v2 =	vld [tilespmem:s7+$0x10]  }
0x538: {  	v3 =	vld [tilespmem:s8+$0xFFFFFFF0]  }
0x539: {  	v5 =	vld [tilespmem:s8+$0xFFFFFFE0]  }
0x53a: {  	v6 =	vld [tilespmem:s7+$0xFFFFFFE0]  }
0x53b: {  	v8 =	vld [tilespmem:s7+$0xFFFFFFF0]  }
0x53c: {  	v10 =	vld [tilespmem:s7+$0x0];
	v7 =	vshra.s32 v1, $0x1F  }
0x53d: {  	v4 =	vld [tilespmem:s8+$0x0];
	v2 =	vtrunc.f32 v2;
	v7 =	vor.u32 $0x80000000, v7  }
0x53e: {  	v9 =	vshra.s32 v3, $0x1F;
	v2 =	vcvt.f32.s32 v2;
	v1 =	vxor.u32 v1, v7  }
0x53f: {  	v11 =	vshra.s32 v5, $0x1F;
	v6 =	vtrunc.f32 v6;
	v1 =	vshrl.u32 v1, $0x1  }
0x540: {  	s8 =	simm.s32 $0x145A0;
	v8 =	vtrunc.f32 v8;
	v2 =	vshll.u32 v2, $0xE;
	v1 =	vshrl.u32 v1, $0x11  }
0x541: {  	v12 =	vld [tilespmem:s8+$0x10];
	v10 =	vtrunc.f32 v10;
	v11 =	vor.u32 $0x80000000, v11;
	v13 =	vor.u32 v1, v2  }
0x542: {  	v7 =	vor.u32 $0x80000000, v9;
	v9 =	vshra.s32 v4, $0x1F;
	v5 =	vxor.u32 v5, v11  }
0x543: {  	v9 =	vor.u32 $0x80000000, v9;
	v7 =	vxor.u32 v3, v7;
	v11 =	vshrl.u32 v5, $0x1;
	v3 =	vld [tilespmem:s8+$0x0]  }
0x544: {  	v5 =	vcvt.f32.s32 v8;
	v9 =	vxor.u32 v4, v9;
	v4 =	vcvt.f32.s32 v6;
	v1 =	vld [tilespmem:s8+$0xFFFFFFE0]  }
0x545: {  	v7 =	vshrl.u32 v7, $0x1;
	v6 =	vcvt.f32.s32 v10;
	v2 =	vld [tilespmem:s8+$0xFFFFFFF0];
	v8 =	vshrl.u32 v9, $0x1  }
0x546: {  	s9 =	simm.s32 $0x0;
	s10 =	simm.s32 $0xF6E0;
	v9 =	vshrl.u32 v11, $0x11;
	v7 =	vshrl.u32 v7, $0x11;
	v8 =	vshrl.u32 v8, $0x11;
	[tilespmem:v13+s14+$0x0] =	vst.idx.add.f32.msk $0xffff, v12  }
.LBB2_42:
0x547: {  	v10 =	vld [tilespmem:s10+$0x10];
	s9 =	sadd.s32 $0x4, s9;
	v4 =	vshll.u32 v4, $0xE;
	v5 =	vshll.u32 v5, $0xE;
	v6 =	vshll.u32 v6, $0xE;
	s7 =	sadd.s32 $0x40, s7  }
0x548: {  	v11 =	vld [tilespmem:s7+$0x10];
	p1 =	slt.u32 s9, $0x26C;
	v4 =	vor.u32 v9, v4;
	v5 =	vor.u32 v7, v5;
	v7 =	vor.u32 v8, v6  }
0x549: {  	v6 =	vld [tilespmem:s10+$0xFFFFFFF0];
	v8 =	vmov v3  }
0x54a: {  	v3 =	vld [tilespmem:s10+$0x0]  }
0x54b: {  	v9 =	vld [tilespmem:s10+$0xFFFFFFE0]  }
0x54c: {  	v12 =	vld [tilespmem:s7+$0xFFFFFFE0];
	v13 =	vshra.s32 v10, $0x1F  }
0x54d: {  	v14 =	vld [tilespmem:s7+$0xFFFFFFF0];
	v13 =	vor.u32 $0x80000000, v13;
	v11 =	vtrunc.f32 v11  }
0x54e: {  	v15 =	vshra.s32 v6, $0x1F;
	v16 =	vld [tilespmem:s7+$0x0];
	v10 =	vxor.u32 v10, v13;
	v11 =	vcvt.f32.s32 v11  }
0x54f: {  	v13 =	vor.u32 $0x80000000, v15;
	v15 =	vshra.s32 v3, $0x1F;
	v10 =	vshrl.u32 v10, $0x1;
	[tilespmem:v4+s14+$0x0] =	vst.idx.add.f32.msk $0xffff, v1  }
0x550: {  	s8 =	sadd.s32 $0x40, s8;
	v1 =	vshra.s32 v9, $0x1F;
	v4 =	vshrl.u32 v10, $0x11;
	v10 =	vshll.u32 v11, $0xE;
	[tilespmem:v5+s14+$0x0] =	vst.idx.add.f32.msk $0xffff, v2  }
0x551: {  	v5 =	vor.u32 $0x80000000, v15;
	v2 =	vor.u32 $0x80000000, v1;
	v11 =	vld [tilespmem:s8+$0x10];
	v10 =	vor.u32 v4, v10  }
.Ltmp20:
0x552: {  	v4 =	vtrunc.f32 v12;
	v1 =	vld [tilespmem:s8+$0xFFFFFFE0];
	v9 =	vxor.u32 v9, v2;
	v12 =	vtrunc.f32 v14;
	(pc) =	sbr.rel @p1 .LBB2_42-.Ltmp20, $4  }
0x553: {  	v6 =	vxor.u32 v6, v13;
	v13 =	vxor.u32 v3, v5;
	v2 =	vld [tilespmem:s8+$0xFFFFFFF0];
	v14 =	vtrunc.f32 v16  }
0x554: {  	v4 =	vcvt.f32.s32 v4;
	v9 =	vshrl.u32 v9, $0x1;
	v5 =	vcvt.f32.s32 v12;
	v3 =	vld [tilespmem:s8+$0x0]  }
0x555: {  	v13 =	vshrl.u32 v13, $0x1;
	v12 =	vshrl.u32 v6, $0x1;
	v6 =	vcvt.f32.s32 v14;
	[tilespmem:v7+s14+$0x0] =	vst.idx.add.f32.msk $0xffff, v8  }
0x556: {  	s10 =	sadd.s32 $0x40, s10;
	v9 =	vshrl.u32 v9, $0x11;
	v7 =	vshrl.u32 v12, $0x11;
	v8 =	vshrl.u32 v13, $0x11;
	[tilespmem:v10+s14+$0x0] =	vst.idx.add.f32.msk $0xffff, v11  }
0x557: {  	v4 =	vshll.u32 v4, $0xE  }
0x558: {  	v5 =	vshll.u32 v5, $0xE;
	v4 =	vor.u32 v9, v4  }
0x559: {  	v6 =	vshll.u32 v6, $0xE;
	v5 =	vor.u32 v7, v5  }
0x55a: {  	v6 =	vor.u32 v8, v6;
	_ =	sdelay $0x2  }
0x55b: {  	[tilespmem:v4+s14+$0x0] =	vst.idx.add.f32.msk $0xffff, v1  }
0x55c: {  	[tilespmem:v5+s14+$0x0] =	vst.idx.add.f32.msk $0xffff, v2  }
0x55d: {  	[tilespmem:v6+s14+$0x0] =	vst.idx.add.f32.msk $0xffff, v3  }
0x55e: {  	v1 =	vld [tilespmem:$0x11D80]  }
0x55f: {  	v2 =	vld [tilespmem:$0x14500];
	_ =	sdelay $0x3  }
0x560: {  	v3 =	vshra.s32 v1, $0x1F  }
0x561: {  	v2 =	vtrunc.f32 v2;
	v3 =	vor.u32 $0x80000000, v3  }
0x562: {  	v2 =	vcvt.f32.s32 v2;
	v1 =	vxor.u32 v1, v3  }
0x563: {  	v1 =	vshrl.u32 v1, $0x1  }
0x564: {  	v2 =	vshll.u32 v2, $0xE;
	v1 =	vshrl.u32 v1, $0x11  }
0x565: {  	v3 =	vld [tilespmem:$0x16C80];
	v1 =	vor.u32 v1, v2;
	_ =	sdelay $0x2  }
0x566: {  	s7 =	sld [smem:$0x7F0];
	_ =	sdelay $0x1  }
0x567: {  	s11 =	sld [smem:$0x7F1];
	[tilespmem:v1+s14+$0x0] =	vst.idx.add.f32.msk $0xffff, v3  }
0x568: {  	[tilespmem:s31], [sflag:$0x2] =	stream.linear.gather [hbm4b:s7+s14], $0x2710, $0x38;
	[tilespmem:$0x19F00] =	vst v63  }
0x569: {  	s12 =	sld [smem:$0x7F2]  }
0x56a: {  	[tilespmem:s0], [sflag:$0x2] =	stream.linear.gather [hbm4b:s11+s14], $0x2710, $0x38;
	[tilespmem:$0x19F00] =	vst v63  }
0x56b: {  	_ = 	snop  }
0x56c: {  	[tilespmem:s1], [sflag:$0x2] =	stream.linear.gather [hbm4b:s12+s14], $0x2710, $0x38;
	[tilespmem:$0x19F00] =	vst v63  }
0x56d: {  	_ =	swait.ge [sflag:s2], $0x2710  }
0x56e: {  	[sflag:s2] =	ssyncset.done $0x0  }
0x56f: {  	[sflag:s2] =	ssyncadd.s32 $0xFFFFD8F0  }
0x570: {  	_ =	swait.ge [sflag:s2], $0x2710  }
0x571: {  	[sflag:s2] =	ssyncset.done $0x0  }
0x572: {  	[sflag:s2] =	ssyncadd.s32 $0xFFFFD8F0  }
0x573: {  	_ =	swait.ge [sflag:s2], $0x2710  }
0x574: {  	[sflag:s2] =	ssyncset.done $0x0  }
0x575: {  	s8 =	simm.s32 $0x8020;
	[sflag:s2] =	ssyncadd.s32 $0xFFFFD8F0  }
0x576: {  	s7 =	simm.s32 $0xA7A0;
	v1 =	vld [tilespmem:s8+$0x10]  }
0x577: {  	v2 =	vld [tilespmem:s7+$0x10]  }
0x578: {  	v3 =	vld [tilespmem:s8+$0xFFFFFFF0]  }
0x579: {  	v5 =	vld [tilespmem:s8+$0xFFFFFFE0]  }
0x57a: {  	v6 =	vld [tilespmem:s7+$0xFFFFFFE0]  }
0x57b: {  	v8 =	vld [tilespmem:s7+$0xFFFFFFF0]  }
0x57c: {  	v10 =	vld [tilespmem:s7+$0x0];
	v7 =	vshra.s32 v1, $0x1F  }
0x57d: {  	v4 =	vld [tilespmem:s8+$0x0];
	v2 =	vtrunc.f32 v2;
	v7 =	vor.u32 $0x80000000, v7  }
0x57e: {  	v9 =	vshra.s32 v3, $0x1F;
	v2 =	vcvt.f32.s32 v2;
	v1 =	vxor.u32 v1, v7  }
0x57f: {  	v11 =	vshra.s32 v5, $0x1F;
	v6 =	vtrunc.f32 v6;
	v1 =	vshrl.u32 v1, $0x1  }
0x580: {  	s8 =	simm.s32 $0xCF20;
	v8 =	vtrunc.f32 v8;
	v2 =	vshll.u32 v2, $0xE;
	v1 =	vshrl.u32 v1, $0x11  }
0x581: {  	v12 =	vld [tilespmem:s8+$0x10];
	v10 =	vtrunc.f32 v10;
	v11 =	vor.u32 $0x80000000, v11;
	v13 =	vor.u32 v1, v2  }
0x582: {  	v7 =	vor.u32 $0x80000000, v9;
	v9 =	vshra.s32 v4, $0x1F;
	v5 =	vxor.u32 v5, v11  }
0x583: {  	v9 =	vor.u32 $0x80000000, v9;
	v7 =	vxor.u32 v3, v7;
	v11 =	vshrl.u32 v5, $0x1;
	v3 =	vld [tilespmem:s8+$0x0]  }
0x584: {  	v5 =	vcvt.f32.s32 v8;
	v9 =	vxor.u32 v4, v9;
	v4 =	vcvt.f32.s32 v6;
	v1 =	vld [tilespmem:s8+$0xFFFFFFE0]  }
0x585: {  	v7 =	vshrl.u32 v7, $0x1;
	v6 =	vcvt.f32.s32 v10;
	v2 =	vld [tilespmem:s8+$0xFFFFFFF0];
	v8 =	vshrl.u32 v9, $0x1  }
0x586: {  	s9 =	simm.s32 $0x0;
	s10 =	simm.s32 $0x8060;
	v9 =	vshrl.u32 v11, $0x11;
	v7 =	vshrl.u32 v7, $0x11;
	v8 =	vshrl.u32 v8, $0x11;
	[tilespmem:v13+s14+$0x0] =	vst.idx.add.f32.msk $0xffff, v12  }
.LBB2_44:
0x587: {  	v10 =	vld [tilespmem:s10+$0x10];
	s9 =	sadd.s32 $0x4, s9;
	v4 =	vshll.u32 v4, $0xE;
	v5 =	vshll.u32 v5, $0xE;
	v6 =	vshll.u32 v6, $0xE;
	s7 =	sadd.s32 $0x40, s7  }
0x588: {  	v11 =	vld [tilespmem:s7+$0x10];
	p1 =	slt.u32 s9, $0x26C;
	v4 =	vor.u32 v9, v4;
	v5 =	vor.u32 v7, v5;
	v7 =	vor.u32 v8, v6  }
0x589: {  	v6 =	vld [tilespmem:s10+$0xFFFFFFF0];
	v8 =	vmov v3  }
0x58a: {  	v3 =	vld [tilespmem:s10+$0x0]  }
0x58b: {  	v9 =	vld [tilespmem:s10+$0xFFFFFFE0]  }
0x58c: {  	v12 =	vld [tilespmem:s7+$0xFFFFFFE0];
	v13 =	vshra.s32 v10, $0x1F  }
0x58d: {  	v14 =	vld [tilespmem:s7+$0xFFFFFFF0];
	v13 =	vor.u32 $0x80000000, v13;
	v11 =	vtrunc.f32 v11  }
0x58e: {  	v15 =	vshra.s32 v6, $0x1F;
	v16 =	vld [tilespmem:s7+$0x0];
	v10 =	vxor.u32 v10, v13;
	v11 =	vcvt.f32.s32 v11  }
0x58f: {  	v13 =	vor.u32 $0x80000000, v15;
	v15 =	vshra.s32 v3, $0x1F;
	v10 =	vshrl.u32 v10, $0x1;
	[tilespmem:v4+s14+$0x0] =	vst.idx.add.f32.msk $0xffff, v1  }
0x590: {  	s8 =	sadd.s32 $0x40, s8;
	v1 =	vshra.s32 v9, $0x1F;
	v4 =	vshrl.u32 v10, $0x11;
	v10 =	vshll.u32 v11, $0xE;
	[tilespmem:v5+s14+$0x0] =	vst.idx.add.f32.msk $0xffff, v2  }
0x591: {  	v5 =	vor.u32 $0x80000000, v15;
	v2 =	vor.u32 $0x80000000, v1;
	v11 =	vld [tilespmem:s8+$0x10];
	v10 =	vor.u32 v4, v10  }
.Ltmp21:
0x592: {  	v4 =	vtrunc.f32 v12;
	v1 =	vld [tilespmem:s8+$0xFFFFFFE0];
	v9 =	vxor.u32 v9, v2;
	v12 =	vtrunc.f32 v14;
	(pc) =	sbr.rel @p1 .LBB2_44-.Ltmp21, $4  }
0x593: {  	v6 =	vxor.u32 v6, v13;
	v13 =	vxor.u32 v3, v5;
	v2 =	vld [tilespmem:s8+$0xFFFFFFF0];
	v14 =	vtrunc.f32 v16  }
0x594: {  	v4 =	vcvt.f32.s32 v4;
	v9 =	vshrl.u32 v9, $0x1;
	v5 =	vcvt.f32.s32 v12;
	v3 =	vld [tilespmem:s8+$0x0]  }
0x595: {  	v13 =	vshrl.u32 v13, $0x1;
	v12 =	vshrl.u32 v6, $0x1;
	v6 =	vcvt.f32.s32 v14;
	[tilespmem:v7+s14+$0x0] =	vst.idx.add.f32.msk $0xffff, v8  }
0x596: {  	s10 =	sadd.s32 $0x40, s10;
	v9 =	vshrl.u32 v9, $0x11;
	v7 =	vshrl.u32 v12, $0x11;
	v8 =	vshrl.u32 v13, $0x11;
	[tilespmem:v10+s14+$0x0] =	vst.idx.add.f32.msk $0xffff, v11  }
0x597: {  	v4 =	vshll.u32 v4, $0xE  }
0x598: {  	v5 =	vshll.u32 v5, $0xE;
	v4 =	vor.u32 v9, v4  }
0x599: {  	v6 =	vshll.u32 v6, $0xE;
	v5 =	vor.u32 v7, v5  }
0x59a: {  	v6 =	vor.u32 v8, v6;
	_ =	sdelay $0x2  }
0x59b: {  	[tilespmem:v4+s14+$0x0] =	vst.idx.add.f32.msk $0xffff, v1  }
0x59c: {  	[tilespmem:v5+s14+$0x0] =	vst.idx.add.f32.msk $0xffff, v2  }
0x59d: {  	[tilespmem:v6+s14+$0x0] =	vst.idx.add.f32.msk $0xffff, v3  }
0x59e: {  	v1 =	vld [tilespmem:$0xA700]  }
0x59f: {  	v2 =	vld [tilespmem:$0xCE80];
	_ =	sdelay $0x3  }
0x5a0: {  	v3 =	vshra.s32 v1, $0x1F  }
0x5a1: {  	v2 =	vtrunc.f32 v2;
	v3 =	vor.u32 $0x80000000, v3  }
0x5a2: {  	v2 =	vcvt.f32.s32 v2;
	v1 =	vxor.u32 v1, v3  }
0x5a3: {  	v1 =	vshrl.u32 v1, $0x1  }
0x5a4: {  	v2 =	vshll.u32 v2, $0xE;
	v1 =	vshrl.u32 v1, $0x11  }
0x5a5: {  	v3 =	vld [tilespmem:$0xF600];
	v1 =	vor.u32 v1, v2;
	_ =	sdelay $0x2  }
0x5a6: {  	s7 =	sld [smem:$0x7F3];
	_ =	sdelay $0x1  }
0x5a7: {  	s11 =	sld [smem:$0x7F4];
	[tilespmem:v1+s14+$0x0] =	vst.idx.add.f32.msk $0xffff, v3  }
0x5a8: {  	[tilespmem:s28], [sflag:$0x1] =	stream.linear.gather [hbm4b:s7+s14], $0x2710, $0x38;
	[tilespmem:$0x19F00] =	vst v63  }
0x5a9: {  	s12 =	sld [smem:$0x7F5]  }
0x5aa: {  	[tilespmem:s29], [sflag:$0x1] =	stream.linear.gather [hbm4b:s11+s14], $0x2710, $0x38;
	[tilespmem:$0x19F00] =	vst v63  }
0x5ab: {  	_ = 	snop  }
0x5ac: {  	[tilespmem:s30], [sflag:$0x1] =	stream.linear.gather [hbm4b:s12+s14], $0x2710, $0x38;
	[tilespmem:$0x19F00] =	vst v63  }
0x5ad: {  	_ =	swait.ge [sflag:s3], $0x2710  }
0x5ae: {  	[sflag:s3] =	ssyncset.done $0x0  }
0x5af: {  	[sflag:s3] =	ssyncadd.s32 $0xFFFFD8F0  }
0x5b0: {  	_ =	swait.ge [sflag:s3], $0x2710  }
0x5b1: {  	[sflag:s3] =	ssyncset.done $0x0  }
0x5b2: {  	[sflag:s3] =	ssyncadd.s32 $0xFFFFD8F0  }
0x5b3: {  	_ =	swait.ge [sflag:s3], $0x2710  }
0x5b4: {  	[sflag:s3] =	ssyncset.done $0x0  }
0x5b5: {  	s8 =	simm.s32 $0xF6A0;
	[sflag:s3] =	ssyncadd.s32 $0xFFFFD8F0  }
0x5b6: {  	s7 =	simm.s32 $0x11E20;
	v1 =	vld [tilespmem:s8+$0x10]  }
0x5b7: {  	v2 =	vld [tilespmem:s7+$0x10]  }
0x5b8: {  	v3 =	vld [tilespmem:s8+$0xFFFFFFF0]  }
0x5b9: {  	v5 =	vld [tilespmem:s8+$0xFFFFFFE0]  }
0x5ba: {  	v6 =	vld [tilespmem:s7+$0xFFFFFFE0]  }
0x5bb: {  	v8 =	vld [tilespmem:s7+$0xFFFFFFF0]  }
0x5bc: {  	v10 =	vld [tilespmem:s7+$0x0];
	v7 =	vshra.s32 v1, $0x1F  }
0x5bd: {  	v4 =	vld [tilespmem:s8+$0x0];
	v2 =	vtrunc.f32 v2;
	v7 =	vor.u32 $0x80000000, v7  }
0x5be: {  	v9 =	vshra.s32 v3, $0x1F;
	v2 =	vcvt.f32.s32 v2;
	v1 =	vxor.u32 v1, v7  }
0x5bf: {  	v11 =	vshra.s32 v5, $0x1F;
	v6 =	vtrunc.f32 v6;
	v1 =	vshrl.u32 v1, $0x1  }
0x5c0: {  	s8 =	simm.s32 $0x145A0;
	v8 =	vtrunc.f32 v8;
	v2 =	vshll.u32 v2, $0xE;
	v1 =	vshrl.u32 v1, $0x11  }
0x5c1: {  	v12 =	vld [tilespmem:s8+$0x10];
	v10 =	vtrunc.f32 v10;
	v11 =	vor.u32 $0x80000000, v11;
	v13 =	vor.u32 v1, v2  }
0x5c2: {  	v7 =	vor.u32 $0x80000000, v9;
	v9 =	vshra.s32 v4, $0x1F;
	v5 =	vxor.u32 v5, v11  }
0x5c3: {  	v9 =	vor.u32 $0x80000000, v9;
	v7 =	vxor.u32 v3, v7;
	v11 =	vshrl.u32 v5, $0x1;
	v3 =	vld [tilespmem:s8+$0x0]  }
0x5c4: {  	v5 =	vcvt.f32.s32 v8;
	v9 =	vxor.u32 v4, v9;
	v4 =	vcvt.f32.s32 v6;
	v1 =	vld [tilespmem:s8+$0xFFFFFFE0]  }
0x5c5: {  	v7 =	vshrl.u32 v7, $0x1;
	v6 =	vcvt.f32.s32 v10;
	v2 =	vld [tilespmem:s8+$0xFFFFFFF0];
	v8 =	vshrl.u32 v9, $0x1  }
0x5c6: {  	s9 =	simm.s32 $0x0;
	s10 =	simm.s32 $0xF6E0;
	v9 =	vshrl.u32 v11, $0x11;
	v7 =	vshrl.u32 v7, $0x11;
	v8 =	vshrl.u32 v8, $0x11;
	[tilespmem:v13+s14+$0x0] =	vst.idx.add.f32.msk $0xffff, v12  }
.LBB2_46:
0x5c7: {  	v10 =	vld [tilespmem:s10+$0x10];
	s9 =	sadd.s32 $0x4, s9;
	v4 =	vshll.u32 v4, $0xE;
	v5 =	vshll.u32 v5, $0xE;
	v6 =	vshll.u32 v6, $0xE;
	s7 =	sadd.s32 $0x40, s7  }
0x5c8: {  	v11 =	vld [tilespmem:s7+$0x10];
	p1 =	slt.u32 s9, $0x26C;
	v4 =	vor.u32 v9, v4;
	v5 =	vor.u32 v7, v5;
	v7 =	vor.u32 v8, v6  }
0x5c9: {  	v6 =	vld [tilespmem:s10+$0xFFFFFFF0];
	v8 =	vmov v3  }
0x5ca: {  	v3 =	vld [tilespmem:s10+$0x0]  }
0x5cb: {  	v9 =	vld [tilespmem:s10+$0xFFFFFFE0]  }
0x5cc: {  	v12 =	vld [tilespmem:s7+$0xFFFFFFE0];
	v13 =	vshra.s32 v10, $0x1F  }
0x5cd: {  	v14 =	vld [tilespmem:s7+$0xFFFFFFF0];
	v13 =	vor.u32 $0x80000000, v13;
	v11 =	vtrunc.f32 v11  }
0x5ce: {  	v15 =	vshra.s32 v6, $0x1F;
	v16 =	vld [tilespmem:s7+$0x0];
	v10 =	vxor.u32 v10, v13;
	v11 =	vcvt.f32.s32 v11  }
0x5cf: {  	v13 =	vor.u32 $0x80000000, v15;
	v15 =	vshra.s32 v3, $0x1F;
	v10 =	vshrl.u32 v10, $0x1;
	[tilespmem:v4+s14+$0x0] =	vst.idx.add.f32.msk $0xffff, v1  }
0x5d0: {  	s8 =	sadd.s32 $0x40, s8;
	v1 =	vshra.s32 v9, $0x1F;
	v4 =	vshrl.u32 v10, $0x11;
	v10 =	vshll.u32 v11, $0xE;
	[tilespmem:v5+s14+$0x0] =	vst.idx.add.f32.msk $0xffff, v2  }
0x5d1: {  	v5 =	vor.u32 $0x80000000, v15;
	v2 =	vor.u32 $0x80000000, v1;
	v11 =	vld [tilespmem:s8+$0x10];
	v10 =	vor.u32 v4, v10  }
.Ltmp22:
0x5d2: {  	v4 =	vtrunc.f32 v12;
	v1 =	vld [tilespmem:s8+$0xFFFFFFE0];
	v9 =	vxor.u32 v9, v2;
	v12 =	vtrunc.f32 v14;
	(pc) =	sbr.rel @p1 .LBB2_46-.Ltmp22, $4  }
0x5d3: {  	v6 =	vxor.u32 v6, v13;
	v13 =	vxor.u32 v3, v5;
	v2 =	vld [tilespmem:s8+$0xFFFFFFF0];
	v14 =	vtrunc.f32 v16  }
0x5d4: {  	v4 =	vcvt.f32.s32 v4;
	v9 =	vshrl.u32 v9, $0x1;
	v5 =	vcvt.f32.s32 v12;
	v3 =	vld [tilespmem:s8+$0x0]  }
0x5d5: {  	v13 =	vshrl.u32 v13, $0x1;
	v12 =	vshrl.u32 v6, $0x1;
	v6 =	vcvt.f32.s32 v14;
	[tilespmem:v7+s14+$0x0] =	vst.idx.add.f32.msk $0xffff, v8  }
0x5d6: {  	s10 =	sadd.s32 $0x40, s10;
	v9 =	vshrl.u32 v9, $0x11;
	v7 =	vshrl.u32 v12, $0x11;
	v8 =	vshrl.u32 v13, $0x11;
	[tilespmem:v10+s14+$0x0] =	vst.idx.add.f32.msk $0xffff, v11  }
0x5d7: {  	v4 =	vshll.u32 v4, $0xE  }
0x5d8: {  	v5 =	vshll.u32 v5, $0xE;
	v4 =	vor.u32 v9, v4  }
0x5d9: {  	v6 =	vshll.u32 v6, $0xE;
	v5 =	vor.u32 v7, v5  }
0x5da: {  	v6 =	vor.u32 v8, v6;
	_ =	sdelay $0x2  }
0x5db: {  	[tilespmem:v4+s14+$0x0] =	vst.idx.add.f32.msk $0xffff, v1  }
0x5dc: {  	[tilespmem:v5+s14+$0x0] =	vst.idx.add.f32.msk $0xffff, v2  }
0x5dd: {  	[tilespmem:v6+s14+$0x0] =	vst.idx.add.f32.msk $0xffff, v3  }
0x5de: {  	v1 =	vld [tilespmem:$0x11D80]  }
0x5df: {  	v2 =	vld [tilespmem:$0x14500];
	_ =	sdelay $0x3  }
0x5e0: {  	v3 =	vshra.s32 v1, $0x1F  }
0x5e1: {  	v2 =	vtrunc.f32 v2;
	v3 =	vor.u32 $0x80000000, v3  }
0x5e2: {  	v2 =	vcvt.f32.s32 v2;
	v1 =	vxor.u32 v1, v3  }
0x5e3: {  	v1 =	vshrl.u32 v1, $0x1  }
0x5e4: {  	v2 =	vshll.u32 v2, $0xE;
	v1 =	vshrl.u32 v1, $0x11  }
0x5e5: {  	v3 =	vld [tilespmem:$0x16C80];
	v1 =	vor.u32 v1, v2;
	_ =	sdelay $0x2  }
0x5e6: {  	s7 =	sld [smem:$0x7F6];
	_ =	sdelay $0x1  }
0x5e7: {  	s11 =	sld [smem:$0x7F7];
	[tilespmem:v1+s14+$0x0] =	vst.idx.add.f32.msk $0xffff, v3  }
0x5e8: {  	[tilespmem:s31], [sflag:$0x2] =	stream.linear.gather [hbm4b:s7+s14], $0x2710, $0x38;
	[tilespmem:$0x19F00] =	vst v63  }
0x5e9: {  	s12 =	sld [smem:$0x7F8]  }
0x5ea: {  	[tilespmem:s0], [sflag:$0x2] =	stream.linear.gather [hbm4b:s11+s14], $0x2710, $0x38;
	[tilespmem:$0x19F00] =	vst v63  }
0x5eb: {  	_ = 	snop  }
0x5ec: {  	[tilespmem:s1], [sflag:$0x2] =	stream.linear.gather [hbm4b:s12+s14], $0x2710, $0x38;
	[tilespmem:$0x19F00] =	vst v63  }
0x5ed: {  	_ =	swait.ge [sflag:s2], $0x2710  }
0x5ee: {  	[sflag:s2] =	ssyncset.done $0x0  }
0x5ef: {  	[sflag:s2] =	ssyncadd.s32 $0xFFFFD8F0  }
0x5f0: {  	_ =	swait.ge [sflag:s2], $0x2710  }
0x5f1: {  	[sflag:s2] =	ssyncset.done $0x0  }
0x5f2: {  	[sflag:s2] =	ssyncadd.s32 $0xFFFFD8F0  }
0x5f3: {  	_ =	swait.ge [sflag:s2], $0x2710  }
0x5f4: {  	[sflag:s2] =	ssyncset.done $0x0  }
0x5f5: {  	s8 =	simm.s32 $0x8020;
	[sflag:s2] =	ssyncadd.s32 $0xFFFFD8F0  }
0x5f6: {  	s7 =	simm.s32 $0xA7A0;
	v1 =	vld [tilespmem:s8+$0x10]  }
0x5f7: {  	v2 =	vld [tilespmem:s7+$0x10]  }
0x5f8: {  	v3 =	vld [tilespmem:s8+$0xFFFFFFF0]  }
0x5f9: {  	v5 =	vld [tilespmem:s8+$0xFFFFFFE0]  }
0x5fa: {  	v6 =	vld [tilespmem:s7+$0xFFFFFFE0]  }
0x5fb: {  	v8 =	vld [tilespmem:s7+$0xFFFFFFF0]  }
0x5fc: {  	v10 =	vld [tilespmem:s7+$0x0];
	v7 =	vshra.s32 v1, $0x1F  }
0x5fd: {  	v4 =	vld [tilespmem:s8+$0x0];
	v2 =	vtrunc.f32 v2;
	v7 =	vor.u32 $0x80000000, v7  }
0x5fe: {  	v9 =	vshra.s32 v3, $0x1F;
	v2 =	vcvt.f32.s32 v2;
	v1 =	vxor.u32 v1, v7  }
0x5ff: {  	v11 =	vshra.s32 v5, $0x1F;
	v6 =	vtrunc.f32 v6;
	v1 =	vshrl.u32 v1, $0x1  }
0x600: {  	s8 =	simm.s32 $0xCF20;
	v8 =	vtrunc.f32 v8;
	v2 =	vshll.u32 v2, $0xE;
	v1 =	vshrl.u32 v1, $0x11  }
0x601: {  	v12 =	vld [tilespmem:s8+$0x10];
	v10 =	vtrunc.f32 v10;
	v11 =	vor.u32 $0x80000000, v11;
	v13 =	vor.u32 v1, v2  }
0x602: {  	v7 =	vor.u32 $0x80000000, v9;
	v9 =	vshra.s32 v4, $0x1F;
	v5 =	vxor.u32 v5, v11  }
0x603: {  	v9 =	vor.u32 $0x80000000, v9;
	v7 =	vxor.u32 v3, v7;
	v11 =	vshrl.u32 v5, $0x1;
	v3 =	vld [tilespmem:s8+$0x0]  }
0x604: {  	v5 =	vcvt.f32.s32 v8;
	v9 =	vxor.u32 v4, v9;
	v4 =	vcvt.f32.s32 v6;
	v1 =	vld [tilespmem:s8+$0xFFFFFFE0]  }
0x605: {  	v7 =	vshrl.u32 v7, $0x1;
	v6 =	vcvt.f32.s32 v10;
	v2 =	vld [tilespmem:s8+$0xFFFFFFF0];
	v8 =	vshrl.u32 v9, $0x1  }
0x606: {  	s9 =	simm.s32 $0x0;
	s10 =	simm.s32 $0x8060;
	v9 =	vshrl.u32 v11, $0x11;
	v7 =	vshrl.u32 v7, $0x11;
	v8 =	vshrl.u32 v8, $0x11;
	[tilespmem:v13+s14+$0x0] =	vst.idx.add.f32.msk $0xffff, v12  }
.LBB2_48:
0x607: {  	v10 =	vld [tilespmem:s10+$0x10];
	s9 =	sadd.s32 $0x4, s9;
	v4 =	vshll.u32 v4, $0xE;
	v5 =	vshll.u32 v5, $0xE;
	v6 =	vshll.u32 v6, $0xE;
	s7 =	sadd.s32 $0x40, s7  }
0x608: {  	v11 =	vld [tilespmem:s7+$0x10];
	p1 =	slt.u32 s9, $0x26C;
	v4 =	vor.u32 v9, v4;
	v5 =	vor.u32 v7, v5;
	v7 =	vor.u32 v8, v6  }
0x609: {  	v6 =	vld [tilespmem:s10+$0xFFFFFFF0];
	v8 =	vmov v3  }
0x60a: {  	v3 =	vld [tilespmem:s10+$0x0]  }
0x60b: {  	v9 =	vld [tilespmem:s10+$0xFFFFFFE0]  }
0x60c: {  	v12 =	vld [tilespmem:s7+$0xFFFFFFE0];
	v13 =	vshra.s32 v10, $0x1F  }
0x60d: {  	v14 =	vld [tilespmem:s7+$0xFFFFFFF0];
	v13 =	vor.u32 $0x80000000, v13;
	v11 =	vtrunc.f32 v11  }
0x60e: {  	v15 =	vshra.s32 v6, $0x1F;
	v16 =	vld [tilespmem:s7+$0x0];
	v10 =	vxor.u32 v10, v13;
	v11 =	vcvt.f32.s32 v11  }
0x60f: {  	v13 =	vor.u32 $0x80000000, v15;
	v15 =	vshra.s32 v3, $0x1F;
	v10 =	vshrl.u32 v10, $0x1;
	[tilespmem:v4+s14+$0x0] =	vst.idx.add.f32.msk $0xffff, v1  }
0x610: {  	s8 =	sadd.s32 $0x40, s8;
	v1 =	vshra.s32 v9, $0x1F;
	v4 =	vshrl.u32 v10, $0x11;
	v10 =	vshll.u32 v11, $0xE;
	[tilespmem:v5+s14+$0x0] =	vst.idx.add.f32.msk $0xffff, v2  }
0x611: {  	v5 =	vor.u32 $0x80000000, v15;
	v2 =	vor.u32 $0x80000000, v1;
	v11 =	vld [tilespmem:s8+$0x10];
	v10 =	vor.u32 v4, v10  }
.Ltmp23:
0x612: {  	v4 =	vtrunc.f32 v12;
	v1 =	vld [tilespmem:s8+$0xFFFFFFE0];
	v9 =	vxor.u32 v9, v2;
	v12 =	vtrunc.f32 v14;
	(pc) =	sbr.rel @p1 .LBB2_48-.Ltmp23, $4  }
0x613: {  	v6 =	vxor.u32 v6, v13;
	v13 =	vxor.u32 v3, v5;
	v2 =	vld [tilespmem:s8+$0xFFFFFFF0];
	v14 =	vtrunc.f32 v16  }
0x614: {  	v4 =	vcvt.f32.s32 v4;
	v9 =	vshrl.u32 v9, $0x1;
	v5 =	vcvt.f32.s32 v12;
	v3 =	vld [tilespmem:s8+$0x0]  }
0x615: {  	v13 =	vshrl.u32 v13, $0x1;
	v12 =	vshrl.u32 v6, $0x1;
	v6 =	vcvt.f32.s32 v14;
	[tilespmem:v7+s14+$0x0] =	vst.idx.add.f32.msk $0xffff, v8  }
0x616: {  	s10 =	sadd.s32 $0x40, s10;
	v9 =	vshrl.u32 v9, $0x11;
	v7 =	vshrl.u32 v12, $0x11;
	v8 =	vshrl.u32 v13, $0x11;
	[tilespmem:v10+s14+$0x0] =	vst.idx.add.f32.msk $0xffff, v11  }
0x617: {  	v4 =	vshll.u32 v4, $0xE  }
0x618: {  	v5 =	vshll.u32 v5, $0xE;
	v4 =	vor.u32 v9, v4  }
0x619: {  	v6 =	vshll.u32 v6, $0xE;
	v5 =	vor.u32 v7, v5  }
0x61a: {  	v6 =	vor.u32 v8, v6;
	_ =	sdelay $0x2  }
0x61b: {  	[tilespmem:v4+s14+$0x0] =	vst.idx.add.f32.msk $0xffff, v1  }
0x61c: {  	[tilespmem:v5+s14+$0x0] =	vst.idx.add.f32.msk $0xffff, v2  }
0x61d: {  	[tilespmem:v6+s14+$0x0] =	vst.idx.add.f32.msk $0xffff, v3  }
0x61e: {  	v1 =	vld [tilespmem:$0xA700]  }
0x61f: {  	v2 =	vld [tilespmem:$0xCE80];
	_ =	sdelay $0x3  }
0x620: {  	v3 =	vshra.s32 v1, $0x1F  }
0x621: {  	v2 =	vtrunc.f32 v2;
	v3 =	vor.u32 $0x80000000, v3  }
0x622: {  	v2 =	vcvt.f32.s32 v2;
	v1 =	vxor.u32 v1, v3  }
0x623: {  	v1 =	vshrl.u32 v1, $0x1  }
0x624: {  	v2 =	vshll.u32 v2, $0xE;
	v1 =	vshrl.u32 v1, $0x11  }
0x625: {  	v3 =	vld [tilespmem:$0xF600];
	v1 =	vor.u32 v1, v2;
	_ =	sdelay $0x2  }
0x626: {  	s7 =	sld [smem:$0x7FC];
	_ =	sdelay $0x1  }
0x627: {  	s12 =	sld [smem:$0x7FD];
	[tilespmem:v1+s14+$0x0] =	vst.idx.add.f32.msk $0xffff, v3  }
0x628: {  	[tilespmem:s28], [sflag:$0x1] =	stream.linear.gather [hbm4b:s7+s14], $0x2710, $0x38;
	[tilespmem:$0x19F00] =	vst v63  }
0x629: {  	_ = 	snop  }
0x62a: {  	[tilespmem:s29], [sflag:$0x1] =	stream.linear.gather [hbm4b:s12+s14], $0x2710, $0x38;
	[tilespmem:$0x19F00] =	vst v63  }
0x62b: {  	_ = 	snop  }
0x62c: {  	[tilespmem:s30], [sflag:$0x1] =	stream.linear.gather [hbm4b:s13+s14], $0x2710, $0x38;
	[tilespmem:$0x19F00] =	vst v63  }
0x62d: {  	_ =	swait.ge [sflag:s3], $0x2710  }
0x62e: {  	[sflag:s3] =	ssyncset.done $0x0  }
0x62f: {  	[sflag:s3] =	ssyncadd.s32 $0xFFFFD8F0  }
0x630: {  	_ =	swait.ge [sflag:s3], $0x2710  }
0x631: {  	[sflag:s3] =	ssyncset.done $0x0  }
0x632: {  	[sflag:s3] =	ssyncadd.s32 $0xFFFFD8F0  }
0x633: {  	_ =	swait.ge [sflag:s3], $0x2710  }
0x634: {  	[sflag:s3] =	ssyncset.done $0x0  }
0x635: {  	s8 =	simm.s32 $0xF6A0;
	[sflag:s3] =	ssyncadd.s32 $0xFFFFD8F0  }
0x636: {  	s7 =	simm.s32 $0x11E20;
	v1 =	vld [tilespmem:s8+$0x10]  }
0x637: {  	v2 =	vld [tilespmem:s7+$0x10]  }
0x638: {  	v3 =	vld [tilespmem:s8+$0xFFFFFFF0]  }
0x639: {  	v5 =	vld [tilespmem:s8+$0xFFFFFFE0]  }
0x63a: {  	v6 =	vld [tilespmem:s7+$0xFFFFFFE0]  }
0x63b: {  	v8 =	vld [tilespmem:s7+$0xFFFFFFF0]  }
0x63c: {  	v10 =	vld [tilespmem:s7+$0x0];
	v7 =	vshra.s32 v1, $0x1F  }
0x63d: {  	v4 =	vld [tilespmem:s8+$0x0];
	v2 =	vtrunc.f32 v2;
	v7 =	vor.u32 $0x80000000, v7  }
0x63e: {  	v9 =	vshra.s32 v3, $0x1F;
	v2 =	vcvt.f32.s32 v2;
	v1 =	vxor.u32 v1, v7  }
0x63f: {  	v11 =	vshra.s32 v5, $0x1F;
	v6 =	vtrunc.f32 v6;
	v1 =	vshrl.u32 v1, $0x1  }
0x640: {  	s8 =	simm.s32 $0x145A0;
	v8 =	vtrunc.f32 v8;
	v2 =	vshll.u32 v2, $0xE;
	v1 =	vshrl.u32 v1, $0x11  }
0x641: {  	v12 =	vld [tilespmem:s8+$0x10];
	v10 =	vtrunc.f32 v10;
	v11 =	vor.u32 $0x80000000, v11;
	v13 =	vor.u32 v1, v2  }
0x642: {  	v7 =	vor.u32 $0x80000000, v9;
	v9 =	vshra.s32 v4, $0x1F;
	v5 =	vxor.u32 v5, v11  }
0x643: {  	v9 =	vor.u32 $0x80000000, v9;
	v7 =	vxor.u32 v3, v7;
	v11 =	vshrl.u32 v5, $0x1;
	v3 =	vld [tilespmem:s8+$0x0]  }
0x644: {  	v5 =	vcvt.f32.s32 v8;
	v9 =	vxor.u32 v4, v9;
	v4 =	vcvt.f32.s32 v6;
	v1 =	vld [tilespmem:s8+$0xFFFFFFE0]  }
0x645: {  	v7 =	vshrl.u32 v7, $0x1;
	v6 =	vcvt.f32.s32 v10;
	v2 =	vld [tilespmem:s8+$0xFFFFFFF0];
	v8 =	vshrl.u32 v9, $0x1  }
0x646: {  	s9 =	simm.s32 $0x0;
	s10 =	simm.s32 $0xF6E0;
	v9 =	vshrl.u32 v11, $0x11;
	v7 =	vshrl.u32 v7, $0x11;
	v8 =	vshrl.u32 v8, $0x11;
	[tilespmem:v13+s14+$0x0] =	vst.idx.add.f32.msk $0xffff, v12  }
.LBB2_50:
0x647: {  	v10 =	vld [tilespmem:s10+$0x10];
	s9 =	sadd.s32 $0x4, s9;
	v4 =	vshll.u32 v4, $0xE;
	v5 =	vshll.u32 v5, $0xE;
	v6 =	vshll.u32 v6, $0xE;
	s7 =	sadd.s32 $0x40, s7  }
0x648: {  	v11 =	vld [tilespmem:s7+$0x10];
	p1 =	slt.u32 s9, $0x26C;
	v4 =	vor.u32 v9, v4;
	v5 =	vor.u32 v7, v5;
	v7 =	vor.u32 v8, v6  }
0x649: {  	v6 =	vld [tilespmem:s10+$0xFFFFFFF0];
	v8 =	vmov v3  }
0x64a: {  	v3 =	vld [tilespmem:s10+$0x0]  }
0x64b: {  	v9 =	vld [tilespmem:s10+$0xFFFFFFE0]  }
0x64c: {  	v12 =	vld [tilespmem:s7+$0xFFFFFFE0];
	v13 =	vshra.s32 v10, $0x1F  }
0x64d: {  	v14 =	vld [tilespmem:s7+$0xFFFFFFF0];
	v13 =	vor.u32 $0x80000000, v13;
	v11 =	vtrunc.f32 v11  }
0x64e: {  	v15 =	vshra.s32 v6, $0x1F;
	v16 =	vld [tilespmem:s7+$0x0];
	v10 =	vxor.u32 v10, v13;
	v11 =	vcvt.f32.s32 v11  }
0x64f: {  	v13 =	vor.u32 $0x80000000, v15;
	v15 =	vshra.s32 v3, $0x1F;
	v10 =	vshrl.u32 v10, $0x1;
	[tilespmem:v4+s14+$0x0] =	vst.idx.add.f32.msk $0xffff, v1  }
0x650: {  	s8 =	sadd.s32 $0x40, s8;
	v1 =	vshra.s32 v9, $0x1F;
	v4 =	vshrl.u32 v10, $0x11;
	v10 =	vshll.u32 v11, $0xE;
	[tilespmem:v5+s14+$0x0] =	vst.idx.add.f32.msk $0xffff, v2  }
0x651: {  	v5 =	vor.u32 $0x80000000, v15;
	v2 =	vor.u32 $0x80000000, v1;
	v11 =	vld [tilespmem:s8+$0x10];
	v10 =	vor.u32 v4, v10  }
.Ltmp24:
0x652: {  	v4 =	vtrunc.f32 v12;
	v1 =	vld [tilespmem:s8+$0xFFFFFFE0];
	v9 =	vxor.u32 v9, v2;
	v12 =	vtrunc.f32 v14;
	(pc) =	sbr.rel @p1 .LBB2_50-.Ltmp24, $4  }
0x653: {  	v6 =	vxor.u32 v6, v13;
	v13 =	vxor.u32 v3, v5;
	v2 =	vld [tilespmem:s8+$0xFFFFFFF0];
	v14 =	vtrunc.f32 v16  }
0x654: {  	v4 =	vcvt.f32.s32 v4;
	v9 =	vshrl.u32 v9, $0x1;
	v5 =	vcvt.f32.s32 v12;
	v3 =	vld [tilespmem:s8+$0x0]  }
0x655: {  	v13 =	vshrl.u32 v13, $0x1;
	v12 =	vshrl.u32 v6, $0x1;
	v6 =	vcvt.f32.s32 v14;
	[tilespmem:v7+s14+$0x0] =	vst.idx.add.f32.msk $0xffff, v8  }
0x656: {  	s10 =	sadd.s32 $0x40, s10;
	v9 =	vshrl.u32 v9, $0x11;
	v7 =	vshrl.u32 v12, $0x11;
	v8 =	vshrl.u32 v13, $0x11;
	[tilespmem:v10+s14+$0x0] =	vst.idx.add.f32.msk $0xffff, v11  }
0x657: {  	v4 =	vshll.u32 v4, $0xE  }
0x658: {  	v5 =	vshll.u32 v5, $0xE;
	v4 =	vor.u32 v9, v4  }
0x659: {  	v6 =	vshll.u32 v6, $0xE;
	v5 =	vor.u32 v7, v5  }
0x65a: {  	v6 =	vor.u32 v8, v6;
	_ =	sdelay $0x2  }
0x65b: {  	[tilespmem:v4+s14+$0x0] =	vst.idx.add.f32.msk $0xffff, v1  }
0x65c: {  	[tilespmem:v5+s14+$0x0] =	vst.idx.add.f32.msk $0xffff, v2  }
0x65d: {  	[tilespmem:v6+s14+$0x0] =	vst.idx.add.f32.msk $0xffff, v3  }
0x65e: {  	v1 =	vld [tilespmem:$0x11D80]  }
0x65f: {  	v2 =	vld [tilespmem:$0x14500];
	_ =	sdelay $0x3  }
0x660: {  	v3 =	vshra.s32 v1, $0x1F  }
0x661: {  	v2 =	vtrunc.f32 v2;
	v3 =	vor.u32 $0x80000000, v3  }
0x662: {  	v2 =	vcvt.f32.s32 v2;
	v1 =	vxor.u32 v1, v3  }
0x663: {  	v1 =	vshrl.u32 v1, $0x1  }
0x664: {  	v2 =	vshll.u32 v2, $0xE;
	v1 =	vshrl.u32 v1, $0x11  }
0x665: {  	v3 =	vld [tilespmem:$0x16C80];
	v1 =	vor.u32 v1, v2;
	_ =	sdelay $0x4  }
0x666: {  	[tilespmem:v1+s14+$0x0] =	vst.idx.add.f32.msk $0xffff, v3  }
0x667: {  	_ =	swait.ge [sflag:s2], $0x2710  }
0x668: {  	[sflag:s2] =	ssyncset.done $0x0  }
0x669: {  	[sflag:s2] =	ssyncadd.s32 $0xFFFFD8F0  }
0x66a: {  	_ =	swait.ge [sflag:s2], $0x2710  }
0x66b: {  	[sflag:s2] =	ssyncset.done $0x0  }
0x66c: {  	[sflag:s2] =	ssyncadd.s32 $0xFFFFD8F0  }
0x66d: {  	_ =	swait.ge [sflag:s2], $0x2710  }
0x66e: {  	[sflag:s2] =	ssyncset.done $0x0  }
0x66f: {  	s8 =	simm.s32 $0x8020;
	[sflag:s2] =	ssyncadd.s32 $0xFFFFD8F0  }
0x670: {  	s7 =	simm.s32 $0xA7A0;
	v1 =	vld [tilespmem:s8+$0x10]  }
0x671: {  	v2 =	vld [tilespmem:s7+$0x10]  }
0x672: {  	v3 =	vld [tilespmem:s8+$0xFFFFFFF0]  }
0x673: {  	v5 =	vld [tilespmem:s8+$0xFFFFFFE0]  }
0x674: {  	v6 =	vld [tilespmem:s7+$0xFFFFFFE0]  }
0x675: {  	v8 =	vld [tilespmem:s7+$0xFFFFFFF0]  }
0x676: {  	v10 =	vld [tilespmem:s7+$0x0];
	v7 =	vshra.s32 v1, $0x1F  }
0x677: {  	v4 =	vld [tilespmem:s8+$0x0];
	v2 =	vtrunc.f32 v2;
	v7 =	vor.u32 $0x80000000, v7  }
0x678: {  	v9 =	vshra.s32 v3, $0x1F;
	v2 =	vcvt.f32.s32 v2;
	v1 =	vxor.u32 v1, v7  }
0x679: {  	v11 =	vshra.s32 v5, $0x1F;
	v6 =	vtrunc.f32 v6;
	v1 =	vshrl.u32 v1, $0x1  }
0x67a: {  	s8 =	simm.s32 $0xCF20;
	v8 =	vtrunc.f32 v8;
	v2 =	vshll.u32 v2, $0xE;
	v1 =	vshrl.u32 v1, $0x11  }
0x67b: {  	v12 =	vld [tilespmem:s8+$0x10];
	v10 =	vtrunc.f32 v10;
	v11 =	vor.u32 $0x80000000, v11;
	v13 =	vor.u32 v1, v2  }
0x67c: {  	v7 =	vor.u32 $0x80000000, v9;
	v9 =	vshra.s32 v4, $0x1F;
	v5 =	vxor.u32 v5, v11  }
0x67d: {  	v9 =	vor.u32 $0x80000000, v9;
	v7 =	vxor.u32 v3, v7;
	v11 =	vshrl.u32 v5, $0x1;
	v3 =	vld [tilespmem:s8+$0x0]  }
0x67e: {  	v5 =	vcvt.f32.s32 v8;
	v9 =	vxor.u32 v4, v9;
	v4 =	vcvt.f32.s32 v6;
	v1 =	vld [tilespmem:s8+$0xFFFFFFE0]  }
0x67f: {  	v7 =	vshrl.u32 v7, $0x1;
	v6 =	vcvt.f32.s32 v10;
	v2 =	vld [tilespmem:s8+$0xFFFFFFF0];
	v8 =	vshrl.u32 v9, $0x1  }
0x680: {  	s9 =	simm.s32 $0x0;
	s10 =	simm.s32 $0x8060;
	v9 =	vshrl.u32 v11, $0x11;
	v7 =	vshrl.u32 v7, $0x11;
	v8 =	vshrl.u32 v8, $0x11;
	[tilespmem:v13+s14+$0x0] =	vst.idx.add.f32.msk $0xffff, v12  }
.LBB2_52:
0x681: {  	v10 =	vld [tilespmem:s10+$0x10];
	s9 =	sadd.s32 $0x4, s9;
	v4 =	vshll.u32 v4, $0xE;
	v5 =	vshll.u32 v5, $0xE;
	v6 =	vshll.u32 v6, $0xE;
	s7 =	sadd.s32 $0x40, s7  }
0x682: {  	v11 =	vld [tilespmem:s7+$0x10];
	p1 =	slt.u32 s9, $0x26C;
	v4 =	vor.u32 v9, v4;
	v5 =	vor.u32 v7, v5;
	v7 =	vor.u32 v8, v6  }
0x683: {  	v6 =	vld [tilespmem:s10+$0xFFFFFFF0];
	v8 =	vmov v3  }
0x684: {  	v3 =	vld [tilespmem:s10+$0x0]  }
0x685: {  	v9 =	vld [tilespmem:s10+$0xFFFFFFE0]  }
0x686: {  	v12 =	vld [tilespmem:s7+$0xFFFFFFE0];
	v13 =	vshra.s32 v10, $0x1F  }
0x687: {  	v14 =	vld [tilespmem:s7+$0xFFFFFFF0];
	v13 =	vor.u32 $0x80000000, v13;
	v11 =	vtrunc.f32 v11  }
0x688: {  	v15 =	vshra.s32 v6, $0x1F;
	v16 =	vld [tilespmem:s7+$0x0];
	v10 =	vxor.u32 v10, v13;
	v11 =	vcvt.f32.s32 v11  }
0x689: {  	v13 =	vor.u32 $0x80000000, v15;
	v15 =	vshra.s32 v3, $0x1F;
	v10 =	vshrl.u32 v10, $0x1;
	[tilespmem:v4+s14+$0x0] =	vst.idx.add.f32.msk $0xffff, v1  }
0x68a: {  	s8 =	sadd.s32 $0x40, s8;
	v1 =	vshra.s32 v9, $0x1F;
	v4 =	vshrl.u32 v10, $0x11;
	v10 =	vshll.u32 v11, $0xE;
	[tilespmem:v5+s14+$0x0] =	vst.idx.add.f32.msk $0xffff, v2  }
0x68b: {  	v5 =	vor.u32 $0x80000000, v15;
	v2 =	vor.u32 $0x80000000, v1;
	v11 =	vld [tilespmem:s8+$0x10];
	v10 =	vor.u32 v4, v10  }
.Ltmp25:
0x68c: {  	v4 =	vtrunc.f32 v12;
	v1 =	vld [tilespmem:s8+$0xFFFFFFE0];
	v9 =	vxor.u32 v9, v2;
	v12 =	vtrunc.f32 v14;
	(pc) =	sbr.rel @p1 .LBB2_52-.Ltmp25, $4  }
0x68d: {  	v6 =	vxor.u32 v6, v13;
	v13 =	vxor.u32 v3, v5;
	v2 =	vld [tilespmem:s8+$0xFFFFFFF0];
	v14 =	vtrunc.f32 v16  }
0x68e: {  	v4 =	vcvt.f32.s32 v4;
	v9 =	vshrl.u32 v9, $0x1;
	v5 =	vcvt.f32.s32 v12;
	v3 =	vld [tilespmem:s8+$0x0]  }
0x68f: {  	v13 =	vshrl.u32 v13, $0x1;
	v12 =	vshrl.u32 v6, $0x1;
	v6 =	vcvt.f32.s32 v14;
	[tilespmem:v7+s14+$0x0] =	vst.idx.add.f32.msk $0xffff, v8  }
0x690: {  	s10 =	sadd.s32 $0x40, s10;
	v9 =	vshrl.u32 v9, $0x11;
	v7 =	vshrl.u32 v12, $0x11;
	v8 =	vshrl.u32 v13, $0x11;
	[tilespmem:v10+s14+$0x0] =	vst.idx.add.f32.msk $0xffff, v11  }
0x691: {  	v4 =	vshll.u32 v4, $0xE  }
0x692: {  	v5 =	vshll.u32 v5, $0xE;
	v4 =	vor.u32 v9, v4  }
0x693: {  	v6 =	vshll.u32 v6, $0xE;
	v5 =	vor.u32 v7, v5  }
0x694: {  	v6 =	vor.u32 v8, v6;
	_ =	sdelay $0x2  }
0x695: {  	[tilespmem:v4+s14+$0x0] =	vst.idx.add.f32.msk $0xffff, v1  }
0x696: {  	[tilespmem:v5+s14+$0x0] =	vst.idx.add.f32.msk $0xffff, v2  }
0x697: {  	[tilespmem:v6+s14+$0x0] =	vst.idx.add.f32.msk $0xffff, v3  }
0x698: {  	v1 =	vld [tilespmem:$0xA700]  }
0x699: {  	v2 =	vld [tilespmem:$0xCE80];
	_ =	sdelay $0x3  }
0x69a: {  	v3 =	vshra.s32 v1, $0x1F  }
0x69b: {  	v2 =	vtrunc.f32 v2;
	v3 =	vor.u32 $0x80000000, v3  }
0x69c: {  	v2 =	vcvt.f32.s32 v2;
	v1 =	vxor.u32 v1, v3  }
0x69d: {  	v1 =	vshrl.u32 v1, $0x1  }
0x69e: {  	v2 =	vshll.u32 v2, $0xE;
	v1 =	vshrl.u32 v1, $0x11  }
0x69f: {  	v3 =	vld [tilespmem:$0xF600];
	v1 =	vor.u32 v1, v2;
	_ =	sdelay $0x4  }
0x6a0: {  	[tilespmem:v1+s14+$0x0] =	vst.idx.add.f32.msk $0xffff, v3  }
0x6a1: {  	[hbm4b:s15+s14] =	stream.linear.scatter [tilespmem:s14], [sflag:$0x3], $0x8000, $0x38;
	[tilespmem:$0x19F00] =	vst v63  }
0x6a2: {  	_ =	swait.ge [sflag:s4], $0x8000  }
0x6a3: {  	[sflag:s4] =	ssyncset.done $0x0  }
0x6a4: {  	[sflag:s4] =	ssyncadd.s32 $0xFFFF8000  }
0x6a5: {  	s7 =	simm.s32 $0x16D00;
	[bflag:$0x0] =	sbarrier.arrive $0xFFFF  }
0x6a6: {  	[tilespmem:s7], [sflag:$0x3] =	stream.linear.gather [hbm4b:s16+s14], $0x1000, $0x38;
	[tilespmem:$0x19F00] =	vst v63  }
0x6a7: {  	_ =	swait.ge [sflag:s4], $0x1000  }
0x6a8: {  	[sflag:s4] =	ssyncset.done $0x0  }
0x6a9: {  	s12 =	simm.s32 $0x17D00;
	[sflag:s4] =	ssyncadd.s32 $0xFFFFF000  }
0x6aa: {  	[tilespmem:s12], [sflag:$0x3] =	stream.linear.gather [hbm4b:s26+s14], $0x1000, $0x38;
	[tilespmem:$0x19F00] =	vst v63  }
0x6ab: {  	_ =	swait.ge [sflag:s4], $0x1000  }
0x6ac: {  	[sflag:s4] =	ssyncset.done $0x0  }
0x6ad: {  	[sflag:s4] =	ssyncadd.s32 $0xFFFFF000  }
0x6ae: {  	[tilespmem:s5], [sflag:$0x3] =	stream.linear.gather [hbm4b:s17+s14], $0x1000, $0x38;
	[tilespmem:$0x19F00] =	vst v63  }
0x6af: {  	_ =	swait.ge [sflag:s4], $0x1000  }
0x6b0: {  	[sflag:s4] =	ssyncset.done $0x0  }
0x6b1: {  	s7 =	simm.s32 $0x16D20;
	[sflag:s4] =	ssyncadd.s32 $0xFFFFF000  }
0x6b2: {  	s8 =	simm.s32 $0x18D20;
	v6 =	vld [tilespmem:s7+$0x10]  }
0x6b3: {  	v7 =	vld [tilespmem:s8+$0x10]  }
0x6b4: {  	v3 =	vld [tilespmem:s8+$0xFFFFFFE0]  }
0x6b5: {  	v1 =	vld [tilespmem:s7+$0xFFFFFFF0]  }
0x6b6: {  	v5 =	vld [tilespmem:s8+$0xFFFFFFF0]  }
0x6b7: {  	v2 =	vld [tilespmem:s7+$0x0]  }
0x6b8: {  	v4 =	vld [tilespmem:s8+$0x0];
	v7 =	vadd.f32 v7, v6  }
0x6b9: {  	s9 =	simm.s32 $0x0;
	s10 =	simm.s32 $0x16D60;
	v6 =	vld [tilespmem:s7+$0xFFFFFFE0]  }
.LBB2_54:
0x6ba: {  	v8 =	vld [tilespmem:s10+$0x10];
	[tilespmem:s7+$0x10] =	vst v7;
	s8 =	sadd.s32 $0x40, s8  }
0x6bb: {  	s9 =	sadd.s32 $0x4, s9;
	v7 =	vld [tilespmem:s8+$0x10];
	v5 =	vadd.f32 v5, v1  }
0x6bc: {  	p1 =	slt.u32 s9, $0xFC;
	v9 =	vld [tilespmem:s8+$0xFFFFFFE0]  }
.Ltmp26:
0x6bd: {  	v1 =	vld [tilespmem:s10+$0xFFFFFFF0];
	[tilespmem:s7+$0xFFFFFFF0] =	vst v5;
	v4 =	vadd.f32 v4, v2;
	(pc) =	sbr.rel @p1 .LBB2_54-.Ltmp26, $4  }
0x6be: {  	v5 =	vld [tilespmem:s8+$0xFFFFFFF0];
	v10 =	vadd.f32 v3, v6  }
0x6bf: {  	v2 =	vld [tilespmem:s10+$0x0];
	[tilespmem:s7+$0x0] =	vst v4  }
0x6c0: {  	v4 =	vld [tilespmem:s8+$0x0];
	v7 =	vadd.f32 v7, v8;
	[tilespmem:s7+$0xFFFFFFE0] =	vst v10;
	s7 =	smov.u32 s10  }
0x6c1: {  	s10 =	sadd.s32 $0x40, s10;
	v6 =	vld [tilespmem:s7+$0xFFFFFFE0];
	v3 =	vmov v9  }
0x6c2: {  	_ =	sdelay $0x1  }
0x6c3: {  	v1 =	vadd.f32 v5, v1  }
0x6c4: {  	[tilespmem:s7+$0x10] =	vst v7;
	v2 =	vadd.f32 v4, v2  }
0x6c5: {  	[tilespmem:s7+$0xFFFFFFF0] =	vst v1;
	v1 =	vadd.f32 v3, v6  }
0x6c6: {  	[tilespmem:s7+$0x0] =	vst v2  }
0x6c7: {  	[tilespmem:s7+$0xFFFFFFE0] =	vst v1  }
0x6c8: {  	[tilespmem:s5], [sflag:$0x3] =	stream.linear.gather [hbm4b:s18+s14], $0x1000, $0x38;
	[tilespmem:$0x19F00] =	vst v63  }
0x6c9: {  	_ =	swait.ge [sflag:s4], $0x1000  }
0x6ca: {  	[sflag:s4] =	ssyncset.done $0x0  }
0x6cb: {  	s7 =	simm.s32 $0x17D20;
	[sflag:s4] =	ssyncadd.s32 $0xFFFFF000  }
0x6cc: {  	s8 =	simm.s32 $0x18D20;
	v6 =	vld [tilespmem:s7+$0x10]  }
0x6cd: {  	v7 =	vld [tilespmem:s8+$0x10]  }
0x6ce: {  	v3 =	vld [tilespmem:s8+$0xFFFFFFE0]  }
0x6cf: {  	v1 =	vld [tilespmem:s7+$0xFFFFFFF0]  }
0x6d0: {  	v5 =	vld [tilespmem:s8+$0xFFFFFFF0]  }
0x6d1: {  	v2 =	vld [tilespmem:s7+$0x0]  }
0x6d2: {  	v4 =	vld [tilespmem:s8+$0x0];
	v7 =	vadd.f32 v7, v6  }
0x6d3: {  	s9 =	simm.s32 $0x0;
	s10 =	simm.s32 $0x17D60;
	v6 =	vld [tilespmem:s7+$0xFFFFFFE0]  }
.LBB2_56:
0x6d4: {  	v8 =	vld [tilespmem:s10+$0x10];
	[tilespmem:s7+$0x10] =	vst v7;
	s8 =	sadd.s32 $0x40, s8  }
0x6d5: {  	s9 =	sadd.s32 $0x4, s9;
	v7 =	vld [tilespmem:s8+$0x10];
	v5 =	vadd.f32 v5, v1  }
0x6d6: {  	p1 =	slt.u32 s9, $0xFC;
	v9 =	vld [tilespmem:s8+$0xFFFFFFE0]  }
.Ltmp27:
0x6d7: {  	v1 =	vld [tilespmem:s10+$0xFFFFFFF0];
	[tilespmem:s7+$0xFFFFFFF0] =	vst v5;
	v4 =	vadd.f32 v4, v2;
	(pc) =	sbr.rel @p1 .LBB2_56-.Ltmp27, $4  }
0x6d8: {  	v5 =	vld [tilespmem:s8+$0xFFFFFFF0];
	v10 =	vadd.f32 v3, v6  }
0x6d9: {  	v2 =	vld [tilespmem:s10+$0x0];
	[tilespmem:s7+$0x0] =	vst v4  }
0x6da: {  	v4 =	vld [tilespmem:s8+$0x0];
	v7 =	vadd.f32 v7, v8;
	[tilespmem:s7+$0xFFFFFFE0] =	vst v10;
	s7 =	smov.u32 s10  }
0x6db: {  	s10 =	sadd.s32 $0x40, s10;
	v6 =	vld [tilespmem:s7+$0xFFFFFFE0];
	v3 =	vmov v9  }
0x6dc: {  	_ =	sdelay $0x1  }
0x6dd: {  	v1 =	vadd.f32 v5, v1  }
0x6de: {  	[tilespmem:s7+$0x10] =	vst v7;
	v2 =	vadd.f32 v4, v2  }
0x6df: {  	[tilespmem:s7+$0xFFFFFFF0] =	vst v1;
	v1 =	vadd.f32 v3, v6  }
0x6e0: {  	[tilespmem:s7+$0x0] =	vst v2  }
0x6e1: {  	[tilespmem:s7+$0xFFFFFFE0] =	vst v1  }
0x6e2: {  	[tilespmem:s5], [sflag:$0x3] =	stream.linear.gather [hbm4b:s19+s14], $0x1000, $0x38;
	[tilespmem:$0x19F00] =	vst v63  }
0x6e3: {  	_ =	swait.ge [sflag:s4], $0x1000  }
0x6e4: {  	[sflag:s4] =	ssyncset.done $0x0  }
0x6e5: {  	s7 =	simm.s32 $0x16D20;
	[sflag:s4] =	ssyncadd.s32 $0xFFFFF000  }
0x6e6: {  	s8 =	simm.s32 $0x18D20;
	v6 =	vld [tilespmem:s7+$0x10]  }
0x6e7: {  	v7 =	vld [tilespmem:s8+$0x10]  }
0x6e8: {  	v3 =	vld [tilespmem:s8+$0xFFFFFFE0]  }
0x6e9: {  	v1 =	vld [tilespmem:s7+$0xFFFFFFF0]  }
0x6ea: {  	v5 =	vld [tilespmem:s8+$0xFFFFFFF0]  }
0x6eb: {  	v2 =	vld [tilespmem:s7+$0x0]  }
0x6ec: {  	v4 =	vld [tilespmem:s8+$0x0];
	v7 =	vadd.f32 v7, v6  }
0x6ed: {  	s9 =	simm.s32 $0x0;
	s10 =	simm.s32 $0x16D60;
	v6 =	vld [tilespmem:s7+$0xFFFFFFE0]  }
.LBB2_58:
0x6ee: {  	v8 =	vld [tilespmem:s10+$0x10];
	[tilespmem:s7+$0x10] =	vst v7;
	s8 =	sadd.s32 $0x40, s8  }
0x6ef: {  	s9 =	sadd.s32 $0x4, s9;
	v7 =	vld [tilespmem:s8+$0x10];
	v5 =	vadd.f32 v5, v1  }
0x6f0: {  	p1 =	slt.u32 s9, $0xFC;
	v9 =	vld [tilespmem:s8+$0xFFFFFFE0]  }
.Ltmp28:
0x6f1: {  	v1 =	vld [tilespmem:s10+$0xFFFFFFF0];
	[tilespmem:s7+$0xFFFFFFF0] =	vst v5;
	v4 =	vadd.f32 v4, v2;
	(pc) =	sbr.rel @p1 .LBB2_58-.Ltmp28, $4  }
0x6f2: {  	v5 =	vld [tilespmem:s8+$0xFFFFFFF0];
	v10 =	vadd.f32 v3, v6  }
0x6f3: {  	v2 =	vld [tilespmem:s10+$0x0];
	[tilespmem:s7+$0x0] =	vst v4  }
0x6f4: {  	v4 =	vld [tilespmem:s8+$0x0];
	v7 =	vadd.f32 v7, v8;
	[tilespmem:s7+$0xFFFFFFE0] =	vst v10;
	s7 =	smov.u32 s10  }
0x6f5: {  	s10 =	sadd.s32 $0x40, s10;
	v6 =	vld [tilespmem:s7+$0xFFFFFFE0];
	v3 =	vmov v9  }
0x6f6: {  	_ =	sdelay $0x1  }
0x6f7: {  	v1 =	vadd.f32 v5, v1  }
0x6f8: {  	[tilespmem:s7+$0x10] =	vst v7;
	v2 =	vadd.f32 v4, v2  }
0x6f9: {  	[tilespmem:s7+$0xFFFFFFF0] =	vst v1;
	v1 =	vadd.f32 v3, v6  }
0x6fa: {  	[tilespmem:s7+$0x0] =	vst v2  }
0x6fb: {  	[tilespmem:s7+$0xFFFFFFE0] =	vst v1  }
0x6fc: {  	[tilespmem:s5], [sflag:$0x3] =	stream.linear.gather [hbm4b:s20+s14], $0x1000, $0x38;
	[tilespmem:$0x19F00] =	vst v63  }
0x6fd: {  	_ =	swait.ge [sflag:s4], $0x1000  }
0x6fe: {  	[sflag:s4] =	ssyncset.done $0x0  }
0x6ff: {  	s7 =	simm.s32 $0x17D20;
	[sflag:s4] =	ssyncadd.s32 $0xFFFFF000  }
0x700: {  	s8 =	simm.s32 $0x18D20;
	v6 =	vld [tilespmem:s7+$0x10]  }
0x701: {  	v7 =	vld [tilespmem:s8+$0x10]  }
0x702: {  	v3 =	vld [tilespmem:s8+$0xFFFFFFE0]  }
0x703: {  	v1 =	vld [tilespmem:s7+$0xFFFFFFF0]  }
0x704: {  	v5 =	vld [tilespmem:s8+$0xFFFFFFF0]  }
0x705: {  	v2 =	vld [tilespmem:s7+$0x0]  }
0x706: {  	v4 =	vld [tilespmem:s8+$0x0];
	v7 =	vadd.f32 v7, v6  }
0x707: {  	s9 =	simm.s32 $0x0;
	s10 =	simm.s32 $0x17D60;
	v6 =	vld [tilespmem:s7+$0xFFFFFFE0]  }
.LBB2_60:
0x708: {  	v8 =	vld [tilespmem:s10+$0x10];
	[tilespmem:s7+$0x10] =	vst v7;
	s8 =	sadd.s32 $0x40, s8  }
0x709: {  	s9 =	sadd.s32 $0x4, s9;
	v7 =	vld [tilespmem:s8+$0x10];
	v5 =	vadd.f32 v5, v1  }
0x70a: {  	p1 =	slt.u32 s9, $0xFC;
	v9 =	vld [tilespmem:s8+$0xFFFFFFE0]  }
.Ltmp29:
0x70b: {  	v1 =	vld [tilespmem:s10+$0xFFFFFFF0];
	[tilespmem:s7+$0xFFFFFFF0] =	vst v5;
	v4 =	vadd.f32 v4, v2;
	(pc) =	sbr.rel @p1 .LBB2_60-.Ltmp29, $4  }
0x70c: {  	v5 =	vld [tilespmem:s8+$0xFFFFFFF0];
	v10 =	vadd.f32 v3, v6  }
0x70d: {  	v2 =	vld [tilespmem:s10+$0x0];
	[tilespmem:s7+$0x0] =	vst v4  }
0x70e: {  	v4 =	vld [tilespmem:s8+$0x0];
	v7 =	vadd.f32 v7, v8;
	[tilespmem:s7+$0xFFFFFFE0] =	vst v10;
	s7 =	smov.u32 s10  }
0x70f: {  	s10 =	sadd.s32 $0x40, s10;
	v6 =	vld [tilespmem:s7+$0xFFFFFFE0];
	v3 =	vmov v9  }
0x710: {  	_ =	sdelay $0x1  }
0x711: {  	v1 =	vadd.f32 v5, v1  }
0x712: {  	[tilespmem:s7+$0x10] =	vst v7;
	v2 =	vadd.f32 v4, v2  }
0x713: {  	[tilespmem:s7+$0xFFFFFFF0] =	vst v1;
	v1 =	vadd.f32 v3, v6  }
0x714: {  	[tilespmem:s7+$0x0] =	vst v2  }
0x715: {  	[tilespmem:s7+$0xFFFFFFE0] =	vst v1  }
0x716: {  	[tilespmem:s5], [sflag:$0x3] =	stream.linear.gather [hbm4b:s21+s14], $0x1000, $0x38;
	[tilespmem:$0x19F00] =	vst v63  }
0x717: {  	_ =	swait.ge [sflag:s4], $0x1000  }
0x718: {  	[sflag:s4] =	ssyncset.done $0x0  }
0x719: {  	s7 =	simm.s32 $0x16D20;
	[sflag:s4] =	ssyncadd.s32 $0xFFFFF000  }
0x71a: {  	s8 =	simm.s32 $0x18D20;
	v6 =	vld [tilespmem:s7+$0x10]  }
0x71b: {  	v7 =	vld [tilespmem:s8+$0x10]  }
0x71c: {  	v3 =	vld [tilespmem:s8+$0xFFFFFFE0]  }
0x71d: {  	v1 =	vld [tilespmem:s7+$0xFFFFFFF0]  }
0x71e: {  	v5 =	vld [tilespmem:s8+$0xFFFFFFF0]  }
0x71f: {  	v2 =	vld [tilespmem:s7+$0x0]  }
0x720: {  	v4 =	vld [tilespmem:s8+$0x0];
	v7 =	vadd.f32 v7, v6  }
0x721: {  	s9 =	simm.s32 $0x0;
	s10 =	simm.s32 $0x16D60;
	v6 =	vld [tilespmem:s7+$0xFFFFFFE0]  }
.LBB2_62:
0x722: {  	v8 =	vld [tilespmem:s10+$0x10];
	[tilespmem:s7+$0x10] =	vst v7;
	s8 =	sadd.s32 $0x40, s8  }
0x723: {  	s9 =	sadd.s32 $0x4, s9;
	v7 =	vld [tilespmem:s8+$0x10];
	v5 =	vadd.f32 v5, v1  }
0x724: {  	p1 =	slt.u32 s9, $0xFC;
	v9 =	vld [tilespmem:s8+$0xFFFFFFE0]  }
.Ltmp30:
0x725: {  	v1 =	vld [tilespmem:s10+$0xFFFFFFF0];
	[tilespmem:s7+$0xFFFFFFF0] =	vst v5;
	v4 =	vadd.f32 v4, v2;
	(pc) =	sbr.rel @p1 .LBB2_62-.Ltmp30, $4  }
0x726: {  	v5 =	vld [tilespmem:s8+$0xFFFFFFF0];
	v10 =	vadd.f32 v3, v6  }
0x727: {  	v2 =	vld [tilespmem:s10+$0x0];
	[tilespmem:s7+$0x0] =	vst v4  }
0x728: {  	v4 =	vld [tilespmem:s8+$0x0];
	v7 =	vadd.f32 v7, v8;
	[tilespmem:s7+$0xFFFFFFE0] =	vst v10;
	s7 =	smov.u32 s10  }
0x729: {  	s10 =	sadd.s32 $0x40, s10;
	v6 =	vld [tilespmem:s7+$0xFFFFFFE0];
	v3 =	vmov v9  }
0x72a: {  	_ =	sdelay $0x1  }
0x72b: {  	v1 =	vadd.f32 v5, v1  }
0x72c: {  	[tilespmem:s7+$0x10] =	vst v7;
	v2 =	vadd.f32 v4, v2  }
0x72d: {  	[tilespmem:s7+$0xFFFFFFF0] =	vst v1;
	v1 =	vadd.f32 v3, v6  }
0x72e: {  	[tilespmem:s7+$0x0] =	vst v2  }
0x72f: {  	[tilespmem:s7+$0xFFFFFFE0] =	vst v1  }
0x730: {  	[tilespmem:s5], [sflag:$0x3] =	stream.linear.gather [hbm4b:s22+s14], $0x1000, $0x38;
	[tilespmem:$0x19F00] =	vst v63  }
0x731: {  	_ =	swait.ge [sflag:s4], $0x1000  }
0x732: {  	[sflag:s4] =	ssyncset.done $0x0  }
0x733: {  	s7 =	simm.s32 $0x17D20;
	[sflag:s4] =	ssyncadd.s32 $0xFFFFF000  }
0x734: {  	s8 =	simm.s32 $0x18D20;
	v6 =	vld [tilespmem:s7+$0x10]  }
0x735: {  	v7 =	vld [tilespmem:s8+$0x10]  }
0x736: {  	v3 =	vld [tilespmem:s8+$0xFFFFFFE0]  }
0x737: {  	v1 =	vld [tilespmem:s7+$0xFFFFFFF0]  }
0x738: {  	v5 =	vld [tilespmem:s8+$0xFFFFFFF0]  }
0x739: {  	v2 =	vld [tilespmem:s7+$0x0]  }
0x73a: {  	v4 =	vld [tilespmem:s8+$0x0];
	v7 =	vadd.f32 v7, v6  }
0x73b: {  	s11 =	simm.s32 $0x0;
	s12 =	simm.s32 $0x17D60;
	s9 =	simm.s32 $0x17D10;
	v6 =	vld [tilespmem:s7+$0xFFFFFFE0]  }
.LBB2_64:
0x73c: {  	v8 =	vld [tilespmem:s12+$0x10];
	[tilespmem:s7+$0x10] =	vst v7;
	s8 =	sadd.s32 $0x40, s8;
	s10 =	simm.s32 $0x16D10  }
0x73d: {  	s11 =	sadd.s32 $0x4, s11;
	v7 =	vld [tilespmem:s8+$0x10];
	v5 =	vadd.f32 v5, v1  }
0x73e: {  	p1 =	slt.u32 s11, $0xFC;
	v9 =	vld [tilespmem:s8+$0xFFFFFFE0]  }
.Ltmp31:
0x73f: {  	v1 =	vld [tilespmem:s12+$0xFFFFFFF0];
	[tilespmem:s7+$0xFFFFFFF0] =	vst v5;
	v4 =	vadd.f32 v4, v2;
	(pc) =	sbr.rel @p1 .LBB2_64-.Ltmp31, $4  }
0x740: {  	v5 =	vld [tilespmem:s8+$0xFFFFFFF0];
	v10 =	vadd.f32 v3, v6  }
0x741: {  	v2 =	vld [tilespmem:s12+$0x0];
	[tilespmem:s7+$0x0] =	vst v4  }
0x742: {  	v4 =	vld [tilespmem:s8+$0x0];
	v7 =	vadd.f32 v7, v8;
	[tilespmem:s7+$0xFFFFFFE0] =	vst v10;
	s7 =	smov.u32 s12  }
0x743: {  	s12 =	sadd.s32 $0x40, s12;
	v6 =	vld [tilespmem:s7+$0xFFFFFFE0];
	v3 =	vmov v9  }
0x744: {  	_ =	sdelay $0x1  }
0x745: {  	v1 =	vadd.f32 v5, v1  }
0x746: {  	[tilespmem:s7+$0x10] =	vst v7;
	v2 =	vadd.f32 v4, v2  }
0x747: {  	[tilespmem:s7+$0xFFFFFFF0] =	vst v1;
	v1 =	vadd.f32 v3, v6  }
0x748: {  	[tilespmem:s7+$0x0] =	vst v2  }
0x749: {  	[tilespmem:s7+$0xFFFFFFE0] =	vst v1  }
0x74a: {  	v1 =	vld [tilespmem:s9+$0xFFFFFFF0]  }
0x74b: {  	v2 =	vld [tilespmem:s9+$0x0];
	_ =	sdelay $0x3  }
0x74c: {  	v5 =	vld [tilespmem:s10+$0xFFFFFFF0];
	s9 =	simm.s32 $0x17D30;
	(xrf2) =	vadd.scan.msk.f32 $0xffff, v1  }
0x74d: {  	v3 =	vld [tilespmem:s9+$0xFFFFFFF0];
	(xrf2) =	vadd.scan.msk.f32 $0xffff, v2  }
0x74e: {  	v8 =	vld [tilespmem:s10+$0x0]  }
0x74f: {  	s8 =	simm.s32 $0x16D30  }
0x750: {  	v4 =	vld [tilespmem:s8+$0xFFFFFFF0]  }
0x751: {  	v10 =	vld [tilespmem:s9+$0x0];
	v7 =	vmul.f32 v5, v1  }
0x752: {  	v9 =	vimm.f32 $0.0e+00;
	s12 =	simm.s32 $0x17D50;
	v1 =	vld [tilespmem:s8+$0x0];
	(xrf2) =	vadd.scan.msk.f32 $0xffff, v3  }
0x753: {  	s11 =	simm.s32 $0x16D50;
	v12 =	vld [tilespmem:s12+$0xFFFFFFF0];
	v6 =	vadd.f32 v5, v9;
	v11 =	vmul.f32 v8, v2;
	v7 =	vadd.f32 v7, v9  }
0x754: {  	v2 =	vld [tilespmem:s11+$0xFFFFFFF0]  }
0x755: {  	v6 =	vadd.f32 v8, v6;
	v7 =	vadd.f32 v11, v7;
	v11 =	vmul.f32 v4, v3  }
0x756: {  	v13, _, _ =	vpop (xrf2)  }
0x757: {  	v14 =	vld [tilespmem:s12+$0x0];
	v6 =	vadd.f32 v4, v6;
	v7 =	vadd.f32 v11, v7;
	v11 =	vmul.f32 v1, v10;
	(xrf2) =	vadd.scan.msk.f32 $0xffff, v10;
	v16, _, _ =	vpop (xrf2)  }
0x758: {  	v3 =	vld [tilespmem:s11+$0x0];
	v15 =	vbroadcast v13, $0xF;
	v17 =	vbroadcast v16, $0xF  }
0x759: {  	v6 =	vadd.f32 v1, v6;
	v7 =	vadd.f32 v11, v7;
	v11 =	vmul.f32 v2, v12  }
0x75a: {  	v13 =	vadd.f32 v13, v9;
	v15 =	vadd.f32 v15, v9  }
0x75b: {  	s7 =	simm.s32 $0x16D70;
	v6 =	vadd.f32 v2, v6;
	v18 =	vadd.f32 v11, v7;
	(xrf2) =	vadd.scan.msk.f32 $0xffff, v12  }
0x75c: {  	s8 =	simm.s32 $0x17D70;
	v13 =	vmul.f32 v13, v5;
	v5 =	vld [tilespmem:s7+$0xFFFFFFF0];
	v16 =	vadd.f32 v16, v15;
	v11 =	vadd.f32 v17, v15;
	v17, _, _ =	vpop (xrf2);
	(xrf2) =	vadd.scan.msk.f32 $0xffff, v14  }
0x75d: {  	v7 =	vld [tilespmem:s8+$0xFFFFFFF0];
	v15 =	vmul.f32 v3, v14  }
0x75e: {  	v10 =	vadd.f32 v3, v6;
	v6 =	vld [tilespmem:s7+$0x0];
	v12 =	vadd.f32 v13, v9;
	v13 =	vmul.f32 v16, v8  }
0x75f: {  	s9 =	simm.s32 $0x6;
	v8 =	vld [tilespmem:s8+$0x0];
	v9 =	vadd.f32 v15, v18;
	v14 =	vadd.f32 v17, v11;
	v15 =	vbroadcast v17, $0xF  }
.LBB2_66:
0x760: {  	s9 =	sadd.s32 $0x2, s9;
	v12 =	vadd.f32 v13, v12  }
0x761: {  	p1 =	slt.u32 s9, $0xFE;
	v10 =	vadd.f32 v5, v10;
	v13 =	vmul.f32 v14, v4;
	v11 =	vadd.f32 v15, v11;
	v14, _, _ =	vpop (xrf2)  }
.Ltmp32:
0x762: {  	s7 =	sadd.s32 $0x20, s7;
	v4 =	vmovc v2;
	v2 =	vmov v5;
	v15 =	vmul.f32 v5, v7;
	(xrf2) =	vadd.scan.msk.f32 $0xffff, v7;
	v18 =	vbroadcast v14, $0xF;
	(pc) =	sbr.rel @p1 .LBB2_66-.Ltmp32, $4  }
0x763: {  	s8 =	sadd.s32 $0x20, s8;
	v5 =	vld [tilespmem:s7+$0xFFFFFFF0];
	v10 =	vadd.f32 v6, v10;
	v14 =	vadd.f32 v14, v11;
	v17 =	vmov v6  }
0x764: {  	v7 =	vld [tilespmem:s8+$0xFFFFFFF0];
	v9 =	vadd.f32 v15, v9;
	v15 =	vmul.f32 v17, v8;
	v11 =	vadd.f32 v18, v11  }
0x765: {  	v12 =	vadd.f32 v13, v12;
	v6 =	vld [tilespmem:s7+$0x0];
	(xrf2) =	vadd.scan.msk.f32 $0xffff, v8;
	v16, _, _ =	vpop (xrf2);
	v13 =	vmul.f32 v14, v1;
	v1 =	vmov v3  }
0x766: {  	v3 =	vmovc v17;
	v8 =	vld [tilespmem:s8+$0x0];
	v9 =	vadd.f32 v15, v9;
	v14 =	vadd.f32 v16, v11;
	v15 =	vbroadcast v16, $0xF  }
0x767: {  	_ =	sdelay $0x1  }
0x768: {  	(xrf2) =	vadd.scan.msk.f32 $0xffff, v7;
	_ =	sdelay $0x2  }
0x769: {  	v16, _, _ =	vpop (xrf2)  }
0x76a: {  	v11 =	vadd.f32 v15, v11;
	v47 =	vbroadcast v16, $0xF;
	(xrf2) =	vadd.scan.msk.f32 $0xffff, v8  }
0x76b: {  	v12 =	vadd.f32 v13, v12  }
0x76c: {  	v4 =	vmul.f32 v14, v4;
	v48 =	vadd.f32 v16, v11;
	v11 =	vadd.f32 v47, v11;
	v49, _, _ =	vpop (xrf2)  }
0x76d: {  	v50 =	vbroadcast v49, $0xF  }
0x76e: {  	v4 =	vadd.f32 v4, v12;
	v1 =	vmul.f32 v48, v1;
	v51 =	vadd.f32 v49, v11;
	v52, _, _ =	vpop (xrf2)  }
0x76f: {  	v11 =	vadd.f32 v50, v11;
	v53 =	vbroadcast v52, $0xF  }
0x770: {  	v1 =	vadd.f32 v1, v4;
	v2 =	vmul.f32 v51, v2;
	v54, _, _ =	vpop (xrf2)  }
0x771: {  	v55 =	vadd.f32 v52, v11;
	v11 =	vadd.f32 v53, v11;
	v56 =	vbroadcast v54, $0xF  }
0x772: {  	v1 =	vadd.f32 v2, v1  }
0x773: {  	v2 =	vmul.f32 v55, v3;
	v3 =	vadd.f32 v54, v11;
	v57 =	vadd.f32 v56, v11  }
0x774: {  	v10 =	vadd.f32 v5, v10;
	v58, _, _ =	vpop (xrf2)  }
0x775: {  	v1 =	vadd.f32 v2, v1;
	v2 =	vmul.f32 v3, v5;
	v3 =	vadd.f32 v58, v57  }
0x776: {  	v59 =	vmul.f32 v5, v7  }
0x777: {  	v60 =	vadd.f32 v6, v10;
	v1 =	vadd.f32 v2, v1;
	v2 =	vmul.f32 v3, v6  }
0x778: {  	v61 =	vmul.f32 v6, v8;
	v3 =	vadd.f32 v59, v9  }
0x779: {  	(xrf2) =	vadd.scan.msk.f32 $0xffff, v60;
	v1 =	vadd.f32 v2, v1  }
0x77a: {  	v2 =	vadd.f32 v61, v3  }
0x77b: {  	(xrf2) =	vadd.scan.msk.f32 $0xffff, v1  }
0x77c: {  	(xrf2) =	vadd.scan.msk.f32 $0xffff, v2;
	_ =	sdelay $0x5  }
0x77d: {  	v1 =	vbroadcast v58, $0xF  }
0x77e: {  	v2, _, _ =	vpop (xrf2)  }
0x77f: {  	v1 =	vadd.f32 v1, v57;
	v2 =	vbroadcast v2, $0xF  }
0x780: {  	v3, _, _ =	vpop (xrf2)  }
0x781: {  	v4 =	vmul.f32 v2, v1;
	v62, _, _ =	vpop (xrf2)  }
0x782: {  	v3 =	vbroadcast v3, $0xF;
	v5 =	vmul.f32 $5.000000000e-01, v62;
	_ =	sdelay $0x1  }
0x783: {  	v3 =	vsub.f32 v4, v3;
	v63 =	vbroadcast v5, $0xF;
	_ =	sdelay $0x1  }
0x784: {  	[tilespmem:$0x19D00] =	vst v1;
	v3 =	vadd.f32 v3, v63  }
0x785: {  	[tilespmem:$0x19D10] =	vst v2  }
0x786: {  	s7 =	simm.s32 $0x19D00;
	[tilespmem:$0x19D20] =	vst v3  }
0x787: {  	[hbm4b:s24+s14] =	stream.linear.scatter [tilespmem:s7], [sflag:$0x3], $0x30, $0x38;
	[tilespmem:$0x19F00] =	vst v63  }
0x788: {  	_ =	swait.ge [sflag:s4], $0x30  }
0x789: {  	[sflag:s4] =	ssyncset.done $0x0  }
0x78a: {  	[sflag:s4] =	ssyncadd.s32 $0xFFFFFFD0  }
0x78b: {  	s8 =	simm.s32 @!p0 $0x19D80;
	s7 =	simm.s32 @!p0 $0x0;
	[bflag:$0x0] =	sbarrier.arrive $0xFFFF  }
0x78c: {  	[tilespmem:s8], [sflag:$0x3] =	stream.linear.gather @!p0 [hbm4b:s24+s7], $0xC0, $0x38;
	[tilespmem:$0x19F00] =	vst v63  }
0x78d: {  	s8 =	simm.s32 @!p0 $0x3  }
0x78e: {  	_ =	swait.ge @!p0 [sflag:s8], $0xC0  }
0x78f: {  	[sflag:s8] =	ssyncset.done @!p0 $0x0  }
0x790: {  	[sflag:s8] =	ssyncadd.s32 @!p0 $0xFFFFFF40  }
0x791: {  	v1 =	vld @!p0 [tilespmem:$0x19E10]  }
0x792: {  	v2 =	vld @!p0 [tilespmem:$0x19E20]  }
0x793: {  	v3 =	vld @!p0 [tilespmem:$0x19E30]  }
0x794: {  	v4 =	vld @!p0 [tilespmem:$0x19DE0]  }
0x795: {  	v5 =	vld @!p0 [tilespmem:$0x19DF0]  }
0x796: {  	v6 =	vld @!p0 [tilespmem:$0x19DB0]  }
0x797: {  	v7 =	vld @!p0 [tilespmem:$0x19DC0]  }
0x798: {  	v9 =	vld @!p0 [tilespmem:$0x19D80];
	v1 =	vadd.f32 @!p0 $0.0e+00, v1;
	v8 =	vadd.f32 @!p0 $0.0e+00, v2  }
0x799: {  	v10 =	vld @!p0 [tilespmem:$0x19D90]  }
0x79a: {  	v11 =	vld @!p0 [tilespmem:$0x19E00];
	v4 =	vadd.f32 @!p0 v4, v1;
	v8 =	vadd.f32 @!p0 v5, v8  }
0x79b: {  	v3 =	vadd.f32 @!p0 $0.0e+00, v3;
	v2 =	vmul.f32 @!p0 $0.0e+00, v2  }
0x79c: {  	v6 =	vadd.f32 @!p0 v6, v4;
	v8 =	vadd.f32 @!p0 v7, v8  }
0x79d: {  	v2 =	vadd.f32 @!p0 v3, v2  }
0x79e: {  	v3 =	vadd.f32 @!p0 v9, v6;
	v8 =	vadd.f32 @!p0 v10, v8;
	v9 =	vld @!p0 [tilespmem:$0x19DD0]  }
0x79f: {  	v1 =	vmul.f32 @!p0 v5, v1;
	v2 =	vadd.f32 @!p0 v11, v2  }
0x7a0: {  	v3 =	vmul.f32 @!p0 v8, v3  }
0x7a1: {  	v1 =	vadd.f32 @!p0 v2, v1  }
0x7a2: {  	v2 =	vld @!p0 [tilespmem:$0x19DA0];
	(erf) = vrcp.f32 @!p0 v3  }
0x7a3: {  	v4 =	vmul.f32 @!p0 v7, v4;
	v1 =	vadd.f32 @!p0 v9, v1;
	_ =	sdelay $0x1  }
0x7a4: {  	v1 =	vadd.f32 @!p0 v1, v4;
	_ =	sdelay $0x1  }
0x7a5: {  	v1 =	vadd.f32 @!p0 v2, v1;
	v2 =	vmul.f32 @!p0 v10, v6;
	_ =	sdelay $0x2  }
0x7a6: {  	v1 =	vadd.f32 @!p0 v1, v2  }
0x7a7: {  	v2 =	vpop @!p0 (erf)  }
0x7a8: {  	v1 =	vmul.f32 @!p0 v2, v1  }
0x7a9: {  	s6 =	sadd.s32 $0x1, s6;
	vm0 =	veq.f32 @!p0 v3, $0.0e+00  }
0x7aa: {  	p1 =	sne.s32 s6, s25;
	v1 =	vsel @!p0 vm0, $0x3F000000, v1  }
.Ltmp33:
0x7ab: {  	s9 =	simm.s32 @!p0 $0x19E80;
	[tilespmem:$0x19E80] =	vst @!p0 v1;
	(pc) =	sbr.rel @p1 .LBB2_1-.Ltmp33, $4  }
0x7ac: {  	[hbm4b:s23+s7] =	stream.linear.scatter @!p0 [tilespmem:s9], [sflag:$0x3], $0x10, $0x38;
	[tilespmem:$0x19F00] =	vst v63  }
0x7ad: {  	_ =	swait.ge @!p0 [sflag:s8], $0x10  }
0x7ae: {  	[sflag:s8] =	ssyncset.done @!p0 $0x0  }
0x7af: {  	[sflag:s8] =	ssyncadd.s32 @!p0 $0xFFFFFFF0  }
0x7b0: {  	_ =	sfence.sel $0x180000  }
0x7b1: {  	[bflag:$0x0] =	sbarrier.arrive $0xFFFF  }
0x7b2: {  	_ =	strace $0x90000047  }
0x7b3: {  	s0 =	stileid.u32;
	[bflag:$0x2] =	sbarrier.arrive $0xFFFF  }
0x7b4: {  	p0 =	sne.s32 s0, $0x0;
	s0 =	rddreg [dreg:$0x2]  }
0x7b5: {  	s0 =	sadd.s32 @!p0 $0x100000, s0  }
0x7b6: {  	[sflag:s0] =	ssyncadd.tile.s32 @!p0 $0x1;
	_ =	shalt  }
.Lfunc_end2:
_tile_overlayer_lowered:
.L_overlay_start_2:
0x7b7: {  	(tag) =	ssettag $0x2  }
0x7b8: {  	s0 =	rddreg [dreg:$0x0];
	s2 =	stileid.u32  }
0x7b9: {  	s1 =	rddreg [dreg:$0x1];
	p0 =	sne.s32 s2, $0x0  }
0x7ba: {  	s3 =	rddreg [dreg:$0x2];
	[bflag:$0x3] =	sbarrier.arrive $0xFFFF;
	s2 =	simm.s32 @!p0 $0x1C03  }
0x7bb: {  	[timem:s3], [sflag:s2] =	dma.local @!p0 [hbm:s0], s1  }
0x7bc: {  	s0 =	simm.s32 @!p0 $0x3  }
0x7bd: {  	_ =	swait.ge @!p0 [sflag:s0], s1  }
0x7be: {  	s1 =	ssub.s32 @!p0 $0x0, s1;
	[sflag:s0] =	ssyncset.done @!p0 $0x0  }
0x7bf: {  	[sflag:s0] =	ssyncadd.s32 @!p0 s1  }
0x7c0: {  	[bflag:$0x3] =	sbarrier.arrive $0xFFFF  }
0x7c1: {  	_ =	shalt  }

</sc_bundles>
